<compile_context>
chip_gen: v7x
topology: tpu7x:2x2x1
jax: 0.10.2.dev20260603
libtpu: 0.0.44.dev20260713+nightly
codegen_flags: <defaults>
</compile_context>

<pallas_src>
import jax
import jax.numpy as jnp
from jax import lax
from jax.experimental import pallas as pl
from jax.experimental.pallas import tpu as pltpu
from jax.experimental.pallas import tpu_sc as plsc

B, N, F = 4, 2500, 128
E = 80000
D = 128
NUM_ACTIONS = 8
STEPS = 3

NP = 2560
BNP = B * NP
BE = B * E

NC, NS = 2, 16
NW = NC * NS
GPC = B // NC
HR = GPC * NP
SROWS = HR // NS
CHUNK = 128
NCH = 80
EPT = NCH * CHUNK
EPC = NS * EPT
KBUF = 2
IDXC = 40
PAD_DST = N


def _mish(x):
    sp = jnp.maximum(x, 0.0) + jnp.log1p(jnp.exp(-jnp.abs(x)))
    return x * jnp.tanh(sp)



def _feat_body(x_ref, w_ref, b_ref, o_ref):
    t = jnp.dot(x_ref[0], w_ref[...], preferred_element_type=jnp.float32)
    o_ref[0] = jnp.concatenate(
        [_mish(t + b_ref[...]), jnp.zeros((NP - N, D), jnp.float32)], axis=0)


def _update_body(h_ref, a_ref, w1_ref, w2_ref, b_ref, o_ref):
    t = (jnp.dot(h_ref[...], w1_ref[...], preferred_element_type=jnp.float32)
         + jnp.dot(a_ref[...], w2_ref[...], preferred_element_type=jnp.float32)
         + b_ref[...])
    o_ref[...] = _mish(t)


def _update_heads_body(h_ref, a_ref, w1_ref, w2_ref, b_ref, m1_ref, m0_ref,
                       wa1_ref, ba1_ref, wa2_ref, ba2_ref, o_ref):
    t = (jnp.dot(h_ref[...], w1_ref[...], preferred_element_type=jnp.float32)
         + jnp.dot(a_ref[...], w2_ref[...], preferred_element_type=jnp.float32)
         + b_ref[...])
    hg = _mish(t)
    x1 = jnp.dot(hg, wa1_ref[...], preferred_element_type=jnp.float32)
    x1 = x1 + ba1_ref[0, 0]
    m1 = m1_ref[0]
    x1m = jnp.where(m1 > 0.0, x1, -1e9)
    maxv = jnp.max(x1m)
    iota = lax.broadcasted_iota(jnp.int32, (NP, 1), 0)
    idx = jnp.min(jnp.where(x1m == maxv, iota, jnp.int32(2**30)))
    x2 = jnp.dot(hg, wa2_ref[...], preferred_element_type=jnp.float32)
    x2 = x2 + ba2_ref[...]
    iota2 = lax.broadcasted_iota(jnp.int32, (NP, NUM_ACTIONS), 0)
    sel = jnp.sum(jnp.where(iota2 == idx, x2, 0.0), axis=0, keepdims=True)
    selm = jnp.where(m0_ref[0] > 0.0, sel, -1e9)
    o_ref[0] = jnp.concatenate([maxv.reshape(1, 1), selm], axis=1)


def _tc_feat(x3, w, b2):
    return pl.pallas_call(
        _feat_body,
        grid=(B,),
        in_specs=[
            pl.BlockSpec((1, N, F), lambda i: (i, 0, 0)),
            pl.BlockSpec((F, D), lambda i: (0, 0)),
            pl.BlockSpec((1, D), lambda i: (0, 0)),
        ],
        out_specs=pl.BlockSpec((1, NP, D), lambda i: (i, 0, 0)),
        out_shape=jax.ShapeDtypeStruct((B, NP, D), jnp.float32),
    )(x3, w, b2)


def _tc_update(h, agg, w1, w2, b2):
    return pl.pallas_call(
        _update_body,
        grid=(5,),
        in_specs=[
            pl.BlockSpec((2048, D), lambda i: (i, 0)),
            pl.BlockSpec((2048, D), lambda i: (i, 0)),
            pl.BlockSpec((D, D), lambda i: (0, 0)),
            pl.BlockSpec((D, D), lambda i: (0, 0)),
            pl.BlockSpec((1, D), lambda i: (0, 0)),
        ],
        out_specs=pl.BlockSpec((2048, D), lambda i: (i, 0)),
        out_shape=jax.ShapeDtypeStruct((BNP, D), jnp.float32),
    )(h, agg, w1, w2, b2)


def _tc_update_heads(h, agg, w1, w2, b2, m1, m0, wa1, ba1, wa2, ba2):
    return pl.pallas_call(
        _update_heads_body,
        grid=(B,),
        in_specs=[
            pl.BlockSpec((NP, D), lambda i: (i, 0)),
            pl.BlockSpec((NP, D), lambda i: (i, 0)),
            pl.BlockSpec((D, D), lambda i: (0, 0)),
            pl.BlockSpec((D, D), lambda i: (0, 0)),
            pl.BlockSpec((1, D), lambda i: (0, 0)),
            pl.BlockSpec((1, NP, 1), lambda i: (i, 0, 0)),
            pl.BlockSpec((1, 1, NUM_ACTIONS), lambda i: (i, 0, 0)),
            pl.BlockSpec((D, 1), lambda i: (0, 0)),
            pl.BlockSpec((1, 1), lambda i: (0, 0)),
            pl.BlockSpec((D, NUM_ACTIONS), lambda i: (0, 0)),
            pl.BlockSpec((1, NUM_ACTIONS), lambda i: (0, 0)),
        ],
        out_specs=pl.BlockSpec((1, 1, 1 + NUM_ACTIONS), lambda i: (i, 0, 0)),
        out_shape=jax.ShapeDtypeStruct((B, 1, 1 + NUM_ACTIONS), jnp.float32),
    )(h, agg, w1, w2, b2, m1, m0, wa1, ba1, wa2, ba2)



def _segsum_body(h_hbm, src_hbm, dst_hbm, out_hbm,
                 hloc_sh, agg_sh, srcbuf, dstbuf, rows, sems):
    cid = lax.axis_index("c")
    sid = lax.axis_index("s")
    wid = cid * NS + sid

    hstage = pltpu.async_copy(h_hbm.at[pl.ds(cid * HR + sid * SROWS, SROWS)],
                              hloc_sh.at[pl.ds(sid * SROWS, SROWS)], sems[0])

    zero = jnp.zeros((16,), jnp.float32)

    def zloop(i, _):
        for j in range(D // 16):
            rows[0][i, pl.ds(j * 16, 16)] = zero
        return ()

    lax.fori_loop(0, CHUNK, zloop, ())
    hstage.wait()
    for k in range(SROWS // CHUNK):
        pltpu.sync_copy(rows[0],
                        agg_sh.at[pl.ds(sid * SROWS + k * CHUNK, CHUNK)])
    even = SROWS - (SROWS // CHUNK) * CHUNK
    if even:
        pltpu.sync_copy(
            rows[0].at[pl.ds(0, even)],
            agg_sh.at[pl.ds(sid * SROWS + (SROWS // CHUNK) * CHUNK, even)])
    plsc.subcore_barrier()

    def window(w, _):
        wa = pl.multiple_of(w * IDXC, IDXC)
        pltpu.sync_copy(src_hbm.at[wid, pl.ds(wa, IDXC)], srcbuf)
        pltpu.sync_copy(dst_hbm.at[wid, pl.ds(wa, IDXC)], dstbuf)
        descs = [
            pltpu.async_copy(hloc_sh.at[srcbuf.at[j]], rows[j], sems[j])
            for j in range(KBUF)
        ]
        for j in range(IDXC):
            descs[j].wait()
            if j + KBUF < IDXC:
                descs.append(
                    pltpu.async_copy(hloc_sh.at[srcbuf.at[j + KBUF]],
                                     rows[(j + KBUF) % KBUF],
                                     sems[(j + KBUF) % KBUF]))
        return ()

    lax.fori_loop(0, NCH // IDXC, window, ())
    plsc.subcore_barrier()

    pltpu.sync_copy(agg_sh.at[pl.ds(sid * SROWS, SROWS)],
                    out_hbm.at[cid].at[pl.ds(sid * SROWS, SROWS)])


def _sc_segsum(h, src, dst):
    mesh = plsc.VectorSubcoreMesh(core_axis_name="c", subcore_axis_name="s",
                                  num_cores=NC, num_subcores=NS)
    fn = pl.kernel(
        _segsum_body,
        out_type=jax.ShapeDtypeStruct((NC, HR, D), jnp.float32),
        mesh=mesh,
        scratch_types=[
            pltpu.VMEM_SHARED((HR, D), jnp.float32),
            pltpu.VMEM_SHARED((HR, D), jnp.float32),
            pltpu.VMEM((IDXC, CHUNK), jnp.int32),
            pltpu.VMEM((IDXC, CHUNK), jnp.int32),
            [pltpu.VMEM((CHUNK, D), jnp.float32) for _ in range(KBUF)],
            [pltpu.SemaphoreType.DMA for _ in range(KBUF)],
        ],
    )
    return fn(h, src, dst)



def _edge_arrays(edge_index):
    ei = edge_index.astype(jnp.int32)
    goff = (jnp.arange(B, dtype=jnp.int32) % GPC * NP).reshape(B, 1)
    srcl = ei[..., 0] + goff
    dstl = ei[..., 1] + goff
    npad = EPC - GPC * E

    def split(a, padval):
        a2 = a.reshape(NC, GPC * E)
        a2 = jnp.concatenate(
            [a2, jnp.full((NC, npad), padval, jnp.int32)], axis=1)
        return a2.reshape(NW, NCH, CHUNK)

    return split(srcl, 0), split(dstl, PAD_DST)


def kernel(nodes, edge_index, mask_0, mask_1, W_feat, b_feat, W_upd, b_upd,
           W_glob, b_glob, Wa1, ba1, Wa2, ba2):
    src, dst = _edge_arrays(edge_index)

    h = _tc_feat(nodes, W_feat, b_feat.reshape(1, D)).reshape(BNP, D)
    for s in range(STEPS - 1):
        parts = _sc_segsum(h, src, dst)
        h = _tc_update(h, parts.reshape(BNP, D), W_upd[s, :D, :],
                       W_upd[s, D:, :], b_upd[s].reshape(1, D))

    parts = _sc_segsum(h, src, dst)
    m1 = jnp.pad(mask_1.astype(jnp.float32), ((0, 0), (0, NP - N))
                 ).reshape(B, NP, 1)
    m0 = mask_0.astype(jnp.float32).reshape(B, 1, NUM_ACTIONS)
    s = STEPS - 1
    out = _tc_update_heads(h, parts.reshape(BNP, D), W_upd[s, :D, :],
                           W_upd[s, D:, :], b_upd[s].reshape(1, D),
                           m1, m0, Wa1, ba1.reshape(1, 1), Wa2,
                           ba2.reshape(1, NUM_ACTIONS))
    return out.reshape(B, 1 + NUM_ACTIONS)

# --- scband reference (transcript-rebuilt; emitter-appended) ---
"""Pipeline reference for scband-loadable-policy-7284264534232 (READ-ONLY COPY).

The authoritative reference and input builder live on the scoring server;
editing this copy changes nothing except your own understanding.
"""

import jax, jax.numpy as jnp
import numpy as np

B, N, F = 4, 2500, 128
E = 80000
D = 128
NUM_ACTIONS = 8
STEPS = 3

def mish(x):
    return x * jnp.tanh(jax.nn.softplus(x))

def setup_inputs(seed: int = 0):
    key = jax.random.key(seed)
    ks = jax.random.split(key, 12)
    inp = {}
    inp["nodes"] = jax.random.normal(ks[0], (B, N, F), dtype=jnp.float32)
    inp["edge_index"] = jax.random.randint(ks[1], (B, E, 2), 0, N)
    inp["mask_0"] = jnp.ones((B, NUM_ACTIONS), dtype=bool)
    inp["mask_1"] = jnp.ones((B, N), dtype=bool)
    inp["W_feat"] = jax.random.normal(ks[2], (F, D), dtype=jnp.float32) / np.sqrt(F)
    inp["b_feat"] = jnp.zeros((D,), dtype=jnp.float32)
    inp["W_upd"] = jax.random.normal(ks[3], (STEPS, 2 * D, D), dtype=jnp.float32) / np.sqrt(2 * D)
    inp["b_upd"] = jnp.zeros((STEPS, D), dtype=jnp.float32)
    inp["W_glob"] = jax.random.normal(ks[4], (D, D), dtype=jnp.float32) / np.sqrt(D)
    inp["b_glob"] = jnp.zeros((D,), dtype=jnp.float32)
    inp["Wa1"] = jax.random.normal(ks[5], (D, 1), dtype=jnp.float32) / np.sqrt(D)
    inp["ba1"] = jnp.zeros((1,), dtype=jnp.float32)
    inp["Wa2"] = jax.random.normal(ks[6], (D, NUM_ACTIONS), dtype=jnp.float32) / np.sqrt(D)
    inp["ba2"] = jnp.zeros((NUM_ACTIONS,), dtype=jnp.float32)
    return inp

def reference(nodes, edge_index, mask_0, mask_1, W_feat, b_feat, W_upd, b_upd, W_glob, b_glob, Wa1, ba1, Wa2, ba2):
    # collate: flatten batch of graphs into one big graph with node-index offsets
    x = nodes.reshape(B * N, F)
    offs = (jnp.arange(B) * N)[:, None, None]
    ei = (edge_index + offs).reshape(B * E, 2)
    src = ei[:, 0]
    dst = ei[:, 1]
    # features_extractor (NodeExtractor): per-node MLP with Mish
    h = mish(x @ W_feat + b_feat)
    # GNNExtractor: gnn_steps rounds of gather -> scatter-add -> node update
    for s in range(STEPS):
        msg = h[src]
        agg = jax.ops.segment_sum(msg, dst, num_segments=B * N)
        h = mish(jnp.concatenate([h, agg], axis=1) @ W_upd[s] + b_upd[s])
    # global readout per graph
    g = h.reshape(B, N, D).mean(axis=1)
    latent_global = mish(g @ W_glob + b_glob)
    # _sample_node_then_action heads
    x1 = (h @ Wa1 + ba1).squeeze(-1)
    x2 = h @ Wa2 + ba2
    node_mask = mask_1.reshape(-1)
    x1m = jnp.where(node_mask, x1, -1e9)
    x1r = x1m.reshape(B, N)
    seg_max = jnp.max(x1r, axis=1)
    node_idx = jnp.argmax(x1r, axis=1) + jnp.arange(B) * N
    sel = x2[node_idx]
    selm = jnp.where(mask_0, sel, -1e9)
    out = jnp.concatenate([seg_max[:, None], selm], axis=1)
    return out

if __name__ == "__main__":
    import jax
    _d = setup_inputs()
    print(jax.jit(kernel)(*tuple(_d.values())))

</pallas_src>

<mosaic_0001>
#map = affine_map<(d0, d1) -> (0, 0)>
#map1 = affine_map<(d0, d1) -> (0, 0, 0)>
module attributes {stable_mosaic.version = 14 : i64} {
  func.func @_segsum_body(%arg0: i32, %arg1: i32, %arg2: memref<10240x128xf32, #tpu.memory_space<hbm>>, %arg3: memref<32x80x128xi32, #tpu.memory_space<hbm>>, %arg4: memref<32x80x128xi32, #tpu.memory_space<hbm>>, %arg5: memref<2x5120x128xf32, #tpu.memory_space<hbm>>, %arg6: memref<5120x128xf32, #tpu.memory_space<vmem_shared>>, %arg7: memref<5120x128xf32, #tpu.memory_space<vmem_shared>>, %arg8: memref<40x128xi32, #tpu.memory_space<vmem>>, %arg9: memref<40x128xi32, #tpu.memory_space<vmem>>, %arg10: memref<128x128xf32, #tpu.memory_space<vmem>>, %arg11: memref<128x128xf32, #tpu.memory_space<vmem>>, %arg12: memref<!tpu.dma_semaphore, #tpu.memory_space<semaphore_mem>>, %arg13: memref<!tpu.dma_semaphore, #tpu.memory_space<semaphore_mem>>) attributes {dimension_semantics = [#tpu.dimension_semantics<core_parallel>, #tpu.dimension_semantics<subcore_parallel>], iteration_bounds = array<i64: 2, 16>, scalar_prefetch = 0 : i64, scratch_operands = 8 : i64, tpu.core_type = #tpu.core_type<sc_vector_subcore>, window_params = [{transform_indices = #map}, {transform_indices = #map1}, {transform_indices = #map1}, {transform_indices = #map1}]} {
    %mul3A = arith.constant 16 : i32
    %mul3A_0 = arith.muli %arg0, %mul3A : i32
    %add3A = arith.addi %mul3A_0, %arg1 : i32
    %mul3A_1 = arith.constant 5120 : i32
    %mul3A_2 = arith.muli %arg0, %mul3A_1 : i32
    %mul3A_3 = arith.constant 320 : i32
    %mul3A_4 = arith.muli %arg1, %mul3A_3 : i32
    %add3A_5 = arith.addi %mul3A_2, %mul3A_4 : i32
    %mul3A_6 = arith.constant 320 : i32
    %mul3A_7 = arith.muli %arg1, %mul3A_6 : i32
    %dma_start3A = arith.constant 0 : i32
    %dma_start3A_8 = tpu.memref_slice %arg6[%mul3A_7, %dma_start3A] : memref<5120x128xf32, #tpu.memory_space<vmem_shared>> -> memref<320x128xf32, #tpu.memory_space<vmem_shared>>
    %dma_start3A_9 = arith.constant 0 : i32
    %dma_start3A_10 = tpu.memref_slice %arg2[%add3A_5, %dma_start3A_9] : memref<10240x128xf32, #tpu.memory_space<hbm>> -> memref<320x128xf32, #tpu.memory_space<hbm>>
    tpu.enqueue_dma source(%dma_start3A_10 : memref<320x128xf32, #tpu.memory_space<hbm>>) target(%dma_start3A_8 : memref<320x128xf32, #tpu.memory_space<vmem_shared>>) target_semaphore(%arg12 : memref<!tpu.dma_semaphore, #tpu.memory_space<semaphore_mem>>)
    %broadcast_in_dim3A = arith.constant 0.000000e+00 : f32
    %broadcast_in_dim3A_11 = vector.broadcast %broadcast_in_dim3A : f32 to vector<16xf32>
    %scan3A = arith.constant 0 : i32
    %scan3A_12 = arith.constant 128 : i32
    %scan3A_13 = arith.addi %scan3A, %scan3A_12 : i32
    %scan3A_14 = arith.constant 1 : i32
    scf.for %scan3A_41 = %scan3A to %scan3A_13 step %scan3A_14  : i32 {
      %swap3A = arith.index_cast %scan3A_41 : i32 to index
      %swap3A_42 = arith.constant 0 : index
      %swap3A_43 = tpu.vector_load %arg10[%swap3A, %swap3A_42] {strides = array<i32>} : memref<128x128xf32, #tpu.memory_space<vmem>>, vector<1x16xf32>,
      %swap3A_44 = vector.shape_cast %swap3A_43 : vector<1x16xf32> to vector<16xf32>
      %swap3A_45 = vector.shape_cast %broadcast_in_dim3A_11 : vector<16xf32> to vector<1x16xf32>
      tpu.vector_store %arg10[%swap3A, %swap3A_42], %swap3A_45 {strides = array<i32>} : memref<128x128xf32, #tpu.memory_space<vmem>>, vector<1x16xf32>,
      %swap3A_46 = arith.index_cast %scan3A_41 : i32 to index
      %swap3A_47 = arith.constant 16 : index
      %swap3A_48 = tpu.vector_load %arg10[%swap3A_46, %swap3A_47] {strides = array<i32>} : memref<128x128xf32, #tpu.memory_space<vmem>>, vector<1x16xf32>,
      %swap3A_49 = vector.shape_cast %swap3A_48 : vector<1x16xf32> to vector<16xf32>
      %swap3A_50 = vector.shape_cast %broadcast_in_dim3A_11 : vector<16xf32> to vector<1x16xf32>
      tpu.vector_store %arg10[%swap3A_46, %swap3A_47], %swap3A_50 {strides = array<i32>} : memref<128x128xf32, #tpu.memory_space<vmem>>, vector<1x16xf32>,
      %swap3A_51 = arith.index_cast %scan3A_41 : i32 to index
      %swap3A_52 = arith.constant 32 : index
      %swap3A_53 = tpu.vector_load %arg10[%swap3A_51, %swap3A_52] {strides = array<i32>} : memref<128x128xf32, #tpu.memory_space<vmem>>, vector<1x16xf32>,
      %swap3A_54 = vector.shape_cast %swap3A_53 : vector<1x16xf32> to vector<16xf32>
      %swap3A_55 = vector.shape_cast %broadcast_in_dim3A_11 : vector<16xf32> to vector<1x16xf32>
      tpu.vector_store %arg10[%swap3A_51, %swap3A_52], %swap3A_55 {strides = array<i32>} : memref<128x128xf32, #tpu.memory_space<vmem>>, vector<1x16xf32>,
      %swap3A_56 = arith.index_cast %scan3A_41 : i32 to index
      %swap3A_57 = arith.constant 48 : index
      %swap3A_58 = tpu.vector_load %arg10[%swap3A_56, %swap3A_57] {strides = array<i32>} : memref<128x128xf32, #tpu.memory_space<vmem>>, vector<1x16xf32>,
      %swap3A_59 = vector.shape_cast %swap3A_58 : vector<1x16xf32> to vector<16xf32>
      %swap3A_60 = vector.shape_cast %broadcast_in_dim3A_11 : vector<16xf32> to vector<1x16xf32>
      tpu.vector_store %arg10[%swap3A_56, %swap3A_57], %swap3A_60 {strides = array<i32>} : memref<128x128xf32, #tpu.memory_space<vmem>>, vector<1x16xf32>,
      %swap3A_61 = arith.index_cast %scan3A_41 : i32 to index
      %swap3A_62 = arith.constant 64 : index
      %swap3A_63 = tpu.vector_load %arg10[%swap3A_61, %swap3A_62] {strides = array<i32>} : memref<128x128xf32, #tpu.memory_space<vmem>>, vector<1x16xf32>,
      %swap3A_64 = vector.shape_cast %swap3A_63 : vector<1x16xf32> to vector<16xf32>
      %swap3A_65 = vector.shape_cast %broadcast_in_dim3A_11 : vector<16xf32> to vector<1x16xf32>
      tpu.vector_store %arg10[%swap3A_61, %swap3A_62], %swap3A_65 {strides = array<i32>} : memref<128x128xf32, #tpu.memory_space<vmem>>, vector<1x16xf32>,
      %swap3A_66 = arith.index_cast %scan3A_41 : i32 to index
      %swap3A_67 = arith.constant 80 : index
      %swap3A_68 = tpu.vector_load %arg10[%swap3A_66, %swap3A_67] {strides = array<i32>} : memref<128x128xf32, #tpu.memory_space<vmem>>, vector<1x16xf32>,
      %swap3A_69 = vector.shape_cast %swap3A_68 : vector<1x16xf32> to vector<16xf32>
      %swap3A_70 = vector.shape_cast %broadcast_in_dim3A_11 : vector<16xf32> to vector<1x16xf32>
      tpu.vector_store %arg10[%swap3A_66, %swap3A_67], %swap3A_70 {strides = array<i32>} : memref<128x128xf32, #tpu.memory_space<vmem>>, vector<1x16xf32>,
      %swap3A_71 = arith.index_cast %scan3A_41 : i32 to index
      %swap3A_72 = arith.constant 96 : index
      %swap3A_73 = tpu.vector_load %arg10[%swap3A_71, %swap3A_72] {strides = array<i32>} : memref<128x128xf32, #tpu.memory_space<vmem>>, vector<1x16xf32>,
      %swap3A_74 = vector.shape_cast %swap3A_73 : vector<1x16xf32> to vector<16xf32>
      %swap3A_75 = vector.shape_cast %broadcast_in_dim3A_11 : vector<16xf32> to vector<1x16xf32>
      tpu.vector_store %arg10[%swap3A_71, %swap3A_72], %swap3A_75 {strides = array<i32>} : memref<128x128xf32, #tpu.memory_space<vmem>>, vector<1x16xf32>,
      %swap3A_76 = arith.index_cast %scan3A_41 : i32 to index
      %swap3A_77 = arith.constant 112 : index
      %swap3A_78 = tpu.vector_load %arg10[%swap3A_76, %swap3A_77] {strides = array<i32>} : memref<128x128xf32, #tpu.memory_space<vmem>>, vector<1x16xf32>,
      %swap3A_79 = vector.shape_cast %swap3A_78 : vector<1x16xf32> to vector<16xf32>
      %swap3A_80 = vector.shape_cast %broadcast_in_dim3A_11 : vector<16xf32> to vector<1x16xf32>
      tpu.vector_store %arg10[%swap3A_76, %swap3A_77], %swap3A_80 {strides = array<i32>} : memref<128x128xf32, #tpu.memory_space<vmem>>, vector<1x16xf32>,
    }
    %scan3A_15 = arith.constant 128 : i32
    %dma_wait3A = arith.constant 0 : i32
    %dma_wait3A_16 = tpu.memref_slice %arg6[%mul3A_7, %dma_wait3A] : memref<5120x128xf32, #tpu.memory_space<vmem_shared>> -> memref<320x128xf32, #tpu.memory_space<vmem_shared>>
    %dma_wait3A_17 = arith.constant 0 : i32
    %dma_wait3A_18 = tpu.memref_slice %arg2[%add3A_5, %dma_wait3A_17] : memref<10240x128xf32, #tpu.memory_space<hbm>> -> memref<320x128xf32, #tpu.memory_space<hbm>>
    tpu.wait_dma2 semaphore(%arg12 : memref<!tpu.dma_semaphore, #tpu.memory_space<semaphore_mem>>) src(%dma_wait3A_18 : memref<320x128xf32, #tpu.memory_space<hbm>>) dst(%dma_wait3A_16 : memref<320x128xf32, #tpu.memory_space<vmem_shared>>)
    %mul3A_19 = arith.constant 320 : i32
    %mul3A_20 = arith.muli %arg1, %mul3A_19 : i32
    %add3A_21 = arith.constant 0 : i32
    %add3A_22 = arith.addi %mul3A_20, %add3A_21 : i32
    "tpu.region"() ({
      %run_scoped3A = tpu.sem_alloc : memref<!tpu.dma_semaphore, #tpu.memory_space<semaphore_mem>>
      %dma_start3A_41 = arith.constant 0 : i32
      %dma_start3A_42 = tpu.memref_slice %arg7[%add3A_22, %dma_start3A_41] : memref<5120x128xf32, #tpu.memory_space<vmem_shared>> -> memref<128x128xf32, #tpu.memory_space<vmem_shared>>
      %dma_start3A_43 = arith.constant 0 : i32
      %dma_start3A_44 = tpu.memref_slice %arg7[%add3A_22, %dma_start3A_43] : memref<5120x128xf32, #tpu.memory_space<vmem_shared>> -> memref<128x128xf32, #tpu.memory_space<vmem_shared>>
      tpu.enqueue_dma source(%arg10 : memref<128x128xf32, #tpu.memory_space<vmem>>) target(%dma_start3A_44 : memref<128x128xf32, #tpu.memory_space<vmem_shared>>) target_semaphore(%run_scoped3A : memref<!tpu.dma_semaphore, #tpu.memory_space<semaphore_mem>>)
      %dma_wait3A_45 = arith.constant 0 : i32
      %dma_wait3A_46 = tpu.memref_slice %arg7[%add3A_22, %dma_wait3A_45] : memref<5120x128xf32, #tpu.memory_space<vmem_shared>> -> memref<128x128xf32, #tpu.memory_space<vmem_shared>>
      %dma_wait3A_47 = arith.constant 0 : i32
      %dma_wait3A_48 = tpu.memref_slice %arg7[%add3A_22, %dma_wait3A_47] : memref<5120x128xf32, #tpu.memory_space<vmem_shared>> -> memref<128x128xf32, #tpu.memory_space<vmem_shared>>
      tpu.wait_dma2 semaphore(%run_scoped3A : memref<!tpu.dma_semaphore, #tpu.memory_space<semaphore_mem>>) src(%arg10 : memref<128x128xf32, #tpu.memory_space<vmem>>) dst(%dma_wait3A_48 : memref<128x128xf32, #tpu.memory_space<vmem_shared>>)
      tpu.yield
    }) : () -> ()
    %mul3A_23 = arith.constant 320 : i32
    %mul3A_24 = arith.muli %arg1, %mul3A_23 : i32
    %add3A_25 = arith.constant 128 : i32
    %add3A_26 = arith.addi %mul3A_24, %add3A_25 : i32
    "tpu.region"() ({
      %run_scoped3A = tpu.sem_alloc : memref<!tpu.dma_semaphore, #tpu.memory_space<semaphore_mem>>
      %dma_start3A_41 = arith.constant 0 : i32
      %dma_start3A_42 = tpu.memref_slice %arg7[%add3A_26, %dma_start3A_41] : memref<5120x128xf32, #tpu.memory_space<vmem_shared>> -> memref<128x128xf32, #tpu.memory_space<vmem_shared>>
      %dma_start3A_43 = arith.constant 0 : i32
      %dma_start3A_44 = tpu.memref_slice %arg7[%add3A_26, %dma_start3A_43] : memref<5120x128xf32, #tpu.memory_space<vmem_shared>> -> memref<128x128xf32, #tpu.memory_space<vmem_shared>>
      tpu.enqueue_dma source(%arg10 : memref<128x128xf32, #tpu.memory_space<vmem>>) target(%dma_start3A_44 : memref<128x128xf32, #tpu.memory_space<vmem_shared>>) target_semaphore(%run_scoped3A : memref<!tpu.dma_semaphore, #tpu.memory_space<semaphore_mem>>)
      %dma_wait3A_45 = arith.constant 0 : i32
      %dma_wait3A_46 = tpu.memref_slice %arg7[%add3A_26, %dma_wait3A_45] : memref<5120x128xf32, #tpu.memory_space<vmem_shared>> -> memref<128x128xf32, #tpu.memory_space<vmem_shared>>
      %dma_wait3A_47 = arith.constant 0 : i32
      %dma_wait3A_48 = tpu.memref_slice %arg7[%add3A_26, %dma_wait3A_47] : memref<5120x128xf32, #tpu.memory_space<vmem_shared>> -> memref<128x128xf32, #tpu.memory_space<vmem_shared>>
      tpu.wait_dma2 semaphore(%run_scoped3A : memref<!tpu.dma_semaphore, #tpu.memory_space<semaphore_mem>>) src(%arg10 : memref<128x128xf32, #tpu.memory_space<vmem>>) dst(%dma_wait3A_48 : memref<128x128xf32, #tpu.memory_space<vmem_shared>>)
      tpu.yield
    }) : () -> ()
    %mul3A_27 = arith.constant 320 : i32
    %mul3A_28 = arith.muli %arg1, %mul3A_27 : i32
    %add3A_29 = arith.constant 256 : i32
    %add3A_30 = arith.addi %mul3A_28, %add3A_29 : i32
    "tpu.region"() ({
      %run_scoped3A = tpu.sem_alloc : memref<!tpu.dma_semaphore, #tpu.memory_space<semaphore_mem>>
      %dma_start3A_41 = arith.constant 0 : i32
      %dma_start3A_42 = arith.constant 0 : i32
      %dma_start3A_43 = tpu.memref_slice %arg10[%dma_start3A_41, %dma_start3A_42] : memref<128x128xf32, #tpu.memory_space<vmem>> -> memref<64x128xf32, #tpu.memory_space<vmem>>
      %dma_start3A_44 = arith.constant 0 : i32
      %dma_start3A_45 = tpu.memref_slice %arg7[%add3A_30, %dma_start3A_44] : memref<5120x128xf32, #tpu.memory_space<vmem_shared>> -> memref<64x128xf32, #tpu.memory_space<vmem_shared>>
      %dma_start3A_46 = arith.constant 0 : i32
      %dma_start3A_47 = tpu.memref_slice %arg7[%add3A_30, %dma_start3A_46] : memref<5120x128xf32, #tpu.memory_space<vmem_shared>> -> memref<64x128xf32, #tpu.memory_space<vmem_shared>>
      %dma_start3A_48 = arith.constant 0 : i32
      %dma_start3A_49 = arith.constant 0 : i32
      %dma_start3A_50 = tpu.memref_slice %arg10[%dma_start3A_48, %dma_start3A_49] : memref<128x128xf32, #tpu.memory_space<vmem>> -> memref<64x128xf32, #tpu.memory_space<vmem>>
      tpu.enqueue_dma source(%dma_start3A_50 : memref<64x128xf32, #tpu.memory_space<vmem>>) target(%dma_start3A_47 : memref<64x128xf32, #tpu.memory_space<vmem_shared>>) target_semaphore(%run_scoped3A : memref<!tpu.dma_semaphore, #tpu.memory_space<semaphore_mem>>)
      %dma_wait3A_51 = arith.constant 0 : i32
      %dma_wait3A_52 = arith.constant 0 : i32
      %dma_wait3A_53 = tpu.memref_slice %arg10[%dma_wait3A_51, %dma_wait3A_52] : memref<128x128xf32, #tpu.memory_space<vmem>> -> memref<64x128xf32, #tpu.memory_space<vmem>>
      %dma_wait3A_54 = arith.constant 0 : i32
      %dma_wait3A_55 = tpu.memref_slice %arg7[%add3A_30, %dma_wait3A_54] : memref<5120x128xf32, #tpu.memory_space<vmem_shared>> -> memref<64x128xf32, #tpu.memory_space<vmem_shared>>
      %dma_wait3A_56 = arith.constant 0 : i32
      %dma_wait3A_57 = tpu.memref_slice %arg7[%add3A_30, %dma_wait3A_56] : memref<5120x128xf32, #tpu.memory_space<vmem_shared>> -> memref<64x128xf32, #tpu.memory_space<vmem_shared>>
      %dma_wait3A_58 = arith.constant 0 : i32
      %dma_wait3A_59 = arith.constant 0 : i32
      %dma_wait3A_60 = tpu.memref_slice %arg10[%dma_wait3A_58, %dma_wait3A_59] : memref<128x128xf32, #tpu.memory_space<vmem>> -> memref<64x128xf32, #tpu.memory_space<vmem>>
      tpu.wait_dma2 semaphore(%run_scoped3A : memref<!tpu.dma_semaphore, #tpu.memory_space<semaphore_mem>>) src(%dma_wait3A_60 : memref<64x128xf32, #tpu.memory_space<vmem>>) dst(%dma_wait3A_57 : memref<64x128xf32, #tpu.memory_space<vmem_shared>>)
      tpu.yield
    }) : () -> ()
    %barrier3A = arith.constant 0 : index
    tpu.barrier barrier_id(%barrier3A)
    %scan3A_31 = arith.constant 0 : i32
    %scan3A_32 = arith.constant 2 : i32
    %scan3A_33 = arith.addi %scan3A_31, %scan3A_32 : i32
    %scan3A_34 = arith.constant 1 : i32
    scf.for %scan3A_41 = %scan3A_31 to %scan3A_33 step %scan3A_34  : i32 {
      %mul3A_42 = arith.constant 40 : i32
      %mul3A_43 = arith.muli %scan3A_41, %mul3A_42 : i32
      %multiple_of3A = tpu.assume_multiple %mul3A_43, 40 : i32
      "tpu.region"() ({
        %run_scoped3A = tpu.sem_alloc : memref<!tpu.dma_semaphore, #tpu.memory_space<semaphore_mem>>
        %dma_start3A_604 = arith.constant 0 : i32
        %dma_start3A_605 = tpu.memref_slice %arg3[%add3A, %multiple_of3A, %dma_start3A_604] : memref<32x80x128xi32, #tpu.memory_space<hbm>> -> memref<1x40x128xi32, #tpu.memory_space<hbm>>
        %dma_start3A_606 = tpu.memref_squeeze %dma_start3A_605 : memref<1x40x128xi32, #tpu.memory_space<hbm>> -> memref<40x128xi32, #tpu.memory_space<hbm>>
        %dma_start3A_607 = arith.constant 0 : i32
        %dma_start3A_608 = tpu.memref_slice %arg3[%add3A, %multiple_of3A, %dma_start3A_607] : memref<32x80x128xi32, #tpu.memory_space<hbm>> -> memref<1x40x128xi32, #tpu.memory_space<hbm>>
        %dma_start3A_609 = tpu.memref_squeeze %dma_start3A_608 : memref<1x40x128xi32, #tpu.memory_space<hbm>> -> memref<40x128xi32, #tpu.memory_space<hbm>>
        tpu.enqueue_dma source(%dma_start3A_609 : memref<40x128xi32, #tpu.memory_space<hbm>>) target(%arg8 : memref<40x128xi32, #tpu.memory_space<vmem>>) target_semaphore(%run_scoped3A : memref<!tpu.dma_semaphore, #tpu.memory_space<semaphore_mem>>)
        %dma_wait3A_610 = arith.constant 0 : i32
        %dma_wait3A_611 = tpu.memref_slice %arg3[%add3A, %multiple_of3A, %dma_wait3A_610] : memref<32x80x128xi32, #tpu.memory_space<hbm>> -> memref<1x40x128xi32, #tpu.memory_space<hbm>>
        %dma_wait3A_612 = tpu.memref_squeeze %dma_wait3A_611 : memref<1x40x128xi32, #tpu.memory_space<hbm>> -> memref<40x128xi32, #tpu.memory_space<hbm>>
        %dma_wait3A_613 = arith.constant 0 : i32
        %dma_wait3A_614 = tpu.memref_slice %arg3[%add3A, %multiple_of3A, %dma_wait3A_613] : memref<32x80x128xi32, #tpu.memory_space<hbm>> -> memref<1x40x128xi32, #tpu.memory_space<hbm>>
        %dma_wait3A_615 = tpu.memref_squeeze %dma_wait3A_614 : memref<1x40x128xi32, #tpu.memory_space<hbm>> -> memref<40x128xi32, #tpu.memory_space<hbm>>
        tpu.wait_dma2 semaphore(%run_scoped3A : memref<!tpu.dma_semaphore, #tpu.memory_space<semaphore_mem>>) src(%dma_wait3A_615 : memref<40x128xi32, #tpu.memory_space<hbm>>) dst(%arg8 : memref<40x128xi32, #tpu.memory_space<vmem>>)
        tpu.yield
      }) : () -> ()
      "tpu.region"() ({
        %run_scoped3A = tpu.sem_alloc : memref<!tpu.dma_semaphore, #tpu.memory_space<semaphore_mem>>
        %dma_start3A_604 = arith.constant 0 : i32
        %dma_start3A_605 = tpu.memref_slice %arg4[%add3A, %multiple_of3A, %dma_start3A_604] : memref<32x80x128xi32, #tpu.memory_space<hbm>> -> memref<1x40x128xi32, #tpu.memory_space<hbm>>
        %dma_start3A_606 = tpu.memref_squeeze %dma_start3A_605 : memref<1x40x128xi32, #tpu.memory_space<hbm>> -> memref<40x128xi32, #tpu.memory_space<hbm>>
        %dma_start3A_607 = arith.constant 0 : i32
        %dma_start3A_608 = tpu.memref_slice %arg4[%add3A, %multiple_of3A, %dma_start3A_607] : memref<32x80x128xi32, #tpu.memory_space<hbm>> -> memref<1x40x128xi32, #tpu.memory_space<hbm>>
        %dma_start3A_609 = tpu.memref_squeeze %dma_start3A_608 : memref<1x40x128xi32, #tpu.memory_space<hbm>> -> memref<40x128xi32, #tpu.memory_space<hbm>>
        tpu.enqueue_dma source(%dma_start3A_609 : memref<40x128xi32, #tpu.memory_space<hbm>>) target(%arg9 : memref<40x128xi32, #tpu.memory_space<vmem>>) target_semaphore(%run_scoped3A : memref<!tpu.dma_semaphore, #tpu.memory_space<semaphore_mem>>)
        %dma_wait3A_610 = arith.constant 0 : i32
        %dma_wait3A_611 = tpu.memref_slice %arg4[%add3A, %multiple_of3A, %dma_wait3A_610] : memref<32x80x128xi32, #tpu.memory_space<hbm>> -> memref<1x40x128xi32, #tpu.memory_space<hbm>>
        %dma_wait3A_612 = tpu.memref_squeeze %dma_wait3A_611 : memref<1x40x128xi32, #tpu.memory_space<hbm>> -> memref<40x128xi32, #tpu.memory_space<hbm>>
        %dma_wait3A_613 = arith.constant 0 : i32
        %dma_wait3A_614 = tpu.memref_slice %arg4[%add3A, %multiple_of3A, %dma_wait3A_613] : memref<32x80x128xi32, #tpu.memory_space<hbm>> -> memref<1x40x128xi32, #tpu.memory_space<hbm>>
        %dma_wait3A_615 = tpu.memref_squeeze %dma_wait3A_614 : memref<1x40x128xi32, #tpu.memory_space<hbm>> -> memref<40x128xi32, #tpu.memory_space<hbm>>
        tpu.wait_dma2 semaphore(%run_scoped3A : memref<!tpu.dma_semaphore, #tpu.memory_space<semaphore_mem>>) src(%dma_wait3A_615 : memref<40x128xi32, #tpu.memory_space<hbm>>) dst(%arg9 : memref<40x128xi32, #tpu.memory_space<vmem>>)
        tpu.yield
      }) : () -> ()
      %dma_start3A_44 = arith.constant 0 : i32
      %dma_start3A_45 = arith.constant 0 : i32
      %dma_start3A_46 = tpu.memref_slice %arg8[%dma_start3A_44, %dma_start3A_45] : memref<40x128xi32, #tpu.memory_space<vmem>> -> memref<1x128xi32, #tpu.memory_space<vmem>>
      %dma_start3A_47 = tpu.memref_squeeze %dma_start3A_46 : memref<1x128xi32, #tpu.memory_space<vmem>> -> memref<128xi32, #tpu.memory_space<vmem>>
      %dma_start3A_48 = arith.constant 0 : i32
      %dma_start3A_49 = arith.constant 0 : i32
      %dma_start3A_50 = tpu.memref_slice %arg6[%dma_start3A_48, %dma_start3A_49] : memref<5120x128xf32, #tpu.memory_space<vmem_shared>> -> memref<5120x128xf32, #tpu.memory_space<vmem_shared>>
      tpu.enqueue_indirect_dma source(%dma_start3A_50 : memref<5120x128xf32, #tpu.memory_space<vmem_shared>>) target(%arg10 : memref<128x128xf32, #tpu.memory_space<vmem>>) offsets(%dma_start3A_47 : memref<128xi32, #tpu.memory_space<vmem>>) semaphore(%arg12 : memref<!tpu.dma_semaphore, #tpu.memory_space<semaphore_mem>>)
      %dma_start3A_51 = arith.constant 1 : i32
      %dma_start3A_52 = arith.constant 0 : i32
      %dma_start3A_53 = tpu.memref_slice %arg8[%dma_start3A_51, %dma_start3A_52] : memref<40x128xi32, #tpu.memory_space<vmem>> -> memref<1x128xi32, #tpu.memory_space<vmem>>
      %dma_start3A_54 = tpu.memref_squeeze %dma_start3A_53 : memref<1x128xi32, #tpu.memory_space<vmem>> -> memref<128xi32, #tpu.memory_space<vmem>>
      %dma_start3A_55 = arith.constant 0 : i32
      %dma_start3A_56 = arith.constant 0 : i32
      %dma_start3A_57 = tpu.memref_slice %arg6[%dma_start3A_55, %dma_start3A_56] : memref<5120x128xf32, #tpu.memory_space<vmem_shared>> -> memref<5120x128xf32, #tpu.memory_space<vmem_shared>>
      tpu.enqueue_indirect_dma source(%dma_start3A_57 : memref<5120x128xf32, #tpu.memory_space<vmem_shared>>) target(%arg11 : memref<128x128xf32, #tpu.memory_space<vmem>>) offsets(%dma_start3A_54 : memref<128xi32, #tpu.memory_space<vmem>>) semaphore(%arg13 : memref<!tpu.dma_semaphore, #tpu.memory_space<semaphore_mem>>)
      %dma_wait3A_58 = arith.constant 0 : i32
      %dma_wait3A_59 = arith.constant 0 : i32
      %dma_wait3A_60 = tpu.memref_slice %arg8[%dma_wait3A_58, %dma_wait3A_59] : memref<40x128xi32, #tpu.memory_space<vmem>> -> memref<1x128xi32, #tpu.memory_space<vmem>>
      %dma_wait3A_61 = tpu.memref_squeeze %dma_wait3A_60 : memref<1x128xi32, #tpu.memory_space<vmem>> -> memref<128xi32, #tpu.memory_space<vmem>>
      %dma_wait3A_62 = arith.constant 0 : i32
      %dma_wait3A_63 = arith.constant 0 : i32
      %dma_wait3A_64 = tpu.memref_slice %arg6[%dma_wait3A_62, %dma_wait3A_63] : memref<5120x128xf32, #tpu.memory_space<vmem_shared>> -> memref<5120x128xf32, #tpu.memory_space<vmem_shared>>
      tpu.wait_indirect_dma semaphore(%arg12 : memref<!tpu.dma_semaphore, #tpu.memory_space<semaphore_mem>>) src(%dma_wait3A_64 : memref<5120x128xf32, #tpu.memory_space<vmem_shared>>) dst(%arg10 : memref<128x128xf32, #tpu.memory_space<vmem>>)
      %dma_start3A_65 = arith.constant 2 : i32
      %dma_start3A_66 = arith.constant 0 : i32
      %dma_start3A_67 = tpu.memref_slice %arg8[%dma_start3A_65, %dma_start3A_66] : memref<40x128xi32, #tpu.memory_space<vmem>> -> memref<1x128xi32, #tpu.memory_space<vmem>>
      %dma_start3A_68 = tpu.memref_squeeze %dma_start3A_67 : memref<1x128xi32, #tpu.memory_space<vmem>> -> memref<128xi32, #tpu.memory_space<vmem>>
      %dma_start3A_69 = arith.constant 0 : i32
      %dma_start3A_70 = arith.constant 0 : i32
      %dma_start3A_71 = tpu.memref_slice %arg6[%dma_start3A_69, %dma_start3A_70] : memref<5120x128xf32, #tpu.memory_space<vmem_shared>> -> memref<5120x128xf32, #tpu.memory_space<vmem_shared>>
      tpu.enqueue_indirect_dma source(%dma_start3A_71 : memref<5120x128xf32, #tpu.memory_space<vmem_shared>>) target(%arg10 : memref<128x128xf32, #tpu.memory_space<vmem>>) offsets(%dma_start3A_68 : memref<128xi32, #tpu.memory_space<vmem>>) semaphore(%arg12 : memref<!tpu.dma_semaphore, #tpu.memory_space<semaphore_mem>>)
      %dma_wait3A_72 = arith.constant 1 : i32
      %dma_wait3A_73 = arith.constant 0 : i32
      %dma_wait3A_74 = tpu.memref_slice %arg8[%dma_wait3A_72, %dma_wait3A_73] : memref<40x128xi32, #tpu.memory_space<vmem>> -> memref<1x128xi32, #tpu.memory_space<vmem>>
      %dma_wait3A_75 = tpu.memref_squeeze %dma_wait3A_74 : memref<1x128xi32, #tpu.memory_space<vmem>> -> memref<128xi32, #tpu.memory_space<vmem>>
      %dma_wait3A_76 = arith.constant 0 : i32
      %dma_wait3A_77 = arith.constant 0 : i32
      %dma_wait3A_78 = tpu.memref_slice %arg6[%dma_wait3A_76, %dma_wait3A_77] : memref<5120x128xf32, #tpu.memory_space<vmem_shared>> -> memref<5120x128xf32, #tpu.memory_space<vmem_shared>>
      tpu.wait_indirect_dma semaphore(%arg13 : memref<!tpu.dma_semaphore, #tpu.memory_space<semaphore_mem>>) src(%dma_wait3A_78 : memref<5120x128xf32, #tpu.memory_space<vmem_shared>>) dst(%arg11 : memref<128x128xf32, #tpu.memory_space<vmem>>)
      %dma_start3A_79 = arith.constant 3 : i32
      %dma_start3A_80 = arith.constant 0 : i32
      %dma_start3A_81 = tpu.memref_slice %arg8[%dma_start3A_79, %dma_start3A_80] : memref<40x128xi32, #tpu.memory_space<vmem>> -> memref<1x128xi32, #tpu.memory_space<vmem>>
      %dma_start3A_82 = tpu.memref_squeeze %dma_start3A_81 : memref<1x128xi32, #tpu.memory_space<vmem>> -> memref<128xi32, #tpu.memory_space<vmem>>
      %dma_start3A_83 = arith.constant 0 : i32
      %dma_start3A_84 = arith.constant 0 : i32
      %dma_start3A_85 = tpu.memref_slice %arg6[%dma_start3A_83, %dma_start3A_84] : memref<5120x128xf32, #tpu.memory_space<vmem_shared>> -> memref<5120x128xf32, #tpu.memory_space<vmem_shared>>
      tpu.enqueue_indirect_dma source(%dma_start3A_85 : memref<5120x128xf32, #tpu.memory_space<vmem_shared>>) target(%arg11 : memref<128x128xf32, #tpu.memory_space<vmem>>) offsets(%dma_start3A_82 : memref<128xi32, #tpu.memory_space<vmem>>) semaphore(%arg13 : memref<!tpu.dma_semaphore, #tpu.memory_space<semaphore_mem>>)
      %dma_wait3A_86 = arith.constant 2 : i32
      %dma_wait3A_87 = arith.constant 0 : i32
      %dma_wait3A_88 = tpu.memref_slice %arg8[%dma_wait3A_86, %dma_wait3A_87] : memref<40x128xi32, #tpu.memory_space<vmem>> -> memref<1x128xi32, #tpu.memory_space<vmem>>
      %dma_wait3A_89 = tpu.memref_squeeze %dma_wait3A_88 : memref<1x128xi32, #tpu.memory_space<vmem>> -> memref<128xi32, #tpu.memory_space<vmem>>
      %dma_wait3A_90 = arith.constant 0 : i32
      %dma_wait3A_91 = arith.constant 0 : i32
      %dma_wait3A_92 = tpu.memref_slice %arg6[%dma_wait3A_90, %dma_wait3A_91] : memref<5120x128xf32, #tpu.memory_space<vmem_shared>> -> memref<5120x128xf32, #tpu.memory_space<vmem_shared>>
      tpu.wait_indirect_dma semaphore(%arg12 : memref<!tpu.dma_semaphore, #tpu.memory_space<semaphore_mem>>) src(%dma_wait3A_92 : memref<5120x128xf32, #tpu.memory_space<vmem_shared>>) dst(%arg10 : memref<128x128xf32, #tpu.memory_space<vmem>>)
      %dma_start3A_93 = arith.constant 4 : i32
      %dma_start3A_94 = arith.constant 0 : i32
      %dma_start3A_95 = tpu.memref_slice %arg8[%dma_start3A_93, %dma_start3A_94] : memref<40x128xi32, #tpu.memory_space<vmem>> -> memref<1x128xi32, #tpu.memory_space<vmem>>
      %dma_start3A_96 = tpu.memref_squeeze %dma_start3A_95 : memref<1x128xi32, #tpu.memory_space<vmem>> -> memref<128xi32, #tpu.memory_space<vmem>>
      %dma_start3A_97 = arith.constant 0 : i32
      %dma_start3A_98 = arith.constant 0 : i32
      %dma_start3A_99 = tpu.memref_slice %arg6[%dma_start3A_97, %dma_start3A_98] : memref<5120x128xf32, #tpu.memory_space<vmem_shared>> -> memref<5120x128xf32, #tpu.memory_space<vmem_shared>>
      tpu.enqueue_indirect_dma source(%dma_start3A_99 : memref<5120x128xf32, #tpu.memory_space<vmem_shared>>) target(%arg10 : memref<128x128xf32, #tpu.memory_space<vmem>>) offsets(%dma_start3A_96 : memref<128xi32, #tpu.memory_space<vmem>>) semaphore(%arg12 : memref<!tpu.dma_semaphore, #tpu.memory_space<semaphore_mem>>)
      %dma_wait3A_100 = arith.constant 3 : i32
      %dma_wait3A_101 = arith.constant 0 : i32
      %dma_wait3A_102 = tpu.memref_slice %arg8[%dma_wait3A_100, %dma_wait3A_101] : memref<40x128xi32, #tpu.memory_space<vmem>> -> memref<1x128xi32, #tpu.memory_space<vmem>>
      %dma_wait3A_103 = tpu.memref_squeeze %dma_wait3A_102 : memref<1x128xi32, #tpu.memory_space<vmem>> -> memref<128xi32, #tpu.memory_space<vmem>>
      %dma_wait3A_104 = arith.constant 0 : i32
      %dma_wait3A_105 = arith.constant 0 : i32
      %dma_wait3A_106 = tpu.memref_slice %arg6[%dma_wait3A_104, %dma_wait3A_105] : memref<5120x128xf32, #tpu.memory_space<vmem_shared>> -> memref<5120x128xf32, #tpu.memory_space<vmem_shared>>
      tpu.wait_indirect_dma semaphore(%arg13 : memref<!tpu.dma_semaphore, #tpu.memory_space<semaphore_mem>>) src(%dma_wait3A_106 : memref<5120x128xf32, #tpu.memory_space<vmem_shared>>) dst(%arg11 : memref<128x128xf32, #tpu.memory_space<vmem>>)
      %dma_start3A_107 = arith.constant 5 : i32
      %dma_start3A_108 = arith.constant 0 : i32
      %dma_start3A_109 = tpu.memref_slice %arg8[%dma_start3A_107, %dma_start3A_108] : memref<40x128xi32, #tpu.memory_space<vmem>> -> memref<1x128xi32, #tpu.memory_space<vmem>>
      %dma_start3A_110 = tpu.memref_squeeze %dma_start3A_109 : memref<1x128xi32, #tpu.memory_space<vmem>> -> memref<128xi32, #tpu.memory_space<vmem>>
      %dma_start3A_111 = arith.constant 0 : i32
      %dma_start3A_112 = arith.constant 0 : i32
      %dma_start3A_113 = tpu.memref_slice %arg6[%dma_start3A_111, %dma_start3A_112] : memref<5120x128xf32, #tpu.memory_space<vmem_shared>> -> memref<5120x128xf32, #tpu.memory_space<vmem_shared>>
      tpu.enqueue_indirect_dma source(%dma_start3A_113 : memref<5120x128xf32, #tpu.memory_space<vmem_shared>>) target(%arg11 : memref<128x128xf32, #tpu.memory_space<vmem>>) offsets(%dma_start3A_110 : memref<128xi32, #tpu.memory_space<vmem>>) semaphore(%arg13 : memref<!tpu.dma_semaphore, #tpu.memory_space<semaphore_mem>>)
      %dma_wait3A_114 = arith.constant 4 : i32
      %dma_wait3A_115 = arith.constant 0 : i32
      %dma_wait3A_116 = tpu.memref_slice %arg8[%dma_wait3A_114, %dma_wait3A_115] : memref<40x128xi32, #tpu.memory_space<vmem>> -> memref<1x128xi32, #tpu.memory_space<vmem>>
      %dma_wait3A_117 = tpu.memref_squeeze %dma_wait3A_116 : memref<1x128xi32, #tpu.memory_space<vmem>> -> memref<128xi32, #tpu.memory_space<vmem>>
      %dma_wait3A_118 = arith.constant 0 : i32
      %dma_wait3A_119 = arith.constant 0 : i32
      %dma_wait3A_120 = tpu.memref_slice %arg6[%dma_wait3A_118, %dma_wait3A_119] : memref<5120x128xf32, #tpu.memory_space<vmem_shared>> -> memref<5120x128xf32, #tpu.memory_space<vmem_shared>>
      tpu.wait_indirect_dma semaphore(%arg12 : memref<!tpu.dma_semaphore, #tpu.memory_space<semaphore_mem>>) src(%dma_wait3A_120 : memref<5120x128xf32, #tpu.memory_space<vmem_shared>>) dst(%arg10 : memref<128x128xf32, #tpu.memory_space<vmem>>)
      %dma_start3A_121 = arith.constant 6 : i32
      %dma_start3A_122 = arith.constant 0 : i32
      %dma_start3A_123 = tpu.memref_slice %arg8[%dma_start3A_121, %dma_start3A_122] : memref<40x128xi32, #tpu.memory_space<vmem>> -> memref<1x128xi32, #tpu.memory_space<vmem>>
      %dma_start3A_124 = tpu.memref_squeeze %dma_start3A_123 : memref<1x128xi32, #tpu.memory_space<vmem>> -> memref<128xi32, #tpu.memory_space<vmem>>
      %dma_start3A_125 = arith.constant 0 : i32
      %dma_start3A_126 = arith.constant 0 : i32
      %dma_start3A_127 = tpu.memref_slice %arg6[%dma_start3A_125, %dma_start3A_126] : memref<5120x128xf32, #tpu.memory_space<vmem_shared>> -> memref<5120x128xf32, #tpu.memory_space<vmem_shared>>
      tpu.enqueue_indirect_dma source(%dma_start3A_127 : memref<5120x128xf32, #tpu.memory_space<vmem_shared>>) target(%arg10 : memref<128x128xf32, #tpu.memory_space<vmem>>) offsets(%dma_start3A_124 : memref<128xi32, #tpu.memory_space<vmem>>) semaphore(%arg12 : memref<!tpu.dma_semaphore, #tpu.memory_space<semaphore_mem>>)
      %dma_wait3A_128 = arith.constant 5 : i32
      %dma_wait3A_129 = arith.constant 0 : i32
      %dma_wait3A_130 = tpu.memref_slice %arg8[%dma_wait3A_128, %dma_wait3A_129] : memref<40x128xi32, #tpu.memory_space<vmem>> -> memref<1x128xi32, #tpu.memory_space<vmem>>
      %dma_wait3A_131 = tpu.memref_squeeze %dma_wait3A_130 : memref<1x128xi32, #tpu.memory_space<vmem>> -> memref<128xi32, #tpu.memory_space<vmem>>
      %dma_wait3A_132 = arith.constant 0 : i32
      %dma_wait3A_133 = arith.constant 0 : i32
      %dma_wait3A_134 = tpu.memref_slice %arg6[%dma_wait3A_132, %dma_wait3A_133] : memref<5120x128xf32, #tpu.memory_space<vmem_shared>> -> memref<5120x128xf32, #tpu.memory_space<vmem_shared>>
      tpu.wait_indirect_dma semaphore(%arg13 : memref<!tpu.dma_semaphore, #tpu.memory_space<semaphore_mem>>) src(%dma_wait3A_134 : memref<5120x128xf32, #tpu.memory_space<vmem_shared>>) dst(%arg11 : memref<128x128xf32, #tpu.memory_space<vmem>>)
      %dma_start3A_135 = arith.constant 7 : i32
      %dma_start3A_136 = arith.constant 0 : i32
      %dma_start3A_137 = tpu.memref_slice %arg8[%dma_start3A_135, %dma_start3A_136] : memref<40x128xi32, #tpu.memory_space<vmem>> -> memref<1x128xi32, #tpu.memory_space<vmem>>
      %dma_start3A_138 = tpu.memref_squeeze %dma_start3A_137 : memref<1x128xi32, #tpu.memory_space<vmem>> -> memref<128xi32, #tpu.memory_space<vmem>>
      %dma_start3A_139 = arith.constant 0 : i32
      %dma_start3A_140 = arith.constant 0 : i32
      %dma_start3A_141 = tpu.memref_slice %arg6[%dma_start3A_139, %dma_start3A_140] : memref<5120x128xf32, #tpu.memory_space<vmem_shared>> -> memref<5120x128xf32, #tpu.memory_space<vmem_shared>>
      tpu.enqueue_indirect_dma source(%dma_start3A_141 : memref<5120x128xf32, #tpu.memory_space<vmem_shared>>) target(%arg11 : memref<128x128xf32, #tpu.memory_space<vmem>>) offsets(%dma_start3A_138 : memref<128xi32, #tpu.memory_space<vmem>>) semaphore(%arg13 : memref<!tpu.dma_semaphore, #tpu.memory_space<semaphore_mem>>)
      %dma_wait3A_142 = arith.constant 6 : i32
      %dma_wait3A_143 = arith.constant 0 : i32
      %dma_wait3A_144 = tpu.memref_slice %arg8[%dma_wait3A_142, %dma_wait3A_143] : memref<40x128xi32, #tpu.memory_space<vmem>> -> memref<1x128xi32, #tpu.memory_space<vmem>>
      %dma_wait3A_145 = tpu.memref_squeeze %dma_wait3A_144 : memref<1x128xi32, #tpu.memory_space<vmem>> -> memref<128xi32, #tpu.memory_space<vmem>>
      %dma_wait3A_146 = arith.constant 0 : i32
      %dma_wait3A_147 = arith.constant 0 : i32
      %dma_wait3A_148 = tpu.memref_slice %arg6[%dma_wait3A_146, %dma_wait3A_147] : memref<5120x128xf32, #tpu.memory_space<vmem_shared>> -> memref<5120x128xf32, #tpu.memory_space<vmem_shared>>
      tpu.wait_indirect_dma semaphore(%arg12 : memref<!tpu.dma_semaphore, #tpu.memory_space<semaphore_mem>>) src(%dma_wait3A_148 : memref<5120x128xf32, #tpu.memory_space<vmem_shared>>) dst(%arg10 : memref<128x128xf32, #tpu.memory_space<vmem>>)
      %dma_start3A_149 = arith.constant 8 : i32
      %dma_start3A_150 = arith.constant 0 : i32
      %dma_start3A_151 = tpu.memref_slice %arg8[%dma_start3A_149, %dma_start3A_150] : memref<40x128xi32, #tpu.memory_space<vmem>> -> memref<1x128xi32, #tpu.memory_space<vmem>>
      %dma_start3A_152 = tpu.memref_squeeze %dma_start3A_151 : memref<1x128xi32, #tpu.memory_space<vmem>> -> memref<128xi32, #tpu.memory_space<vmem>>
      %dma_start3A_153 = arith.constant 0 : i32
      %dma_start3A_154 = arith.constant 0 : i32
      %dma_start3A_155 = tpu.memref_slice %arg6[%dma_start3A_153, %dma_start3A_154] : memref<5120x128xf32, #tpu.memory_space<vmem_shared>> -> memref<5120x128xf32, #tpu.memory_space<vmem_shared>>
      tpu.enqueue_indirect_dma source(%dma_start3A_155 : memref<5120x128xf32, #tpu.memory_space<vmem_shared>>) target(%arg10 : memref<128x128xf32, #tpu.memory_space<vmem>>) offsets(%dma_start3A_152 : memref<128xi32, #tpu.memory_space<vmem>>) semaphore(%arg12 : memref<!tpu.dma_semaphore, #tpu.memory_space<semaphore_mem>>)
      %dma_wait3A_156 = arith.constant 7 : i32
      %dma_wait3A_157 = arith.constant 0 : i32
      %dma_wait3A_158 = tpu.memref_slice %arg8[%dma_wait3A_156, %dma_wait3A_157] : memref<40x128xi32, #tpu.memory_space<vmem>> -> memref<1x128xi32, #tpu.memory_space<vmem>>
      %dma_wait3A_159 = tpu.memref_squeeze %dma_wait3A_158 : memref<1x128xi32, #tpu.memory_space<vmem>> -> memref<128xi32, #tpu.memory_space<vmem>>
      %dma_wait3A_160 = arith.constant 0 : i32
      %dma_wait3A_161 = arith.constant 0 : i32
      %dma_wait3A_162 = tpu.memref_slice %arg6[%dma_wait3A_160, %dma_wait3A_161] : memref<5120x128xf32, #tpu.memory_space<vmem_shared>> -> memref<5120x128xf32, #tpu.memory_space<vmem_shared>>
      tpu.wait_indirect_dma semaphore(%arg13 : memref<!tpu.dma_semaphore, #tpu.memory_space<semaphore_mem>>) src(%dma_wait3A_162 : memref<5120x128xf32, #tpu.memory_space<vmem_shared>>) dst(%arg11 : memref<128x128xf32, #tpu.memory_space<vmem>>)
      %dma_start3A_163 = arith.constant 9 : i32
      %dma_start3A_164 = arith.constant 0 : i32
      %dma_start3A_165 = tpu.memref_slice %arg8[%dma_start3A_163, %dma_start3A_164] : memref<40x128xi32, #tpu.memory_space<vmem>> -> memref<1x128xi32, #tpu.memory_space<vmem>>
      %dma_start3A_166 = tpu.memref_squeeze %dma_start3A_165 : memref<1x128xi32, #tpu.memory_space<vmem>> -> memref<128xi32, #tpu.memory_space<vmem>>
      %dma_start3A_167 = arith.constant 0 : i32
      %dma_start3A_168 = arith.constant 0 : i32
      %dma_start3A_169 = tpu.memref_slice %arg6[%dma_start3A_167, %dma_start3A_168] : memref<5120x128xf32, #tpu.memory_space<vmem_shared>> -> memref<5120x128xf32, #tpu.memory_space<vmem_shared>>
      tpu.enqueue_indirect_dma source(%dma_start3A_169 : memref<5120x128xf32, #tpu.memory_space<vmem_shared>>) target(%arg11 : memref<128x128xf32, #tpu.memory_space<vmem>>) offsets(%dma_start3A_166 : memref<128xi32, #tpu.memory_space<vmem>>) semaphore(%arg13 : memref<!tpu.dma_semaphore, #tpu.memory_space<semaphore_mem>>)
      %dma_wait3A_170 = arith.constant 8 : i32
      %dma_wait3A_171 = arith.constant 0 : i32
      %dma_wait3A_172 = tpu.memref_slice %arg8[%dma_wait3A_170, %dma_wait3A_171] : memref<40x128xi32, #tpu.memory_space<vmem>> -> memref<1x128xi32, #tpu.memory_space<vmem>>
      %dma_wait3A_173 = tpu.memref_squeeze %dma_wait3A_172 : memref<1x128xi32, #tpu.memory_space<vmem>> -> memref<128xi32, #tpu.memory_space<vmem>>
      %dma_wait3A_174 = arith.constant 0 : i32
      %dma_wait3A_175 = arith.constant 0 : i32
      %dma_wait3A_176 = tpu.memref_slice %arg6[%dma_wait3A_174, %dma_wait3A_175] : memref<5120x128xf32, #tpu.memory_space<vmem_shared>> -> memref<5120x128xf32, #tpu.memory_space<vmem_shared>>
      tpu.wait_indirect_dma semaphore(%arg12 : memref<!tpu.dma_semaphore, #tpu.memory_space<semaphore_mem>>) src(%dma_wait3A_176 : memref<5120x128xf32, #tpu.memory_space<vmem_shared>>) dst(%arg10 : memref<128x128xf32, #tpu.memory_space<vmem>>)
      %dma_start3A_177 = arith.constant 10 : i32
      %dma_start3A_178 = arith.constant 0 : i32
      %dma_start3A_179 = tpu.memref_slice %arg8[%dma_start3A_177, %dma_start3A_178] : memref<40x128xi32, #tpu.memory_space<vmem>> -> memref<1x128xi32, #tpu.memory_space<vmem>>
      %dma_start3A_180 = tpu.memref_squeeze %dma_start3A_179 : memref<1x128xi32, #tpu.memory_space<vmem>> -> memref<128xi32, #tpu.memory_space<vmem>>
      %dma_start3A_181 = arith.constant 0 : i32
      %dma_start3A_182 = arith.constant 0 : i32
      %dma_start3A_183 = tpu.memref_slice %arg6[%dma_start3A_181, %dma_start3A_182] : memref<5120x128xf32, #tpu.memory_space<vmem_shared>> -> memref<5120x128xf32, #tpu.memory_space<vmem_shared>>
      tpu.enqueue_indirect_dma source(%dma_start3A_183 : memref<5120x128xf32, #tpu.memory_space<vmem_shared>>) target(%arg10 : memref<128x128xf32, #tpu.memory_space<vmem>>) offsets(%dma_start3A_180 : memref<128xi32, #tpu.memory_space<vmem>>) semaphore(%arg12 : memref<!tpu.dma_semaphore, #tpu.memory_space<semaphore_mem>>)
      %dma_wait3A_184 = arith.constant 9 : i32
      %dma_wait3A_185 = arith.constant 0 : i32
      %dma_wait3A_186 = tpu.memref_slice %arg8[%dma_wait3A_184, %dma_wait3A_185] : memref<40x128xi32, #tpu.memory_space<vmem>> -> memref<1x128xi32, #tpu.memory_space<vmem>>
      %dma_wait3A_187 = tpu.memref_squeeze %dma_wait3A_186 : memref<1x128xi32, #tpu.memory_space<vmem>> -> memref<128xi32, #tpu.memory_space<vmem>>
      %dma_wait3A_188 = arith.constant 0 : i32
      %dma_wait3A_189 = arith.constant 0 : i32
      %dma_wait3A_190 = tpu.memref_slice %arg6[%dma_wait3A_188, %dma_wait3A_189] : memref<5120x128xf32, #tpu.memory_space<vmem_shared>> -> memref<5120x128xf32, #tpu.memory_space<vmem_shared>>
      tpu.wait_indirect_dma semaphore(%arg13 : memref<!tpu.dma_semaphore, #tpu.memory_space<semaphore_mem>>) src(%dma_wait3A_190 : memref<5120x128xf32, #tpu.memory_space<vmem_shared>>) dst(%arg11 : memref<128x128xf32, #tpu.memory_space<vmem>>)
      %dma_start3A_191 = arith.constant 11 : i32
      %dma_start3A_192 = arith.constant 0 : i32
      %dma_start3A_193 = tpu.memref_slice %arg8[%dma_start3A_191, %dma_start3A_192] : memref<40x128xi32, #tpu.memory_space<vmem>> -> memref<1x128xi32, #tpu.memory_space<vmem>>
      %dma_start3A_194 = tpu.memref_squeeze %dma_start3A_193 : memref<1x128xi32, #tpu.memory_space<vmem>> -> memref<128xi32, #tpu.memory_space<vmem>>
      %dma_start3A_195 = arith.constant 0 : i32
      %dma_start3A_196 = arith.constant 0 : i32
      %dma_start3A_197 = tpu.memref_slice %arg6[%dma_start3A_195, %dma_start3A_196] : memref<5120x128xf32, #tpu.memory_space<vmem_shared>> -> memref<5120x128xf32, #tpu.memory_space<vmem_shared>>
      tpu.enqueue_indirect_dma source(%dma_start3A_197 : memref<5120x128xf32, #tpu.memory_space<vmem_shared>>) target(%arg11 : memref<128x128xf32, #tpu.memory_space<vmem>>) offsets(%dma_start3A_194 : memref<128xi32, #tpu.memory_space<vmem>>) semaphore(%arg13 : memref<!tpu.dma_semaphore, #tpu.memory_space<semaphore_mem>>)
      %dma_wait3A_198 = arith.constant 10 : i32
      %dma_wait3A_199 = arith.constant 0 : i32
      %dma_wait3A_200 = tpu.memref_slice %arg8[%dma_wait3A_198, %dma_wait3A_199] : memref<40x128xi32, #tpu.memory_space<vmem>> -> memref<1x128xi32, #tpu.memory_space<vmem>>
      %dma_wait3A_201 = tpu.memref_squeeze %dma_wait3A_200 : memref<1x128xi32, #tpu.memory_space<vmem>> -> memref<128xi32, #tpu.memory_space<vmem>>
      %dma_wait3A_202 = arith.constant 0 : i32
      %dma_wait3A_203 = arith.constant 0 : i32
      %dma_wait3A_204 = tpu.memref_slice %arg6[%dma_wait3A_202, %dma_wait3A_203] : memref<5120x128xf32, #tpu.memory_space<vmem_shared>> -> memref<5120x128xf32, #tpu.memory_space<vmem_shared>>
      tpu.wait_indirect_dma semaphore(%arg12 : memref<!tpu.dma_semaphore, #tpu.memory_space<semaphore_mem>>) src(%dma_wait3A_204 : memref<5120x128xf32, #tpu.memory_space<vmem_shared>>) dst(%arg10 : memref<128x128xf32, #tpu.memory_space<vmem>>)
      %dma_start3A_205 = arith.constant 12 : i32
      %dma_start3A_206 = arith.constant 0 : i32
      %dma_start3A_207 = tpu.memref_slice %arg8[%dma_start3A_205, %dma_start3A_206] : memref<40x128xi32, #tpu.memory_space<vmem>> -> memref<1x128xi32, #tpu.memory_space<vmem>>
      %dma_start3A_208 = tpu.memref_squeeze %dma_start3A_207 : memref<1x128xi32, #tpu.memory_space<vmem>> -> memref<128xi32, #tpu.memory_space<vmem>>
      %dma_start3A_209 = arith.constant 0 : i32
      %dma_start3A_210 = arith.constant 0 : i32
      %dma_start3A_211 = tpu.memref_slice %arg6[%dma_start3A_209, %dma_start3A_210] : memref<5120x128xf32, #tpu.memory_space<vmem_shared>> -> memref<5120x128xf32, #tpu.memory_space<vmem_shared>>
      tpu.enqueue_indirect_dma source(%dma_start3A_211 : memref<5120x128xf32, #tpu.memory_space<vmem_shared>>) target(%arg10 : memref<128x128xf32, #tpu.memory_space<vmem>>) offsets(%dma_start3A_208 : memref<128xi32, #tpu.memory_space<vmem>>) semaphore(%arg12 : memref<!tpu.dma_semaphore, #tpu.memory_space<semaphore_mem>>)
      %dma_wait3A_212 = arith.constant 11 : i32
      %dma_wait3A_213 = arith.constant 0 : i32
      %dma_wait3A_214 = tpu.memref_slice %arg8[%dma_wait3A_212, %dma_wait3A_213] : memref<40x128xi32, #tpu.memory_space<vmem>> -> memref<1x128xi32, #tpu.memory_space<vmem>>
      %dma_wait3A_215 = tpu.memref_squeeze %dma_wait3A_214 : memref<1x128xi32, #tpu.memory_space<vmem>> -> memref<128xi32, #tpu.memory_space<vmem>>
      %dma_wait3A_216 = arith.constant 0 : i32
      %dma_wait3A_217 = arith.constant 0 : i32
      %dma_wait3A_218 = tpu.memref_slice %arg6[%dma_wait3A_216, %dma_wait3A_217] : memref<5120x128xf32, #tpu.memory_space<vmem_shared>> -> memref<5120x128xf32, #tpu.memory_space<vmem_shared>>
      tpu.wait_indirect_dma semaphore(%arg13 : memref<!tpu.dma_semaphore, #tpu.memory_space<semaphore_mem>>) src(%dma_wait3A_218 : memref<5120x128xf32, #tpu.memory_space<vmem_shared>>) dst(%arg11 : memref<128x128xf32, #tpu.memory_space<vmem>>)
      %dma_start3A_219 = arith.constant 13 : i32
      %dma_start3A_220 = arith.constant 0 : i32
      %dma_start3A_221 = tpu.memref_slice %arg8[%dma_start3A_219, %dma_start3A_220] : memref<40x128xi32, #tpu.memory_space<vmem>> -> memref<1x128xi32, #tpu.memory_space<vmem>>
      %dma_start3A_222 = tpu.memref_squeeze %dma_start3A_221 : memref<1x128xi32, #tpu.memory_space<vmem>> -> memref<128xi32, #tpu.memory_space<vmem>>
      %dma_start3A_223 = arith.constant 0 : i32
      %dma_start3A_224 = arith.constant 0 : i32
      %dma_start3A_225 = tpu.memref_slice %arg6[%dma_start3A_223, %dma_start3A_224] : memref<5120x128xf32, #tpu.memory_space<vmem_shared>> -> memref<5120x128xf32, #tpu.memory_space<vmem_shared>>
      tpu.enqueue_indirect_dma source(%dma_start3A_225 : memref<5120x128xf32, #tpu.memory_space<vmem_shared>>) target(%arg11 : memref<128x128xf32, #tpu.memory_space<vmem>>) offsets(%dma_start3A_222 : memref<128xi32, #tpu.memory_space<vmem>>) semaphore(%arg13 : memref<!tpu.dma_semaphore, #tpu.memory_space<semaphore_mem>>)
      %dma_wait3A_226 = arith.constant 12 : i32
      %dma_wait3A_227 = arith.constant 0 : i32
      %dma_wait3A_228 = tpu.memref_slice %arg8[%dma_wait3A_226, %dma_wait3A_227] : memref<40x128xi32, #tpu.memory_space<vmem>> -> memref<1x128xi32, #tpu.memory_space<vmem>>
      %dma_wait3A_229 = tpu.memref_squeeze %dma_wait3A_228 : memref<1x128xi32, #tpu.memory_space<vmem>> -> memref<128xi32, #tpu.memory_space<vmem>>
      %dma_wait3A_230 = arith.constant 0 : i32
      %dma_wait3A_231 = arith.constant 0 : i32
      %dma_wait3A_232 = tpu.memref_slice %arg6[%dma_wait3A_230, %dma_wait3A_231] : memref<5120x128xf32, #tpu.memory_space<vmem_shared>> -> memref<5120x128xf32, #tpu.memory_space<vmem_shared>>
      tpu.wait_indirect_dma semaphore(%arg12 : memref<!tpu.dma_semaphore, #tpu.memory_space<semaphore_mem>>) src(%dma_wait3A_232 : memref<5120x128xf32, #tpu.memory_space<vmem_shared>>) dst(%arg10 : memref<128x128xf32, #tpu.memory_space<vmem>>)
      %dma_start3A_233 = arith.constant 14 : i32
      %dma_start3A_234 = arith.constant 0 : i32
      %dma_start3A_235 = tpu.memref_slice %arg8[%dma_start3A_233, %dma_start3A_234] : memref<40x128xi32, #tpu.memory_space<vmem>> -> memref<1x128xi32, #tpu.memory_space<vmem>>
      %dma_start3A_236 = tpu.memref_squeeze %dma_start3A_235 : memref<1x128xi32, #tpu.memory_space<vmem>> -> memref<128xi32, #tpu.memory_space<vmem>>
      %dma_start3A_237 = arith.constant 0 : i32
      %dma_start3A_238 = arith.constant 0 : i32
      %dma_start3A_239 = tpu.memref_slice %arg6[%dma_start3A_237, %dma_start3A_238] : memref<5120x128xf32, #tpu.memory_space<vmem_shared>> -> memref<5120x128xf32, #tpu.memory_space<vmem_shared>>
      tpu.enqueue_indirect_dma source(%dma_start3A_239 : memref<5120x128xf32, #tpu.memory_space<vmem_shared>>) target(%arg10 : memref<128x128xf32, #tpu.memory_space<vmem>>) offsets(%dma_start3A_236 : memref<128xi32, #tpu.memory_space<vmem>>) semaphore(%arg12 : memref<!tpu.dma_semaphore, #tpu.memory_space<semaphore_mem>>)
      %dma_wait3A_240 = arith.constant 13 : i32
      %dma_wait3A_241 = arith.constant 0 : i32
      %dma_wait3A_242 = tpu.memref_slice %arg8[%dma_wait3A_240, %dma_wait3A_241] : memref<40x128xi32, #tpu.memory_space<vmem>> -> memref<1x128xi32, #tpu.memory_space<vmem>>
      %dma_wait3A_243 = tpu.memref_squeeze %dma_wait3A_242 : memref<1x128xi32, #tpu.memory_space<vmem>> -> memref<128xi32, #tpu.memory_space<vmem>>
      %dma_wait3A_244 = arith.constant 0 : i32
      %dma_wait3A_245 = arith.constant 0 : i32
      %dma_wait3A_246 = tpu.memref_slice %arg6[%dma_wait3A_244, %dma_wait3A_245] : memref<5120x128xf32, #tpu.memory_space<vmem_shared>> -> memref<5120x128xf32, #tpu.memory_space<vmem_shared>>
      tpu.wait_indirect_dma semaphore(%arg13 : memref<!tpu.dma_semaphore, #tpu.memory_space<semaphore_mem>>) src(%dma_wait3A_246 : memref<5120x128xf32, #tpu.memory_space<vmem_shared>>) dst(%arg11 : memref<128x128xf32, #tpu.memory_space<vmem>>)
      %dma_start3A_247 = arith.constant 15 : i32
      %dma_start3A_248 = arith.constant 0 : i32
      %dma_start3A_249 = tpu.memref_slice %arg8[%dma_start3A_247, %dma_start3A_248] : memref<40x128xi32, #tpu.memory_space<vmem>> -> memref<1x128xi32, #tpu.memory_space<vmem>>
      %dma_start3A_250 = tpu.memref_squeeze %dma_start3A_249 : memref<1x128xi32, #tpu.memory_space<vmem>> -> memref<128xi32, #tpu.memory_space<vmem>>
      %dma_start3A_251 = arith.constant 0 : i32
      %dma_start3A_252 = arith.constant 0 : i32
      %dma_start3A_253 = tpu.memref_slice %arg6[%dma_start3A_251, %dma_start3A_252] : memref<5120x128xf32, #tpu.memory_space<vmem_shared>> -> memref<5120x128xf32, #tpu.memory_space<vmem_shared>>
      tpu.enqueue_indirect_dma source(%dma_start3A_253 : memref<5120x128xf32, #tpu.memory_space<vmem_shared>>) target(%arg11 : memref<128x128xf32, #tpu.memory_space<vmem>>) offsets(%dma_start3A_250 : memref<128xi32, #tpu.memory_space<vmem>>) semaphore(%arg13 : memref<!tpu.dma_semaphore, #tpu.memory_space<semaphore_mem>>)
      %dma_wait3A_254 = arith.constant 14 : i32
      %dma_wait3A_255 = arith.constant 0 : i32
      %dma_wait3A_256 = tpu.memref_slice %arg8[%dma_wait3A_254, %dma_wait3A_255] : memref<40x128xi32, #tpu.memory_space<vmem>> -> memref<1x128xi32, #tpu.memory_space<vmem>>
      %dma_wait3A_257 = tpu.memref_squeeze %dma_wait3A_256 : memref<1x128xi32, #tpu.memory_space<vmem>> -> memref<128xi32, #tpu.memory_space<vmem>>
      %dma_wait3A_258 = arith.constant 0 : i32
      %dma_wait3A_259 = arith.constant 0 : i32
      %dma_wait3A_260 = tpu.memref_slice %arg6[%dma_wait3A_258, %dma_wait3A_259] : memref<5120x128xf32, #tpu.memory_space<vmem_shared>> -> memref<5120x128xf32, #tpu.memory_space<vmem_shared>>
      tpu.wait_indirect_dma semaphore(%arg12 : memref<!tpu.dma_semaphore, #tpu.memory_space<semaphore_mem>>) src(%dma_wait3A_260 : memref<5120x128xf32, #tpu.memory_space<vmem_shared>>) dst(%arg10 : memref<128x128xf32, #tpu.memory_space<vmem>>)
      %dma_start3A_261 = arith.constant 16 : i32
      %dma_start3A_262 = arith.constant 0 : i32
      %dma_start3A_263 = tpu.memref_slice %arg8[%dma_start3A_261, %dma_start3A_262] : memref<40x128xi32, #tpu.memory_space<vmem>> -> memref<1x128xi32, #tpu.memory_space<vmem>>
      %dma_start3A_264 = tpu.memref_squeeze %dma_start3A_263 : memref<1x128xi32, #tpu.memory_space<vmem>> -> memref<128xi32, #tpu.memory_space<vmem>>
      %dma_start3A_265 = arith.constant 0 : i32
      %dma_start3A_266 = arith.constant 0 : i32
      %dma_start3A_267 = tpu.memref_slice %arg6[%dma_start3A_265, %dma_start3A_266] : memref<5120x128xf32, #tpu.memory_space<vmem_shared>> -> memref<5120x128xf32, #tpu.memory_space<vmem_shared>>
      tpu.enqueue_indirect_dma source(%dma_start3A_267 : memref<5120x128xf32, #tpu.memory_space<vmem_shared>>) target(%arg10 : memref<128x128xf32, #tpu.memory_space<vmem>>) offsets(%dma_start3A_264 : memref<128xi32, #tpu.memory_space<vmem>>) semaphore(%arg12 : memref<!tpu.dma_semaphore, #tpu.memory_space<semaphore_mem>>)
      %dma_wait3A_268 = arith.constant 15 : i32
      %dma_wait3A_269 = arith.constant 0 : i32
      %dma_wait3A_270 = tpu.memref_slice %arg8[%dma_wait3A_268, %dma_wait3A_269] : memref<40x128xi32, #tpu.memory_space<vmem>> -> memref<1x128xi32, #tpu.memory_space<vmem>>
      %dma_wait3A_271 = tpu.memref_squeeze %dma_wait3A_270 : memref<1x128xi32, #tpu.memory_space<vmem>> -> memref<128xi32, #tpu.memory_space<vmem>>
      %dma_wait3A_272 = arith.constant 0 : i32
      %dma_wait3A_273 = arith.constant 0 : i32
      %dma_wait3A_274 = tpu.memref_slice %arg6[%dma_wait3A_272, %dma_wait3A_273] : memref<5120x128xf32, #tpu.memory_space<vmem_shared>> -> memref<5120x128xf32, #tpu.memory_space<vmem_shared>>
      tpu.wait_indirect_dma semaphore(%arg13 : memref<!tpu.dma_semaphore, #tpu.memory_space<semaphore_mem>>) src(%dma_wait3A_274 : memref<5120x128xf32, #tpu.memory_space<vmem_shared>>) dst(%arg11 : memref<128x128xf32, #tpu.memory_space<vmem>>)
      %dma_start3A_275 = arith.constant 17 : i32
      %dma_start3A_276 = arith.constant 0 : i32
      %dma_start3A_277 = tpu.memref_slice %arg8[%dma_start3A_275, %dma_start3A_276] : memref<40x128xi32, #tpu.memory_space<vmem>> -> memref<1x128xi32, #tpu.memory_space<vmem>>
      %dma_start3A_278 = tpu.memref_squeeze %dma_start3A_277 : memref<1x128xi32, #tpu.memory_space<vmem>> -> memref<128xi32, #tpu.memory_space<vmem>>
      %dma_start3A_279 = arith.constant 0 : i32
      %dma_start3A_280 = arith.constant 0 : i32
      %dma_start3A_281 = tpu.memref_slice %arg6[%dma_start3A_279, %dma_start3A_280] : memref<5120x128xf32, #tpu.memory_space<vmem_shared>> -> memref<5120x128xf32, #tpu.memory_space<vmem_shared>>
      tpu.enqueue_indirect_dma source(%dma_start3A_281 : memref<5120x128xf32, #tpu.memory_space<vmem_shared>>) target(%arg11 : memref<128x128xf32, #tpu.memory_space<vmem>>) offsets(%dma_start3A_278 : memref<128xi32, #tpu.memory_space<vmem>>) semaphore(%arg13 : memref<!tpu.dma_semaphore, #tpu.memory_space<semaphore_mem>>)
      %dma_wait3A_282 = arith.constant 16 : i32
      %dma_wait3A_283 = arith.constant 0 : i32
      %dma_wait3A_284 = tpu.memref_slice %arg8[%dma_wait3A_282, %dma_wait3A_283] : memref<40x128xi32, #tpu.memory_space<vmem>> -> memref<1x128xi32, #tpu.memory_space<vmem>>
      %dma_wait3A_285 = tpu.memref_squeeze %dma_wait3A_284 : memref<1x128xi32, #tpu.memory_space<vmem>> -> memref<128xi32, #tpu.memory_space<vmem>>
      %dma_wait3A_286 = arith.constant 0 : i32
      %dma_wait3A_287 = arith.constant 0 : i32
      %dma_wait3A_288 = tpu.memref_slice %arg6[%dma_wait3A_286, %dma_wait3A_287] : memref<5120x128xf32, #tpu.memory_space<vmem_shared>> -> memref<5120x128xf32, #tpu.memory_space<vmem_shared>>
      tpu.wait_indirect_dma semaphore(%arg12 : memref<!tpu.dma_semaphore, #tpu.memory_space<semaphore_mem>>) src(%dma_wait3A_288 : memref<5120x128xf32, #tpu.memory_space<vmem_shared>>) dst(%arg10 : memref<128x128xf32, #tpu.memory_space<vmem>>)
      %dma_start3A_289 = arith.constant 18 : i32
      %dma_start3A_290 = arith.constant 0 : i32
      %dma_start3A_291 = tpu.memref_slice %arg8[%dma_start3A_289, %dma_start3A_290] : memref<40x128xi32, #tpu.memory_space<vmem>> -> memref<1x128xi32, #tpu.memory_space<vmem>>
      %dma_start3A_292 = tpu.memref_squeeze %dma_start3A_291 : memref<1x128xi32, #tpu.memory_space<vmem>> -> memref<128xi32, #tpu.memory_space<vmem>>
      %dma_start3A_293 = arith.constant 0 : i32
      %dma_start3A_294 = arith.constant 0 : i32
      %dma_start3A_295 = tpu.memref_slice %arg6[%dma_start3A_293, %dma_start3A_294] : memref<5120x128xf32, #tpu.memory_space<vmem_shared>> -> memref<5120x128xf32, #tpu.memory_space<vmem_shared>>
      tpu.enqueue_indirect_dma source(%dma_start3A_295 : memref<5120x128xf32, #tpu.memory_space<vmem_shared>>) target(%arg10 : memref<128x128xf32, #tpu.memory_space<vmem>>) offsets(%dma_start3A_292 : memref<128xi32, #tpu.memory_space<vmem>>) semaphore(%arg12 : memref<!tpu.dma_semaphore, #tpu.memory_space<semaphore_mem>>)
      %dma_wait3A_296 = arith.constant 17 : i32
      %dma_wait3A_297 = arith.constant 0 : i32
      %dma_wait3A_298 = tpu.memref_slice %arg8[%dma_wait3A_296, %dma_wait3A_297] : memref<40x128xi32, #tpu.memory_space<vmem>> -> memref<1x128xi32, #tpu.memory_space<vmem>>
      %dma_wait3A_299 = tpu.memref_squeeze %dma_wait3A_298 : memref<1x128xi32, #tpu.memory_space<vmem>> -> memref<128xi32, #tpu.memory_space<vmem>>
      %dma_wait3A_300 = arith.constant 0 : i32
      %dma_wait3A_301 = arith.constant 0 : i32
      %dma_wait3A_302 = tpu.memref_slice %arg6[%dma_wait3A_300, %dma_wait3A_301] : memref<5120x128xf32, #tpu.memory_space<vmem_shared>> -> memref<5120x128xf32, #tpu.memory_space<vmem_shared>>
      tpu.wait_indirect_dma semaphore(%arg13 : memref<!tpu.dma_semaphore, #tpu.memory_space<semaphore_mem>>) src(%dma_wait3A_302 : memref<5120x128xf32, #tpu.memory_space<vmem_shared>>) dst(%arg11 : memref<128x128xf32, #tpu.memory_space<vmem>>)
      %dma_start3A_303 = arith.constant 19 : i32
      %dma_start3A_304 = arith.constant 0 : i32
      %dma_start3A_305 = tpu.memref_slice %arg8[%dma_start3A_303, %dma_start3A_304] : memref<40x128xi32, #tpu.memory_space<vmem>> -> memref<1x128xi32, #tpu.memory_space<vmem>>
      %dma_start3A_306 = tpu.memref_squeeze %dma_start3A_305 : memref<1x128xi32, #tpu.memory_space<vmem>> -> memref<128xi32, #tpu.memory_space<vmem>>
      %dma_start3A_307 = arith.constant 0 : i32
      %dma_start3A_308 = arith.constant 0 : i32
      %dma_start3A_309 = tpu.memref_slice %arg6[%dma_start3A_307, %dma_start3A_308] : memref<5120x128xf32, #tpu.memory_space<vmem_shared>> -> memref<5120x128xf32, #tpu.memory_space<vmem_shared>>
      tpu.enqueue_indirect_dma source(%dma_start3A_309 : memref<5120x128xf32, #tpu.memory_space<vmem_shared>>) target(%arg11 : memref<128x128xf32, #tpu.memory_space<vmem>>) offsets(%dma_start3A_306 : memref<128xi32, #tpu.memory_space<vmem>>) semaphore(%arg13 : memref<!tpu.dma_semaphore, #tpu.memory_space<semaphore_mem>>)
      %dma_wait3A_310 = arith.constant 18 : i32
      %dma_wait3A_311 = arith.constant 0 : i32
      %dma_wait3A_312 = tpu.memref_slice %arg8[%dma_wait3A_310, %dma_wait3A_311] : memref<40x128xi32, #tpu.memory_space<vmem>> -> memref<1x128xi32, #tpu.memory_space<vmem>>
      %dma_wait3A_313 = tpu.memref_squeeze %dma_wait3A_312 : memref<1x128xi32, #tpu.memory_space<vmem>> -> memref<128xi32, #tpu.memory_space<vmem>>
      %dma_wait3A_314 = arith.constant 0 : i32
      %dma_wait3A_315 = arith.constant 0 : i32
      %dma_wait3A_316 = tpu.memref_slice %arg6[%dma_wait3A_314, %dma_wait3A_315] : memref<5120x128xf32, #tpu.memory_space<vmem_shared>> -> memref<5120x128xf32, #tpu.memory_space<vmem_shared>>
      tpu.wait_indirect_dma semaphore(%arg12 : memref<!tpu.dma_semaphore, #tpu.memory_space<semaphore_mem>>) src(%dma_wait3A_316 : memref<5120x128xf32, #tpu.memory_space<vmem_shared>>) dst(%arg10 : memref<128x128xf32, #tpu.memory_space<vmem>>)
      %dma_start3A_317 = arith.constant 20 : i32
      %dma_start3A_318 = arith.constant 0 : i32
      %dma_start3A_319 = tpu.memref_slice %arg8[%dma_start3A_317, %dma_start3A_318] : memref<40x128xi32, #tpu.memory_space<vmem>> -> memref<1x128xi32, #tpu.memory_space<vmem>>
      %dma_start3A_320 = tpu.memref_squeeze %dma_start3A_319 : memref<1x128xi32, #tpu.memory_space<vmem>> -> memref<128xi32, #tpu.memory_space<vmem>>
      %dma_start3A_321 = arith.constant 0 : i32
      %dma_start3A_322 = arith.constant 0 : i32
      %dma_start3A_323 = tpu.memref_slice %arg6[%dma_start3A_321, %dma_start3A_322] : memref<5120x128xf32, #tpu.memory_space<vmem_shared>> -> memref<5120x128xf32, #tpu.memory_space<vmem_shared>>
      tpu.enqueue_indirect_dma source(%dma_start3A_323 : memref<5120x128xf32, #tpu.memory_space<vmem_shared>>) target(%arg10 : memref<128x128xf32, #tpu.memory_space<vmem>>) offsets(%dma_start3A_320 : memref<128xi32, #tpu.memory_space<vmem>>) semaphore(%arg12 : memref<!tpu.dma_semaphore, #tpu.memory_space<semaphore_mem>>)
      %dma_wait3A_324 = arith.constant 19 : i32
      %dma_wait3A_325 = arith.constant 0 : i32
      %dma_wait3A_326 = tpu.memref_slice %arg8[%dma_wait3A_324, %dma_wait3A_325] : memref<40x128xi32, #tpu.memory_space<vmem>> -> memref<1x128xi32, #tpu.memory_space<vmem>>
      %dma_wait3A_327 = tpu.memref_squeeze %dma_wait3A_326 : memref<1x128xi32, #tpu.memory_space<vmem>> -> memref<128xi32, #tpu.memory_space<vmem>>
      %dma_wait3A_328 = arith.constant 0 : i32
      %dma_wait3A_329 = arith.constant 0 : i32
      %dma_wait3A_330 = tpu.memref_slice %arg6[%dma_wait3A_328, %dma_wait3A_329] : memref<5120x128xf32, #tpu.memory_space<vmem_shared>> -> memref<5120x128xf32, #tpu.memory_space<vmem_shared>>
      tpu.wait_indirect_dma semaphore(%arg13 : memref<!tpu.dma_semaphore, #tpu.memory_space<semaphore_mem>>) src(%dma_wait3A_330 : memref<5120x128xf32, #tpu.memory_space<vmem_shared>>) dst(%arg11 : memref<128x128xf32, #tpu.memory_space<vmem>>)
      %dma_start3A_331 = arith.constant 21 : i32
      %dma_start3A_332 = arith.constant 0 : i32
      %dma_start3A_333 = tpu.memref_slice %arg8[%dma_start3A_331, %dma_start3A_332] : memref<40x128xi32, #tpu.memory_space<vmem>> -> memref<1x128xi32, #tpu.memory_space<vmem>>
      %dma_start3A_334 = tpu.memref_squeeze %dma_start3A_333 : memref<1x128xi32, #tpu.memory_space<vmem>> -> memref<128xi32, #tpu.memory_space<vmem>>
      %dma_start3A_335 = arith.constant 0 : i32
      %dma_start3A_336 = arith.constant 0 : i32
      %dma_start3A_337 = tpu.memref_slice %arg6[%dma_start3A_335, %dma_start3A_336] : memref<5120x128xf32, #tpu.memory_space<vmem_shared>> -> memref<5120x128xf32, #tpu.memory_space<vmem_shared>>
      tpu.enqueue_indirect_dma source(%dma_start3A_337 : memref<5120x128xf32, #tpu.memory_space<vmem_shared>>) target(%arg11 : memref<128x128xf32, #tpu.memory_space<vmem>>) offsets(%dma_start3A_334 : memref<128xi32, #tpu.memory_space<vmem>>) semaphore(%arg13 : memref<!tpu.dma_semaphore, #tpu.memory_space<semaphore_mem>>)
      %dma_wait3A_338 = arith.constant 20 : i32
      %dma_wait3A_339 = arith.constant 0 : i32
      %dma_wait3A_340 = tpu.memref_slice %arg8[%dma_wait3A_338, %dma_wait3A_339] : memref<40x128xi32, #tpu.memory_space<vmem>> -> memref<1x128xi32, #tpu.memory_space<vmem>>
      %dma_wait3A_341 = tpu.memref_squeeze %dma_wait3A_340 : memref<1x128xi32, #tpu.memory_space<vmem>> -> memref<128xi32, #tpu.memory_space<vmem>>
      %dma_wait3A_342 = arith.constant 0 : i32
      %dma_wait3A_343 = arith.constant 0 : i32
      %dma_wait3A_344 = tpu.memref_slice %arg6[%dma_wait3A_342, %dma_wait3A_343] : memref<5120x128xf32, #tpu.memory_space<vmem_shared>> -> memref<5120x128xf32, #tpu.memory_space<vmem_shared>>
      tpu.wait_indirect_dma semaphore(%arg12 : memref<!tpu.dma_semaphore, #tpu.memory_space<semaphore_mem>>) src(%dma_wait3A_344 : memref<5120x128xf32, #tpu.memory_space<vmem_shared>>) dst(%arg10 : memref<128x128xf32, #tpu.memory_space<vmem>>)
      %dma_start3A_345 = arith.constant 22 : i32
      %dma_start3A_346 = arith.constant 0 : i32
      %dma_start3A_347 = tpu.memref_slice %arg8[%dma_start3A_345, %dma_start3A_346] : memref<40x128xi32, #tpu.memory_space<vmem>> -> memref<1x128xi32, #tpu.memory_space<vmem>>
      %dma_start3A_348 = tpu.memref_squeeze %dma_start3A_347 : memref<1x128xi32, #tpu.memory_space<vmem>> -> memref<128xi32, #tpu.memory_space<vmem>>
      %dma_start3A_349 = arith.constant 0 : i32
      %dma_start3A_350 = arith.constant 0 : i32
      %dma_start3A_351 = tpu.memref_slice %arg6[%dma_start3A_349, %dma_start3A_350] : memref<5120x128xf32, #tpu.memory_space<vmem_shared>> -> memref<5120x128xf32, #tpu.memory_space<vmem_shared>>
      tpu.enqueue_indirect_dma source(%dma_start3A_351 : memref<5120x128xf32, #tpu.memory_space<vmem_shared>>) target(%arg10 : memref<128x128xf32, #tpu.memory_space<vmem>>) offsets(%dma_start3A_348 : memref<128xi32, #tpu.memory_space<vmem>>) semaphore(%arg12 : memref<!tpu.dma_semaphore, #tpu.memory_space<semaphore_mem>>)
      %dma_wait3A_352 = arith.constant 21 : i32
      %dma_wait3A_353 = arith.constant 0 : i32
      %dma_wait3A_354 = tpu.memref_slice %arg8[%dma_wait3A_352, %dma_wait3A_353] : memref<40x128xi32, #tpu.memory_space<vmem>> -> memref<1x128xi32, #tpu.memory_space<vmem>>
      %dma_wait3A_355 = tpu.memref_squeeze %dma_wait3A_354 : memref<1x128xi32, #tpu.memory_space<vmem>> -> memref<128xi32, #tpu.memory_space<vmem>>
      %dma_wait3A_356 = arith.constant 0 : i32
      %dma_wait3A_357 = arith.constant 0 : i32
      %dma_wait3A_358 = tpu.memref_slice %arg6[%dma_wait3A_356, %dma_wait3A_357] : memref<5120x128xf32, #tpu.memory_space<vmem_shared>> -> memref<5120x128xf32, #tpu.memory_space<vmem_shared>>
      tpu.wait_indirect_dma semaphore(%arg13 : memref<!tpu.dma_semaphore, #tpu.memory_space<semaphore_mem>>) src(%dma_wait3A_358 : memref<5120x128xf32, #tpu.memory_space<vmem_shared>>) dst(%arg11 : memref<128x128xf32, #tpu.memory_space<vmem>>)
      %dma_start3A_359 = arith.constant 23 : i32
      %dma_start3A_360 = arith.constant 0 : i32
      %dma_start3A_361 = tpu.memref_slice %arg8[%dma_start3A_359, %dma_start3A_360] : memref<40x128xi32, #tpu.memory_space<vmem>> -> memref<1x128xi32, #tpu.memory_space<vmem>>
      %dma_start3A_362 = tpu.memref_squeeze %dma_start3A_361 : memref<1x128xi32, #tpu.memory_space<vmem>> -> memref<128xi32, #tpu.memory_space<vmem>>
      %dma_start3A_363 = arith.constant 0 : i32
      %dma_start3A_364 = arith.constant 0 : i32
      %dma_start3A_365 = tpu.memref_slice %arg6[%dma_start3A_363, %dma_start3A_364] : memref<5120x128xf32, #tpu.memory_space<vmem_shared>> -> memref<5120x128xf32, #tpu.memory_space<vmem_shared>>
      tpu.enqueue_indirect_dma source(%dma_start3A_365 : memref<5120x128xf32, #tpu.memory_space<vmem_shared>>) target(%arg11 : memref<128x128xf32, #tpu.memory_space<vmem>>) offsets(%dma_start3A_362 : memref<128xi32, #tpu.memory_space<vmem>>) semaphore(%arg13 : memref<!tpu.dma_semaphore, #tpu.memory_space<semaphore_mem>>)
      %dma_wait3A_366 = arith.constant 22 : i32
      %dma_wait3A_367 = arith.constant 0 : i32
      %dma_wait3A_368 = tpu.memref_slice %arg8[%dma_wait3A_366, %dma_wait3A_367] : memref<40x128xi32, #tpu.memory_space<vmem>> -> memref<1x128xi32, #tpu.memory_space<vmem>>
      %dma_wait3A_369 = tpu.memref_squeeze %dma_wait3A_368 : memref<1x128xi32, #tpu.memory_space<vmem>> -> memref<128xi32, #tpu.memory_space<vmem>>
      %dma_wait3A_370 = arith.constant 0 : i32
      %dma_wait3A_371 = arith.constant 0 : i32
      %dma_wait3A_372 = tpu.memref_slice %arg6[%dma_wait3A_370, %dma_wait3A_371] : memref<5120x128xf32, #tpu.memory_space<vmem_shared>> -> memref<5120x128xf32, #tpu.memory_space<vmem_shared>>
      tpu.wait_indirect_dma semaphore(%arg12 : memref<!tpu.dma_semaphore, #tpu.memory_space<semaphore_mem>>) src(%dma_wait3A_372 : memref<5120x128xf32, #tpu.memory_space<vmem_shared>>) dst(%arg10 : memref<128x128xf32, #tpu.memory_space<vmem>>)
      %dma_start3A_373 = arith.constant 24 : i32
      %dma_start3A_374 = arith.constant 0 : i32
      %dma_start3A_375 = tpu.memref_slice %arg8[%dma_start3A_373, %dma_start3A_374] : memref<40x128xi32, #tpu.memory_space<vmem>> -> memref<1x128xi32, #tpu.memory_space<vmem>>
      %dma_start3A_376 = tpu.memref_squeeze %dma_start3A_375 : memref<1x128xi32, #tpu.memory_space<vmem>> -> memref<128xi32, #tpu.memory_space<vmem>>
      %dma_start3A_377 = arith.constant 0 : i32
      %dma_start3A_378 = arith.constant 0 : i32
      %dma_start3A_379 = tpu.memref_slice %arg6[%dma_start3A_377, %dma_start3A_378] : memref<5120x128xf32, #tpu.memory_space<vmem_shared>> -> memref<5120x128xf32, #tpu.memory_space<vmem_shared>>
      tpu.enqueue_indirect_dma source(%dma_start3A_379 : memref<5120x128xf32, #tpu.memory_space<vmem_shared>>) target(%arg10 : memref<128x128xf32, #tpu.memory_space<vmem>>) offsets(%dma_start3A_376 : memref<128xi32, #tpu.memory_space<vmem>>) semaphore(%arg12 : memref<!tpu.dma_semaphore, #tpu.memory_space<semaphore_mem>>)
      %dma_wait3A_380 = arith.constant 23 : i32
      %dma_wait3A_381 = arith.constant 0 : i32
      %dma_wait3A_382 = tpu.memref_slice %arg8[%dma_wait3A_380, %dma_wait3A_381] : memref<40x128xi32, #tpu.memory_space<vmem>> -> memref<1x128xi32, #tpu.memory_space<vmem>>
      %dma_wait3A_383 = tpu.memref_squeeze %dma_wait3A_382 : memref<1x128xi32, #tpu.memory_space<vmem>> -> memref<128xi32, #tpu.memory_space<vmem>>
      %dma_wait3A_384 = arith.constant 0 : i32
      %dma_wait3A_385 = arith.constant 0 : i32
      %dma_wait3A_386 = tpu.memref_slice %arg6[%dma_wait3A_384, %dma_wait3A_385] : memref<5120x128xf32, #tpu.memory_space<vmem_shared>> -> memref<5120x128xf32, #tpu.memory_space<vmem_shared>>
      tpu.wait_indirect_dma semaphore(%arg13 : memref<!tpu.dma_semaphore, #tpu.memory_space<semaphore_mem>>) src(%dma_wait3A_386 : memref<5120x128xf32, #tpu.memory_space<vmem_shared>>) dst(%arg11 : memref<128x128xf32, #tpu.memory_space<vmem>>)
      %dma_start3A_387 = arith.constant 25 : i32
      %dma_start3A_388 = arith.constant 0 : i32
      %dma_start3A_389 = tpu.memref_slice %arg8[%dma_start3A_387, %dma_start3A_388] : memref<40x128xi32, #tpu.memory_space<vmem>> -> memref<1x128xi32, #tpu.memory_space<vmem>>
      %dma_start3A_390 = tpu.memref_squeeze %dma_start3A_389 : memref<1x128xi32, #tpu.memory_space<vmem>> -> memref<128xi32, #tpu.memory_space<vmem>>
      %dma_start3A_391 = arith.constant 0 : i32
      %dma_start3A_392 = arith.constant 0 : i32
      %dma_start3A_393 = tpu.memref_slice %arg6[%dma_start3A_391, %dma_start3A_392] : memref<5120x128xf32, #tpu.memory_space<vmem_shared>> -> memref<5120x128xf32, #tpu.memory_space<vmem_shared>>
      tpu.enqueue_indirect_dma source(%dma_start3A_393 : memref<5120x128xf32, #tpu.memory_space<vmem_shared>>) target(%arg11 : memref<128x128xf32, #tpu.memory_space<vmem>>) offsets(%dma_start3A_390 : memref<128xi32, #tpu.memory_space<vmem>>) semaphore(%arg13 : memref<!tpu.dma_semaphore, #tpu.memory_space<semaphore_mem>>)
      %dma_wait3A_394 = arith.constant 24 : i32
      %dma_wait3A_395 = arith.constant 0 : i32
      %dma_wait3A_396 = tpu.memref_slice %arg8[%dma_wait3A_394, %dma_wait3A_395] : memref<40x128xi32, #tpu.memory_space<vmem>> -> memref<1x128xi32, #tpu.memory_space<vmem>>
      %dma_wait3A_397 = tpu.memref_squeeze %dma_wait3A_396 : memref<1x128xi32, #tpu.memory_space<vmem>> -> memref<128xi32, #tpu.memory_space<vmem>>
      %dma_wait3A_398 = arith.constant 0 : i32
      %dma_wait3A_399 = arith.constant 0 : i32
      %dma_wait3A_400 = tpu.memref_slice %arg6[%dma_wait3A_398, %dma_wait3A_399] : memref<5120x128xf32, #tpu.memory_space<vmem_shared>> -> memref<5120x128xf32, #tpu.memory_space<vmem_shared>>
      tpu.wait_indirect_dma semaphore(%arg12 : memref<!tpu.dma_semaphore, #tpu.memory_space<semaphore_mem>>) src(%dma_wait3A_400 : memref<5120x128xf32, #tpu.memory_space<vmem_shared>>) dst(%arg10 : memref<128x128xf32, #tpu.memory_space<vmem>>)
      %dma_start3A_401 = arith.constant 26 : i32
      %dma_start3A_402 = arith.constant 0 : i32
      %dma_start3A_403 = tpu.memref_slice %arg8[%dma_start3A_401, %dma_start3A_402] : memref<40x128xi32, #tpu.memory_space<vmem>> -> memref<1x128xi32, #tpu.memory_space<vmem>>
      %dma_start3A_404 = tpu.memref_squeeze %dma_start3A_403 : memref<1x128xi32, #tpu.memory_space<vmem>> -> memref<128xi32, #tpu.memory_space<vmem>>
      %dma_start3A_405 = arith.constant 0 : i32
      %dma_start3A_406 = arith.constant 0 : i32
      %dma_start3A_407 = tpu.memref_slice %arg6[%dma_start3A_405, %dma_start3A_406] : memref<5120x128xf32, #tpu.memory_space<vmem_shared>> -> memref<5120x128xf32, #tpu.memory_space<vmem_shared>>
      tpu.enqueue_indirect_dma source(%dma_start3A_407 : memref<5120x128xf32, #tpu.memory_space<vmem_shared>>) target(%arg10 : memref<128x128xf32, #tpu.memory_space<vmem>>) offsets(%dma_start3A_404 : memref<128xi32, #tpu.memory_space<vmem>>) semaphore(%arg12 : memref<!tpu.dma_semaphore, #tpu.memory_space<semaphore_mem>>)
      %dma_wait3A_408 = arith.constant 25 : i32
      %dma_wait3A_409 = arith.constant 0 : i32
      %dma_wait3A_410 = tpu.memref_slice %arg8[%dma_wait3A_408, %dma_wait3A_409] : memref<40x128xi32, #tpu.memory_space<vmem>> -> memref<1x128xi32, #tpu.memory_space<vmem>>
      %dma_wait3A_411 = tpu.memref_squeeze %dma_wait3A_410 : memref<1x128xi32, #tpu.memory_space<vmem>> -> memref<128xi32, #tpu.memory_space<vmem>>
      %dma_wait3A_412 = arith.constant 0 : i32
      %dma_wait3A_413 = arith.constant 0 : i32
      %dma_wait3A_414 = tpu.memref_slice %arg6[%dma_wait3A_412, %dma_wait3A_413] : memref<5120x128xf32, #tpu.memory_space<vmem_shared>> -> memref<5120x128xf32, #tpu.memory_space<vmem_shared>>
      tpu.wait_indirect_dma semaphore(%arg13 : memref<!tpu.dma_semaphore, #tpu.memory_space<semaphore_mem>>) src(%dma_wait3A_414 : memref<5120x128xf32, #tpu.memory_space<vmem_shared>>) dst(%arg11 : memref<128x128xf32, #tpu.memory_space<vmem>>)
      %dma_start3A_415 = arith.constant 27 : i32
      %dma_start3A_416 = arith.constant 0 : i32
      %dma_start3A_417 = tpu.memref_slice %arg8[%dma_start3A_415, %dma_start3A_416] : memref<40x128xi32, #tpu.memory_space<vmem>> -> memref<1x128xi32, #tpu.memory_space<vmem>>
      %dma_start3A_418 = tpu.memref_squeeze %dma_start3A_417 : memref<1x128xi32, #tpu.memory_space<vmem>> -> memref<128xi32, #tpu.memory_space<vmem>>
      %dma_start3A_419 = arith.constant 0 : i32
      %dma_start3A_420 = arith.constant 0 : i32
      %dma_start3A_421 = tpu.memref_slice %arg6[%dma_start3A_419, %dma_start3A_420] : memref<5120x128xf32, #tpu.memory_space<vmem_shared>> -> memref<5120x128xf32, #tpu.memory_space<vmem_shared>>
      tpu.enqueue_indirect_dma source(%dma_start3A_421 : memref<5120x128xf32, #tpu.memory_space<vmem_shared>>) target(%arg11 : memref<128x128xf32, #tpu.memory_space<vmem>>) offsets(%dma_start3A_418 : memref<128xi32, #tpu.memory_space<vmem>>) semaphore(%arg13 : memref<!tpu.dma_semaphore, #tpu.memory_space<semaphore_mem>>)
      %dma_wait3A_422 = arith.constant 26 : i32
      %dma_wait3A_423 = arith.constant 0 : i32
      %dma_wait3A_424 = tpu.memref_slice %arg8[%dma_wait3A_422, %dma_wait3A_423] : memref<40x128xi32, #tpu.memory_space<vmem>> -> memref<1x128xi32, #tpu.memory_space<vmem>>
      %dma_wait3A_425 = tpu.memref_squeeze %dma_wait3A_424 : memref<1x128xi32, #tpu.memory_space<vmem>> -> memref<128xi32, #tpu.memory_space<vmem>>
      %dma_wait3A_426 = arith.constant 0 : i32
      %dma_wait3A_427 = arith.constant 0 : i32
      %dma_wait3A_428 = tpu.memref_slice %arg6[%dma_wait3A_426, %dma_wait3A_427] : memref<5120x128xf32, #tpu.memory_space<vmem_shared>> -> memref<5120x128xf32, #tpu.memory_space<vmem_shared>>
      tpu.wait_indirect_dma semaphore(%arg12 : memref<!tpu.dma_semaphore, #tpu.memory_space<semaphore_mem>>) src(%dma_wait3A_428 : memref<5120x128xf32, #tpu.memory_space<vmem_shared>>) dst(%arg10 : memref<128x128xf32, #tpu.memory_space<vmem>>)
      %dma_start3A_429 = arith.constant 28 : i32
      %dma_start3A_430 = arith.constant 0 : i32
      %dma_start3A_431 = tpu.memref_slice %arg8[%dma_start3A_429, %dma_start3A_430] : memref<40x128xi32, #tpu.memory_space<vmem>> -> memref<1x128xi32, #tpu.memory_space<vmem>>
      %dma_start3A_432 = tpu.memref_squeeze %dma_start3A_431 : memref<1x128xi32, #tpu.memory_space<vmem>> -> memref<128xi32, #tpu.memory_space<vmem>>
      %dma_start3A_433 = arith.constant 0 : i32
      %dma_start3A_434 = arith.constant 0 : i32
      %dma_start3A_435 = tpu.memref_slice %arg6[%dma_start3A_433, %dma_start3A_434] : memref<5120x128xf32, #tpu.memory_space<vmem_shared>> -> memref<5120x128xf32, #tpu.memory_space<vmem_shared>>
      tpu.enqueue_indirect_dma source(%dma_start3A_435 : memref<5120x128xf32, #tpu.memory_space<vmem_shared>>) target(%arg10 : memref<128x128xf32, #tpu.memory_space<vmem>>) offsets(%dma_start3A_432 : memref<128xi32, #tpu.memory_space<vmem>>) semaphore(%arg12 : memref<!tpu.dma_semaphore, #tpu.memory_space<semaphore_mem>>)
      %dma_wait3A_436 = arith.constant 27 : i32
      %dma_wait3A_437 = arith.constant 0 : i32
      %dma_wait3A_438 = tpu.memref_slice %arg8[%dma_wait3A_436, %dma_wait3A_437] : memref<40x128xi32, #tpu.memory_space<vmem>> -> memref<1x128xi32, #tpu.memory_space<vmem>>
      %dma_wait3A_439 = tpu.memref_squeeze %dma_wait3A_438 : memref<1x128xi32, #tpu.memory_space<vmem>> -> memref<128xi32, #tpu.memory_space<vmem>>
      %dma_wait3A_440 = arith.constant 0 : i32
      %dma_wait3A_441 = arith.constant 0 : i32
      %dma_wait3A_442 = tpu.memref_slice %arg6[%dma_wait3A_440, %dma_wait3A_441] : memref<5120x128xf32, #tpu.memory_space<vmem_shared>> -> memref<5120x128xf32, #tpu.memory_space<vmem_shared>>
      tpu.wait_indirect_dma semaphore(%arg13 : memref<!tpu.dma_semaphore, #tpu.memory_space<semaphore_mem>>) src(%dma_wait3A_442 : memref<5120x128xf32, #tpu.memory_space<vmem_shared>>) dst(%arg11 : memref<128x128xf32, #tpu.memory_space<vmem>>)
      %dma_start3A_443 = arith.constant 29 : i32
      %dma_start3A_444 = arith.constant 0 : i32
      %dma_start3A_445 = tpu.memref_slice %arg8[%dma_start3A_443, %dma_start3A_444] : memref<40x128xi32, #tpu.memory_space<vmem>> -> memref<1x128xi32, #tpu.memory_space<vmem>>
      %dma_start3A_446 = tpu.memref_squeeze %dma_start3A_445 : memref<1x128xi32, #tpu.memory_space<vmem>> -> memref<128xi32, #tpu.memory_space<vmem>>
      %dma_start3A_447 = arith.constant 0 : i32
      %dma_start3A_448 = arith.constant 0 : i32
      %dma_start3A_449 = tpu.memref_slice %arg6[%dma_start3A_447, %dma_start3A_448] : memref<5120x128xf32, #tpu.memory_space<vmem_shared>> -> memref<5120x128xf32, #tpu.memory_space<vmem_shared>>
      tpu.enqueue_indirect_dma source(%dma_start3A_449 : memref<5120x128xf32, #tpu.memory_space<vmem_shared>>) target(%arg11 : memref<128x128xf32, #tpu.memory_space<vmem>>) offsets(%dma_start3A_446 : memref<128xi32, #tpu.memory_space<vmem>>) semaphore(%arg13 : memref<!tpu.dma_semaphore, #tpu.memory_space<semaphore_mem>>)
      %dma_wait3A_450 = arith.constant 28 : i32
      %dma_wait3A_451 = arith.constant 0 : i32
      %dma_wait3A_452 = tpu.memref_slice %arg8[%dma_wait3A_450, %dma_wait3A_451] : memref<40x128xi32, #tpu.memory_space<vmem>> -> memref<1x128xi32, #tpu.memory_space<vmem>>
      %dma_wait3A_453 = tpu.memref_squeeze %dma_wait3A_452 : memref<1x128xi32, #tpu.memory_space<vmem>> -> memref<128xi32, #tpu.memory_space<vmem>>
      %dma_wait3A_454 = arith.constant 0 : i32
      %dma_wait3A_455 = arith.constant 0 : i32
      %dma_wait3A_456 = tpu.memref_slice %arg6[%dma_wait3A_454, %dma_wait3A_455] : memref<5120x128xf32, #tpu.memory_space<vmem_shared>> -> memref<5120x128xf32, #tpu.memory_space<vmem_shared>>
      tpu.wait_indirect_dma semaphore(%arg12 : memref<!tpu.dma_semaphore, #tpu.memory_space<semaphore_mem>>) src(%dma_wait3A_456 : memref<5120x128xf32, #tpu.memory_space<vmem_shared>>) dst(%arg10 : memref<128x128xf32, #tpu.memory_space<vmem>>)
      %dma_start3A_457 = arith.constant 30 : i32
      %dma_start3A_458 = arith.constant 0 : i32
      %dma_start3A_459 = tpu.memref_slice %arg8[%dma_start3A_457, %dma_start3A_458] : memref<40x128xi32, #tpu.memory_space<vmem>> -> memref<1x128xi32, #tpu.memory_space<vmem>>
      %dma_start3A_460 = tpu.memref_squeeze %dma_start3A_459 : memref<1x128xi32, #tpu.memory_space<vmem>> -> memref<128xi32, #tpu.memory_space<vmem>>
      %dma_start3A_461 = arith.constant 0 : i32
      %dma_start3A_462 = arith.constant 0 : i32
      %dma_start3A_463 = tpu.memref_slice %arg6[%dma_start3A_461, %dma_start3A_462] : memref<5120x128xf32, #tpu.memory_space<vmem_shared>> -> memref<5120x128xf32, #tpu.memory_space<vmem_shared>>
      tpu.enqueue_indirect_dma source(%dma_start3A_463 : memref<5120x128xf32, #tpu.memory_space<vmem_shared>>) target(%arg10 : memref<128x128xf32, #tpu.memory_space<vmem>>) offsets(%dma_start3A_460 : memref<128xi32, #tpu.memory_space<vmem>>) semaphore(%arg12 : memref<!tpu.dma_semaphore, #tpu.memory_space<semaphore_mem>>)
      %dma_wait3A_464 = arith.constant 29 : i32
      %dma_wait3A_465 = arith.constant 0 : i32
      %dma_wait3A_466 = tpu.memref_slice %arg8[%dma_wait3A_464, %dma_wait3A_465] : memref<40x128xi32, #tpu.memory_space<vmem>> -> memref<1x128xi32, #tpu.memory_space<vmem>>
      %dma_wait3A_467 = tpu.memref_squeeze %dma_wait3A_466 : memref<1x128xi32, #tpu.memory_space<vmem>> -> memref<128xi32, #tpu.memory_space<vmem>>
      %dma_wait3A_468 = arith.constant 0 : i32
      %dma_wait3A_469 = arith.constant 0 : i32
      %dma_wait3A_470 = tpu.memref_slice %arg6[%dma_wait3A_468, %dma_wait3A_469] : memref<5120x128xf32, #tpu.memory_space<vmem_shared>> -> memref<5120x128xf32, #tpu.memory_space<vmem_shared>>
      tpu.wait_indirect_dma semaphore(%arg13 : memref<!tpu.dma_semaphore, #tpu.memory_space<semaphore_mem>>) src(%dma_wait3A_470 : memref<5120x128xf32, #tpu.memory_space<vmem_shared>>) dst(%arg11 : memref<128x128xf32, #tpu.memory_space<vmem>>)
      %dma_start3A_471 = arith.constant 31 : i32
      %dma_start3A_472 = arith.constant 0 : i32
      %dma_start3A_473 = tpu.memref_slice %arg8[%dma_start3A_471, %dma_start3A_472] : memref<40x128xi32, #tpu.memory_space<vmem>> -> memref<1x128xi32, #tpu.memory_space<vmem>>
      %dma_start3A_474 = tpu.memref_squeeze %dma_start3A_473 : memref<1x128xi32, #tpu.memory_space<vmem>> -> memref<128xi32, #tpu.memory_space<vmem>>
      %dma_start3A_475 = arith.constant 0 : i32
      %dma_start3A_476 = arith.constant 0 : i32
      %dma_start3A_477 = tpu.memref_slice %arg6[%dma_start3A_475, %dma_start3A_476] : memref<5120x128xf32, #tpu.memory_space<vmem_shared>> -> memref<5120x128xf32, #tpu.memory_space<vmem_shared>>
      tpu.enqueue_indirect_dma source(%dma_start3A_477 : memref<5120x128xf32, #tpu.memory_space<vmem_shared>>) target(%arg11 : memref<128x128xf32, #tpu.memory_space<vmem>>) offsets(%dma_start3A_474 : memref<128xi32, #tpu.memory_space<vmem>>) semaphore(%arg13 : memref<!tpu.dma_semaphore, #tpu.memory_space<semaphore_mem>>)
      %dma_wait3A_478 = arith.constant 30 : i32
      %dma_wait3A_479 = arith.constant 0 : i32
      %dma_wait3A_480 = tpu.memref_slice %arg8[%dma_wait3A_478, %dma_wait3A_479] : memref<40x128xi32, #tpu.memory_space<vmem>> -> memref<1x128xi32, #tpu.memory_space<vmem>>
      %dma_wait3A_481 = tpu.memref_squeeze %dma_wait3A_480 : memref<1x128xi32, #tpu.memory_space<vmem>> -> memref<128xi32, #tpu.memory_space<vmem>>
      %dma_wait3A_482 = arith.constant 0 : i32
      %dma_wait3A_483 = arith.constant 0 : i32
      %dma_wait3A_484 = tpu.memref_slice %arg6[%dma_wait3A_482, %dma_wait3A_483] : memref<5120x128xf32, #tpu.memory_space<vmem_shared>> -> memref<5120x128xf32, #tpu.memory_space<vmem_shared>>
      tpu.wait_indirect_dma semaphore(%arg12 : memref<!tpu.dma_semaphore, #tpu.memory_space<semaphore_mem>>) src(%dma_wait3A_484 : memref<5120x128xf32, #tpu.memory_space<vmem_shared>>) dst(%arg10 : memref<128x128xf32, #tpu.memory_space<vmem>>)
      %dma_start3A_485 = arith.constant 32 : i32
      %dma_start3A_486 = arith.constant 0 : i32
      %dma_start3A_487 = tpu.memref_slice %arg8[%dma_start3A_485, %dma_start3A_486] : memref<40x128xi32, #tpu.memory_space<vmem>> -> memref<1x128xi32, #tpu.memory_space<vmem>>
      %dma_start3A_488 = tpu.memref_squeeze %dma_start3A_487 : memref<1x128xi32, #tpu.memory_space<vmem>> -> memref<128xi32, #tpu.memory_space<vmem>>
      %dma_start3A_489 = arith.constant 0 : i32
      %dma_start3A_490 = arith.constant 0 : i32
      %dma_start3A_491 = tpu.memref_slice %arg6[%dma_start3A_489, %dma_start3A_490] : memref<5120x128xf32, #tpu.memory_space<vmem_shared>> -> memref<5120x128xf32, #tpu.memory_space<vmem_shared>>
      tpu.enqueue_indirect_dma source(%dma_start3A_491 : memref<5120x128xf32, #tpu.memory_space<vmem_shared>>) target(%arg10 : memref<128x128xf32, #tpu.memory_space<vmem>>) offsets(%dma_start3A_488 : memref<128xi32, #tpu.memory_space<vmem>>) semaphore(%arg12 : memref<!tpu.dma_semaphore, #tpu.memory_space<semaphore_mem>>)
      %dma_wait3A_492 = arith.constant 31 : i32
      %dma_wait3A_493 = arith.constant 0 : i32
      %dma_wait3A_494 = tpu.memref_slice %arg8[%dma_wait3A_492, %dma_wait3A_493] : memref<40x128xi32, #tpu.memory_space<vmem>> -> memref<1x128xi32, #tpu.memory_space<vmem>>
      %dma_wait3A_495 = tpu.memref_squeeze %dma_wait3A_494 : memref<1x128xi32, #tpu.memory_space<vmem>> -> memref<128xi32, #tpu.memory_space<vmem>>
      %dma_wait3A_496 = arith.constant 0 : i32
      %dma_wait3A_497 = arith.constant 0 : i32
      %dma_wait3A_498 = tpu.memref_slice %arg6[%dma_wait3A_496, %dma_wait3A_497] : memref<5120x128xf32, #tpu.memory_space<vmem_shared>> -> memref<5120x128xf32, #tpu.memory_space<vmem_shared>>
      tpu.wait_indirect_dma semaphore(%arg13 : memref<!tpu.dma_semaphore, #tpu.memory_space<semaphore_mem>>) src(%dma_wait3A_498 : memref<5120x128xf32, #tpu.memory_space<vmem_shared>>) dst(%arg11 : memref<128x128xf32, #tpu.memory_space<vmem>>)
      %dma_start3A_499 = arith.constant 33 : i32
      %dma_start3A_500 = arith.constant 0 : i32
      %dma_start3A_501 = tpu.memref_slice %arg8[%dma_start3A_499, %dma_start3A_500] : memref<40x128xi32, #tpu.memory_space<vmem>> -> memref<1x128xi32, #tpu.memory_space<vmem>>
      %dma_start3A_502 = tpu.memref_squeeze %dma_start3A_501 : memref<1x128xi32, #tpu.memory_space<vmem>> -> memref<128xi32, #tpu.memory_space<vmem>>
      %dma_start3A_503 = arith.constant 0 : i32
      %dma_start3A_504 = arith.constant 0 : i32
      %dma_start3A_505 = tpu.memref_slice %arg6[%dma_start3A_503, %dma_start3A_504] : memref<5120x128xf32, #tpu.memory_space<vmem_shared>> -> memref<5120x128xf32, #tpu.memory_space<vmem_shared>>
      tpu.enqueue_indirect_dma source(%dma_start3A_505 : memref<5120x128xf32, #tpu.memory_space<vmem_shared>>) target(%arg11 : memref<128x128xf32, #tpu.memory_space<vmem>>) offsets(%dma_start3A_502 : memref<128xi32, #tpu.memory_space<vmem>>) semaphore(%arg13 : memref<!tpu.dma_semaphore, #tpu.memory_space<semaphore_mem>>)
      %dma_wait3A_506 = arith.constant 32 : i32
      %dma_wait3A_507 = arith.constant 0 : i32
      %dma_wait3A_508 = tpu.memref_slice %arg8[%dma_wait3A_506, %dma_wait3A_507] : memref<40x128xi32, #tpu.memory_space<vmem>> -> memref<1x128xi32, #tpu.memory_space<vmem>>
      %dma_wait3A_509 = tpu.memref_squeeze %dma_wait3A_508 : memref<1x128xi32, #tpu.memory_space<vmem>> -> memref<128xi32, #tpu.memory_space<vmem>>
      %dma_wait3A_510 = arith.constant 0 : i32
      %dma_wait3A_511 = arith.constant 0 : i32
      %dma_wait3A_512 = tpu.memref_slice %arg6[%dma_wait3A_510, %dma_wait3A_511] : memref<5120x128xf32, #tpu.memory_space<vmem_shared>> -> memref<5120x128xf32, #tpu.memory_space<vmem_shared>>
      tpu.wait_indirect_dma semaphore(%arg12 : memref<!tpu.dma_semaphore, #tpu.memory_space<semaphore_mem>>) src(%dma_wait3A_512 : memref<5120x128xf32, #tpu.memory_space<vmem_shared>>) dst(%arg10 : memref<128x128xf32, #tpu.memory_space<vmem>>)
      %dma_start3A_513 = arith.constant 34 : i32
      %dma_start3A_514 = arith.constant 0 : i32
      %dma_start3A_515 = tpu.memref_slice %arg8[%dma_start3A_513, %dma_start3A_514] : memref<40x128xi32, #tpu.memory_space<vmem>> -> memref<1x128xi32, #tpu.memory_space<vmem>>
      %dma_start3A_516 = tpu.memref_squeeze %dma_start3A_515 : memref<1x128xi32, #tpu.memory_space<vmem>> -> memref<128xi32, #tpu.memory_space<vmem>>
      %dma_start3A_517 = arith.constant 0 : i32
      %dma_start3A_518 = arith.constant 0 : i32
      %dma_start3A_519 = tpu.memref_slice %arg6[%dma_start3A_517, %dma_start3A_518] : memref<5120x128xf32, #tpu.memory_space<vmem_shared>> -> memref<5120x128xf32, #tpu.memory_space<vmem_shared>>
      tpu.enqueue_indirect_dma source(%dma_start3A_519 : memref<5120x128xf32, #tpu.memory_space<vmem_shared>>) target(%arg10 : memref<128x128xf32, #tpu.memory_space<vmem>>) offsets(%dma_start3A_516 : memref<128xi32, #tpu.memory_space<vmem>>) semaphore(%arg12 : memref<!tpu.dma_semaphore, #tpu.memory_space<semaphore_mem>>)
      %dma_wait3A_520 = arith.constant 33 : i32
      %dma_wait3A_521 = arith.constant 0 : i32
      %dma_wait3A_522 = tpu.memref_slice %arg8[%dma_wait3A_520, %dma_wait3A_521] : memref<40x128xi32, #tpu.memory_space<vmem>> -> memref<1x128xi32, #tpu.memory_space<vmem>>
      %dma_wait3A_523 = tpu.memref_squeeze %dma_wait3A_522 : memref<1x128xi32, #tpu.memory_space<vmem>> -> memref<128xi32, #tpu.memory_space<vmem>>
      %dma_wait3A_524 = arith.constant 0 : i32
      %dma_wait3A_525 = arith.constant 0 : i32
      %dma_wait3A_526 = tpu.memref_slice %arg6[%dma_wait3A_524, %dma_wait3A_525] : memref<5120x128xf32, #tpu.memory_space<vmem_shared>> -> memref<5120x128xf32, #tpu.memory_space<vmem_shared>>
      tpu.wait_indirect_dma semaphore(%arg13 : memref<!tpu.dma_semaphore, #tpu.memory_space<semaphore_mem>>) src(%dma_wait3A_526 : memref<5120x128xf32, #tpu.memory_space<vmem_shared>>) dst(%arg11 : memref<128x128xf32, #tpu.memory_space<vmem>>)
      %dma_start3A_527 = arith.constant 35 : i32
      %dma_start3A_528 = arith.constant 0 : i32
      %dma_start3A_529 = tpu.memref_slice %arg8[%dma_start3A_527, %dma_start3A_528] : memref<40x128xi32, #tpu.memory_space<vmem>> -> memref<1x128xi32, #tpu.memory_space<vmem>>
      %dma_start3A_530 = tpu.memref_squeeze %dma_start3A_529 : memref<1x128xi32, #tpu.memory_space<vmem>> -> memref<128xi32, #tpu.memory_space<vmem>>
      %dma_start3A_531 = arith.constant 0 : i32
      %dma_start3A_532 = arith.constant 0 : i32
      %dma_start3A_533 = tpu.memref_slice %arg6[%dma_start3A_531, %dma_start3A_532] : memref<5120x128xf32, #tpu.memory_space<vmem_shared>> -> memref<5120x128xf32, #tpu.memory_space<vmem_shared>>
      tpu.enqueue_indirect_dma source(%dma_start3A_533 : memref<5120x128xf32, #tpu.memory_space<vmem_shared>>) target(%arg11 : memref<128x128xf32, #tpu.memory_space<vmem>>) offsets(%dma_start3A_530 : memref<128xi32, #tpu.memory_space<vmem>>) semaphore(%arg13 : memref<!tpu.dma_semaphore, #tpu.memory_space<semaphore_mem>>)
      %dma_wait3A_534 = arith.constant 34 : i32
      %dma_wait3A_535 = arith.constant 0 : i32
      %dma_wait3A_536 = tpu.memref_slice %arg8[%dma_wait3A_534, %dma_wait3A_535] : memref<40x128xi32, #tpu.memory_space<vmem>> -> memref<1x128xi32, #tpu.memory_space<vmem>>
      %dma_wait3A_537 = tpu.memref_squeeze %dma_wait3A_536 : memref<1x128xi32, #tpu.memory_space<vmem>> -> memref<128xi32, #tpu.memory_space<vmem>>
      %dma_wait3A_538 = arith.constant 0 : i32
      %dma_wait3A_539 = arith.constant 0 : i32
      %dma_wait3A_540 = tpu.memref_slice %arg6[%dma_wait3A_538, %dma_wait3A_539] : memref<5120x128xf32, #tpu.memory_space<vmem_shared>> -> memref<5120x128xf32, #tpu.memory_space<vmem_shared>>
      tpu.wait_indirect_dma semaphore(%arg12 : memref<!tpu.dma_semaphore, #tpu.memory_space<semaphore_mem>>) src(%dma_wait3A_540 : memref<5120x128xf32, #tpu.memory_space<vmem_shared>>) dst(%arg10 : memref<128x128xf32, #tpu.memory_space<vmem>>)
      %dma_start3A_541 = arith.constant 36 : i32
      %dma_start3A_542 = arith.constant 0 : i32
      %dma_start3A_543 = tpu.memref_slice %arg8[%dma_start3A_541, %dma_start3A_542] : memref<40x128xi32, #tpu.memory_space<vmem>> -> memref<1x128xi32, #tpu.memory_space<vmem>>
      %dma_start3A_544 = tpu.memref_squeeze %dma_start3A_543 : memref<1x128xi32, #tpu.memory_space<vmem>> -> memref<128xi32, #tpu.memory_space<vmem>>
      %dma_start3A_545 = arith.constant 0 : i32
      %dma_start3A_546 = arith.constant 0 : i32
      %dma_start3A_547 = tpu.memref_slice %arg6[%dma_start3A_545, %dma_start3A_546] : memref<5120x128xf32, #tpu.memory_space<vmem_shared>> -> memref<5120x128xf32, #tpu.memory_space<vmem_shared>>
      tpu.enqueue_indirect_dma source(%dma_start3A_547 : memref<5120x128xf32, #tpu.memory_space<vmem_shared>>) target(%arg10 : memref<128x128xf32, #tpu.memory_space<vmem>>) offsets(%dma_start3A_544 : memref<128xi32, #tpu.memory_space<vmem>>) semaphore(%arg12 : memref<!tpu.dma_semaphore, #tpu.memory_space<semaphore_mem>>)
      %dma_wait3A_548 = arith.constant 35 : i32
      %dma_wait3A_549 = arith.constant 0 : i32
      %dma_wait3A_550 = tpu.memref_slice %arg8[%dma_wait3A_548, %dma_wait3A_549] : memref<40x128xi32, #tpu.memory_space<vmem>> -> memref<1x128xi32, #tpu.memory_space<vmem>>
      %dma_wait3A_551 = tpu.memref_squeeze %dma_wait3A_550 : memref<1x128xi32, #tpu.memory_space<vmem>> -> memref<128xi32, #tpu.memory_space<vmem>>
      %dma_wait3A_552 = arith.constant 0 : i32
      %dma_wait3A_553 = arith.constant 0 : i32
      %dma_wait3A_554 = tpu.memref_slice %arg6[%dma_wait3A_552, %dma_wait3A_553] : memref<5120x128xf32, #tpu.memory_space<vmem_shared>> -> memref<5120x128xf32, #tpu.memory_space<vmem_shared>>
      tpu.wait_indirect_dma semaphore(%arg13 : memref<!tpu.dma_semaphore, #tpu.memory_space<semaphore_mem>>) src(%dma_wait3A_554 : memref<5120x128xf32, #tpu.memory_space<vmem_shared>>) dst(%arg11 : memref<128x128xf32, #tpu.memory_space<vmem>>)
      %dma_start3A_555 = arith.constant 37 : i32
      %dma_start3A_556 = arith.constant 0 : i32
      %dma_start3A_557 = tpu.memref_slice %arg8[%dma_start3A_555, %dma_start3A_556] : memref<40x128xi32, #tpu.memory_space<vmem>> -> memref<1x128xi32, #tpu.memory_space<vmem>>
      %dma_start3A_558 = tpu.memref_squeeze %dma_start3A_557 : memref<1x128xi32, #tpu.memory_space<vmem>> -> memref<128xi32, #tpu.memory_space<vmem>>
      %dma_start3A_559 = arith.constant 0 : i32
      %dma_start3A_560 = arith.constant 0 : i32
      %dma_start3A_561 = tpu.memref_slice %arg6[%dma_start3A_559, %dma_start3A_560] : memref<5120x128xf32, #tpu.memory_space<vmem_shared>> -> memref<5120x128xf32, #tpu.memory_space<vmem_shared>>
      tpu.enqueue_indirect_dma source(%dma_start3A_561 : memref<5120x128xf32, #tpu.memory_space<vmem_shared>>) target(%arg11 : memref<128x128xf32, #tpu.memory_space<vmem>>) offsets(%dma_start3A_558 : memref<128xi32, #tpu.memory_space<vmem>>) semaphore(%arg13 : memref<!tpu.dma_semaphore, #tpu.memory_space<semaphore_mem>>)
      %dma_wait3A_562 = arith.constant 36 : i32
      %dma_wait3A_563 = arith.constant 0 : i32
      %dma_wait3A_564 = tpu.memref_slice %arg8[%dma_wait3A_562, %dma_wait3A_563] : memref<40x128xi32, #tpu.memory_space<vmem>> -> memref<1x128xi32, #tpu.memory_space<vmem>>
      %dma_wait3A_565 = tpu.memref_squeeze %dma_wait3A_564 : memref<1x128xi32, #tpu.memory_space<vmem>> -> memref<128xi32, #tpu.memory_space<vmem>>
      %dma_wait3A_566 = arith.constant 0 : i32
      %dma_wait3A_567 = arith.constant 0 : i32
      %dma_wait3A_568 = tpu.memref_slice %arg6[%dma_wait3A_566, %dma_wait3A_567] : memref<5120x128xf32, #tpu.memory_space<vmem_shared>> -> memref<5120x128xf32, #tpu.memory_space<vmem_shared>>
      tpu.wait_indirect_dma semaphore(%arg12 : memref<!tpu.dma_semaphore, #tpu.memory_space<semaphore_mem>>) src(%dma_wait3A_568 : memref<5120x128xf32, #tpu.memory_space<vmem_shared>>) dst(%arg10 : memref<128x128xf32, #tpu.memory_space<vmem>>)
      %dma_start3A_569 = arith.constant 38 : i32
      %dma_start3A_570 = arith.constant 0 : i32
      %dma_start3A_571 = tpu.memref_slice %arg8[%dma_start3A_569, %dma_start3A_570] : memref<40x128xi32, #tpu.memory_space<vmem>> -> memref<1x128xi32, #tpu.memory_space<vmem>>
      %dma_start3A_572 = tpu.memref_squeeze %dma_start3A_571 : memref<1x128xi32, #tpu.memory_space<vmem>> -> memref<128xi32, #tpu.memory_space<vmem>>
      %dma_start3A_573 = arith.constant 0 : i32
      %dma_start3A_574 = arith.constant 0 : i32
      %dma_start3A_575 = tpu.memref_slice %arg6[%dma_start3A_573, %dma_start3A_574] : memref<5120x128xf32, #tpu.memory_space<vmem_shared>> -> memref<5120x128xf32, #tpu.memory_space<vmem_shared>>
      tpu.enqueue_indirect_dma source(%dma_start3A_575 : memref<5120x128xf32, #tpu.memory_space<vmem_shared>>) target(%arg10 : memref<128x128xf32, #tpu.memory_space<vmem>>) offsets(%dma_start3A_572 : memref<128xi32, #tpu.memory_space<vmem>>) semaphore(%arg12 : memref<!tpu.dma_semaphore, #tpu.memory_space<semaphore_mem>>)
      %dma_wait3A_576 = arith.constant 37 : i32
      %dma_wait3A_577 = arith.constant 0 : i32
      %dma_wait3A_578 = tpu.memref_slice %arg8[%dma_wait3A_576, %dma_wait3A_577] : memref<40x128xi32, #tpu.memory_space<vmem>> -> memref<1x128xi32, #tpu.memory_space<vmem>>
      %dma_wait3A_579 = tpu.memref_squeeze %dma_wait3A_578 : memref<1x128xi32, #tpu.memory_space<vmem>> -> memref<128xi32, #tpu.memory_space<vmem>>
      %dma_wait3A_580 = arith.constant 0 : i32
      %dma_wait3A_581 = arith.constant 0 : i32
      %dma_wait3A_582 = tpu.memref_slice %arg6[%dma_wait3A_580, %dma_wait3A_581] : memref<5120x128xf32, #tpu.memory_space<vmem_shared>> -> memref<5120x128xf32, #tpu.memory_space<vmem_shared>>
      tpu.wait_indirect_dma semaphore(%arg13 : memref<!tpu.dma_semaphore, #tpu.memory_space<semaphore_mem>>) src(%dma_wait3A_582 : memref<5120x128xf32, #tpu.memory_space<vmem_shared>>) dst(%arg11 : memref<128x128xf32, #tpu.memory_space<vmem>>)
      %dma_start3A_583 = arith.constant 39 : i32
      %dma_start3A_584 = arith.constant 0 : i32
      %dma_start3A_585 = tpu.memref_slice %arg8[%dma_start3A_583, %dma_start3A_584] : memref<40x128xi32, #tpu.memory_space<vmem>> -> memref<1x128xi32, #tpu.memory_space<vmem>>
      %dma_start3A_586 = tpu.memref_squeeze %dma_start3A_585 : memref<1x128xi32, #tpu.memory_space<vmem>> -> memref<128xi32, #tpu.memory_space<vmem>>
      %dma_start3A_587 = arith.constant 0 : i32
      %dma_start3A_588 = arith.constant 0 : i32
      %dma_start3A_589 = tpu.memref_slice %arg6[%dma_start3A_587, %dma_start3A_588] : memref<5120x128xf32, #tpu.memory_space<vmem_shared>> -> memref<5120x128xf32, #tpu.memory_space<vmem_shared>>
      tpu.enqueue_indirect_dma source(%dma_start3A_589 : memref<5120x128xf32, #tpu.memory_space<vmem_shared>>) target(%arg11 : memref<128x128xf32, #tpu.memory_space<vmem>>) offsets(%dma_start3A_586 : memref<128xi32, #tpu.memory_space<vmem>>) semaphore(%arg13 : memref<!tpu.dma_semaphore, #tpu.memory_space<semaphore_mem>>)
      %dma_wait3A_590 = arith.constant 38 : i32
      %dma_wait3A_591 = arith.constant 0 : i32
      %dma_wait3A_592 = tpu.memref_slice %arg8[%dma_wait3A_590, %dma_wait3A_591] : memref<40x128xi32, #tpu.memory_space<vmem>> -> memref<1x128xi32, #tpu.memory_space<vmem>>
      %dma_wait3A_593 = tpu.memref_squeeze %dma_wait3A_592 : memref<1x128xi32, #tpu.memory_space<vmem>> -> memref<128xi32, #tpu.memory_space<vmem>>
      %dma_wait3A_594 = arith.constant 0 : i32
      %dma_wait3A_595 = arith.constant 0 : i32
      %dma_wait3A_596 = tpu.memref_slice %arg6[%dma_wait3A_594, %dma_wait3A_595] : memref<5120x128xf32, #tpu.memory_space<vmem_shared>> -> memref<5120x128xf32, #tpu.memory_space<vmem_shared>>
      tpu.wait_indirect_dma semaphore(%arg12 : memref<!tpu.dma_semaphore, #tpu.memory_space<semaphore_mem>>) src(%dma_wait3A_596 : memref<5120x128xf32, #tpu.memory_space<vmem_shared>>) dst(%arg10 : memref<128x128xf32, #tpu.memory_space<vmem>>)
      %dma_wait3A_597 = arith.constant 39 : i32
      %dma_wait3A_598 = arith.constant 0 : i32
      %dma_wait3A_599 = tpu.memref_slice %arg8[%dma_wait3A_597, %dma_wait3A_598] : memref<40x128xi32, #tpu.memory_space<vmem>> -> memref<1x128xi32, #tpu.memory_space<vmem>>
      %dma_wait3A_600 = tpu.memref_squeeze %dma_wait3A_599 : memref<1x128xi32, #tpu.memory_space<vmem>> -> memref<128xi32, #tpu.memory_space<vmem>>
      %dma_wait3A_601 = arith.constant 0 : i32
      %dma_wait3A_602 = arith.constant 0 : i32
      %dma_wait3A_603 = tpu.memref_slice %arg6[%dma_wait3A_601, %dma_wait3A_602] : memref<5120x128xf32, #tpu.memory_space<vmem_shared>> -> memref<5120x128xf32, #tpu.memory_space<vmem_shared>>
      tpu.wait_indirect_dma semaphore(%arg13 : memref<!tpu.dma_semaphore, #tpu.memory_space<semaphore_mem>>) src(%dma_wait3A_603 : memref<5120x128xf32, #tpu.memory_space<vmem_shared>>) dst(%arg11 : memref<128x128xf32, #tpu.memory_space<vmem>>)
    }
    %scan3A_35 = arith.constant 2 : i32
    %barrier3A_36 = arith.constant 0 : index
    tpu.barrier barrier_id(%barrier3A_36)
    %mul3A_37 = arith.constant 320 : i32
    %mul3A_38 = arith.muli %arg1, %mul3A_37 : i32
    %mul3A_39 = arith.constant 320 : i32
    %mul3A_40 = arith.muli %arg1, %mul3A_39 : i32
    "tpu.region"() ({
      %run_scoped3A = tpu.sem_alloc : memref<!tpu.dma_semaphore, #tpu.memory_space<semaphore_mem>>
      %dma_start3A_41 = arith.constant 0 : i32
      %dma_start3A_42 = arith.constant 0 : i32
      %dma_start3A_43 = tpu.memref_slice %arg5[%arg0, %dma_start3A_41, %dma_start3A_42] : memref<2x5120x128xf32, #tpu.memory_space<hbm>> -> memref<1x5120x128xf32, #tpu.memory_space<hbm>>
      %dma_start3A_44 = tpu.memref_squeeze %dma_start3A_43 : memref<1x5120x128xf32, #tpu.memory_space<hbm>> -> memref<5120x128xf32, #tpu.memory_space<hbm>>
      %dma_start3A_45 = arith.constant 0 : i32
      %dma_start3A_46 = tpu.memref_slice %dma_start3A_44[%mul3A_40, %dma_start3A_45] : memref<5120x128xf32, #tpu.memory_space<hbm>> -> memref<320x128xf32, #tpu.memory_space<hbm>>
      %dma_start3A_47 = arith.constant 0 : i32
      %dma_start3A_48 = tpu.memref_slice %arg7[%mul3A_38, %dma_start3A_47] : memref<5120x128xf32, #tpu.memory_space<vmem_shared>> -> memref<320x128xf32, #tpu.memory_space<vmem_shared>>
      tpu.enqueue_dma source(%dma_start3A_48 : memref<320x128xf32, #tpu.memory_space<vmem_shared>>) target(%dma_start3A_46 : memref<320x128xf32, #tpu.memory_space<hbm>>) target_semaphore(%run_scoped3A : memref<!tpu.dma_semaphore, #tpu.memory_space<semaphore_mem>>)
      %dma_wait3A_49 = arith.constant 0 : i32
      %dma_wait3A_50 = arith.constant 0 : i32
      %dma_wait3A_51 = tpu.memref_slice %arg5[%arg0, %dma_wait3A_49, %dma_wait3A_50] : memref<2x5120x128xf32, #tpu.memory_space<hbm>> -> memref<1x5120x128xf32, #tpu.memory_space<hbm>>
      %dma_wait3A_52 = tpu.memref_squeeze %dma_wait3A_51 : memref<1x5120x128xf32, #tpu.memory_space<hbm>> -> memref<5120x128xf32, #tpu.memory_space<hbm>>
      %dma_wait3A_53 = arith.constant 0 : i32
      %dma_wait3A_54 = tpu.memref_slice %dma_wait3A_52[%mul3A_40, %dma_wait3A_53] : memref<5120x128xf32, #tpu.memory_space<hbm>> -> memref<320x128xf32, #tpu.memory_space<hbm>>
      %dma_wait3A_55 = arith.constant 0 : i32
      %dma_wait3A_56 = tpu.memref_slice %arg7[%mul3A_38, %dma_wait3A_55] : memref<5120x128xf32, #tpu.memory_space<vmem_shared>> -> memref<320x128xf32, #tpu.memory_space<vmem_shared>>
      tpu.wait_dma2 semaphore(%run_scoped3A : memref<!tpu.dma_semaphore, #tpu.memory_space<semaphore_mem>>) src(%dma_wait3A_56 : memref<320x128xf32, #tpu.memory_space<vmem_shared>>) dst(%dma_wait3A_54 : memref<320x128xf32, #tpu.memory_space<hbm>>)
      tpu.yield
    }) : () -> ()
    return
  }
}

#map = affine_map<(d0, d1) -> (0, 0)>
#map1 = affine_map<(d0, d1) -> (0, 0, 0)>
module attributes {stable_mosaic.version = 14 : i64} {
  func.func @_segsum_body(%arg0: i32, %arg1: i32, %arg2: memref<10240x128xf32, #tpu.memory_space<hbm>>, %arg3: memref<32x80x128xi32, #tpu.memory_space<hbm>>, %arg4: memref<32x80x128xi32, #tpu.memory_space<hbm>>, %arg5: memref<2x5120x128xf32, #tpu.memory_space<hbm>>, %arg6: memref<5120x128xf32, #tpu.memory_space<vmem_shared>>, %arg7: memref<5120x128xf32, #tpu.memory_space<vmem_shared>>, %arg8: memref<40x128xi32, #tpu.memory_space<vmem>>, %arg9: memref<40x128xi32, #tpu.memory_space<vmem>>, %arg10: memref<128x128xf32, #tpu.memory_space<vmem>>, %arg11: memref<128x128xf32, #tpu.memory_space<vmem>>, %arg12: memref<!tpu.dma_semaphore, #tpu.memory_space<semaphore_mem>>, %arg13: memref<!tpu.dma_semaphore, #tpu.memory_space<semaphore_mem>>) attributes {dimension_semantics = [#tpu.dimension_semantics<core_parallel>, #tpu.dimension_semantics<subcore_parallel>], iteration_bounds = array<i64: 2, 16>, scalar_prefetch = 0 : i64, scratch_operands = 8 : i64, tpu.core_type = #tpu.core_type<sc_vector_subcore>, window_params = [{transform_indices = #map}, {transform_indices = #map1}, {transform_indices = #map1}, {transform_indices = #map1}]} {
    %mul3A = arith.constant 16 : i32
    %mul3A_0 = arith.muli %arg0, %mul3A : i32
    %add3A = arith.addi %mul3A_0, %arg1 : i32
    %mul3A_1 = arith.constant 5120 : i32
    %mul3A_2 = arith.muli %arg0, %mul3A_1 : i32
    %mul3A_3 = arith.constant 320 : i32
    %mul3A_4 = arith.muli %arg1, %mul3A_3 : i32
    %add3A_5 = arith.addi %mul3A_2, %mul3A_4 : i32
    %mul3A_6 = arith.constant 320 : i32
    %mul3A_7 = arith.muli %arg1, %mul3A_6 : i32
    %dma_start3A = arith.constant 0 : i32
    %dma_start3A_8 = tpu.memref_slice %arg6[%mul3A_7, %dma_start3A] : memref<5120x128xf32, #tpu.memory_space<vmem_shared>> -> memref<320x128xf32, #tpu.memory_space<vmem_shared>>
    %dma_start3A_9 = arith.constant 0 : i32
    %dma_start3A_10 = tpu.memref_slice %arg2[%add3A_5, %dma_start3A_9] : memref<10240x128xf32, #tpu.memory_space<hbm>> -> memref<320x128xf32, #tpu.memory_space<hbm>>
    tpu.enqueue_dma source(%dma_start3A_10 : memref<320x128xf32, #tpu.memory_space<hbm>>) target(%dma_start3A_8 : memref<320x128xf32, #tpu.memory_space<vmem_shared>>) target_semaphore(%arg12 : memref<!tpu.dma_semaphore, #tpu.memory_space<semaphore_mem>>)
    %broadcast_in_dim3A = arith.constant 0.000000e+00 : f32
    %broadcast_in_dim3A_11 = vector.broadcast %broadcast_in_dim3A : f32 to vector<16xf32>
    %scan3A = arith.constant 0 : i32
    %scan3A_12 = arith.constant 128 : i32
    %scan3A_13 = arith.addi %scan3A, %scan3A_12 : i32
    %scan3A_14 = arith.constant 1 : i32
    scf.for %scan3A_41 = %scan3A to %scan3A_13 step %scan3A_14  : i32 {
      %swap3A = arith.index_cast %scan3A_41 : i32 to index
      %swap3A_42 = arith.constant 0 : index
      %swap3A_43 = tpu.vector_load %arg10[%swap3A, %swap3A_42] {strides = array<i32>} : memref<128x128xf32, #tpu.memory_space<vmem>>, vector<1x16xf32>,
      %swap3A_44 = vector.shape_cast %swap3A_43 : vector<1x16xf32> to vector<16xf32>
      %swap3A_45 = vector.shape_cast %broadcast_in_dim3A_11 : vector<16xf32> to vector<1x16xf32>
      tpu.vector_store %arg10[%swap3A, %swap3A_42], %swap3A_45 {strides = array<i32>} : memref<128x128xf32, #tpu.memory_space<vmem>>, vector<1x16xf32>,
      %swap3A_46 = arith.index_cast %scan3A_41 : i32 to index
      %swap3A_47 = arith.constant 16 : index
      %swap3A_48 = tpu.vector_load %arg10[%swap3A_46, %swap3A_47] {strides = array<i32>} : memref<128x128xf32, #tpu.memory_space<vmem>>, vector<1x16xf32>,
      %swap3A_49 = vector.shape_cast %swap3A_48 : vector<1x16xf32> to vector<16xf32>
      %swap3A_50 = vector.shape_cast %broadcast_in_dim3A_11 : vector<16xf32> to vector<1x16xf32>
      tpu.vector_store %arg10[%swap3A_46, %swap3A_47], %swap3A_50 {strides = array<i32>} : memref<128x128xf32, #tpu.memory_space<vmem>>, vector<1x16xf32>,
      %swap3A_51 = arith.index_cast %scan3A_41 : i32 to index
      %swap3A_52 = arith.constant 32 : index
      %swap3A_53 = tpu.vector_load %arg10[%swap3A_51, %swap3A_52] {strides = array<i32>} : memref<128x128xf32, #tpu.memory_space<vmem>>, vector<1x16xf32>,
      %swap3A_54 = vector.shape_cast %swap3A_53 : vector<1x16xf32> to vector<16xf32>
      %swap3A_55 = vector.shape_cast %broadcast_in_dim3A_11 : vector<16xf32> to vector<1x16xf32>
      tpu.vector_store %arg10[%swap3A_51, %swap3A_52], %swap3A_55 {strides = array<i32>} : memref<128x128xf32, #tpu.memory_space<vmem>>, vector<1x16xf32>,
      %swap3A_56 = arith.index_cast %scan3A_41 : i32 to index
      %swap3A_57 = arith.constant 48 : index
      %swap3A_58 = tpu.vector_load %arg10[%swap3A_56, %swap3A_57] {strides = array<i32>} : memref<128x128xf32, #tpu.memory_space<vmem>>, vector<1x16xf32>,
      %swap3A_59 = vector.shape_cast %swap3A_58 : vector<1x16xf32> to vector<16xf32>
      %swap3A_60 = vector.shape_cast %broadcast_in_dim3A_11 : vector<16xf32> to vector<1x16xf32>
      tpu.vector_store %arg10[%swap3A_56, %swap3A_57], %swap3A_60 {strides = array<i32>} : memref<128x128xf32, #tpu.memory_space<vmem>>, vector<1x16xf32>,
      %swap3A_61 = arith.index_cast %scan3A_41 : i32 to index
      %swap3A_62 = arith.constant 64 : index
      %swap3A_63 = tpu.vector_load %arg10[%swap3A_61, %swap3A_62] {strides = array<i32>} : memref<128x128xf32, #tpu.memory_space<vmem>>, vector<1x16xf32>,
      %swap3A_64 = vector.shape_cast %swap3A_63 : vector<1x16xf32> to vector<16xf32>
      %swap3A_65 = vector.shape_cast %broadcast_in_dim3A_11 : vector<16xf32> to vector<1x16xf32>
      tpu.vector_store %arg10[%swap3A_61, %swap3A_62], %swap3A_65 {strides = array<i32>} : memref<128x128xf32, #tpu.memory_space<vmem>>, vector<1x16xf32>,
      %swap3A_66 = arith.index_cast %scan3A_41 : i32 to index
      %swap3A_67 = arith.constant 80 : index
      %swap3A_68 = tpu.vector_load %arg10[%swap3A_66, %swap3A_67] {strides = array<i32>} : memref<128x128xf32, #tpu.memory_space<vmem>>, vector<1x16xf32>,
      %swap3A_69 = vector.shape_cast %swap3A_68 : vector<1x16xf32> to vector<16xf32>
      %swap3A_70 = vector.shape_cast %broadcast_in_dim3A_11 : vector<16xf32> to vector<1x16xf32>
      tpu.vector_store %arg10[%swap3A_66, %swap3A_67], %swap3A_70 {strides = array<i32>} : memref<128x128xf32, #tpu.memory_space<vmem>>, vector<1x16xf32>,
      %swap3A_71 = arith.index_cast %scan3A_41 : i32 to index
      %swap3A_72 = arith.constant 96 : index
      %swap3A_73 = tpu.vector_load %arg10[%swap3A_71, %swap3A_72] {strides = array<i32>} : memref<128x128xf32, #tpu.memory_space<vmem>>, vector<1x16xf32>,
      %swap3A_74 = vector.shape_cast %swap3A_73 : vector<1x16xf32> to vector<16xf32>
      %swap3A_75 = vector.shape_cast %broadcast_in_dim3A_11 : vector<16xf32> to vector<1x16xf32>
      tpu.vector_store %arg10[%swap3A_71, %swap3A_72], %swap3A_75 {strides = array<i32>} : memref<128x128xf32, #tpu.memory_space<vmem>>, vector<1x16xf32>,
      %swap3A_76 = arith.index_cast %scan3A_41 : i32 to index
      %swap3A_77 = arith.constant 112 : index
      %swap3A_78 = tpu.vector_load %arg10[%swap3A_76, %swap3A_77] {strides = array<i32>} : memref<128x128xf32, #tpu.memory_space<vmem>>, vector<1x16xf32>,
      %swap3A_79 = vector.shape_cast %swap3A_78 : vector<1x16xf32> to vector<16xf32>
      %swap3A_80 = vector.shape_cast %broadcast_in_dim3A_11 : vector<16xf32> to vector<1x16xf32>
      tpu.vector_store %arg10[%swap3A_76, %swap3A_77], %swap3A_80 {strides = array<i32>} : memref<128x128xf32, #tpu.memory_space<vmem>>, vector<1x16xf32>,
    }
    %scan3A_15 = arith.constant 128 : i32
    %dma_wait3A = arith.constant 0 : i32
    %dma_wait3A_16 = tpu.memref_slice %arg6[%mul3A_7, %dma_wait3A] : memref<5120x128xf32, #tpu.memory_space<vmem_shared>> -> memref<320x128xf32, #tpu.memory_space<vmem_shared>>
    %dma_wait3A_17 = arith.constant 0 : i32
    %dma_wait3A_18 = tpu.memref_slice %arg2[%add3A_5, %dma_wait3A_17] : memref<10240x128xf32, #tpu.memory_space<hbm>> -> memref<320x128xf32, #tpu.memory_space<hbm>>
    tpu.wait_dma2 semaphore(%arg12 : memref<!tpu.dma_semaphore, #tpu.memory_space<semaphore_mem>>) src(%dma_wait3A_18 : memref<320x128xf32, #tpu.memory_space<hbm>>) dst(%dma_wait3A_16 : memref<320x128xf32, #tpu.memory_space<vmem_shared>>)
    %mul3A_19 = arith.constant 320 : i32
    %mul3A_20 = arith.muli %arg1, %mul3A_19 : i32
    %add3A_21 = arith.constant 0 : i32
    %add3A_22 = arith.addi %mul3A_20, %add3A_21 : i32
    "tpu.region"() ({
      %run_scoped3A = tpu.sem_alloc : memref<!tpu.dma_semaphore, #tpu.memory_space<semaphore_mem>>
      %dma_start3A_41 = arith.constant 0 : i32
      %dma_start3A_42 = tpu.memref_slice %arg7[%add3A_22, %dma_start3A_41] : memref<5120x128xf32, #tpu.memory_space<vmem_shared>> -> memref<128x128xf32, #tpu.memory_space<vmem_shared>>
      %dma_start3A_43 = arith.constant 0 : i32
      %dma_start3A_44 = tpu.memref_slice %arg7[%add3A_22, %dma_start3A_43] : memref<5120x128xf32, #tpu.memory_space<vmem_shared>> -> memref<128x128xf32, #tpu.memory_space<vmem_shared>>
      tpu.enqueue_dma source(%arg10 : memref<128x128xf32, #tpu.memory_space<vmem>>) target(%dma_start3A_44 : memref<128x128xf32, #tpu.memory_space<vmem_shared>>) target_semaphore(%run_scoped3A : memref<!tpu.dma_semaphore, #tpu.memory_space<semaphore_mem>>)
      %dma_wait3A_45 = arith.constant 0 : i32
      %dma_wait3A_46 = tpu.memref_slice %arg7[%add3A_22, %dma_wait3A_45] : memref<5120x128xf32, #tpu.memory_space<vmem_shared>> -> memref<128x128xf32, #tpu.memory_space<vmem_shared>>
      %dma_wait3A_47 = arith.constant 0 : i32
      %dma_wait3A_48 = tpu.memref_slice %arg7[%add3A_22, %dma_wait3A_47] : memref<5120x128xf32, #tpu.memory_space<vmem_shared>> -> memref<128x128xf32, #tpu.memory_space<vmem_shared>>
      tpu.wait_dma2 semaphore(%run_scoped3A : memref<!tpu.dma_semaphore, #tpu.memory_space<semaphore_mem>>) src(%arg10 : memref<128x128xf32, #tpu.memory_space<vmem>>) dst(%dma_wait3A_48 : memref<128x128xf32, #tpu.memory_space<vmem_shared>>)
      tpu.yield
    }) : () -> ()
    %mul3A_23 = arith.constant 320 : i32
    %mul3A_24 = arith.muli %arg1, %mul3A_23 : i32
    %add3A_25 = arith.constant 128 : i32
    %add3A_26 = arith.addi %mul3A_24, %add3A_25 : i32
    "tpu.region"() ({
      %run_scoped3A = tpu.sem_alloc : memref<!tpu.dma_semaphore, #tpu.memory_space<semaphore_mem>>
      %dma_start3A_41 = arith.constant 0 : i32
      %dma_start3A_42 = tpu.memref_slice %arg7[%add3A_26, %dma_start3A_41] : memref<5120x128xf32, #tpu.memory_space<vmem_shared>> -> memref<128x128xf32, #tpu.memory_space<vmem_shared>>
      %dma_start3A_43 = arith.constant 0 : i32
      %dma_start3A_44 = tpu.memref_slice %arg7[%add3A_26, %dma_start3A_43] : memref<5120x128xf32, #tpu.memory_space<vmem_shared>> -> memref<128x128xf32, #tpu.memory_space<vmem_shared>>
      tpu.enqueue_dma source(%arg10 : memref<128x128xf32, #tpu.memory_space<vmem>>) target(%dma_start3A_44 : memref<128x128xf32, #tpu.memory_space<vmem_shared>>) target_semaphore(%run_scoped3A : memref<!tpu.dma_semaphore, #tpu.memory_space<semaphore_mem>>)
      %dma_wait3A_45 = arith.constant 0 : i32
      %dma_wait3A_46 = tpu.memref_slice %arg7[%add3A_26, %dma_wait3A_45] : memref<5120x128xf32, #tpu.memory_space<vmem_shared>> -> memref<128x128xf32, #tpu.memory_space<vmem_shared>>
      %dma_wait3A_47 = arith.constant 0 : i32
      %dma_wait3A_48 = tpu.memref_slice %arg7[%add3A_26, %dma_wait3A_47] : memref<5120x128xf32, #tpu.memory_space<vmem_shared>> -> memref<128x128xf32, #tpu.memory_space<vmem_shared>>
      tpu.wait_dma2 semaphore(%run_scoped3A : memref<!tpu.dma_semaphore, #tpu.memory_space<semaphore_mem>>) src(%arg10 : memref<128x128xf32, #tpu.memory_space<vmem>>) dst(%dma_wait3A_48 : memref<128x128xf32, #tpu.memory_space<vmem_shared>>)
      tpu.yield
    }) : () -> ()
    %mul3A_27 = arith.constant 320 : i32
    %mul3A_28 = arith.muli %arg1, %mul3A_27 : i32
    %add3A_29 = arith.constant 256 : i32
    %add3A_30 = arith.addi %mul3A_28, %add3A_29 : i32
    "tpu.region"() ({
      %run_scoped3A = tpu.sem_alloc : memref<!tpu.dma_semaphore, #tpu.memory_space<semaphore_mem>>
      %dma_start3A_41 = arith.constant 0 : i32
      %dma_start3A_42 = arith.constant 0 : i32
      %dma_start3A_43 = tpu.memref_slice %arg10[%dma_start3A_41, %dma_start3A_42] : memref<128x128xf32, #tpu.memory_space<vmem>> -> memref<64x128xf32, #tpu.memory_space<vmem>>
      %dma_start3A_44 = arith.constant 0 : i32
      %dma_start3A_45 = tpu.memref_slice %arg7[%add3A_30, %dma_start3A_44] : memref<5120x128xf32, #tpu.memory_space<vmem_shared>> -> memref<64x128xf32, #tpu.memory_space<vmem_shared>>
      %dma_start3A_46 = arith.constant 0 : i32
      %dma_start3A_47 = tpu.memref_slice %arg7[%add3A_30, %dma_start3A_46] : memref<5120x128xf32, #tpu.memory_space<vmem_shared>> -> memref<64x128xf32, #tpu.memory_space<vmem_shared>>
      %dma_start3A_48 = arith.constant 0 : i32
      %dma_start3A_49 = arith.constant 0 : i32
      %dma_start3A_50 = tpu.memref_slice %arg10[%dma_start3A_48, %dma_start3A_49] : memref<128x128xf32, #tpu.memory_space<vmem>> -> memref<64x128xf32, #tpu.memory_space<vmem>>
      tpu.enqueue_dma source(%dma_start3A_50 : memref<64x128xf32, #tpu.memory_space<vmem>>) target(%dma_start3A_47 : memref<64x128xf32, #tpu.memory_space<vmem_shared>>) target_semaphore(%run_scoped3A : memref<!tpu.dma_semaphore, #tpu.memory_space<semaphore_mem>>)
      %dma_wait3A_51 = arith.constant 0 : i32
      %dma_wait3A_52 = arith.constant 0 : i32
      %dma_wait3A_53 = tpu.memref_slice %arg10[%dma_wait3A_51, %dma_wait3A_52] : memref<128x128xf32, #tpu.memory_space<vmem>> -> memref<64x128xf32, #tpu.memory_space<vmem>>
      %dma_wait3A_54 = arith.constant 0 : i32
      %dma_wait3A_55 = tpu.memref_slice %arg7[%add3A_30, %dma_wait3A_54] : memref<5120x128xf32, #tpu.memory_space<vmem_shared>> -> memref<64x128xf32, #tpu.memory_space<vmem_shared>>
      %dma_wait3A_56 = arith.constant 0 : i32
      %dma_wait3A_57 = tpu.memref_slice %arg7[%add3A_30, %dma_wait3A_56] : memref<5120x128xf32, #tpu.memory_space<vmem_shared>> -> memref<64x128xf32, #tpu.memory_space<vmem_shared>>
      %dma_wait3A_58 = arith.constant 0 : i32
      %dma_wait3A_59 = arith.constant 0 : i32
      %dma_wait3A_60 = tpu.memref_slice %arg10[%dma_wait3A_58, %dma_wait3A_59] : memref<128x128xf32, #tpu.memory_space<vmem>> -> memref<64x128xf32, #tpu.memory_space<vmem>>
      tpu.wait_dma2 semaphore(%run_scoped3A : memref<!tpu.dma_semaphore, #tpu.memory_space<semaphore_mem>>) src(%dma_wait3A_60 : memref<64x128xf32, #tpu.memory_space<vmem>>) dst(%dma_wait3A_57 : memref<64x128xf32, #tpu.memory_space<vmem_shared>>)
      tpu.yield
    }) : () -> ()
    %barrier3A = arith.constant 0 : index
    tpu.barrier barrier_id(%barrier3A)
    %scan3A_31 = arith.constant 0 : i32
    %scan3A_32 = arith.constant 2 : i32
    %scan3A_33 = arith.addi %scan3A_31, %scan3A_32 : i32
    %scan3A_34 = arith.constant 1 : i32
    scf.for %scan3A_41 = %scan3A_31 to %scan3A_33 step %scan3A_34  : i32 {
      %mul3A_42 = arith.constant 40 : i32
      %mul3A_43 = arith.muli %scan3A_41, %mul3A_42 : i32
      %multiple_of3A = tpu.assume_multiple %mul3A_43, 40 : i32
      "tpu.region"() ({
        %run_scoped3A = tpu.sem_alloc : memref<!tpu.dma_semaphore, #tpu.memory_space<semaphore_mem>>
        %dma_start3A_604 = arith.constant 0 : i32
        %dma_start3A_605 = tpu.memref_slice %arg3[%add3A, %multiple_of3A, %dma_start3A_604] : memref<32x80x128xi32, #tpu.memory_space<hbm>> -> memref<1x40x128xi32, #tpu.memory_space<hbm>>
        %dma_start3A_606 = tpu.memref_squeeze %dma_start3A_605 : memref<1x40x128xi32, #tpu.memory_space<hbm>> -> memref<40x128xi32, #tpu.memory_space<hbm>>
        %dma_start3A_607 = arith.constant 0 : i32
        %dma_start3A_608 = tpu.memref_slice %arg3[%add3A, %multiple_of3A, %dma_start3A_607] : memref<32x80x128xi32, #tpu.memory_space<hbm>> -> memref<1x40x128xi32, #tpu.memory_space<hbm>>
        %dma_start3A_609 = tpu.memref_squeeze %dma_start3A_608 : memref<1x40x128xi32, #tpu.memory_space<hbm>> -> memref<40x128xi32, #tpu.memory_space<hbm>>
        tpu.enqueue_dma source(%dma_start3A_609 : memref<40x128xi32, #tpu.memory_space<hbm>>) target(%arg8 : memref<40x128xi32, #tpu.memory_space<vmem>>) target_semaphore(%run_scoped3A : memref<!tpu.dma_semaphore, #tpu.memory_space<semaphore_mem>>)
        %dma_wait3A_610 = arith.constant 0 : i32
        %dma_wait3A_611 = tpu.memref_slice %arg3[%add3A, %multiple_of3A, %dma_wait3A_610] : memref<32x80x128xi32, #tpu.memory_space<hbm>> -> memref<1x40x128xi32, #tpu.memory_space<hbm>>
        %dma_wait3A_612 = tpu.memref_squeeze %dma_wait3A_611 : memref<1x40x128xi32, #tpu.memory_space<hbm>> -> memref<40x128xi32, #tpu.memory_space<hbm>>
        %dma_wait3A_613 = arith.constant 0 : i32
        %dma_wait3A_614 = tpu.memref_slice %arg3[%add3A, %multiple_of3A, %dma_wait3A_613] : memref<32x80x128xi32, #tpu.memory_space<hbm>> -> memref<1x40x128xi32, #tpu.memory_space<hbm>>
        %dma_wait3A_615 = tpu.memref_squeeze %dma_wait3A_614 : memref<1x40x128xi32, #tpu.memory_space<hbm>> -> memref<40x128xi32, #tpu.memory_space<hbm>>
        tpu.wait_dma2 semaphore(%run_scoped3A : memref<!tpu.dma_semaphore, #tpu.memory_space<semaphore_mem>>) src(%dma_wait3A_615 : memref<40x128xi32, #tpu.memory_space<hbm>>) dst(%arg8 : memref<40x128xi32, #tpu.memory_space<vmem>>)
        tpu.yield
      }) : () -> ()
      "tpu.region"() ({
        %run_scoped3A = tpu.sem_alloc : memref<!tpu.dma_semaphore, #tpu.memory_space<semaphore_mem>>
        %dma_start3A_604 = arith.constant 0 : i32
        %dma_start3A_605 = tpu.memref_slice %arg4[%add3A, %multiple_of3A, %dma_start3A_604] : memref<32x80x128xi32, #tpu.memory_space<hbm>> -> memref<1x40x128xi32, #tpu.memory_space<hbm>>
        %dma_start3A_606 = tpu.memref_squeeze %dma_start3A_605 : memref<1x40x128xi32, #tpu.memory_space<hbm>> -> memref<40x128xi32, #tpu.memory_space<hbm>>
        %dma_start3A_607 = arith.constant 0 : i32
        %dma_start3A_608 = tpu.memref_slice %arg4[%add3A, %multiple_of3A, %dma_start3A_607] : memref<32x80x128xi32, #tpu.memory_space<hbm>> -> memref<1x40x128xi32, #tpu.memory_space<hbm>>
        %dma_start3A_609 = tpu.memref_squeeze %dma_start3A_608 : memref<1x40x128xi32, #tpu.memory_space<hbm>> -> memref<40x128xi32, #tpu.memory_space<hbm>>
        tpu.enqueue_dma source(%dma_start3A_609 : memref<40x128xi32, #tpu.memory_space<hbm>>) target(%arg9 : memref<40x128xi32, #tpu.memory_space<vmem>>) target_semaphore(%run_scoped3A : memref<!tpu.dma_semaphore, #tpu.memory_space<semaphore_mem>>)
        %dma_wait3A_610 = arith.constant 0 : i32
        %dma_wait3A_611 = tpu.memref_slice %arg4[%add3A, %multiple_of3A, %dma_wait3A_610] : memref<32x80x128xi32, #tpu.memory_space<hbm>> -> memref<1x40x128xi32, #tpu.memory_space<hbm>>
        %dma_wait3A_612 = tpu.memref_squeeze %dma_wait3A_611 : memref<1x40x128xi32, #tpu.memory_space<hbm>> -> memref<40x128xi32, #tpu.memory_space<hbm>>
        %dma_wait3A_613 = arith.constant 0 : i32
        %dma_wait3A_614 = tpu.memref_slice %arg4[%add3A, %multiple_of3A, %dma_wait3A_613] : memref<32x80x128xi32, #tpu.memory_space<hbm>> -> memref<1x40x128xi32, #tpu.memory_space<hbm>>
        %dma_wait3A_615 = tpu.memref_squeeze %dma_wait3A_614 : memref<1x40x128xi32, #tpu.memory_space<hbm>> -> memref<40x128xi32, #tpu.memory_space<hbm>>
        tpu.wait_dma2 semaphore(%run_scoped3A : memref<!tpu.dma_semaphore, #tpu.memory_space<semaphore_mem>>) src(%dma_wait3A_615 : memref<40x128xi32, #tpu.memory_space<hbm>>) dst(%arg9 : memref<40x128xi32, #tpu.memory_space<vmem>>)
        tpu.yield
      }) : () -> ()
      %dma_start3A_44 = arith.constant 0 : i32
      %dma_start3A_45 = arith.constant 0 : i32
      %dma_start3A_46 = tpu.memref_slice %arg8[%dma_start3A_44, %dma_start3A_45] : memref<40x128xi32, #tpu.memory_space<vmem>> -> memref<1x128xi32, #tpu.memory_space<vmem>>
      %dma_start3A_47 = tpu.memref_squeeze %dma_start3A_46 : memref<1x128xi32, #tpu.memory_space<vmem>> -> memref<128xi32, #tpu.memory_space<vmem>>
      %dma_start3A_48 = arith.constant 0 : i32
      %dma_start3A_49 = arith.constant 0 : i32
      %dma_start3A_50 = tpu.memref_slice %arg6[%dma_start3A_48, %dma_start3A_49] : memref<5120x128xf32, #tpu.memory_space<vmem_shared>> -> memref<5120x128xf32, #tpu.memory_space<vmem_shared>>
      tpu.enqueue_indirect_dma source(%dma_start3A_50 : memref<5120x128xf32, #tpu.memory_space<vmem_shared>>) target(%arg10 : memref<128x128xf32, #tpu.memory_space<vmem>>) offsets(%dma_start3A_47 : memref<128xi32, #tpu.memory_space<vmem>>) semaphore(%arg12 : memref<!tpu.dma_semaphore, #tpu.memory_space<semaphore_mem>>)
      %dma_start3A_51 = arith.constant 1 : i32
      %dma_start3A_52 = arith.constant 0 : i32
      %dma_start3A_53 = tpu.memref_slice %arg8[%dma_start3A_51, %dma_start3A_52] : memref<40x128xi32, #tpu.memory_space<vmem>> -> memref<1x128xi32, #tpu.memory_space<vmem>>
      %dma_start3A_54 = tpu.memref_squeeze %dma_start3A_53 : memref<1x128xi32, #tpu.memory_space<vmem>> -> memref<128xi32, #tpu.memory_space<vmem>>
      %dma_start3A_55 = arith.constant 0 : i32
      %dma_start3A_56 = arith.constant 0 : i32
      %dma_start3A_57 = tpu.memref_slice %arg6[%dma_start3A_55, %dma_start3A_56] : memref<5120x128xf32, #tpu.memory_space<vmem_shared>> -> memref<5120x128xf32, #tpu.memory_space<vmem_shared>>
      tpu.enqueue_indirect_dma source(%dma_start3A_57 : memref<5120x128xf32, #tpu.memory_space<vmem_shared>>) target(%arg11 : memref<128x128xf32, #tpu.memory_space<vmem>>) offsets(%dma_start3A_54 : memref<128xi32, #tpu.memory_space<vmem>>) semaphore(%arg13 : memref<!tpu.dma_semaphore, #tpu.memory_space<semaphore_mem>>)
      %dma_wait3A_58 = arith.constant 0 : i32
      %dma_wait3A_59 = arith.constant 0 : i32
      %dma_wait3A_60 = tpu.memref_slice %arg8[%dma_wait3A_58, %dma_wait3A_59] : memref<40x128xi32, #tpu.memory_space<vmem>> -> memref<1x128xi32, #tpu.memory_space<vmem>>
      %dma_wait3A_61 = tpu.memref_squeeze %dma_wait3A_60 : memref<1x128xi32, #tpu.memory_space<vmem>> -> memref<128xi32, #tpu.memory_space<vmem>>
      %dma_wait3A_62 = arith.constant 0 : i32
      %dma_wait3A_63 = arith.constant 0 : i32
      %dma_wait3A_64 = tpu.memref_slice %arg6[%dma_wait3A_62, %dma_wait3A_63] : memref<5120x128xf32, #tpu.memory_space<vmem_shared>> -> memref<5120x128xf32, #tpu.memory_space<vmem_shared>>
      tpu.wait_indirect_dma semaphore(%arg12 : memref<!tpu.dma_semaphore, #tpu.memory_space<semaphore_mem>>) src(%dma_wait3A_64 : memref<5120x128xf32, #tpu.memory_space<vmem_shared>>) dst(%arg10 : memref<128x128xf32, #tpu.memory_space<vmem>>)
      %dma_start3A_65 = arith.constant 2 : i32
      %dma_start3A_66 = arith.constant 0 : i32
      %dma_start3A_67 = tpu.memref_slice %arg8[%dma_start3A_65, %dma_start3A_66] : memref<40x128xi32, #tpu.memory_space<vmem>> -> memref<1x128xi32, #tpu.memory_space<vmem>>
      %dma_start3A_68 = tpu.memref_squeeze %dma_start3A_67 : memref<1x128xi32, #tpu.memory_space<vmem>> -> memref<128xi32, #tpu.memory_space<vmem>>
      %dma_start3A_69 = arith.constant 0 : i32
      %dma_start3A_70 = arith.constant 0 : i32
      %dma_start3A_71 = tpu.memref_slice %arg6[%dma_start3A_69, %dma_start3A_70] : memref<5120x128xf32, #tpu.memory_space<vmem_shared>> -> memref<5120x128xf32, #tpu.memory_space<vmem_shared>>
      tpu.enqueue_indirect_dma source(%dma_start3A_71 : memref<5120x128xf32, #tpu.memory_space<vmem_shared>>) target(%arg10 : memref<128x128xf32, #tpu.memory_space<vmem>>) offsets(%dma_start3A_68 : memref<128xi32, #tpu.memory_space<vmem>>) semaphore(%arg12 : memref<!tpu.dma_semaphore, #tpu.memory_space<semaphore_mem>>)
      %dma_wait3A_72 = arith.constant 1 : i32
      %dma_wait3A_73 = arith.constant 0 : i32
      %dma_wait3A_74 = tpu.memref_slice %arg8[%dma_wait3A_72, %dma_wait3A_73] : memref<40x128xi32, #tpu.memory_space<vmem>> -> memref<1x128xi32, #tpu.memory_space<vmem>>
      %dma_wait3A_75 = tpu.memref_squeeze %dma_wait3A_74 : memref<1x128xi32, #tpu.memory_space<vmem>> -> memref<128xi32, #tpu.memory_space<vmem>>
      %dma_wait3A_76 = arith.constant 0 : i32
      %dma_wait3A_77 = arith.constant 0 : i32
      %dma_wait3A_78 = tpu.memref_slice %arg6[%dma_wait3A_76, %dma_wait3A_77] : memref<5120x128xf32, #tpu.memory_space<vmem_shared>> -> memref<5120x128xf32, #tpu.memory_space<vmem_shared>>
      tpu.wait_indirect_dma semaphore(%arg13 : memref<!tpu.dma_semaphore, #tpu.memory_space<semaphore_mem>>) src(%dma_wait3A_78 : memref<5120x128xf32, #tpu.memory_space<vmem_shared>>) dst(%arg11 : memref<128x128xf32, #tpu.memory_space<vmem>>)
      %dma_start3A_79 = arith.constant 3 : i32
      %dma_start3A_80 = arith.constant 0 : i32
      %dma_start3A_81 = tpu.memref_slice %arg8[%dma_start3A_79, %dma_start3A_80] : memref<40x128xi32, #tpu.memory_space<vmem>> -> memref<1x128xi32, #tpu.memory_space<vmem>>
      %dma_start3A_82 = tpu.memref_squeeze %dma_start3A_81 : memref<1x128xi32, #tpu.memory_space<vmem>> -> memref<128xi32, #tpu.memory_space<vmem>>
      %dma_start3A_83 = arith.constant 0 : i32
      %dma_start3A_84 = arith.constant 0 : i32
      %dma_start3A_85 = tpu.memref_slice %arg6[%dma_start3A_83, %dma_start3A_84] : memref<5120x128xf32, #tpu.memory_space<vmem_shared>> -> memref<5120x128xf32, #tpu.memory_space<vmem_shared>>
      tpu.enqueue_indirect_dma source(%dma_start3A_85 : memref<5120x128xf32, #tpu.memory_space<vmem_shared>>) target(%arg11 : memref<128x128xf32, #tpu.memory_space<vmem>>) offsets(%dma_start3A_82 : memref<128xi32, #tpu.memory_space<vmem>>) semaphore(%arg13 : memref<!tpu.dma_semaphore, #tpu.memory_space<semaphore_mem>>)
      %dma_wait3A_86 = arith.constant 2 : i32
      %dma_wait3A_87 = arith.constant 0 : i32
      %dma_wait3A_88 = tpu.memref_slice %arg8[%dma_wait3A_86, %dma_wait3A_87] : memref<40x128xi32, #tpu.memory_space<vmem>> -> memref<1x128xi32, #tpu.memory_space<vmem>>
      %dma_wait3A_89 = tpu.memref_squeeze %dma_wait3A_88 : memref<1x128xi32, #tpu.memory_space<vmem>> -> memref<128xi32, #tpu.memory_space<vmem>>
      %dma_wait3A_90 = arith.constant 0 : i32
      %dma_wait3A_91 = arith.constant 0 : i32
      %dma_wait3A_92 = tpu.memref_slice %arg6[%dma_wait3A_90, %dma_wait3A_91] : memref<5120x128xf32, #tpu.memory_space<vmem_shared>> -> memref<5120x128xf32, #tpu.memory_space<vmem_shared>>
      tpu.wait_indirect_dma semaphore(%arg12 : memref<!tpu.dma_semaphore, #tpu.memory_space<semaphore_mem>>) src(%dma_wait3A_92 : memref<5120x128xf32, #tpu.memory_space<vmem_shared>>) dst(%arg10 : memref<128x128xf32, #tpu.memory_space<vmem>>)
      %dma_start3A_93 = arith.constant 4 : i32
      %dma_start3A_94 = arith.constant 0 : i32
      %dma_start3A_95 = tpu.memref_slice %arg8[%dma_start3A_93, %dma_start3A_94] : memref<40x128xi32, #tpu.memory_space<vmem>> -> memref<1x128xi32, #tpu.memory_space<vmem>>
      %dma_start3A_96 = tpu.memref_squeeze %dma_start3A_95 : memref<1x128xi32, #tpu.memory_space<vmem>> -> memref<128xi32, #tpu.memory_space<vmem>>
      %dma_start3A_97 = arith.constant 0 : i32
      %dma_start3A_98 = arith.constant 0 : i32
      %dma_start3A_99 = tpu.memref_slice %arg6[%dma_start3A_97, %dma_start3A_98] : memref<5120x128xf32, #tpu.memory_space<vmem_shared>> -> memref<5120x128xf32, #tpu.memory_space<vmem_shared>>
      tpu.enqueue_indirect_dma source(%dma_start3A_99 : memref<5120x128xf32, #tpu.memory_space<vmem_shared>>) target(%arg10 : memref<128x128xf32, #tpu.memory_space<vmem>>) offsets(%dma_start3A_96 : memref<128xi32, #tpu.memory_space<vmem>>) semaphore(%arg12 : memref<!tpu.dma_semaphore, #tpu.memory_space<semaphore_mem>>)
      %dma_wait3A_100 = arith.constant 3 : i32
      %dma_wait3A_101 = arith.constant 0 : i32
      %dma_wait3A_102 = tpu.memref_slice %arg8[%dma_wait3A_100, %dma_wait3A_101] : memref<40x128xi32, #tpu.memory_space<vmem>> -> memref<1x128xi32, #tpu.memory_space<vmem>>
      %dma_wait3A_103 = tpu.memref_squeeze %dma_wait3A_102 : memref<1x128xi32, #tpu.memory_space<vmem>> -> memref<128xi32, #tpu.memory_space<vmem>>
      %dma_wait3A_104 = arith.constant 0 : i32
      %dma_wait3A_105 = arith.constant 0 : i32
      %dma_wait3A_106 = tpu.memref_slice %arg6[%dma_wait3A_104, %dma_wait3A_105] : memref<5120x128xf32, #tpu.memory_space<vmem_shared>> -> memref<5120x128xf32, #tpu.memory_space<vmem_shared>>
      tpu.wait_indirect_dma semaphore(%arg13 : memref<!tpu.dma_semaphore, #tpu.memory_space<semaphore_mem>>) src(%dma_wait3A_106 : memref<5120x128xf32, #tpu.memory_space<vmem_shared>>) dst(%arg11 : memref<128x128xf32, #tpu.memory_space<vmem>>)
      %dma_start3A_107 = arith.constant 5 : i32
      %dma_start3A_108 = arith.constant 0 : i32
      %dma_start3A_109 = tpu.memref_slice %arg8[%dma_start3A_107, %dma_start3A_108] : memref<40x128xi32, #tpu.memory_space<vmem>> -> memref<1x128xi32, #tpu.memory_space<vmem>>
      %dma_start3A_110 = tpu.memref_squeeze %dma_start3A_109 : memref<1x128xi32, #tpu.memory_space<vmem>> -> memref<128xi32, #tpu.memory_space<vmem>>
      %dma_start3A_111 = arith.constant 0 : i32
      %dma_start3A_112 = arith.constant 0 : i32
      %dma_start3A_113 = tpu.memref_slice %arg6[%dma_start3A_111, %dma_start3A_112] : memref<5120x128xf32, #tpu.memory_space<vmem_shared>> -> memref<5120x128xf32, #tpu.memory_space<vmem_shared>>
      tpu.enqueue_indirect_dma source(%dma_start3A_113 : memref<5120x128xf32, #tpu.memory_space<vmem_shared>>) target(%arg11 : memref<128x128xf32, #tpu.memory_space<vmem>>) offsets(%dma_start3A_110 : memref<128xi32, #tpu.memory_space<vmem>>) semaphore(%arg13 : memref<!tpu.dma_semaphore, #tpu.memory_space<semaphore_mem>>)
      %dma_wait3A_114 = arith.constant 4 : i32
      %dma_wait3A_115 = arith.constant 0 : i32
      %dma_wait3A_116 = tpu.memref_slice %arg8[%dma_wait3A_114, %dma_wait3A_115] : memref<40x128xi32, #tpu.memory_space<vmem>> -> memref<1x128xi32, #tpu.memory_space<vmem>>
      %dma_wait3A_117 = tpu.memref_squeeze %dma_wait3A_116 : memref<1x128xi32, #tpu.memory_space<vmem>> -> memref<128xi32, #tpu.memory_space<vmem>>
      %dma_wait3A_118 = arith.constant 0 : i32
      %dma_wait3A_119 = arith.constant 0 : i32
      %dma_wait3A_120 = tpu.memref_slice %arg6[%dma_wait3A_118, %dma_wait3A_119] : memref<5120x128xf32, #tpu.memory_space<vmem_shared>> -> memref<5120x128xf32, #tpu.memory_space<vmem_shared>>
      tpu.wait_indirect_dma semaphore(%arg12 : memref<!tpu.dma_semaphore, #tpu.memory_space<semaphore_mem>>) src(%dma_wait3A_120 : memref<5120x128xf32, #tpu.memory_space<vmem_shared>>) dst(%arg10 : memref<128x128xf32, #tpu.memory_space<vmem>>)
      %dma_start3A_121 = arith.constant 6 : i32
      %dma_start3A_122 = arith.constant 0 : i32
      %dma_start3A_123 = tpu.memref_slice %arg8[%dma_start3A_121, %dma_start3A_122] : memref<40x128xi32, #tpu.memory_space<vmem>> -> memref<1x128xi32, #tpu.memory_space<vmem>>
      %dma_start3A_124 = tpu.memref_squeeze %dma_start3A_123 : memref<1x128xi32, #tpu.memory_space<vmem>> -> memref<128xi32, #tpu.memory_space<vmem>>
      %dma_start3A_125 = arith.constant 0 : i32
      %dma_start3A_126 = arith.constant 0 : i32
      %dma_start3A_127 = tpu.memref_slice %arg6[%dma_start3A_125, %dma_start3A_126] : memref<5120x128xf32, #tpu.memory_space<vmem_shared>> -> memref<5120x128xf32, #tpu.memory_space<vmem_shared>>
      tpu.enqueue_indirect_dma source(%dma_start3A_127 : memref<5120x128xf32, #tpu.memory_space<vmem_shared>>) target(%arg10 : memref<128x128xf32, #tpu.memory_space<vmem>>) offsets(%dma_start3A_124 : memref<128xi32, #tpu.memory_space<vmem>>) semaphore(%arg12 : memref<!tpu.dma_semaphore, #tpu.memory_space<semaphore_mem>>)
      %dma_wait3A_128 = arith.constant 5 : i32
      %dma_wait3A_129 = arith.constant 0 : i32
      %dma_wait3A_130 = tpu.memref_slice %arg8[%dma_wait3A_128, %dma_wait3A_129] : memref<40x128xi32, #tpu.memory_space<vmem>> -> memref<1x128xi32, #tpu.memory_space<vmem>>
      %dma_wait3A_131 = tpu.memref_squeeze %dma_wait3A_130 : memref<1x128xi32, #tpu.memory_space<vmem>> -> memref<128xi32, #tpu.memory_space<vmem>>
      %dma_wait3A_132 = arith.constant 0 : i32
      %dma_wait3A_133 = arith.constant 0 : i32
      %dma_wait3A_134 = tpu.memref_slice %arg6[%dma_wait3A_132, %dma_wait3A_133] : memref<5120x128xf32, #tpu.memory_space<vmem_shared>> -> memref<5120x128xf32, #tpu.memory_space<vmem_shared>>
      tpu.wait_indirect_dma semaphore(%arg13 : memref<!tpu.dma_semaphore, #tpu.memory_space<semaphore_mem>>) src(%dma_wait3A_134 : memref<5120x128xf32, #tpu.memory_space<vmem_shared>>) dst(%arg11 : memref<128x128xf32, #tpu.memory_space<vmem>>)
      %dma_start3A_135 = arith.constant 7 : i32
      %dma_start3A_136 = arith.constant 0 : i32
      %dma_start3A_137 = tpu.memref_slice %arg8[%dma_start3A_135, %dma_start3A_136] : memref<40x128xi32, #tpu.memory_space<vmem>> -> memref<1x128xi32, #tpu.memory_space<vmem>>
      %dma_start3A_138 = tpu.memref_squeeze %dma_start3A_137 : memref<1x128xi32, #tpu.memory_space<vmem>> -> memref<128xi32, #tpu.memory_space<vmem>>
      %dma_start3A_139 = arith.constant 0 : i32
      %dma_start3A_140 = arith.constant 0 : i32
      %dma_start3A_141 = tpu.memref_slice %arg6[%dma_start3A_139, %dma_start3A_140] : memref<5120x128xf32, #tpu.memory_space<vmem_shared>> -> memref<5120x128xf32, #tpu.memory_space<vmem_shared>>
      tpu.enqueue_indirect_dma source(%dma_start3A_141 : memref<5120x128xf32, #tpu.memory_space<vmem_shared>>) target(%arg11 : memref<128x128xf32, #tpu.memory_space<vmem>>) offsets(%dma_start3A_138 : memref<128xi32, #tpu.memory_space<vmem>>) semaphore(%arg13 : memref<!tpu.dma_semaphore, #tpu.memory_space<semaphore_mem>>)
      %dma_wait3A_142 = arith.constant 6 : i32
      %dma_wait3A_143 = arith.constant 0 : i32
      %dma_wait3A_144 = tpu.memref_slice %arg8[%dma_wait3A_142, %dma_wait3A_143] : memref<40x128xi32, #tpu.memory_space<vmem>> -> memref<1x128xi32, #tpu.memory_space<vmem>>
      %dma_wait3A_145 = tpu.memref_squeeze %dma_wait3A_144 : memref<1x128xi32, #tpu.memory_space<vmem>> -> memref<128xi32, #tpu.memory_space<vmem>>
      %dma_wait3A_146 = arith.constant 0 : i32
      %dma_wait3A_147 = arith.constant 0 : i32
      %dma_wait3A_148 = tpu.memref_slice %arg6[%dma_wait3A_146, %dma_wait3A_147] : memref<5120x128xf32, #tpu.memory_space<vmem_shared>> -> memref<5120x128xf32, #tpu.memory_space<vmem_shared>>
      tpu.wait_indirect_dma semaphore(%arg12 : memref<!tpu.dma_semaphore, #tpu.memory_space<semaphore_mem>>) src(%dma_wait3A_148 : memref<5120x128xf32, #tpu.memory_space<vmem_shared>>) dst(%arg10 : memref<128x128xf32, #tpu.memory_space<vmem>>)
      %dma_start3A_149 = arith.constant 8 : i32
      %dma_start3A_150 = arith.constant 0 : i32
      %dma_start3A_151 = tpu.memref_slice %arg8[%dma_start3A_149, %dma_start3A_150] : memref<40x128xi32, #tpu.memory_space<vmem>> -> memref<1x128xi32, #tpu.memory_space<vmem>>
      %dma_start3A_152 = tpu.memref_squeeze %dma_start3A_151 : memref<1x128xi32, #tpu.memory_space<vmem>> -> memref<128xi32, #tpu.memory_space<vmem>>
      %dma_start3A_153 = arith.constant 0 : i32
      %dma_start3A_154 = arith.constant 0 : i32
      %dma_start3A_155 = tpu.memref_slice %arg6[%dma_start3A_153, %dma_start3A_154] : memref<5120x128xf32, #tpu.memory_space<vmem_shared>> -> memref<5120x128xf32, #tpu.memory_space<vmem_shared>>
      tpu.enqueue_indirect_dma source(%dma_start3A_155 : memref<5120x128xf32, #tpu.memory_space<vmem_shared>>) target(%arg10 : memref<128x128xf32, #tpu.memory_space<vmem>>) offsets(%dma_start3A_152 : memref<128xi32, #tpu.memory_space<vmem>>) semaphore(%arg12 : memref<!tpu.dma_semaphore, #tpu.memory_space<semaphore_mem>>)
      %dma_wait3A_156 = arith.constant 7 : i32
      %dma_wait3A_157 = arith.constant 0 : i32
      %dma_wait3A_158 = tpu.memref_slice %arg8[%dma_wait3A_156, %dma_wait3A_157] : memref<40x128xi32, #tpu.memory_space<vmem>> -> memref<1x128xi32, #tpu.memory_space<vmem>>
      %dma_wait3A_159 = tpu.memref_squeeze %dma_wait3A_158 : memref<1x128xi32, #tpu.memory_space<vmem>> -> memref<128xi32, #tpu.memory_space<vmem>>
      %dma_wait3A_160 = arith.constant 0 : i32
      %dma_wait3A_161 = arith.constant 0 : i32
      %dma_wait3A_162 = tpu.memref_slice %arg6[%dma_wait3A_160, %dma_wait3A_161] : memref<5120x128xf32, #tpu.memory_space<vmem_shared>> -> memref<5120x128xf32, #tpu.memory_space<vmem_shared>>
      tpu.wait_indirect_dma semaphore(%arg13 : memref<!tpu.dma_semaphore, #tpu.memory_space<semaphore_mem>>) src(%dma_wait3A_162 : memref<5120x128xf32, #tpu.memory_space<vmem_shared>>) dst(%arg11 : memref<128x128xf32, #tpu.memory_space<vmem>>)
      %dma_start3A_163 = arith.constant 9 : i32
      %dma_start3A_164 = arith.constant 0 : i32
      %dma_start3A_165 = tpu.memref_slice %arg8[%dma_start3A_163, %dma_start3A_164] : memref<40x128xi32, #tpu.memory_space<vmem>> -> memref<1x128xi32, #tpu.memory_space<vmem>>
      %dma_start3A_166 = tpu.memref_squeeze %dma_start3A_165 : memref<1x128xi32, #tpu.memory_space<vmem>> -> memref<128xi32, #tpu.memory_space<vmem>>
      %dma_start3A_167 = arith.constant 0 : i32
      %dma_start3A_168 = arith.constant 0 : i32
      %dma_start3A_169 = tpu.memref_slice %arg6[%dma_start3A_167, %dma_start3A_168] : memref<5120x128xf32, #tpu.memory_space<vmem_shared>> -> memref<5120x128xf32, #tpu.memory_space<vmem_shared>>
      tpu.enqueue_indirect_dma source(%dma_start3A_169 : memref<5120x128xf32, #tpu.memory_space<vmem_shared>>) target(%arg11 : memref<128x128xf32, #tpu.memory_space<vmem>>) offsets(%dma_start3A_166 : memref<128xi32, #tpu.memory_space<vmem>>) semaphore(%arg13 : memref<!tpu.dma_semaphore, #tpu.memory_space<semaphore_mem>>)
      %dma_wait3A_170 = arith.constant 8 : i32
      %dma_wait3A_171 = arith.constant 0 : i32
      %dma_wait3A_172 = tpu.memref_slice %arg8[%dma_wait3A_170, %dma_wait3A_171] : memref<40x128xi32, #tpu.memory_space<vmem>> -> memref<1x128xi32, #tpu.memory_space<vmem>>
      %dma_wait3A_173 = tpu.memref_squeeze %dma_wait3A_172 : memref<1x128xi32, #tpu.memory_space<vmem>> -> memref<128xi32, #tpu.memory_space<vmem>>
      %dma_wait3A_174 = arith.constant 0 : i32
      %dma_wait3A_175 = arith.constant 0 : i32
      %dma_wait3A_176 = tpu.memref_slice %arg6[%dma_wait3A_174, %dma_wait3A_175] : memref<5120x128xf32, #tpu.memory_space<vmem_shared>> -> memref<5120x128xf32, #tpu.memory_space<vmem_shared>>
      tpu.wait_indirect_dma semaphore(%arg12 : memref<!tpu.dma_semaphore, #tpu.memory_space<semaphore_mem>>) src(%dma_wait3A_176 : memref<5120x128xf32, #tpu.memory_space<vmem_shared>>) dst(%arg10 : memref<128x128xf32, #tpu.memory_space<vmem>>)
      %dma_start3A_177 = arith.constant 10 : i32
      %dma_start3A_178 = arith.constant 0 : i32
      %dma_start3A_179 = tpu.memref_slice %arg8[%dma_start3A_177, %dma_start3A_178] : memref<40x128xi32, #tpu.memory_space<vmem>> -> memref<1x128xi32, #tpu.memory_space<vmem>>
      %dma_start3A_180 = tpu.memref_squeeze %dma_start3A_179 : memref<1x128xi32, #tpu.memory_space<vmem>> -> memref<128xi32, #tpu.memory_space<vmem>>
      %dma_start3A_181 = arith.constant 0 : i32
      %dma_start3A_182 = arith.constant 0 : i32
      %dma_start3A_183 = tpu.memref_slice %arg6[%dma_start3A_181, %dma_start3A_182] : memref<5120x128xf32, #tpu.memory_space<vmem_shared>> -> memref<5120x128xf32, #tpu.memory_space<vmem_shared>>
      tpu.enqueue_indirect_dma source(%dma_start3A_183 : memref<5120x128xf32, #tpu.memory_space<vmem_shared>>) target(%arg10 : memref<128x128xf32, #tpu.memory_space<vmem>>) offsets(%dma_start3A_180 : memref<128xi32, #tpu.memory_space<vmem>>) semaphore(%arg12 : memref<!tpu.dma_semaphore, #tpu.memory_space<semaphore_mem>>)
      %dma_wait3A_184 = arith.constant 9 : i32
      %dma_wait3A_185 = arith.constant 0 : i32
      %dma_wait3A_186 = tpu.memref_slice %arg8[%dma_wait3A_184, %dma_wait3A_185] : memref<40x128xi32, #tpu.memory_space<vmem>> -> memref<1x128xi32, #tpu.memory_space<vmem>>
      %dma_wait3A_187 = tpu.memref_squeeze %dma_wait3A_186 : memref<1x128xi32, #tpu.memory_space<vmem>> -> memref<128xi32, #tpu.memory_space<vmem>>
      %dma_wait3A_188 = arith.constant 0 : i32
      %dma_wait3A_189 = arith.constant 0 : i32
      %dma_wait3A_190 = tpu.memref_slice %arg6[%dma_wait3A_188, %dma_wait3A_189] : memref<5120x128xf32, #tpu.memory_space<vmem_shared>> -> memref<5120x128xf32, #tpu.memory_space<vmem_shared>>
      tpu.wait_indirect_dma semaphore(%arg13 : memref<!tpu.dma_semaphore, #tpu.memory_space<semaphore_mem>>) src(%dma_wait3A_190 : memref<5120x128xf32, #tpu.memory_space<vmem_shared>>) dst(%arg11 : memref<128x128xf32, #tpu.memory_space<vmem>>)
      %dma_start3A_191 = arith.constant 11 : i32
      %dma_start3A_192 = arith.constant 0 : i32
      %dma_start3A_193 = tpu.memref_slice %arg8[%dma_start3A_191, %dma_start3A_192] : memref<40x128xi32, #tpu.memory_space<vmem>> -> memref<1x128xi32, #tpu.memory_space<vmem>>
      %dma_start3A_194 = tpu.memref_squeeze %dma_start3A_193 : memref<1x128xi32, #tpu.memory_space<vmem>> -> memref<128xi32, #tpu.memory_space<vmem>>
      %dma_start3A_195 = arith.constant 0 : i32
      %dma_start3A_196 = arith.constant 0 : i32
      %dma_start3A_197 = tpu.memref_slice %arg6[%dma_start3A_195, %dma_start3A_196] : memref<5120x128xf32, #tpu.memory_space<vmem_shared>> -> memref<5120x128xf32, #tpu.memory_space<vmem_shared>>
      tpu.enqueue_indirect_dma source(%dma_start3A_197 : memref<5120x128xf32, #tpu.memory_space<vmem_shared>>) target(%arg11 : memref<128x128xf32, #tpu.memory_space<vmem>>) offsets(%dma_start3A_194 : memref<128xi32, #tpu.memory_space<vmem>>) semaphore(%arg13 : memref<!tpu.dma_semaphore, #tpu.memory_space<semaphore_mem>>)
      %dma_wait3A_198 = arith.constant 10 : i32
      %dma_wait3A_199 = arith.constant 0 : i32
      %dma_wait3A_200 = tpu.memref_slice %arg8[%dma_wait3A_198, %dma_wait3A_199] : memref<40x128xi32, #tpu.memory_space<vmem>> -> memref<1x128xi32, #tpu.memory_space<vmem>>
      %dma_wait3A_201 = tpu.memref_squeeze %dma_wait3A_200 : memref<1x128xi32, #tpu.memory_space<vmem>> -> memref<128xi32, #tpu.memory_space<vmem>>
      %dma_wait3A_202 = arith.constant 0 : i32
      %dma_wait3A_203 = arith.constant 0 : i32
      %dma_wait3A_204 = tpu.memref_slice %arg6[%dma_wait3A_202, %dma_wait3A_203] : memref<5120x128xf32, #tpu.memory_space<vmem_shared>> -> memref<5120x128xf32, #tpu.memory_space<vmem_shared>>
      tpu.wait_indirect_dma semaphore(%arg12 : memref<!tpu.dma_semaphore, #tpu.memory_space<semaphore_mem>>) src(%dma_wait3A_204 : memref<5120x128xf32, #tpu.memory_space<vmem_shared>>) dst(%arg10 : memref<128x128xf32, #tpu.memory_space<vmem>>)
      %dma_start3A_205 = arith.constant 12 : i32
      %dma_start3A_206 = arith.constant 0 : i32
      %dma_start3A_207 = tpu.memref_slice %arg8[%dma_start3A_205, %dma_start3A_206] : memref<40x128xi32, #tpu.memory_space<vmem>> -> memref<1x128xi32, #tpu.memory_space<vmem>>
      %dma_start3A_208 = tpu.memref_squeeze %dma_start3A_207 : memref<1x128xi32, #tpu.memory_space<vmem>> -> memref<128xi32, #tpu.memory_space<vmem>>
      %dma_start3A_209 = arith.constant 0 : i32
      %dma_start3A_210 = arith.constant 0 : i32
      %dma_start3A_211 = tpu.memref_slice %arg6[%dma_start3A_209, %dma_start3A_210] : memref<5120x128xf32, #tpu.memory_space<vmem_shared>> -> memref<5120x128xf32, #tpu.memory_space<vmem_shared>>
      tpu.enqueue_indirect_dma source(%dma_start3A_211 : memref<5120x128xf32, #tpu.memory_space<vmem_shared>>) target(%arg10 : memref<128x128xf32, #tpu.memory_space<vmem>>) offsets(%dma_start3A_208 : memref<128xi32, #tpu.memory_space<vmem>>) semaphore(%arg12 : memref<!tpu.dma_semaphore, #tpu.memory_space<semaphore_mem>>)
      %dma_wait3A_212 = arith.constant 11 : i32
      %dma_wait3A_213 = arith.constant 0 : i32
      %dma_wait3A_214 = tpu.memref_slice %arg8[%dma_wait3A_212, %dma_wait3A_213] : memref<40x128xi32, #tpu.memory_space<vmem>> -> memref<1x128xi32, #tpu.memory_space<vmem>>
      %dma_wait3A_215 = tpu.memref_squeeze %dma_wait3A_214 : memref<1x128xi32, #tpu.memory_space<vmem>> -> memref<128xi32, #tpu.memory_space<vmem>>
      %dma_wait3A_216 = arith.constant 0 : i32
      %dma_wait3A_217 = arith.constant 0 : i32
      %dma_wait3A_218 = tpu.memref_slice %arg6[%dma_wait3A_216, %dma_wait3A_217] : memref<5120x128xf32, #tpu.memory_space<vmem_shared>> -> memref<5120x128xf32, #tpu.memory_space<vmem_shared>>
      tpu.wait_indirect_dma semaphore(%arg13 : memref<!tpu.dma_semaphore, #tpu.memory_space<semaphore_mem>>) src(%dma_wait3A_218 : memref<5120x128xf32, #tpu.memory_space<vmem_shared>>) dst(%arg11 : memref<128x128xf32, #tpu.memory_space<vmem>>)
      %dma_start3A_219 = arith.constant 13 : i32
      %dma_start3A_220 = arith.constant 0 : i32
      %dma_start3A_221 = tpu.memref_slice %arg8[%dma_start3A_219, %dma_start3A_220] : memref<40x128xi32, #tpu.memory_space<vmem>> -> memref<1x128xi32, #tpu.memory_space<vmem>>
      %dma_start3A_222 = tpu.memref_squeeze %dma_start3A_221 : memref<1x128xi32, #tpu.memory_space<vmem>> -> memref<128xi32, #tpu.memory_space<vmem>>
      %dma_start3A_223 = arith.constant 0 : i32
      %dma_start3A_224 = arith.constant 0 : i32
      %dma_start3A_225 = tpu.memref_slice %arg6[%dma_start3A_223, %dma_start3A_224] : memref<5120x128xf32, #tpu.memory_space<vmem_shared>> -> memref<5120x128xf32, #tpu.memory_space<vmem_shared>>
      tpu.enqueue_indirect_dma source(%dma_start3A_225 : memref<5120x128xf32, #tpu.memory_space<vmem_shared>>) target(%arg11 : memref<128x128xf32, #tpu.memory_space<vmem>>) offsets(%dma_start3A_222 : memref<128xi32, #tpu.memory_space<vmem>>) semaphore(%arg13 : memref<!tpu.dma_semaphore, #tpu.memory_space<semaphore_mem>>)
      %dma_wait3A_226 = arith.constant 12 : i32
      %dma_wait3A_227 = arith.constant 0 : i32
      %dma_wait3A_228 = tpu.memref_slice %arg8[%dma_wait3A_226, %dma_wait3A_227] : memref<40x128xi32, #tpu.memory_space<vmem>> -> memref<1x128xi32, #tpu.memory_space<vmem>>
      %dma_wait3A_229 = tpu.memref_squeeze %dma_wait3A_228 : memref<1x128xi32, #tpu.memory_space<vmem>> -> memref<128xi32, #tpu.memory_space<vmem>>
      %dma_wait3A_230 = arith.constant 0 : i32
      %dma_wait3A_231 = arith.constant 0 : i32
      %dma_wait3A_232 = tpu.memref_slice %arg6[%dma_wait3A_230, %dma_wait3A_231] : memref<5120x128xf32, #tpu.memory_space<vmem_shared>> -> memref<5120x128xf32, #tpu.memory_space<vmem_shared>>
      tpu.wait_indirect_dma semaphore(%arg12 : memref<!tpu.dma_semaphore, #tpu.memory_space<semaphore_mem>>) src(%dma_wait3A_232 : memref<5120x128xf32, #tpu.memory_space<vmem_shared>>) dst(%arg10 : memref<128x128xf32, #tpu.memory_space<vmem>>)
      %dma_start3A_233 = arith.constant 14 : i32
      %dma_start3A_234 = arith.constant 0 : i32
      %dma_start3A_235 = tpu.memref_slice %arg8[%dma_start3A_233, %dma_start3A_234] : memref<40x128xi32, #tpu.memory_space<vmem>> -> memref<1x128xi32, #tpu.memory_space<vmem>>
      %dma_start3A_236 = tpu.memref_squeeze %dma_start3A_235 : memref<1x128xi32, #tpu.memory_space<vmem>> -> memref<128xi32, #tpu.memory_space<vmem>>
      %dma_start3A_237 = arith.constant 0 : i32
      %dma_start3A_238 = arith.constant 0 : i32
      %dma_start3A_239 = tpu.memref_slice %arg6[%dma_start3A_237, %dma_start3A_238] : memref<5120x128xf32, #tpu.memory_space<vmem_shared>> -> memref<5120x128xf32, #tpu.memory_space<vmem_shared>>
      tpu.enqueue_indirect_dma source(%dma_start3A_239 : memref<5120x128xf32, #tpu.memory_space<vmem_shared>>) target(%arg10 : memref<128x128xf32, #tpu.memory_space<vmem>>) offsets(%dma_start3A_236 : memref<128xi32, #tpu.memory_space<vmem>>) semaphore(%arg12 : memref<!tpu.dma_semaphore, #tpu.memory_space<semaphore_mem>>)
      %dma_wait3A_240 = arith.constant 13 : i32
      %dma_wait3A_241 = arith.constant 0 : i32
      %dma_wait3A_242 = tpu.memref_slice %arg8[%dma_wait3A_240, %dma_wait3A_241] : memref<40x128xi32, #tpu.memory_space<vmem>> -> memref<1x128xi32, #tpu.memory_space<vmem>>
      %dma_wait3A_243 = tpu.memref_squeeze %dma_wait3A_242 : memref<1x128xi32, #tpu.memory_space<vmem>> -> memref<128xi32, #tpu.memory_space<vmem>>
      %dma_wait3A_244 = arith.constant 0 : i32
      %dma_wait3A_245 = arith.constant 0 : i32
      %dma_wait3A_246 = tpu.memref_slice %arg6[%dma_wait3A_244, %dma_wait3A_245] : memref<5120x128xf32, #tpu.memory_space<vmem_shared>> -> memref<5120x128xf32, #tpu.memory_space<vmem_shared>>
      tpu.wait_indirect_dma semaphore(%arg13 : memref<!tpu.dma_semaphore, #tpu.memory_space<semaphore_mem>>) src(%dma_wait3A_246 : memref<5120x128xf32, #tpu.memory_space<vmem_shared>>) dst(%arg11 : memref<128x128xf32, #tpu.memory_space<vmem>>)
      %dma_start3A_247 = arith.constant 15 : i32
      %dma_start3A_248 = arith.constant 0 : i32
      %dma_start3A_249 = tpu.memref_slice %arg8[%dma_start3A_247, %dma_start3A_248] : memref<40x128xi32, #tpu.memory_space<vmem>> -> memref<1x128xi32, #tpu.memory_space<vmem>>
      %dma_start3A_250 = tpu.memref_squeeze %dma_start3A_249 : memref<1x128xi32, #tpu.memory_space<vmem>> -> memref<128xi32, #tpu.memory_space<vmem>>
      %dma_start3A_251 = arith.constant 0 : i32
      %dma_start3A_252 = arith.constant 0 : i32
      %dma_start3A_253 = tpu.memref_slice %arg6[%dma_start3A_251, %dma_start3A_252] : memref<5120x128xf32, #tpu.memory_space<vmem_shared>> -> memref<5120x128xf32, #tpu.memory_space<vmem_shared>>
      tpu.enqueue_indirect_dma source(%dma_start3A_253 : memref<5120x128xf32, #tpu.memory_space<vmem_shared>>) target(%arg11 : memref<128x128xf32, #tpu.memory_space<vmem>>) offsets(%dma_start3A_250 : memref<128xi32, #tpu.memory_space<vmem>>) semaphore(%arg13 : memref<!tpu.dma_semaphore, #tpu.memory_space<semaphore_mem>>)
      %dma_wait3A_254 = arith.constant 14 : i32
      %dma_wait3A_255 = arith.constant 0 : i32
      %dma_wait3A_256 = tpu.memref_slice %arg8[%dma_wait3A_254, %dma_wait3A_255] : memref<40x128xi32, #tpu.memory_space<vmem>> -> memref<1x128xi32, #tpu.memory_space<vmem>>
      %dma_wait3A_257 = tpu.memref_squeeze %dma_wait3A_256 : memref<1x128xi32, #tpu.memory_space<vmem>> -> memref<128xi32, #tpu.memory_space<vmem>>
      %dma_wait3A_258 = arith.constant 0 : i32
      %dma_wait3A_259 = arith.constant 0 : i32
      %dma_wait3A_260 = tpu.memref_slice %arg6[%dma_wait3A_258, %dma_wait3A_259] : memref<5120x128xf32, #tpu.memory_space<vmem_shared>> -> memref<5120x128xf32, #tpu.memory_space<vmem_shared>>
      tpu.wait_indirect_dma semaphore(%arg12 : memref<!tpu.dma_semaphore, #tpu.memory_space<semaphore_mem>>) src(%dma_wait3A_260 : memref<5120x128xf32, #tpu.memory_space<vmem_shared>>) dst(%arg10 : memref<128x128xf32, #tpu.memory_space<vmem>>)
      %dma_start3A_261 = arith.constant 16 : i32
      %dma_start3A_262 = arith.constant 0 : i32
      %dma_start3A_263 = tpu.memref_slice %arg8[%dma_start3A_261, %dma_start3A_262] : memref<40x128xi32, #tpu.memory_space<vmem>> -> memref<1x128xi32, #tpu.memory_space<vmem>>
      %dma_start3A_264 = tpu.memref_squeeze %dma_start3A_263 : memref<1x128xi32, #tpu.memory_space<vmem>> -> memref<128xi32, #tpu.memory_space<vmem>>
      %dma_start3A_265 = arith.constant 0 : i32
      %dma_start3A_266 = arith.constant 0 : i32
      %dma_start3A_267 = tpu.memref_slice %arg6[%dma_start3A_265, %dma_start3A_266] : memref<5120x128xf32, #tpu.memory_space<vmem_shared>> -> memref<5120x128xf32, #tpu.memory_space<vmem_shared>>
      tpu.enqueue_indirect_dma source(%dma_start3A_267 : memref<5120x128xf32, #tpu.memory_space<vmem_shared>>) target(%arg10 : memref<128x128xf32, #tpu.memory_space<vmem>>) offsets(%dma_start3A_264 : memref<128xi32, #tpu.memory_space<vmem>>) semaphore(%arg12 : memref<!tpu.dma_semaphore, #tpu.memory_space<semaphore_mem>>)
      %dma_wait3A_268 = arith.constant 15 : i32
      %dma_wait3A_269 = arith.constant 0 : i32
      %dma_wait3A_270 = tpu.memref_slice %arg8[%dma_wait3A_268, %dma_wait3A_269] : memref<40x128xi32, #tpu.memory_space<vmem>> -> memref<1x128xi32, #tpu.memory_space<vmem>>
      %dma_wait3A_271 = tpu.memref_squeeze %dma_wait3A_270 : memref<1x128xi32, #tpu.memory_space<vmem>> -> memref<128xi32, #tpu.memory_space<vmem>>
      %dma_wait3A_272 = arith.constant 0 : i32
      %dma_wait3A_273 = arith.constant 0 : i32
      %dma_wait3A_274 = tpu.memref_slice %arg6[%dma_wait3A_272, %dma_wait3A_273] : memref<5120x128xf32, #tpu.memory_space<vmem_shared>> -> memref<5120x128xf32, #tpu.memory_space<vmem_shared>>
      tpu.wait_indirect_dma semaphore(%arg13 : memref<!tpu.dma_semaphore, #tpu.memory_space<semaphore_mem>>) src(%dma_wait3A_274 : memref<5120x128xf32, #tpu.memory_space<vmem_shared>>) dst(%arg11 : memref<128x128xf32, #tpu.memory_space<vmem>>)
      %dma_start3A_275 = arith.constant 17 : i32
      %dma_start3A_276 = arith.constant 0 : i32
      %dma_start3A_277 = tpu.memref_slice %arg8[%dma_start3A_275, %dma_start3A_276] : memref<40x128xi32, #tpu.memory_space<vmem>> -> memref<1x128xi32, #tpu.memory_space<vmem>>
      %dma_start3A_278 = tpu.memref_squeeze %dma_start3A_277 : memref<1x128xi32, #tpu.memory_space<vmem>> -> memref<128xi32, #tpu.memory_space<vmem>>
      %dma_start3A_279 = arith.constant 0 : i32
      %dma_start3A_280 = arith.constant 0 : i32
      %dma_start3A_281 = tpu.memref_slice %arg6[%dma_start3A_279, %dma_start3A_280] : memref<5120x128xf32, #tpu.memory_space<vmem_shared>> -> memref<5120x128xf32, #tpu.memory_space<vmem_shared>>
      tpu.enqueue_indirect_dma source(%dma_start3A_281 : memref<5120x128xf32, #tpu.memory_space<vmem_shared>>) target(%arg11 : memref<128x128xf32, #tpu.memory_space<vmem>>) offsets(%dma_start3A_278 : memref<128xi32, #tpu.memory_space<vmem>>) semaphore(%arg13 : memref<!tpu.dma_semaphore, #tpu.memory_space<semaphore_mem>>)
      %dma_wait3A_282 = arith.constant 16 : i32
      %dma_wait3A_283 = arith.constant 0 : i32
      %dma_wait3A_284 = tpu.memref_slice %arg8[%dma_wait3A_282, %dma_wait3A_283] : memref<40x128xi32, #tpu.memory_space<vmem>> -> memref<1x128xi32, #tpu.memory_space<vmem>>
      %dma_wait3A_285 = tpu.memref_squeeze %dma_wait3A_284 : memref<1x128xi32, #tpu.memory_space<vmem>> -> memref<128xi32, #tpu.memory_space<vmem>>
      %dma_wait3A_286 = arith.constant 0 : i32
      %dma_wait3A_287 = arith.constant 0 : i32
      %dma_wait3A_288 = tpu.memref_slice %arg6[%dma_wait3A_286, %dma_wait3A_287] : memref<5120x128xf32, #tpu.memory_space<vmem_shared>> -> memref<5120x128xf32, #tpu.memory_space<vmem_shared>>
      tpu.wait_indirect_dma semaphore(%arg12 : memref<!tpu.dma_semaphore, #tpu.memory_space<semaphore_mem>>) src(%dma_wait3A_288 : memref<5120x128xf32, #tpu.memory_space<vmem_shared>>) dst(%arg10 : memref<128x128xf32, #tpu.memory_space<vmem>>)
      %dma_start3A_289 = arith.constant 18 : i32
      %dma_start3A_290 = arith.constant 0 : i32
      %dma_start3A_291 = tpu.memref_slice %arg8[%dma_start3A_289, %dma_start3A_290] : memref<40x128xi32, #tpu.memory_space<vmem>> -> memref<1x128xi32, #tpu.memory_space<vmem>>
      %dma_start3A_292 = tpu.memref_squeeze %dma_start3A_291 : memref<1x128xi32, #tpu.memory_space<vmem>> -> memref<128xi32, #tpu.memory_space<vmem>>
      %dma_start3A_293 = arith.constant 0 : i32
      %dma_start3A_294 = arith.constant 0 : i32
      %dma_start3A_295 = tpu.memref_slice %arg6[%dma_start3A_293, %dma_start3A_294] : memref<5120x128xf32, #tpu.memory_space<vmem_shared>> -> memref<5120x128xf32, #tpu.memory_space<vmem_shared>>
      tpu.enqueue_indirect_dma source(%dma_start3A_295 : memref<5120x128xf32, #tpu.memory_space<vmem_shared>>) target(%arg10 : memref<128x128xf32, #tpu.memory_space<vmem>>) offsets(%dma_start3A_292 : memref<128xi32, #tpu.memory_space<vmem>>) semaphore(%arg12 : memref<!tpu.dma_semaphore, #tpu.memory_space<semaphore_mem>>)
      %dma_wait3A_296 = arith.constant 17 : i32
      %dma_wait3A_297 = arith.constant 0 : i32
      %dma_wait3A_298 = tpu.memref_slice %arg8[%dma_wait3A_296, %dma_wait3A_297] : memref<40x128xi32, #tpu.memory_space<vmem>> -> memref<1x128xi32, #tpu.memory_space<vmem>>
      %dma_wait3A_299 = tpu.memref_squeeze %dma_wait3A_298 : memref<1x128xi32, #tpu.memory_space<vmem>> -> memref<128xi32, #tpu.memory_space<vmem>>
      %dma_wait3A_300 = arith.constant 0 : i32
      %dma_wait3A_301 = arith.constant 0 : i32
      %dma_wait3A_302 = tpu.memref_slice %arg6[%dma_wait3A_300, %dma_wait3A_301] : memref<5120x128xf32, #tpu.memory_space<vmem_shared>> -> memref<5120x128xf32, #tpu.memory_space<vmem_shared>>
      tpu.wait_indirect_dma semaphore(%arg13 : memref<!tpu.dma_semaphore, #tpu.memory_space<semaphore_mem>>) src(%dma_wait3A_302 : memref<5120x128xf32, #tpu.memory_space<vmem_shared>>) dst(%arg11 : memref<128x128xf32, #tpu.memory_space<vmem>>)
      %dma_start3A_303 = arith.constant 19 : i32
      %dma_start3A_304 = arith.constant 0 : i32
      %dma_start3A_305 = tpu.memref_slice %arg8[%dma_start3A_303, %dma_start3A_304] : memref<40x128xi32, #tpu.memory_space<vmem>> -> memref<1x128xi32, #tpu.memory_space<vmem>>
      %dma_start3A_306 = tpu.memref_squeeze %dma_start3A_305 : memref<1x128xi32, #tpu.memory_space<vmem>> -> memref<128xi32, #tpu.memory_space<vmem>>
      %dma_start3A_307 = arith.constant 0 : i32
      %dma_start3A_308 = arith.constant 0 : i32
      %dma_start3A_309 = tpu.memref_slice %arg6[%dma_start3A_307, %dma_start3A_308] : memref<5120x128xf32, #tpu.memory_space<vmem_shared>> -> memref<5120x128xf32, #tpu.memory_space<vmem_shared>>
      tpu.enqueue_indirect_dma source(%dma_start3A_309 : memref<5120x128xf32, #tpu.memory_space<vmem_shared>>) target(%arg11 : memref<128x128xf32, #tpu.memory_space<vmem>>) offsets(%dma_start3A_306 : memref<128xi32, #tpu.memory_space<vmem>>) semaphore(%arg13 : memref<!tpu.dma_semaphore, #tpu.memory_space<semaphore_mem>>)
      %dma_wait3A_310 = arith.constant 18 : i32
      %dma_wait3A_311 = arith.constant 0 : i32
      %dma_wait3A_312 = tpu.memref_slice %arg8[%dma_wait3A_310, %dma_wait3A_311] : memref<40x128xi32, #tpu.memory_space<vmem>> -> memref<1x128xi32, #tpu.memory_space<vmem>>
      %dma_wait3A_313 = tpu.memref_squeeze %dma_wait3A_312 : memref<1x128xi32, #tpu.memory_space<vmem>> -> memref<128xi32, #tpu.memory_space<vmem>>
      %dma_wait3A_314 = arith.constant 0 : i32
      %dma_wait3A_315 = arith.constant 0 : i32
      %dma_wait3A_316 = tpu.memref_slice %arg6[%dma_wait3A_314, %dma_wait3A_315] : memref<5120x128xf32, #tpu.memory_space<vmem_shared>> -> memref<5120x128xf32, #tpu.memory_space<vmem_shared>>
      tpu.wait_indirect_dma semaphore(%arg12 : memref<!tpu.dma_semaphore, #tpu.memory_space<semaphore_mem>>) src(%dma_wait3A_316 : memref<5120x128xf32, #tpu.memory_space<vmem_shared>>) dst(%arg10 : memref<128x128xf32, #tpu.memory_space<vmem>>)
      %dma_start3A_317 = arith.constant 20 : i32
      %dma_start3A_318 = arith.constant 0 : i32
      %dma_start3A_319 = tpu.memref_slice %arg8[%dma_start3A_317, %dma_start3A_318] : memref<40x128xi32, #tpu.memory_space<vmem>> -> memref<1x128xi32, #tpu.memory_space<vmem>>
      %dma_start3A_320 = tpu.memref_squeeze %dma_start3A_319 : memref<1x128xi32, #tpu.memory_space<vmem>> -> memref<128xi32, #tpu.memory_space<vmem>>
      %dma_start3A_321 = arith.constant 0 : i32
      %dma_start3A_322 = arith.constant 0 : i32
      %dma_start3A_323 = tpu.memref_slice %arg6[%dma_start3A_321, %dma_start3A_322] : memref<5120x128xf32, #tpu.memory_space<vmem_shared>> -> memref<5120x128xf32, #tpu.memory_space<vmem_shared>>
      tpu.enqueue_indirect_dma source(%dma_start3A_323 : memref<5120x128xf32, #tpu.memory_space<vmem_shared>>) target(%arg10 : memref<128x128xf32, #tpu.memory_space<vmem>>) offsets(%dma_start3A_320 : memref<128xi32, #tpu.memory_space<vmem>>) semaphore(%arg12 : memref<!tpu.dma_semaphore, #tpu.memory_space<semaphore_mem>>)
      %dma_wait3A_324 = arith.constant 19 : i32
      %dma_wait3A_325 = arith.constant 0 : i32
      %dma_wait3A_326 = tpu.memref_slice %arg8[%dma_wait3A_324, %dma_wait3A_325] : memref<40x128xi32, #tpu.memory_space<vmem>> -> memref<1x128xi32, #tpu.memory_space<vmem>>
      %dma_wait3A_327 = tpu.memref_squeeze %dma_wait3A_326 : memref<1x128xi32, #tpu.memory_space<vmem>> -> memref<128xi32, #tpu.memory_space<vmem>>
      %dma_wait3A_328 = arith.constant 0 : i32
      %dma_wait3A_329 = arith.constant 0 : i32
      %dma_wait3A_330 = tpu.memref_slice %arg6[%dma_wait3A_328, %dma_wait3A_329] : memref<5120x128xf32, #tpu.memory_space<vmem_shared>> -> memref<5120x128xf32, #tpu.memory_space<vmem_shared>>
      tpu.wait_indirect_dma semaphore(%arg13 : memref<!tpu.dma_semaphore, #tpu.memory_space<semaphore_mem>>) src(%dma_wait3A_330 : memref<5120x128xf32, #tpu.memory_space<vmem_shared>>) dst(%arg11 : memref<128x128xf32, #tpu.memory_space<vmem>>)
      %dma_start3A_331 = arith.constant 21 : i32
      %dma_start3A_332 = arith.constant 0 : i32
      %dma_start3A_333 = tpu.memref_slice %arg8[%dma_start3A_331, %dma_start3A_332] : memref<40x128xi32, #tpu.memory_space<vmem>> -> memref<1x128xi32, #tpu.memory_space<vmem>>
      %dma_start3A_334 = tpu.memref_squeeze %dma_start3A_333 : memref<1x128xi32, #tpu.memory_space<vmem>> -> memref<128xi32, #tpu.memory_space<vmem>>
      %dma_start3A_335 = arith.constant 0 : i32
      %dma_start3A_336 = arith.constant 0 : i32
      %dma_start3A_337 = tpu.memref_slice %arg6[%dma_start3A_335, %dma_start3A_336] : memref<5120x128xf32, #tpu.memory_space<vmem_shared>> -> memref<5120x128xf32, #tpu.memory_space<vmem_shared>>
      tpu.enqueue_indirect_dma source(%dma_start3A_337 : memref<5120x128xf32, #tpu.memory_space<vmem_shared>>) target(%arg11 : memref<128x128xf32, #tpu.memory_space<vmem>>) offsets(%dma_start3A_334 : memref<128xi32, #tpu.memory_space<vmem>>) semaphore(%arg13 : memref<!tpu.dma_semaphore, #tpu.memory_space<semaphore_mem>>)
      %dma_wait3A_338 = arith.constant 20 : i32
      %dma_wait3A_339 = arith.constant 0 : i32
      %dma_wait3A_340 = tpu.memref_slice %arg8[%dma_wait3A_338, %dma_wait3A_339] : memref<40x128xi32, #tpu.memory_space<vmem>> -> memref<1x128xi32, #tpu.memory_space<vmem>>
      %dma_wait3A_341 = tpu.memref_squeeze %dma_wait3A_340 : memref<1x128xi32, #tpu.memory_space<vmem>> -> memref<128xi32, #tpu.memory_space<vmem>>
      %dma_wait3A_342 = arith.constant 0 : i32
      %dma_wait3A_343 = arith.constant 0 : i32
      %dma_wait3A_344 = tpu.memref_slice %arg6[%dma_wait3A_342, %dma_wait3A_343] : memref<5120x128xf32, #tpu.memory_space<vmem_shared>> -> memref<5120x128xf32, #tpu.memory_space<vmem_shared>>
      tpu.wait_indirect_dma semaphore(%arg12 : memref<!tpu.dma_semaphore, #tpu.memory_space<semaphore_mem>>) src(%dma_wait3A_344 : memref<5120x128xf32, #tpu.memory_space<vmem_shared>>) dst(%arg10 : memref<128x128xf32, #tpu.memory_space<vmem>>)
      %dma_start3A_345 = arith.constant 22 : i32
      %dma_start3A_346 = arith.constant 0 : i32
      %dma_start3A_347 = tpu.memref_slice %arg8[%dma_start3A_345, %dma_start3A_346] : memref<40x128xi32, #tpu.memory_space<vmem>> -> memref<1x128xi32, #tpu.memory_space<vmem>>
      %dma_start3A_348 = tpu.memref_squeeze %dma_start3A_347 : memref<1x128xi32, #tpu.memory_space<vmem>> -> memref<128xi32, #tpu.memory_space<vmem>>
      %dma_start3A_349 = arith.constant 0 : i32
      %dma_start3A_350 = arith.constant 0 : i32
      %dma_start3A_351 = tpu.memref_slice %arg6[%dma_start3A_349, %dma_start3A_350] : memref<5120x128xf32, #tpu.memory_space<vmem_shared>> -> memref<5120x128xf32, #tpu.memory_space<vmem_shared>>
      tpu.enqueue_indirect_dma source(%dma_start3A_351 : memref<5120x128xf32, #tpu.memory_space<vmem_shared>>) target(%arg10 : memref<128x128xf32, #tpu.memory_space<vmem>>) offsets(%dma_start3A_348 : memref<128xi32, #tpu.memory_space<vmem>>) semaphore(%arg12 : memref<!tpu.dma_semaphore, #tpu.memory_space<semaphore_mem>>)
      %dma_wait3A_352 = arith.constant 21 : i32
      %dma_wait3A_353 = arith.constant 0 : i32
      %dma_wait3A_354 = tpu.memref_slice %arg8[%dma_wait3A_352, %dma_wait3A_353] : memref<40x128xi32, #tpu.memory_space<vmem>> -> memref<1x128xi32, #tpu.memory_space<vmem>>
      %dma_wait3A_355 = tpu.memref_squeeze %dma_wait3A_354 : memref<1x128xi32, #tpu.memory_space<vmem>> -> memref<128xi32, #tpu.memory_space<vmem>>
      %dma_wait3A_356 = arith.constant 0 : i32
      %dma_wait3A_357 = arith.constant 0 : i32
      %dma_wait3A_358 = tpu.memref_slice %arg6[%dma_wait3A_356, %dma_wait3A_357] : memref<5120x128xf32, #tpu.memory_space<vmem_shared>> -> memref<5120x128xf32, #tpu.memory_space<vmem_shared>>
      tpu.wait_indirect_dma semaphore(%arg13 : memref<!tpu.dma_semaphore, #tpu.memory_space<semaphore_mem>>) src(%dma_wait3A_358 : memref<5120x128xf32, #tpu.memory_space<vmem_shared>>) dst(%arg11 : memref<128x128xf32, #tpu.memory_space<vmem>>)
      %dma_start3A_359 = arith.constant 23 : i32
      %dma_start3A_360 = arith.constant 0 : i32
      %dma_start3A_361 = tpu.memref_slice %arg8[%dma_start3A_359, %dma_start3A_360] : memref<40x128xi32, #tpu.memory_space<vmem>> -> memref<1x128xi32, #tpu.memory_space<vmem>>
      %dma_start3A_362 = tpu.memref_squeeze %dma_start3A_361 : memref<1x128xi32, #tpu.memory_space<vmem>> -> memref<128xi32, #tpu.memory_space<vmem>>
      %dma_start3A_363 = arith.constant 0 : i32
      %dma_start3A_364 = arith.constant 0 : i32
      %dma_start3A_365 = tpu.memref_slice %arg6[%dma_start3A_363, %dma_start3A_364] : memref<5120x128xf32, #tpu.memory_space<vmem_shared>> -> memref<5120x128xf32, #tpu.memory_space<vmem_shared>>
      tpu.enqueue_indirect_dma source(%dma_start3A_365 : memref<5120x128xf32, #tpu.memory_space<vmem_shared>>) target(%arg11 : memref<128x128xf32, #tpu.memory_space<vmem>>) offsets(%dma_start3A_362 : memref<128xi32, #tpu.memory_space<vmem>>) semaphore(%arg13 : memref<!tpu.dma_semaphore, #tpu.memory_space<semaphore_mem>>)
      %dma_wait3A_366 = arith.constant 22 : i32
      %dma_wait3A_367 = arith.constant 0 : i32
      %dma_wait3A_368 = tpu.memref_slice %arg8[%dma_wait3A_366, %dma_wait3A_367] : memref<40x128xi32, #tpu.memory_space<vmem>> -> memref<1x128xi32, #tpu.memory_space<vmem>>
      %dma_wait3A_369 = tpu.memref_squeeze %dma_wait3A_368 : memref<1x128xi32, #tpu.memory_space<vmem>> -> memref<128xi32, #tpu.memory_space<vmem>>
      %dma_wait3A_370 = arith.constant 0 : i32
      %dma_wait3A_371 = arith.constant 0 : i32
      %dma_wait3A_372 = tpu.memref_slice %arg6[%dma_wait3A_370, %dma_wait3A_371] : memref<5120x128xf32, #tpu.memory_space<vmem_shared>> -> memref<5120x128xf32, #tpu.memory_space<vmem_shared>>
      tpu.wait_indirect_dma semaphore(%arg12 : memref<!tpu.dma_semaphore, #tpu.memory_space<semaphore_mem>>) src(%dma_wait3A_372 : memref<5120x128xf32, #tpu.memory_space<vmem_shared>>) dst(%arg10 : memref<128x128xf32, #tpu.memory_space<vmem>>)
      %dma_start3A_373 = arith.constant 24 : i32
      %dma_start3A_374 = arith.constant 0 : i32
      %dma_start3A_375 = tpu.memref_slice %arg8[%dma_start3A_373, %dma_start3A_374] : memref<40x128xi32, #tpu.memory_space<vmem>> -> memref<1x128xi32, #tpu.memory_space<vmem>>
      %dma_start3A_376 = tpu.memref_squeeze %dma_start3A_375 : memref<1x128xi32, #tpu.memory_space<vmem>> -> memref<128xi32, #tpu.memory_space<vmem>>
      %dma_start3A_377 = arith.constant 0 : i32
      %dma_start3A_378 = arith.constant 0 : i32
      %dma_start3A_379 = tpu.memref_slice %arg6[%dma_start3A_377, %dma_start3A_378] : memref<5120x128xf32, #tpu.memory_space<vmem_shared>> -> memref<5120x128xf32, #tpu.memory_space<vmem_shared>>
      tpu.enqueue_indirect_dma source(%dma_start3A_379 : memref<5120x128xf32, #tpu.memory_space<vmem_shared>>) target(%arg10 : memref<128x128xf32, #tpu.memory_space<vmem>>) offsets(%dma_start3A_376 : memref<128xi32, #tpu.memory_space<vmem>>) semaphore(%arg12 : memref<!tpu.dma_semaphore, #tpu.memory_space<semaphore_mem>>)
      %dma_wait3A_380 = arith.constant 23 : i32
      %dma_wait3A_381 = arith.constant 0 : i32
      %dma_wait3A_382 = tpu.memref_slice %arg8[%dma_wait3A_380, %dma_wait3A_381] : memref<40x128xi32, #tpu.memory_space<vmem>> -> memref<1x128xi32, #tpu.memory_space<vmem>>
      %dma_wait3A_383 = tpu.memref_squeeze %dma_wait3A_382 : memref<1x128xi32, #tpu.memory_space<vmem>> -> memref<128xi32, #tpu.memory_space<vmem>>
      %dma_wait3A_384 = arith.constant 0 : i32
      %dma_wait3A_385 = arith.constant 0 : i32
      %dma_wait3A_386 = tpu.memref_slice %arg6[%dma_wait3A_384, %dma_wait3A_385] : memref<5120x128xf32, #tpu.memory_space<vmem_shared>> -> memref<5120x128xf32, #tpu.memory_space<vmem_shared>>
      tpu.wait_indirect_dma semaphore(%arg13 : memref<!tpu.dma_semaphore, #tpu.memory_space<semaphore_mem>>) src(%dma_wait3A_386 : memref<5120x128xf32, #tpu.memory_space<vmem_shared>>) dst(%arg11 : memref<128x128xf32, #tpu.memory_space<vmem>>)
      %dma_start3A_387 = arith.constant 25 : i32
      %dma_start3A_388 = arith.constant 0 : i32
      %dma_start3A_389 = tpu.memref_slice %arg8[%dma_start3A_387, %dma_start3A_388] : memref<40x128xi32, #tpu.memory_space<vmem>> -> memref<1x128xi32, #tpu.memory_space<vmem>>
      %dma_start3A_390 = tpu.memref_squeeze %dma_start3A_389 : memref<1x128xi32, #tpu.memory_space<vmem>> -> memref<128xi32, #tpu.memory_space<vmem>>
      %dma_start3A_391 = arith.constant 0 : i32
      %dma_start3A_392 = arith.constant 0 : i32
      %dma_start3A_393 = tpu.memref_slice %arg6[%dma_start3A_391, %dma_start3A_392] : memref<5120x128xf32, #tpu.memory_space<vmem_shared>> -> memref<5120x128xf32, #tpu.memory_space<vmem_shared>>
      tpu.enqueue_indirect_dma source(%dma_start3A_393 : memref<5120x128xf32, #tpu.memory_space<vmem_shared>>) target(%arg11 : memref<128x128xf32, #tpu.memory_space<vmem>>) offsets(%dma_start3A_390 : memref<128xi32, #tpu.memory_space<vmem>>) semaphore(%arg13 : memref<!tpu.dma_semaphore, #tpu.memory_space<semaphore_mem>>)
      %dma_wait3A_394 = arith.constant 24 : i32
      %dma_wait3A_395 = arith.constant 0 : i32
      %dma_wait3A_396 = tpu.memref_slice %arg8[%dma_wait3A_394, %dma_wait3A_395] : memref<40x128xi32, #tpu.memory_space<vmem>> -> memref<1x128xi32, #tpu.memory_space<vmem>>
      %dma_wait3A_397 = tpu.memref_squeeze %dma_wait3A_396 : memref<1x128xi32, #tpu.memory_space<vmem>> -> memref<128xi32, #tpu.memory_space<vmem>>
      %dma_wait3A_398 = arith.constant 0 : i32
      %dma_wait3A_399 = arith.constant 0 : i32
      %dma_wait3A_400 = tpu.memref_slice %arg6[%dma_wait3A_398, %dma_wait3A_399] : memref<5120x128xf32, #tpu.memory_space<vmem_shared>> -> memref<5120x128xf32, #tpu.memory_space<vmem_shared>>
      tpu.wait_indirect_dma semaphore(%arg12 : memref<!tpu.dma_semaphore, #tpu.memory_space<semaphore_mem>>) src(%dma_wait3A_400 : memref<5120x128xf32, #tpu.memory_space<vmem_shared>>) dst(%arg10 : memref<128x128xf32, #tpu.memory_space<vmem>>)
      %dma_start3A_401 = arith.constant 26 : i32
      %dma_start3A_402 = arith.constant 0 : i32
      %dma_start3A_403 = tpu.memref_slice %arg8[%dma_start3A_401, %dma_start3A_402] : memref<40x128xi32, #tpu.memory_space<vmem>> -> memref<1x128xi32, #tpu.memory_space<vmem>>
      %dma_start3A_404 = tpu.memref_squeeze %dma_start3A_403 : memref<1x128xi32, #tpu.memory_space<vmem>> -> memref<128xi32, #tpu.memory_space<vmem>>
      %dma_start3A_405 = arith.constant 0 : i32
      %dma_start3A_406 = arith.constant 0 : i32
      %dma_start3A_407 = tpu.memref_slice %arg6[%dma_start3A_405, %dma_start3A_406] : memref<5120x128xf32, #tpu.memory_space<vmem_shared>> -> memref<5120x128xf32, #tpu.memory_space<vmem_shared>>
      tpu.enqueue_indirect_dma source(%dma_start3A_407 : memref<5120x128xf32, #tpu.memory_space<vmem_shared>>) target(%arg10 : memref<128x128xf32, #tpu.memory_space<vmem>>) offsets(%dma_start3A_404 : memref<128xi32, #tpu.memory_space<vmem>>) semaphore(%arg12 : memref<!tpu.dma_semaphore, #tpu.memory_space<semaphore_mem>>)
      %dma_wait3A_408 = arith.constant 25 : i32
      %dma_wait3A_409 = arith.constant 0 : i32
      %dma_wait3A_410 = tpu.memref_slice %arg8[%dma_wait3A_408, %dma_wait3A_409] : memref<40x128xi32, #tpu.memory_space<vmem>> -> memref<1x128xi32, #tpu.memory_space<vmem>>
      %dma_wait3A_411 = tpu.memref_squeeze %dma_wait3A_410 : memref<1x128xi32, #tpu.memory_space<vmem>> -> memref<128xi32, #tpu.memory_space<vmem>>
      %dma_wait3A_412 = arith.constant 0 : i32
      %dma_wait3A_413 = arith.constant 0 : i32
      %dma_wait3A_414 = tpu.memref_slice %arg6[%dma_wait3A_412, %dma_wait3A_413] : memref<5120x128xf32, #tpu.memory_space<vmem_shared>> -> memref<5120x128xf32, #tpu.memory_space<vmem_shared>>
      tpu.wait_indirect_dma semaphore(%arg13 : memref<!tpu.dma_semaphore, #tpu.memory_space<semaphore_mem>>) src(%dma_wait3A_414 : memref<5120x128xf32, #tpu.memory_space<vmem_shared>>) dst(%arg11 : memref<128x128xf32, #tpu.memory_space<vmem>>)
      %dma_start3A_415 = arith.constant 27 : i32
      %dma_start3A_416 = arith.constant 0 : i32
      %dma_start3A_417 = tpu.memref_slice %arg8[%dma_start3A_415, %dma_start3A_416] : memref<40x128xi32, #tpu.memory_space<vmem>> -> memref<1x128xi32, #tpu.memory_space<vmem>>
      %dma_start3A_418 = tpu.memref_squeeze %dma_start3A_417 : memref<1x128xi32, #tpu.memory_space<vmem>> -> memref<128xi32, #tpu.memory_space<vmem>>
      %dma_start3A_419 = arith.constant 0 : i32
      %dma_start3A_420 = arith.constant 0 : i32
      %dma_start3A_421 = tpu.memref_slice %arg6[%dma_start3A_419, %dma_start3A_420] : memref<5120x128xf32, #tpu.memory_space<vmem_shared>> -> memref<5120x128xf32, #tpu.memory_space<vmem_shared>>
      tpu.enqueue_indirect_dma source(%dma_start3A_421 : memref<5120x128xf32, #tpu.memory_space<vmem_shared>>) target(%arg11 : memref<128x128xf32, #tpu.memory_space<vmem>>) offsets(%dma_start3A_418 : memref<128xi32, #tpu.memory_space<vmem>>) semaphore(%arg13 : memref<!tpu.dma_semaphore, #tpu.memory_space<semaphore_mem>>)
      %dma_wait3A_422 = arith.constant 26 : i32
      %dma_wait3A_423 = arith.constant 0 : i32
      %dma_wait3A_424 = tpu.memref_slice %arg8[%dma_wait3A_422, %dma_wait3A_423] : memref<40x128xi32, #tpu.memory_space<vmem>> -> memref<1x128xi32, #tpu.memory_space<vmem>>
      %dma_wait3A_425 = tpu.memref_squeeze %dma_wait3A_424 : memref<1x128xi32, #tpu.memory_space<vmem>> -> memref<128xi32, #tpu.memory_space<vmem>>
      %dma_wait3A_426 = arith.constant 0 : i32
      %dma_wait3A_427 = arith.constant 0 : i32
      %dma_wait3A_428 = tpu.memref_slice %arg6[%dma_wait3A_426, %dma_wait3A_427] : memref<5120x128xf32, #tpu.memory_space<vmem_shared>> -> memref<5120x128xf32, #tpu.memory_space<vmem_shared>>
      tpu.wait_indirect_dma semaphore(%arg12 : memref<!tpu.dma_semaphore, #tpu.memory_space<semaphore_mem>>) src(%dma_wait3A_428 : memref<5120x128xf32, #tpu.memory_space<vmem_shared>>) dst(%arg10 : memref<128x128xf32, #tpu.memory_space<vmem>>)
      %dma_start3A_429 = arith.constant 28 : i32
      %dma_start3A_430 = arith.constant 0 : i32
      %dma_start3A_431 = tpu.memref_slice %arg8[%dma_start3A_429, %dma_start3A_430] : memref<40x128xi32, #tpu.memory_space<vmem>> -> memref<1x128xi32, #tpu.memory_space<vmem>>
      %dma_start3A_432 = tpu.memref_squeeze %dma_start3A_431 : memref<1x128xi32, #tpu.memory_space<vmem>> -> memref<128xi32, #tpu.memory_space<vmem>>
      %dma_start3A_433 = arith.constant 0 : i32
      %dma_start3A_434 = arith.constant 0 : i32
      %dma_start3A_435 = tpu.memref_slice %arg6[%dma_start3A_433, %dma_start3A_434] : memref<5120x128xf32, #tpu.memory_space<vmem_shared>> -> memref<5120x128xf32, #tpu.memory_space<vmem_shared>>
      tpu.enqueue_indirect_dma source(%dma_start3A_435 : memref<5120x128xf32, #tpu.memory_space<vmem_shared>>) target(%arg10 : memref<128x128xf32, #tpu.memory_space<vmem>>) offsets(%dma_start3A_432 : memref<128xi32, #tpu.memory_space<vmem>>) semaphore(%arg12 : memref<!tpu.dma_semaphore, #tpu.memory_space<semaphore_mem>>)
      %dma_wait3A_436 = arith.constant 27 : i32
      %dma_wait3A_437 = arith.constant 0 : i32
      %dma_wait3A_438 = tpu.memref_slice %arg8[%dma_wait3A_436, %dma_wait3A_437] : memref<40x128xi32, #tpu.memory_space<vmem>> -> memref<1x128xi32, #tpu.memory_space<vmem>>
      %dma_wait3A_439 = tpu.memref_squeeze %dma_wait3A_438 : memref<1x128xi32, #tpu.memory_space<vmem>> -> memref<128xi32, #tpu.memory_space<vmem>>
      %dma_wait3A_440 = arith.constant 0 : i32
      %dma_wait3A_441 = arith.constant 0 : i32
      %dma_wait3A_442 = tpu.memref_slice %arg6[%dma_wait3A_440, %dma_wait3A_441] : memref<5120x128xf32, #tpu.memory_space<vmem_shared>> -> memref<5120x128xf32, #tpu.memory_space<vmem_shared>>
      tpu.wait_indirect_dma semaphore(%arg13 : memref<!tpu.dma_semaphore, #tpu.memory_space<semaphore_mem>>) src(%dma_wait3A_442 : memref<5120x128xf32, #tpu.memory_space<vmem_shared>>) dst(%arg11 : memref<128x128xf32, #tpu.memory_space<vmem>>)
      %dma_start3A_443 = arith.constant 29 : i32
      %dma_start3A_444 = arith.constant 0 : i32
      %dma_start3A_445 = tpu.memref_slice %arg8[%dma_start3A_443, %dma_start3A_444] : memref<40x128xi32, #tpu.memory_space<vmem>> -> memref<1x128xi32, #tpu.memory_space<vmem>>
      %dma_start3A_446 = tpu.memref_squeeze %dma_start3A_445 : memref<1x128xi32, #tpu.memory_space<vmem>> -> memref<128xi32, #tpu.memory_space<vmem>>
      %dma_start3A_447 = arith.constant 0 : i32
      %dma_start3A_448 = arith.constant 0 : i32
      %dma_start3A_449 = tpu.memref_slice %arg6[%dma_start3A_447, %dma_start3A_448] : memref<5120x128xf32, #tpu.memory_space<vmem_shared>> -> memref<5120x128xf32, #tpu.memory_space<vmem_shared>>
      tpu.enqueue_indirect_dma source(%dma_start3A_449 : memref<5120x128xf32, #tpu.memory_space<vmem_shared>>) target(%arg11 : memref<128x128xf32, #tpu.memory_space<vmem>>) offsets(%dma_start3A_446 : memref<128xi32, #tpu.memory_space<vmem>>) semaphore(%arg13 : memref<!tpu.dma_semaphore, #tpu.memory_space<semaphore_mem>>)
      %dma_wait3A_450 = arith.constant 28 : i32
      %dma_wait3A_451 = arith.constant 0 : i32
      %dma_wait3A_452 = tpu.memref_slice %arg8[%dma_wait3A_450, %dma_wait3A_451] : memref<40x128xi32, #tpu.memory_space<vmem>> -> memref<1x128xi32, #tpu.memory_space<vmem>>
      %dma_wait3A_453 = tpu.memref_squeeze %dma_wait3A_452 : memref<1x128xi32, #tpu.memory_space<vmem>> -> memref<128xi32, #tpu.memory_space<vmem>>
      %dma_wait3A_454 = arith.constant 0 : i32
      %dma_wait3A_455 = arith.constant 0 : i32
      %dma_wait3A_456 = tpu.memref_slice %arg6[%dma_wait3A_454, %dma_wait3A_455] : memref<5120x128xf32, #tpu.memory_space<vmem_shared>> -> memref<5120x128xf32, #tpu.memory_space<vmem_shared>>
      tpu.wait_indirect_dma semaphore(%arg12 : memref<!tpu.dma_semaphore, #tpu.memory_space<semaphore_mem>>) src(%dma_wait3A_456 : memref<5120x128xf32, #tpu.memory_space<vmem_shared>>) dst(%arg10 : memref<128x128xf32, #tpu.memory_space<vmem>>)
      %dma_start3A_457 = arith.constant 30 : i32
      %dma_start3A_458 = arith.constant 0 : i32
      %dma_start3A_459 = tpu.memref_slice %arg8[%dma_start3A_457, %dma_start3A_458] : memref<40x128xi32, #tpu.memory_space<vmem>> -> memref<1x128xi32, #tpu.memory_space<vmem>>
      %dma_start3A_460 = tpu.memref_squeeze %dma_start3A_459 : memref<1x128xi32, #tpu.memory_space<vmem>> -> memref<128xi32, #tpu.memory_space<vmem>>
      %dma_start3A_461 = arith.constant 0 : i32
      %dma_start3A_462 = arith.constant 0 : i32
      %dma_start3A_463 = tpu.memref_slice %arg6[%dma_start3A_461, %dma_start3A_462] : memref<5120x128xf32, #tpu.memory_space<vmem_shared>> -> memref<5120x128xf32, #tpu.memory_space<vmem_shared>>
      tpu.enqueue_indirect_dma source(%dma_start3A_463 : memref<5120x128xf32, #tpu.memory_space<vmem_shared>>) target(%arg10 : memref<128x128xf32, #tpu.memory_space<vmem>>) offsets(%dma_start3A_460 : memref<128xi32, #tpu.memory_space<vmem>>) semaphore(%arg12 : memref<!tpu.dma_semaphore, #tpu.memory_space<semaphore_mem>>)
      %dma_wait3A_464 = arith.constant 29 : i32
      %dma_wait3A_465 = arith.constant 0 : i32
      %dma_wait3A_466 = tpu.memref_slice %arg8[%dma_wait3A_464, %dma_wait3A_465] : memref<40x128xi32, #tpu.memory_space<vmem>> -> memref<1x128xi32, #tpu.memory_space<vmem>>
      %dma_wait3A_467 = tpu.memref_squeeze %dma_wait3A_466 : memref<1x128xi32, #tpu.memory_space<vmem>> -> memref<128xi32, #tpu.memory_space<vmem>>
      %dma_wait3A_468 = arith.constant 0 : i32
      %dma_wait3A_469 = arith.constant 0 : i32
      %dma_wait3A_470 = tpu.memref_slice %arg6[%dma_wait3A_468, %dma_wait3A_469] : memref<5120x128xf32, #tpu.memory_space<vmem_shared>> -> memref<5120x128xf32, #tpu.memory_space<vmem_shared>>
      tpu.wait_indirect_dma semaphore(%arg13 : memref<!tpu.dma_semaphore, #tpu.memory_space<semaphore_mem>>) src(%dma_wait3A_470 : memref<5120x128xf32, #tpu.memory_space<vmem_shared>>) dst(%arg11 : memref<128x128xf32, #tpu.memory_space<vmem>>)
      %dma_start3A_471 = arith.constant 31 : i32
      %dma_start3A_472 = arith.constant 0 : i32
      %dma_start3A_473 = tpu.memref_slice %arg8[%dma_start3A_471, %dma_start3A_472] : memref<40x128xi32, #tpu.memory_space<vmem>> -> memref<1x128xi32, #tpu.memory_space<vmem>>
      %dma_start3A_474 = tpu.memref_squeeze %dma_start3A_473 : memref<1x128xi32, #tpu.memory_space<vmem>> -> memref<128xi32, #tpu.memory_space<vmem>>
      %dma_start3A_475 = arith.constant 0 : i32
      %dma_start3A_476 = arith.constant 0 : i32
      %dma_start3A_477 = tpu.memref_slice %arg6[%dma_start3A_475, %dma_start3A_476] : memref<5120x128xf32, #tpu.memory_space<vmem_shared>> -> memref<5120x128xf32, #tpu.memory_space<vmem_shared>>
      tpu.enqueue_indirect_dma source(%dma_start3A_477 : memref<5120x128xf32, #tpu.memory_space<vmem_shared>>) target(%arg11 : memref<128x128xf32, #tpu.memory_space<vmem>>) offsets(%dma_start3A_474 : memref<128xi32, #tpu.memory_space<vmem>>) semaphore(%arg13 : memref<!tpu.dma_semaphore, #tpu.memory_space<semaphore_mem>>)
      %dma_wait3A_478 = arith.constant 30 : i32
      %dma_wait3A_479 = arith.constant 0 : i32
      %dma_wait3A_480 = tpu.memref_slice %arg8[%dma_wait3A_478, %dma_wait3A_479] : memref<40x128xi32, #tpu.memory_space<vmem>> -> memref<1x128xi32, #tpu.memory_space<vmem>>
      %dma_wait3A_481 = tpu.memref_squeeze %dma_wait3A_480 : memref<1x128xi32, #tpu.memory_space<vmem>> -> memref<128xi32, #tpu.memory_space<vmem>>
      %dma_wait3A_482 = arith.constant 0 : i32
      %dma_wait3A_483 = arith.constant 0 : i32
      %dma_wait3A_484 = tpu.memref_slice %arg6[%dma_wait3A_482, %dma_wait3A_483] : memref<5120x128xf32, #tpu.memory_space<vmem_shared>> -> memref<5120x128xf32, #tpu.memory_space<vmem_shared>>
      tpu.wait_indirect_dma semaphore(%arg12 : memref<!tpu.dma_semaphore, #tpu.memory_space<semaphore_mem>>) src(%dma_wait3A_484 : memref<5120x128xf32, #tpu.memory_space<vmem_shared>>) dst(%arg10 : memref<128x128xf32, #tpu.memory_space<vmem>>)
      %dma_start3A_485 = arith.constant 32 : i32
      %dma_start3A_486 = arith.constant 0 : i32
      %dma_start3A_487 = tpu.memref_slice %arg8[%dma_start3A_485, %dma_start3A_486] : memref<40x128xi32, #tpu.memory_space<vmem>> -> memref<1x128xi32, #tpu.memory_space<vmem>>
      %dma_start3A_488 = tpu.memref_squeeze %dma_start3A_487 : memref<1x128xi32, #tpu.memory_space<vmem>> -> memref<128xi32, #tpu.memory_space<vmem>>
      %dma_start3A_489 = arith.constant 0 : i32
      %dma_start3A_490 = arith.constant 0 : i32
      %dma_start3A_491 = tpu.memref_slice %arg6[%dma_start3A_489, %dma_start3A_490] : memref<5120x128xf32, #tpu.memory_space<vmem_shared>> -> memref<5120x128xf32, #tpu.memory_space<vmem_shared>>
      tpu.enqueue_indirect_dma source(%dma_start3A_491 : memref<5120x128xf32, #tpu.memory_space<vmem_shared>>) target(%arg10 : memref<128x128xf32, #tpu.memory_space<vmem>>) offsets(%dma_start3A_488 : memref<128xi32, #tpu.memory_space<vmem>>) semaphore(%arg12 : memref<!tpu.dma_semaphore, #tpu.memory_space<semaphore_mem>>)
      %dma_wait3A_492 = arith.constant 31 : i32
      %dma_wait3A_493 = arith.constant 0 : i32
      %dma_wait3A_494 = tpu.memref_slice %arg8[%dma_wait3A_492, %dma_wait3A_493] : memref<40x128xi32, #tpu.memory_space<vmem>> -> memref<1x128xi32, #tpu.memory_space<vmem>>
      %dma_wait3A_495 = tpu.memref_squeeze %dma_wait3A_494 : memref<1x128xi32, #tpu.memory_space<vmem>> -> memref<128xi32, #tpu.memory_space<vmem>>
      %dma_wait3A_496 = arith.constant 0 : i32
      %dma_wait3A_497 = arith.constant 0 : i32
      %dma_wait3A_498 = tpu.memref_slice %arg6[%dma_wait3A_496, %dma_wait3A_497] : memref<5120x128xf32, #tpu.memory_space<vmem_shared>> -> memref<5120x128xf32, #tpu.memory_space<vmem_shared>>
      tpu.wait_indirect_dma semaphore(%arg13 : memref<!tpu.dma_semaphore, #tpu.memory_space<semaphore_mem>>) src(%dma_wait3A_498 : memref<5120x128xf32, #tpu.memory_space<vmem_shared>>) dst(%arg11 : memref<128x128xf32, #tpu.memory_space<vmem>>)
      %dma_start3A_499 = arith.constant 33 : i32
      %dma_start3A_500 = arith.constant 0 : i32
      %dma_start3A_501 = tpu.memref_slice %arg8[%dma_start3A_499, %dma_start3A_500] : memref<40x128xi32, #tpu.memory_space<vmem>> -> memref<1x128xi32, #tpu.memory_space<vmem>>
      %dma_start3A_502 = tpu.memref_squeeze %dma_start3A_501 : memref<1x128xi32, #tpu.memory_space<vmem>> -> memref<128xi32, #tpu.memory_space<vmem>>
      %dma_start3A_503 = arith.constant 0 : i32
      %dma_start3A_504 = arith.constant 0 : i32
      %dma_start3A_505 = tpu.memref_slice %arg6[%dma_start3A_503, %dma_start3A_504] : memref<5120x128xf32, #tpu.memory_space<vmem_shared>> -> memref<5120x128xf32, #tpu.memory_space<vmem_shared>>
      tpu.enqueue_indirect_dma source(%dma_start3A_505 : memref<5120x128xf32, #tpu.memory_space<vmem_shared>>) target(%arg11 : memref<128x128xf32, #tpu.memory_space<vmem>>) offsets(%dma_start3A_502 : memref<128xi32, #tpu.memory_space<vmem>>) semaphore(%arg13 : memref<!tpu.dma_semaphore, #tpu.memory_space<semaphore_mem>>)
      %dma_wait3A_506 = arith.constant 32 : i32
      %dma_wait3A_507 = arith.constant 0 : i32
      %dma_wait3A_508 = tpu.memref_slice %arg8[%dma_wait3A_506, %dma_wait3A_507] : memref<40x128xi32, #tpu.memory_space<vmem>> -> memref<1x128xi32, #tpu.memory_space<vmem>>
      %dma_wait3A_509 = tpu.memref_squeeze %dma_wait3A_508 : memref<1x128xi32, #tpu.memory_space<vmem>> -> memref<128xi32, #tpu.memory_space<vmem>>
      %dma_wait3A_510 = arith.constant 0 : i32
      %dma_wait3A_511 = arith.constant 0 : i32
      %dma_wait3A_512 = tpu.memref_slice %arg6[%dma_wait3A_510, %dma_wait3A_511] : memref<5120x128xf32, #tpu.memory_space<vmem_shared>> -> memref<5120x128xf32, #tpu.memory_space<vmem_shared>>
      tpu.wait_indirect_dma semaphore(%arg12 : memref<!tpu.dma_semaphore, #tpu.memory_space<semaphore_mem>>) src(%dma_wait3A_512 : memref<5120x128xf32, #tpu.memory_space<vmem_shared>>) dst(%arg10 : memref<128x128xf32, #tpu.memory_space<vmem>>)
      %dma_start3A_513 = arith.constant 34 : i32
      %dma_start3A_514 = arith.constant 0 : i32
      %dma_start3A_515 = tpu.memref_slice %arg8[%dma_start3A_513, %dma_start3A_514] : memref<40x128xi32, #tpu.memory_space<vmem>> -> memref<1x128xi32, #tpu.memory_space<vmem>>
      %dma_start3A_516 = tpu.memref_squeeze %dma_start3A_515 : memref<1x128xi32, #tpu.memory_space<vmem>> -> memref<128xi32, #tpu.memory_space<vmem>>
      %dma_start3A_517 = arith.constant 0 : i32
      %dma_start3A_518 = arith.constant 0 : i32
      %dma_start3A_519 = tpu.memref_slice %arg6[%dma_start3A_517, %dma_start3A_518] : memref<5120x128xf32, #tpu.memory_space<vmem_shared>> -> memref<5120x128xf32, #tpu.memory_space<vmem_shared>>
      tpu.enqueue_indirect_dma source(%dma_start3A_519 : memref<5120x128xf32, #tpu.memory_space<vmem_shared>>) target(%arg10 : memref<128x128xf32, #tpu.memory_space<vmem>>) offsets(%dma_start3A_516 : memref<128xi32, #tpu.memory_space<vmem>>) semaphore(%arg12 : memref<!tpu.dma_semaphore, #tpu.memory_space<semaphore_mem>>)
      %dma_wait3A_520 = arith.constant 33 : i32
      %dma_wait3A_521 = arith.constant 0 : i32
      %dma_wait3A_522 = tpu.memref_slice %arg8[%dma_wait3A_520, %dma_wait3A_521] : memref<40x128xi32, #tpu.memory_space<vmem>> -> memref<1x128xi32, #tpu.memory_space<vmem>>
      %dma_wait3A_523 = tpu.memref_squeeze %dma_wait3A_522 : memref<1x128xi32, #tpu.memory_space<vmem>> -> memref<128xi32, #tpu.memory_space<vmem>>
      %dma_wait3A_524 = arith.constant 0 : i32
      %dma_wait3A_525 = arith.constant 0 : i32
      %dma_wait3A_526 = tpu.memref_slice %arg6[%dma_wait3A_524, %dma_wait3A_525] : memref<5120x128xf32, #tpu.memory_space<vmem_shared>> -> memref<5120x128xf32, #tpu.memory_space<vmem_shared>>
      tpu.wait_indirect_dma semaphore(%arg13 : memref<!tpu.dma_semaphore, #tpu.memory_space<semaphore_mem>>) src(%dma_wait3A_526 : memref<5120x128xf32, #tpu.memory_space<vmem_shared>>) dst(%arg11 : memref<128x128xf32, #tpu.memory_space<vmem>>)
      %dma_start3A_527 = arith.constant 35 : i32
      %dma_start3A_528 = arith.constant 0 : i32
      %dma_start3A_529 = tpu.memref_slice %arg8[%dma_start3A_527, %dma_start3A_528] : memref<40x128xi32, #tpu.memory_space<vmem>> -> memref<1x128xi32, #tpu.memory_space<vmem>>
      %dma_start3A_530 = tpu.memref_squeeze %dma_start3A_529 : memref<1x128xi32, #tpu.memory_space<vmem>> -> memref<128xi32, #tpu.memory_space<vmem>>
      %dma_start3A_531 = arith.constant 0 : i32
      %dma_start3A_532 = arith.constant 0 : i32
      %dma_start3A_533 = tpu.memref_slice %arg6[%dma_start3A_531, %dma_start3A_532] : memref<5120x128xf32, #tpu.memory_space<vmem_shared>> -> memref<5120x128xf32, #tpu.memory_space<vmem_shared>>
      tpu.enqueue_indirect_dma source(%dma_start3A_533 : memref<5120x128xf32, #tpu.memory_space<vmem_shared>>) target(%arg11 : memref<128x128xf32, #tpu.memory_space<vmem>>) offsets(%dma_start3A_530 : memref<128xi32, #tpu.memory_space<vmem>>) semaphore(%arg13 : memref<!tpu.dma_semaphore, #tpu.memory_space<semaphore_mem>>)
      %dma_wait3A_534 = arith.constant 34 : i32
      %dma_wait3A_535 = arith.constant 0 : i32
      %dma_wait3A_536 = tpu.memref_slice %arg8[%dma_wait3A_534, %dma_wait3A_535] : memref<40x128xi32, #tpu.memory_space<vmem>> -> memref<1x128xi32, #tpu.memory_space<vmem>>
      %dma_wait3A_537 = tpu.memref_squeeze %dma_wait3A_536 : memref<1x128xi32, #tpu.memory_space<vmem>> -> memref<128xi32, #tpu.memory_space<vmem>>
      %dma_wait3A_538 = arith.constant 0 : i32
      %dma_wait3A_539 = arith.constant 0 : i32
      %dma_wait3A_540 = tpu.memref_slice %arg6[%dma_wait3A_538, %dma_wait3A_539] : memref<5120x128xf32, #tpu.memory_space<vmem_shared>> -> memref<5120x128xf32, #tpu.memory_space<vmem_shared>>
      tpu.wait_indirect_dma semaphore(%arg12 : memref<!tpu.dma_semaphore, #tpu.memory_space<semaphore_mem>>) src(%dma_wait3A_540 : memref<5120x128xf32, #tpu.memory_space<vmem_shared>>) dst(%arg10 : memref<128x128xf32, #tpu.memory_space<vmem>>)
      %dma_start3A_541 = arith.constant 36 : i32
      %dma_start3A_542 = arith.constant 0 : i32
      %dma_start3A_543 = tpu.memref_slice %arg8[%dma_start3A_541, %dma_start3A_542] : memref<40x128xi32, #tpu.memory_space<vmem>> -> memref<1x128xi32, #tpu.memory_space<vmem>>
      %dma_start3A_544 = tpu.memref_squeeze %dma_start3A_543 : memref<1x128xi32, #tpu.memory_space<vmem>> -> memref<128xi32, #tpu.memory_space<vmem>>
      %dma_start3A_545 = arith.constant 0 : i32
      %dma_start3A_546 = arith.constant 0 : i32
      %dma_start3A_547 = tpu.memref_slice %arg6[%dma_start3A_545, %dma_start3A_546] : memref<5120x128xf32, #tpu.memory_space<vmem_shared>> -> memref<5120x128xf32, #tpu.memory_space<vmem_shared>>
      tpu.enqueue_indirect_dma source(%dma_start3A_547 : memref<5120x128xf32, #tpu.memory_space<vmem_shared>>) target(%arg10 : memref<128x128xf32, #tpu.memory_space<vmem>>) offsets(%dma_start3A_544 : memref<128xi32, #tpu.memory_space<vmem>>) semaphore(%arg12 : memref<!tpu.dma_semaphore, #tpu.memory_space<semaphore_mem>>)
      %dma_wait3A_548 = arith.constant 35 : i32
      %dma_wait3A_549 = arith.constant 0 : i32
      %dma_wait3A_550 = tpu.memref_slice %arg8[%dma_wait3A_548, %dma_wait3A_549] : memref<40x128xi32, #tpu.memory_space<vmem>> -> memref<1x128xi32, #tpu.memory_space<vmem>>
      %dma_wait3A_551 = tpu.memref_squeeze %dma_wait3A_550 : memref<1x128xi32, #tpu.memory_space<vmem>> -> memref<128xi32, #tpu.memory_space<vmem>>
      %dma_wait3A_552 = arith.constant 0 : i32
      %dma_wait3A_553 = arith.constant 0 : i32
      %dma_wait3A_554 = tpu.memref_slice %arg6[%dma_wait3A_552, %dma_wait3A_553] : memref<5120x128xf32, #tpu.memory_space<vmem_shared>> -> memref<5120x128xf32, #tpu.memory_space<vmem_shared>>
      tpu.wait_indirect_dma semaphore(%arg13 : memref<!tpu.dma_semaphore, #tpu.memory_space<semaphore_mem>>) src(%dma_wait3A_554 : memref<5120x128xf32, #tpu.memory_space<vmem_shared>>) dst(%arg11 : memref<128x128xf32, #tpu.memory_space<vmem>>)
      %dma_start3A_555 = arith.constant 37 : i32
      %dma_start3A_556 = arith.constant 0 : i32
      %dma_start3A_557 = tpu.memref_slice %arg8[%dma_start3A_555, %dma_start3A_556] : memref<40x128xi32, #tpu.memory_space<vmem>> -> memref<1x128xi32, #tpu.memory_space<vmem>>
      %dma_start3A_558 = tpu.memref_squeeze %dma_start3A_557 : memref<1x128xi32, #tpu.memory_space<vmem>> -> memref<128xi32, #tpu.memory_space<vmem>>
      %dma_start3A_559 = arith.constant 0 : i32
      %dma_start3A_560 = arith.constant 0 : i32
      %dma_start3A_561 = tpu.memref_slice %arg6[%dma_start3A_559, %dma_start3A_560] : memref<5120x128xf32, #tpu.memory_space<vmem_shared>> -> memref<5120x128xf32, #tpu.memory_space<vmem_shared>>
      tpu.enqueue_indirect_dma source(%dma_start3A_561 : memref<5120x128xf32, #tpu.memory_space<vmem_shared>>) target(%arg11 : memref<128x128xf32, #tpu.memory_space<vmem>>) offsets(%dma_start3A_558 : memref<128xi32, #tpu.memory_space<vmem>>) semaphore(%arg13 : memref<!tpu.dma_semaphore, #tpu.memory_space<semaphore_mem>>)
      %dma_wait3A_562 = arith.constant 36 : i32
      %dma_wait3A_563 = arith.constant 0 : i32
      %dma_wait3A_564 = tpu.memref_slice %arg8[%dma_wait3A_562, %dma_wait3A_563] : memref<40x128xi32, #tpu.memory_space<vmem>> -> memref<1x128xi32, #tpu.memory_space<vmem>>
      %dma_wait3A_565 = tpu.memref_squeeze %dma_wait3A_564 : memref<1x128xi32, #tpu.memory_space<vmem>> -> memref<128xi32, #tpu.memory_space<vmem>>
      %dma_wait3A_566 = arith.constant 0 : i32
      %dma_wait3A_567 = arith.constant 0 : i32
      %dma_wait3A_568 = tpu.memref_slice %arg6[%dma_wait3A_566, %dma_wait3A_567] : memref<5120x128xf32, #tpu.memory_space<vmem_shared>> -> memref<5120x128xf32, #tpu.memory_space<vmem_shared>>
      tpu.wait_indirect_dma semaphore(%arg12 : memref<!tpu.dma_semaphore, #tpu.memory_space<semaphore_mem>>) src(%dma_wait3A_568 : memref<5120x128xf32, #tpu.memory_space<vmem_shared>>) dst(%arg10 : memref<128x128xf32, #tpu.memory_space<vmem>>)
      %dma_start3A_569 = arith.constant 38 : i32
      %dma_start3A_570 = arith.constant 0 : i32
      %dma_start3A_571 = tpu.memref_slice %arg8[%dma_start3A_569, %dma_start3A_570] : memref<40x128xi32, #tpu.memory_space<vmem>> -> memref<1x128xi32, #tpu.memory_space<vmem>>
      %dma_start3A_572 = tpu.memref_squeeze %dma_start3A_571 : memref<1x128xi32, #tpu.memory_space<vmem>> -> memref<128xi32, #tpu.memory_space<vmem>>
      %dma_start3A_573 = arith.constant 0 : i32
      %dma_start3A_574 = arith.constant 0 : i32
      %dma_start3A_575 = tpu.memref_slice %arg6[%dma_start3A_573, %dma_start3A_574] : memref<5120x128xf32, #tpu.memory_space<vmem_shared>> -> memref<5120x128xf32, #tpu.memory_space<vmem_shared>>
      tpu.enqueue_indirect_dma source(%dma_start3A_575 : memref<5120x128xf32, #tpu.memory_space<vmem_shared>>) target(%arg10 : memref<128x128xf32, #tpu.memory_space<vmem>>) offsets(%dma_start3A_572 : memref<128xi32, #tpu.memory_space<vmem>>) semaphore(%arg12 : memref<!tpu.dma_semaphore, #tpu.memory_space<semaphore_mem>>)
      %dma_wait3A_576 = arith.constant 37 : i32
      %dma_wait3A_577 = arith.constant 0 : i32
      %dma_wait3A_578 = tpu.memref_slice %arg8[%dma_wait3A_576, %dma_wait3A_577] : memref<40x128xi32, #tpu.memory_space<vmem>> -> memref<1x128xi32, #tpu.memory_space<vmem>>
      %dma_wait3A_579 = tpu.memref_squeeze %dma_wait3A_578 : memref<1x128xi32, #tpu.memory_space<vmem>> -> memref<128xi32, #tpu.memory_space<vmem>>
      %dma_wait3A_580 = arith.constant 0 : i32
      %dma_wait3A_581 = arith.constant 0 : i32
      %dma_wait3A_582 = tpu.memref_slice %arg6[%dma_wait3A_580, %dma_wait3A_581] : memref<5120x128xf32, #tpu.memory_space<vmem_shared>> -> memref<5120x128xf32, #tpu.memory_space<vmem_shared>>
      tpu.wait_indirect_dma semaphore(%arg13 : memref<!tpu.dma_semaphore, #tpu.memory_space<semaphore_mem>>) src(%dma_wait3A_582 : memref<5120x128xf32, #tpu.memory_space<vmem_shared>>) dst(%arg11 : memref<128x128xf32, #tpu.memory_space<vmem>>)
      %dma_start3A_583 = arith.constant 39 : i32
      %dma_start3A_584 = arith.constant 0 : i32
      %dma_start3A_585 = tpu.memref_slice %arg8[%dma_start3A_583, %dma_start3A_584] : memref<40x128xi32, #tpu.memory_space<vmem>> -> memref<1x128xi32, #tpu.memory_space<vmem>>
      %dma_start3A_586 = tpu.memref_squeeze %dma_start3A_585 : memref<1x128xi32, #tpu.memory_space<vmem>> -> memref<128xi32, #tpu.memory_space<vmem>>
      %dma_start3A_587 = arith.constant 0 : i32
      %dma_start3A_588 = arith.constant 0 : i32
      %dma_start3A_589 = tpu.memref_slice %arg6[%dma_start3A_587, %dma_start3A_588] : memref<5120x128xf32, #tpu.memory_space<vmem_shared>> -> memref<5120x128xf32, #tpu.memory_space<vmem_shared>>
      tpu.enqueue_indirect_dma source(%dma_start3A_589 : memref<5120x128xf32, #tpu.memory_space<vmem_shared>>) target(%arg11 : memref<128x128xf32, #tpu.memory_space<vmem>>) offsets(%dma_start3A_586 : memref<128xi32, #tpu.memory_space<vmem>>) semaphore(%arg13 : memref<!tpu.dma_semaphore, #tpu.memory_space<semaphore_mem>>)
      %dma_wait3A_590 = arith.constant 38 : i32
      %dma_wait3A_591 = arith.constant 0 : i32
      %dma_wait3A_592 = tpu.memref_slice %arg8[%dma_wait3A_590, %dma_wait3A_591] : memref<40x128xi32, #tpu.memory_space<vmem>> -> memref<1x128xi32, #tpu.memory_space<vmem>>
      %dma_wait3A_593 = tpu.memref_squeeze %dma_wait3A_592 : memref<1x128xi32, #tpu.memory_space<vmem>> -> memref<128xi32, #tpu.memory_space<vmem>>
      %dma_wait3A_594 = arith.constant 0 : i32
      %dma_wait3A_595 = arith.constant 0 : i32
      %dma_wait3A_596 = tpu.memref_slice %arg6[%dma_wait3A_594, %dma_wait3A_595] : memref<5120x128xf32, #tpu.memory_space<vmem_shared>> -> memref<5120x128xf32, #tpu.memory_space<vmem_shared>>
      tpu.wait_indirect_dma semaphore(%arg12 : memref<!tpu.dma_semaphore, #tpu.memory_space<semaphore_mem>>) src(%dma_wait3A_596 : memref<5120x128xf32, #tpu.memory_space<vmem_shared>>) dst(%arg10 : memref<128x128xf32, #tpu.memory_space<vmem>>)
      %dma_wait3A_597 = arith.constant 39 : i32
      %dma_wait3A_598 = arith.constant 0 : i32
      %dma_wait3A_599 = tpu.memref_slice %arg8[%dma_wait3A_597, %dma_wait3A_598] : memref<40x128xi32, #tpu.memory_space<vmem>> -> memref<1x128xi32, #tpu.memory_space<vmem>>
      %dma_wait3A_600 = tpu.memref_squeeze %dma_wait3A_599 : memref<1x128xi32, #tpu.memory_space<vmem>> -> memref<128xi32, #tpu.memory_space<vmem>>
      %dma_wait3A_601 = arith.constant 0 : i32
      %dma_wait3A_602 = arith.constant 0 : i32
      %dma_wait3A_603 = tpu.memref_slice %arg6[%dma_wait3A_601, %dma_wait3A_602] : memref<5120x128xf32, #tpu.memory_space<vmem_shared>> -> memref<5120x128xf32, #tpu.memory_space<vmem_shared>>
      tpu.wait_indirect_dma semaphore(%arg13 : memref<!tpu.dma_semaphore, #tpu.memory_space<semaphore_mem>>) src(%dma_wait3A_603 : memref<5120x128xf32, #tpu.memory_space<vmem_shared>>) dst(%arg11 : memref<128x128xf32, #tpu.memory_space<vmem>>)
    }
    %scan3A_35 = arith.constant 2 : i32
    %barrier3A_36 = arith.constant 0 : index
    tpu.barrier barrier_id(%barrier3A_36)
    %mul3A_37 = arith.constant 320 : i32
    %mul3A_38 = arith.muli %arg1, %mul3A_37 : i32
    %mul3A_39 = arith.constant 320 : i32
    %mul3A_40 = arith.muli %arg1, %mul3A_39 : i32
    "tpu.region"() ({
      %run_scoped3A = tpu.sem_alloc : memref<!tpu.dma_semaphore, #tpu.memory_space<semaphore_mem>>
      %dma_start3A_41 = arith.constant 0 : i32
      %dma_start3A_42 = arith.constant 0 : i32
      %dma_start3A_43 = tpu.memref_slice %arg5[%arg0, %dma_start3A_41, %dma_start3A_42] : memref<2x5120x128xf32, #tpu.memory_space<hbm>> -> memref<1x5120x128xf32, #tpu.memory_space<hbm>>
      %dma_start3A_44 = tpu.memref_squeeze %dma_start3A_43 : memref<1x5120x128xf32, #tpu.memory_space<hbm>> -> memref<5120x128xf32, #tpu.memory_space<hbm>>
      %dma_start3A_45 = arith.constant 0 : i32
      %dma_start3A_46 = tpu.memref_slice %dma_start3A_44[%mul3A_40, %dma_start3A_45] : memref<5120x128xf32, #tpu.memory_space<hbm>> -> memref<320x128xf32, #tpu.memory_space<hbm>>
      %dma_start3A_47 = arith.constant 0 : i32
      %dma_start3A_48 = tpu.memref_slice %arg7[%mul3A_38, %dma_start3A_47] : memref<5120x128xf32, #tpu.memory_space<vmem_shared>> -> memref<320x128xf32, #tpu.memory_space<vmem_shared>>
      tpu.enqueue_dma source(%dma_start3A_48 : memref<320x128xf32, #tpu.memory_space<vmem_shared>>) target(%dma_start3A_46 : memref<320x128xf32, #tpu.memory_space<hbm>>) target_semaphore(%run_scoped3A : memref<!tpu.dma_semaphore, #tpu.memory_space<semaphore_mem>>)
      %dma_wait3A_49 = arith.constant 0 : i32
      %dma_wait3A_50 = arith.constant 0 : i32
      %dma_wait3A_51 = tpu.memref_slice %arg5[%arg0, %dma_wait3A_49, %dma_wait3A_50] : memref<2x5120x128xf32, #tpu.memory_space<hbm>> -> memref<1x5120x128xf32, #tpu.memory_space<hbm>>
      %dma_wait3A_52 = tpu.memref_squeeze %dma_wait3A_51 : memref<1x5120x128xf32, #tpu.memory_space<hbm>> -> memref<5120x128xf32, #tpu.memory_space<hbm>>
      %dma_wait3A_53 = arith.constant 0 : i32
      %dma_wait3A_54 = tpu.memref_slice %dma_wait3A_52[%mul3A_40, %dma_wait3A_53] : memref<5120x128xf32, #tpu.memory_space<hbm>> -> memref<320x128xf32, #tpu.memory_space<hbm>>
      %dma_wait3A_55 = arith.constant 0 : i32
      %dma_wait3A_56 = tpu.memref_slice %arg7[%mul3A_38, %dma_wait3A_55] : memref<5120x128xf32, #tpu.memory_space<vmem_shared>> -> memref<320x128xf32, #tpu.memory_space<vmem_shared>>
      tpu.wait_dma2 semaphore(%run_scoped3A : memref<!tpu.dma_semaphore, #tpu.memory_space<semaphore_mem>>) src(%dma_wait3A_56 : memref<320x128xf32, #tpu.memory_space<vmem_shared>>) dst(%dma_wait3A_54 : memref<320x128xf32, #tpu.memory_space<hbm>>)
      tpu.yield
    }) : () -> ()
    return
  }
}

#map = affine_map<(d0, d1) -> (0, 0)>
#map1 = affine_map<(d0, d1) -> (0, 0, 0)>
module attributes {stable_mosaic.version = 14 : i64} {
  func.func @_segsum_body(%arg0: i32, %arg1: i32, %arg2: memref<10240x128xf32, #tpu.memory_space<hbm>>, %arg3: memref<32x80x128xi32, #tpu.memory_space<hbm>>, %arg4: memref<32x80x128xi32, #tpu.memory_space<hbm>>, %arg5: memref<2x5120x128xf32, #tpu.memory_space<hbm>>, %arg6: memref<5120x128xf32, #tpu.memory_space<vmem_shared>>, %arg7: memref<5120x128xf32, #tpu.memory_space<vmem_shared>>, %arg8: memref<40x128xi32, #tpu.memory_space<vmem>>, %arg9: memref<40x128xi32, #tpu.memory_space<vmem>>, %arg10: memref<128x128xf32, #tpu.memory_space<vmem>>, %arg11: memref<128x128xf32, #tpu.memory_space<vmem>>, %arg12: memref<!tpu.dma_semaphore, #tpu.memory_space<semaphore_mem>>, %arg13: memref<!tpu.dma_semaphore, #tpu.memory_space<semaphore_mem>>) attributes {dimension_semantics = [#tpu.dimension_semantics<core_parallel>, #tpu.dimension_semantics<subcore_parallel>], iteration_bounds = array<i64: 2, 16>, scalar_prefetch = 0 : i64, scratch_operands = 8 : i64, tpu.core_type = #tpu.core_type<sc_vector_subcore>, window_params = [{transform_indices = #map}, {transform_indices = #map1}, {transform_indices = #map1}, {transform_indices = #map1}]} {
    %mul3A = arith.constant 16 : i32
    %mul3A_0 = arith.muli %arg0, %mul3A : i32
    %add3A = arith.addi %mul3A_0, %arg1 : i32
    %mul3A_1 = arith.constant 5120 : i32
    %mul3A_2 = arith.muli %arg0, %mul3A_1 : i32
    %mul3A_3 = arith.constant 320 : i32
    %mul3A_4 = arith.muli %arg1, %mul3A_3 : i32
    %add3A_5 = arith.addi %mul3A_2, %mul3A_4 : i32
    %mul3A_6 = arith.constant 320 : i32
    %mul3A_7 = arith.muli %arg1, %mul3A_6 : i32
    %dma_start3A = arith.constant 0 : i32
    %dma_start3A_8 = tpu.memref_slice %arg6[%mul3A_7, %dma_start3A] : memref<5120x128xf32, #tpu.memory_space<vmem_shared>> -> memref<320x128xf32, #tpu.memory_space<vmem_shared>>
    %dma_start3A_9 = arith.constant 0 : i32
    %dma_start3A_10 = tpu.memref_slice %arg2[%add3A_5, %dma_start3A_9] : memref<10240x128xf32, #tpu.memory_space<hbm>> -> memref<320x128xf32, #tpu.memory_space<hbm>>
    tpu.enqueue_dma source(%dma_start3A_10 : memref<320x128xf32, #tpu.memory_space<hbm>>) target(%dma_start3A_8 : memref<320x128xf32, #tpu.memory_space<vmem_shared>>) target_semaphore(%arg12 : memref<!tpu.dma_semaphore, #tpu.memory_space<semaphore_mem>>)
    %broadcast_in_dim3A = arith.constant 0.000000e+00 : f32
    %broadcast_in_dim3A_11 = vector.broadcast %broadcast_in_dim3A : f32 to vector<16xf32>
    %scan3A = arith.constant 0 : i32
    %scan3A_12 = arith.constant 128 : i32
    %scan3A_13 = arith.addi %scan3A, %scan3A_12 : i32
    %scan3A_14 = arith.constant 1 : i32
    scf.for %scan3A_41 = %scan3A to %scan3A_13 step %scan3A_14  : i32 {
      %swap3A = arith.index_cast %scan3A_41 : i32 to index
      %swap3A_42 = arith.constant 0 : index
      %swap3A_43 = tpu.vector_load %arg10[%swap3A, %swap3A_42] {strides = array<i32>} : memref<128x128xf32, #tpu.memory_space<vmem>>, vector<1x16xf32>,
      %swap3A_44 = vector.shape_cast %swap3A_43 : vector<1x16xf32> to vector<16xf32>
      %swap3A_45 = vector.shape_cast %broadcast_in_dim3A_11 : vector<16xf32> to vector<1x16xf32>
      tpu.vector_store %arg10[%swap3A, %swap3A_42], %swap3A_45 {strides = array<i32>} : memref<128x128xf32, #tpu.memory_space<vmem>>, vector<1x16xf32>,
      %swap3A_46 = arith.index_cast %scan3A_41 : i32 to index
      %swap3A_47 = arith.constant 16 : index
      %swap3A_48 = tpu.vector_load %arg10[%swap3A_46, %swap3A_47] {strides = array<i32>} : memref<128x128xf32, #tpu.memory_space<vmem>>, vector<1x16xf32>,
      %swap3A_49 = vector.shape_cast %swap3A_48 : vector<1x16xf32> to vector<16xf32>
      %swap3A_50 = vector.shape_cast %broadcast_in_dim3A_11 : vector<16xf32> to vector<1x16xf32>
      tpu.vector_store %arg10[%swap3A_46, %swap3A_47], %swap3A_50 {strides = array<i32>} : memref<128x128xf32, #tpu.memory_space<vmem>>, vector<1x16xf32>,
      %swap3A_51 = arith.index_cast %scan3A_41 : i32 to index
      %swap3A_52 = arith.constant 32 : index
      %swap3A_53 = tpu.vector_load %arg10[%swap3A_51, %swap3A_52] {strides = array<i32>} : memref<128x128xf32, #tpu.memory_space<vmem>>, vector<1x16xf32>,
      %swap3A_54 = vector.shape_cast %swap3A_53 : vector<1x16xf32> to vector<16xf32>
      %swap3A_55 = vector.shape_cast %broadcast_in_dim3A_11 : vector<16xf32> to vector<1x16xf32>
      tpu.vector_store %arg10[%swap3A_51, %swap3A_52], %swap3A_55 {strides = array<i32>} : memref<128x128xf32, #tpu.memory_space<vmem>>, vector<1x16xf32>,
      %swap3A_56 = arith.index_cast %scan3A_41 : i32 to index
      %swap3A_57 = arith.constant 48 : index
      %swap3A_58 = tpu.vector_load %arg10[%swap3A_56, %swap3A_57] {strides = array<i32>} : memref<128x128xf32, #tpu.memory_space<vmem>>, vector<1x16xf32>,
      %swap3A_59 = vector.shape_cast %swap3A_58 : vector<1x16xf32> to vector<16xf32>
      %swap3A_60 = vector.shape_cast %broadcast_in_dim3A_11 : vector<16xf32> to vector<1x16xf32>
      tpu.vector_store %arg10[%swap3A_56, %swap3A_57], %swap3A_60 {strides = array<i32>} : memref<128x128xf32, #tpu.memory_space<vmem>>, vector<1x16xf32>,
      %swap3A_61 = arith.index_cast %scan3A_41 : i32 to index
      %swap3A_62 = arith.constant 64 : index
      %swap3A_63 = tpu.vector_load %arg10[%swap3A_61, %swap3A_62] {strides = array<i32>} : memref<128x128xf32, #tpu.memory_space<vmem>>, vector<1x16xf32>,
      %swap3A_64 = vector.shape_cast %swap3A_63 : vector<1x16xf32> to vector<16xf32>
      %swap3A_65 = vector.shape_cast %broadcast_in_dim3A_11 : vector<16xf32> to vector<1x16xf32>
      tpu.vector_store %arg10[%swap3A_61, %swap3A_62], %swap3A_65 {strides = array<i32>} : memref<128x128xf32, #tpu.memory_space<vmem>>, vector<1x16xf32>,
      %swap3A_66 = arith.index_cast %scan3A_41 : i32 to index
      %swap3A_67 = arith.constant 80 : index
      %swap3A_68 = tpu.vector_load %arg10[%swap3A_66, %swap3A_67] {strides = array<i32>} : memref<128x128xf32, #tpu.memory_space<vmem>>, vector<1x16xf32>,
      %swap3A_69 = vector.shape_cast %swap3A_68 : vector<1x16xf32> to vector<16xf32>
      %swap3A_70 = vector.shape_cast %broadcast_in_dim3A_11 : vector<16xf32> to vector<1x16xf32>
      tpu.vector_store %arg10[%swap3A_66, %swap3A_67], %swap3A_70 {strides = array<i32>} : memref<128x128xf32, #tpu.memory_space<vmem>>, vector<1x16xf32>,
      %swap3A_71 = arith.index_cast %scan3A_41 : i32 to index
      %swap3A_72 = arith.constant 96 : index
      %swap3A_73 = tpu.vector_load %arg10[%swap3A_71, %swap3A_72] {strides = array<i32>} : memref<128x128xf32, #tpu.memory_space<vmem>>, vector<1x16xf32>,
      %swap3A_74 = vector.shape_cast %swap3A_73 : vector<1x16xf32> to vector<16xf32>
      %swap3A_75 = vector.shape_cast %broadcast_in_dim3A_11 : vector<16xf32> to vector<1x16xf32>
      tpu.vector_store %arg10[%swap3A_71, %swap3A_72], %swap3A_75 {strides = array<i32>} : memref<128x128xf32, #tpu.memory_space<vmem>>, vector<1x16xf32>,
      %swap3A_76 = arith.index_cast %scan3A_41 : i32 to index
      %swap3A_77 = arith.constant 112 : index
      %swap3A_78 = tpu.vector_load %arg10[%swap3A_76, %swap3A_77] {strides = array<i32>} : memref<128x128xf32, #tpu.memory_space<vmem>>, vector<1x16xf32>,
      %swap3A_79 = vector.shape_cast %swap3A_78 : vector<1x16xf32> to vector<16xf32>
      %swap3A_80 = vector.shape_cast %broadcast_in_dim3A_11 : vector<16xf32> to vector<1x16xf32>
      tpu.vector_store %arg10[%swap3A_76, %swap3A_77], %swap3A_80 {strides = array<i32>} : memref<128x128xf32, #tpu.memory_space<vmem>>, vector<1x16xf32>,
    }
    %scan3A_15 = arith.constant 128 : i32
    %dma_wait3A = arith.constant 0 : i32
    %dma_wait3A_16 = tpu.memref_slice %arg6[%mul3A_7, %dma_wait3A] : memref<5120x128xf32, #tpu.memory_space<vmem_shared>> -> memref<320x128xf32, #tpu.memory_space<vmem_shared>>
    %dma_wait3A_17 = arith.constant 0 : i32
    %dma_wait3A_18 = tpu.memref_slice %arg2[%add3A_5, %dma_wait3A_17] : memref<10240x128xf32, #tpu.memory_space<hbm>> -> memref<320x128xf32, #tpu.memory_space<hbm>>
    tpu.wait_dma2 semaphore(%arg12 : memref<!tpu.dma_semaphore, #tpu.memory_space<semaphore_mem>>) src(%dma_wait3A_18 : memref<320x128xf32, #tpu.memory_space<hbm>>) dst(%dma_wait3A_16 : memref<320x128xf32, #tpu.memory_space<vmem_shared>>)
    %mul3A_19 = arith.constant 320 : i32
    %mul3A_20 = arith.muli %arg1, %mul3A_19 : i32
    %add3A_21 = arith.constant 0 : i32
    %add3A_22 = arith.addi %mul3A_20, %add3A_21 : i32
    "tpu.region"() ({
      %run_scoped3A = tpu.sem_alloc : memref<!tpu.dma_semaphore, #tpu.memory_space<semaphore_mem>>
      %dma_start3A_41 = arith.constant 0 : i32
      %dma_start3A_42 = tpu.memref_slice %arg7[%add3A_22, %dma_start3A_41] : memref<5120x128xf32, #tpu.memory_space<vmem_shared>> -> memref<128x128xf32, #tpu.memory_space<vmem_shared>>
      %dma_start3A_43 = arith.constant 0 : i32
      %dma_start3A_44 = tpu.memref_slice %arg7[%add3A_22, %dma_start3A_43] : memref<5120x128xf32, #tpu.memory_space<vmem_shared>> -> memref<128x128xf32, #tpu.memory_space<vmem_shared>>
      tpu.enqueue_dma source(%arg10 : memref<128x128xf32, #tpu.memory_space<vmem>>) target(%dma_start3A_44 : memref<128x128xf32, #tpu.memory_space<vmem_shared>>) target_semaphore(%run_scoped3A : memref<!tpu.dma_semaphore, #tpu.memory_space<semaphore_mem>>)
      %dma_wait3A_45 = arith.constant 0 : i32
      %dma_wait3A_46 = tpu.memref_slice %arg7[%add3A_22, %dma_wait3A_45] : memref<5120x128xf32, #tpu.memory_space<vmem_shared>> -> memref<128x128xf32, #tpu.memory_space<vmem_shared>>
      %dma_wait3A_47 = arith.constant 0 : i32
      %dma_wait3A_48 = tpu.memref_slice %arg7[%add3A_22, %dma_wait3A_47] : memref<5120x128xf32, #tpu.memory_space<vmem_shared>> -> memref<128x128xf32, #tpu.memory_space<vmem_shared>>
      tpu.wait_dma2 semaphore(%run_scoped3A : memref<!tpu.dma_semaphore, #tpu.memory_space<semaphore_mem>>) src(%arg10 : memref<128x128xf32, #tpu.memory_space<vmem>>) dst(%dma_wait3A_48 : memref<128x128xf32, #tpu.memory_space<vmem_shared>>)
      tpu.yield
    }) : () -> ()
    %mul3A_23 = arith.constant 320 : i32
    %mul3A_24 = arith.muli %arg1, %mul3A_23 : i32
    %add3A_25 = arith.constant 128 : i32
    %add3A_26 = arith.addi %mul3A_24, %add3A_25 : i32
    "tpu.region"() ({
      %run_scoped3A = tpu.sem_alloc : memref<!tpu.dma_semaphore, #tpu.memory_space<semaphore_mem>>
      %dma_start3A_41 = arith.constant 0 : i32
      %dma_start3A_42 = tpu.memref_slice %arg7[%add3A_26, %dma_start3A_41] : memref<5120x128xf32, #tpu.memory_space<vmem_shared>> -> memref<128x128xf32, #tpu.memory_space<vmem_shared>>
      %dma_start3A_43 = arith.constant 0 : i32
      %dma_start3A_44 = tpu.memref_slice %arg7[%add3A_26, %dma_start3A_43] : memref<5120x128xf32, #tpu.memory_space<vmem_shared>> -> memref<128x128xf32, #tpu.memory_space<vmem_shared>>
      tpu.enqueue_dma source(%arg10 : memref<128x128xf32, #tpu.memory_space<vmem>>) target(%dma_start3A_44 : memref<128x128xf32, #tpu.memory_space<vmem_shared>>) target_semaphore(%run_scoped3A : memref<!tpu.dma_semaphore, #tpu.memory_space<semaphore_mem>>)
      %dma_wait3A_45 = arith.constant 0 : i32
      %dma_wait3A_46 = tpu.memref_slice %arg7[%add3A_26, %dma_wait3A_45] : memref<5120x128xf32, #tpu.memory_space<vmem_shared>> -> memref<128x128xf32, #tpu.memory_space<vmem_shared>>
      %dma_wait3A_47 = arith.constant 0 : i32
      %dma_wait3A_48 = tpu.memref_slice %arg7[%add3A_26, %dma_wait3A_47] : memref<5120x128xf32, #tpu.memory_space<vmem_shared>> -> memref<128x128xf32, #tpu.memory_space<vmem_shared>>
      tpu.wait_dma2 semaphore(%run_scoped3A : memref<!tpu.dma_semaphore, #tpu.memory_space<semaphore_mem>>) src(%arg10 : memref<128x128xf32, #tpu.memory_space<vmem>>) dst(%dma_wait3A_48 : memref<128x128xf32, #tpu.memory_space<vmem_shared>>)
      tpu.yield
    }) : () -> ()
    %mul3A_27 = arith.constant 320 : i32
    %mul3A_28 = arith.muli %arg1, %mul3A_27 : i32
    %add3A_29 = arith.constant 256 : i32
    %add3A_30 = arith.addi %mul3A_28, %add3A_29 : i32
    "tpu.region"() ({
      %run_scoped3A = tpu.sem_alloc : memref<!tpu.dma_semaphore, #tpu.memory_space<semaphore_mem>>
      %dma_start3A_41 = arith.constant 0 : i32
      %dma_start3A_42 = arith.constant 0 : i32
      %dma_start3A_43 = tpu.memref_slice %arg10[%dma_start3A_41, %dma_start3A_42] : memref<128x128xf32, #tpu.memory_space<vmem>> -> memref<64x128xf32, #tpu.memory_space<vmem>>
      %dma_start3A_44 = arith.constant 0 : i32
      %dma_start3A_45 = tpu.memref_slice %arg7[%add3A_30, %dma_start3A_44] : memref<5120x128xf32, #tpu.memory_space<vmem_shared>> -> memref<64x128xf32, #tpu.memory_space<vmem_shared>>
      %dma_start3A_46 = arith.constant 0 : i32
      %dma_start3A_47 = tpu.memref_slice %arg7[%add3A_30, %dma_start3A_46] : memref<5120x128xf32, #tpu.memory_space<vmem_shared>> -> memref<64x128xf32, #tpu.memory_space<vmem_shared>>
      %dma_start3A_48 = arith.constant 0 : i32
      %dma_start3A_49 = arith.constant 0 : i32
      %dma_start3A_50 = tpu.memref_slice %arg10[%dma_start3A_48, %dma_start3A_49] : memref<128x128xf32, #tpu.memory_space<vmem>> -> memref<64x128xf32, #tpu.memory_space<vmem>>
      tpu.enqueue_dma source(%dma_start3A_50 : memref<64x128xf32, #tpu.memory_space<vmem>>) target(%dma_start3A_47 : memref<64x128xf32, #tpu.memory_space<vmem_shared>>) target_semaphore(%run_scoped3A : memref<!tpu.dma_semaphore, #tpu.memory_space<semaphore_mem>>)
      %dma_wait3A_51 = arith.constant 0 : i32
      %dma_wait3A_52 = arith.constant 0 : i32
      %dma_wait3A_53 = tpu.memref_slice %arg10[%dma_wait3A_51, %dma_wait3A_52] : memref<128x128xf32, #tpu.memory_space<vmem>> -> memref<64x128xf32, #tpu.memory_space<vmem>>
      %dma_wait3A_54 = arith.constant 0 : i32
      %dma_wait3A_55 = tpu.memref_slice %arg7[%add3A_30, %dma_wait3A_54] : memref<5120x128xf32, #tpu.memory_space<vmem_shared>> -> memref<64x128xf32, #tpu.memory_space<vmem_shared>>
      %dma_wait3A_56 = arith.constant 0 : i32
      %dma_wait3A_57 = tpu.memref_slice %arg7[%add3A_30, %dma_wait3A_56] : memref<5120x128xf32, #tpu.memory_space<vmem_shared>> -> memref<64x128xf32, #tpu.memory_space<vmem_shared>>
      %dma_wait3A_58 = arith.constant 0 : i32
      %dma_wait3A_59 = arith.constant 0 : i32
      %dma_wait3A_60 = tpu.memref_slice %arg10[%dma_wait3A_58, %dma_wait3A_59] : memref<128x128xf32, #tpu.memory_space<vmem>> -> memref<64x128xf32, #tpu.memory_space<vmem>>
      tpu.wait_dma2 semaphore(%run_scoped3A : memref<!tpu.dma_semaphore, #tpu.memory_space<semaphore_mem>>) src(%dma_wait3A_60 : memref<64x128xf32, #tpu.memory_space<vmem>>) dst(%dma_wait3A_57 : memref<64x128xf32, #tpu.memory_space<vmem_shared>>)
      tpu.yield
    }) : () -> ()
    %barrier3A = arith.constant 0 : index
    tpu.barrier barrier_id(%barrier3A)
    %scan3A_31 = arith.constant 0 : i32
    %scan3A_32 = arith.constant 2 : i32
    %scan3A_33 = arith.addi %scan3A_31, %scan3A_32 : i32
    %scan3A_34 = arith.constant 1 : i32
    scf.for %scan3A_41 = %scan3A_31 to %scan3A_33 step %scan3A_34  : i32 {
      %mul3A_42 = arith.constant 40 : i32
      %mul3A_43 = arith.muli %scan3A_41, %mul3A_42 : i32
      %multiple_of3A = tpu.assume_multiple %mul3A_43, 40 : i32
      "tpu.region"() ({
        %run_scoped3A = tpu.sem_alloc : memref<!tpu.dma_semaphore, #tpu.memory_space<semaphore_mem>>
        %dma_start3A_604 = arith.constant 0 : i32
        %dma_start3A_605 = tpu.memref_slice %arg3[%add3A, %multiple_of3A, %dma_start3A_604] : memref<32x80x128xi32, #tpu.memory_space<hbm>> -> memref<1x40x128xi32, #tpu.memory_space<hbm>>
        %dma_start3A_606 = tpu.memref_squeeze %dma_start3A_605 : memref<1x40x128xi32, #tpu.memory_space<hbm>> -> memref<40x128xi32, #tpu.memory_space<hbm>>
        %dma_start3A_607 = arith.constant 0 : i32
        %dma_start3A_608 = tpu.memref_slice %arg3[%add3A, %multiple_of3A, %dma_start3A_607] : memref<32x80x128xi32, #tpu.memory_space<hbm>> -> memref<1x40x128xi32, #tpu.memory_space<hbm>>
        %dma_start3A_609 = tpu.memref_squeeze %dma_start3A_608 : memref<1x40x128xi32, #tpu.memory_space<hbm>> -> memref<40x128xi32, #tpu.memory_space<hbm>>
        tpu.enqueue_dma source(%dma_start3A_609 : memref<40x128xi32, #tpu.memory_space<hbm>>) target(%arg8 : memref<40x128xi32, #tpu.memory_space<vmem>>) target_semaphore(%run_scoped3A : memref<!tpu.dma_semaphore, #tpu.memory_space<semaphore_mem>>)
        %dma_wait3A_610 = arith.constant 0 : i32
        %dma_wait3A_611 = tpu.memref_slice %arg3[%add3A, %multiple_of3A, %dma_wait3A_610] : memref<32x80x128xi32, #tpu.memory_space<hbm>> -> memref<1x40x128xi32, #tpu.memory_space<hbm>>
        %dma_wait3A_612 = tpu.memref_squeeze %dma_wait3A_611 : memref<1x40x128xi32, #tpu.memory_space<hbm>> -> memref<40x128xi32, #tpu.memory_space<hbm>>
        %dma_wait3A_613 = arith.constant 0 : i32
        %dma_wait3A_614 = tpu.memref_slice %arg3[%add3A, %multiple_of3A, %dma_wait3A_613] : memref<32x80x128xi32, #tpu.memory_space<hbm>> -> memref<1x40x128xi32, #tpu.memory_space<hbm>>
        %dma_wait3A_615 = tpu.memref_squeeze %dma_wait3A_614 : memref<1x40x128xi32, #tpu.memory_space<hbm>> -> memref<40x128xi32, #tpu.memory_space<hbm>>
        tpu.wait_dma2 semaphore(%run_scoped3A : memref<!tpu.dma_semaphore, #tpu.memory_space<semaphore_mem>>) src(%dma_wait3A_615 : memref<40x128xi32, #tpu.memory_space<hbm>>) dst(%arg8 : memref<40x128xi32, #tpu.memory_space<vmem>>)
        tpu.yield
      }) : () -> ()
      "tpu.region"() ({
        %run_scoped3A = tpu.sem_alloc : memref<!tpu.dma_semaphore, #tpu.memory_space<semaphore_mem>>
        %dma_start3A_604 = arith.constant 0 : i32
        %dma_start3A_605 = tpu.memref_slice %arg4[%add3A, %multiple_of3A, %dma_start3A_604] : memref<32x80x128xi32, #tpu.memory_space<hbm>> -> memref<1x40x128xi32, #tpu.memory_space<hbm>>
        %dma_start3A_606 = tpu.memref_squeeze %dma_start3A_605 : memref<1x40x128xi32, #tpu.memory_space<hbm>> -> memref<40x128xi32, #tpu.memory_space<hbm>>
        %dma_start3A_607 = arith.constant 0 : i32
        %dma_start3A_608 = tpu.memref_slice %arg4[%add3A, %multiple_of3A, %dma_start3A_607] : memref<32x80x128xi32, #tpu.memory_space<hbm>> -> memref<1x40x128xi32, #tpu.memory_space<hbm>>
        %dma_start3A_609 = tpu.memref_squeeze %dma_start3A_608 : memref<1x40x128xi32, #tpu.memory_space<hbm>> -> memref<40x128xi32, #tpu.memory_space<hbm>>
        tpu.enqueue_dma source(%dma_start3A_609 : memref<40x128xi32, #tpu.memory_space<hbm>>) target(%arg9 : memref<40x128xi32, #tpu.memory_space<vmem>>) target_semaphore(%run_scoped3A : memref<!tpu.dma_semaphore, #tpu.memory_space<semaphore_mem>>)
        %dma_wait3A_610 = arith.constant 0 : i32
        %dma_wait3A_611 = tpu.memref_slice %arg4[%add3A, %multiple_of3A, %dma_wait3A_610] : memref<32x80x128xi32, #tpu.memory_space<hbm>> -> memref<1x40x128xi32, #tpu.memory_space<hbm>>
        %dma_wait3A_612 = tpu.memref_squeeze %dma_wait3A_611 : memref<1x40x128xi32, #tpu.memory_space<hbm>> -> memref<40x128xi32, #tpu.memory_space<hbm>>
        %dma_wait3A_613 = arith.constant 0 : i32
        %dma_wait3A_614 = tpu.memref_slice %arg4[%add3A, %multiple_of3A, %dma_wait3A_613] : memref<32x80x128xi32, #tpu.memory_space<hbm>> -> memref<1x40x128xi32, #tpu.memory_space<hbm>>
        %dma_wait3A_615 = tpu.memref_squeeze %dma_wait3A_614 : memref<1x40x128xi32, #tpu.memory_space<hbm>> -> memref<40x128xi32, #tpu.memory_space<hbm>>
        tpu.wait_dma2 semaphore(%run_scoped3A : memref<!tpu.dma_semaphore, #tpu.memory_space<semaphore_mem>>) src(%dma_wait3A_615 : memref<40x128xi32, #tpu.memory_space<hbm>>) dst(%arg9 : memref<40x128xi32, #tpu.memory_space<vmem>>)
        tpu.yield
      }) : () -> ()
      %dma_start3A_44 = arith.constant 0 : i32
      %dma_start3A_45 = arith.constant 0 : i32
      %dma_start3A_46 = tpu.memref_slice %arg8[%dma_start3A_44, %dma_start3A_45] : memref<40x128xi32, #tpu.memory_space<vmem>> -> memref<1x128xi32, #tpu.memory_space<vmem>>
      %dma_start3A_47 = tpu.memref_squeeze %dma_start3A_46 : memref<1x128xi32, #tpu.memory_space<vmem>> -> memref<128xi32, #tpu.memory_space<vmem>>
      %dma_start3A_48 = arith.constant 0 : i32
      %dma_start3A_49 = arith.constant 0 : i32
      %dma_start3A_50 = tpu.memref_slice %arg6[%dma_start3A_48, %dma_start3A_49] : memref<5120x128xf32, #tpu.memory_space<vmem_shared>> -> memref<5120x128xf32, #tpu.memory_space<vmem_shared>>
      tpu.enqueue_indirect_dma source(%dma_start3A_50 : memref<5120x128xf32, #tpu.memory_space<vmem_shared>>) target(%arg10 : memref<128x128xf32, #tpu.memory_space<vmem>>) offsets(%dma_start3A_47 : memref<128xi32, #tpu.memory_space<vmem>>) semaphore(%arg12 : memref<!tpu.dma_semaphore, #tpu.memory_space<semaphore_mem>>)
      %dma_start3A_51 = arith.constant 1 : i32
      %dma_start3A_52 = arith.constant 0 : i32
      %dma_start3A_53 = tpu.memref_slice %arg8[%dma_start3A_51, %dma_start3A_52] : memref<40x128xi32, #tpu.memory_space<vmem>> -> memref<1x128xi32, #tpu.memory_space<vmem>>
      %dma_start3A_54 = tpu.memref_squeeze %dma_start3A_53 : memref<1x128xi32, #tpu.memory_space<vmem>> -> memref<128xi32, #tpu.memory_space<vmem>>
      %dma_start3A_55 = arith.constant 0 : i32
      %dma_start3A_56 = arith.constant 0 : i32
      %dma_start3A_57 = tpu.memref_slice %arg6[%dma_start3A_55, %dma_start3A_56] : memref<5120x128xf32, #tpu.memory_space<vmem_shared>> -> memref<5120x128xf32, #tpu.memory_space<vmem_shared>>
      tpu.enqueue_indirect_dma source(%dma_start3A_57 : memref<5120x128xf32, #tpu.memory_space<vmem_shared>>) target(%arg11 : memref<128x128xf32, #tpu.memory_space<vmem>>) offsets(%dma_start3A_54 : memref<128xi32, #tpu.memory_space<vmem>>) semaphore(%arg13 : memref<!tpu.dma_semaphore, #tpu.memory_space<semaphore_mem>>)
      %dma_wait3A_58 = arith.constant 0 : i32
      %dma_wait3A_59 = arith.constant 0 : i32
      %dma_wait3A_60 = tpu.memref_slice %arg8[%dma_wait3A_58, %dma_wait3A_59] : memref<40x128xi32, #tpu.memory_space<vmem>> -> memref<1x128xi32, #tpu.memory_space<vmem>>
      %dma_wait3A_61 = tpu.memref_squeeze %dma_wait3A_60 : memref<1x128xi32, #tpu.memory_space<vmem>> -> memref<128xi32, #tpu.memory_space<vmem>>
      %dma_wait3A_62 = arith.constant 0 : i32
      %dma_wait3A_63 = arith.constant 0 : i32
      %dma_wait3A_64 = tpu.memref_slice %arg6[%dma_wait3A_62, %dma_wait3A_63] : memref<5120x128xf32, #tpu.memory_space<vmem_shared>> -> memref<5120x128xf32, #tpu.memory_space<vmem_shared>>
      tpu.wait_indirect_dma semaphore(%arg12 : memref<!tpu.dma_semaphore, #tpu.memory_space<semaphore_mem>>) src(%dma_wait3A_64 : memref<5120x128xf32, #tpu.memory_space<vmem_shared>>) dst(%arg10 : memref<128x128xf32, #tpu.memory_space<vmem>>)
      %dma_start3A_65 = arith.constant 2 : i32
      %dma_start3A_66 = arith.constant 0 : i32
      %dma_start3A_67 = tpu.memref_slice %arg8[%dma_start3A_65, %dma_start3A_66] : memref<40x128xi32, #tpu.memory_space<vmem>> -> memref<1x128xi32, #tpu.memory_space<vmem>>
      %dma_start3A_68 = tpu.memref_squeeze %dma_start3A_67 : memref<1x128xi32, #tpu.memory_space<vmem>> -> memref<128xi32, #tpu.memory_space<vmem>>
      %dma_start3A_69 = arith.constant 0 : i32
      %dma_start3A_70 = arith.constant 0 : i32
      %dma_start3A_71 = tpu.memref_slice %arg6[%dma_start3A_69, %dma_start3A_70] : memref<5120x128xf32, #tpu.memory_space<vmem_shared>> -> memref<5120x128xf32, #tpu.memory_space<vmem_shared>>
      tpu.enqueue_indirect_dma source(%dma_start3A_71 : memref<5120x128xf32, #tpu.memory_space<vmem_shared>>) target(%arg10 : memref<128x128xf32, #tpu.memory_space<vmem>>) offsets(%dma_start3A_68 : memref<128xi32, #tpu.memory_space<vmem>>) semaphore(%arg12 : memref<!tpu.dma_semaphore, #tpu.memory_space<semaphore_mem>>)
      %dma_wait3A_72 = arith.constant 1 : i32
      %dma_wait3A_73 = arith.constant 0 : i32
      %dma_wait3A_74 = tpu.memref_slice %arg8[%dma_wait3A_72, %dma_wait3A_73] : memref<40x128xi32, #tpu.memory_space<vmem>> -> memref<1x128xi32, #tpu.memory_space<vmem>>
      %dma_wait3A_75 = tpu.memref_squeeze %dma_wait3A_74 : memref<1x128xi32, #tpu.memory_space<vmem>> -> memref<128xi32, #tpu.memory_space<vmem>>
      %dma_wait3A_76 = arith.constant 0 : i32
      %dma_wait3A_77 = arith.constant 0 : i32
      %dma_wait3A_78 = tpu.memref_slice %arg6[%dma_wait3A_76, %dma_wait3A_77] : memref<5120x128xf32, #tpu.memory_space<vmem_shared>> -> memref<5120x128xf32, #tpu.memory_space<vmem_shared>>
      tpu.wait_indirect_dma semaphore(%arg13 : memref<!tpu.dma_semaphore, #tpu.memory_space<semaphore_mem>>) src(%dma_wait3A_78 : memref<5120x128xf32, #tpu.memory_space<vmem_shared>>) dst(%arg11 : memref<128x128xf32, #tpu.memory_space<vmem>>)
      %dma_start3A_79 = arith.constant 3 : i32
      %dma_start3A_80 = arith.constant 0 : i32
      %dma_start3A_81 = tpu.memref_slice %arg8[%dma_start3A_79, %dma_start3A_80] : memref<40x128xi32, #tpu.memory_space<vmem>> -> memref<1x128xi32, #tpu.memory_space<vmem>>
      %dma_start3A_82 = tpu.memref_squeeze %dma_start3A_81 : memref<1x128xi32, #tpu.memory_space<vmem>> -> memref<128xi32, #tpu.memory_space<vmem>>
      %dma_start3A_83 = arith.constant 0 : i32
      %dma_start3A_84 = arith.constant 0 : i32
      %dma_start3A_85 = tpu.memref_slice %arg6[%dma_start3A_83, %dma_start3A_84] : memref<5120x128xf32, #tpu.memory_space<vmem_shared>> -> memref<5120x128xf32, #tpu.memory_space<vmem_shared>>
      tpu.enqueue_indirect_dma source(%dma_start3A_85 : memref<5120x128xf32, #tpu.memory_space<vmem_shared>>) target(%arg11 : memref<128x128xf32, #tpu.memory_space<vmem>>) offsets(%dma_start3A_82 : memref<128xi32, #tpu.memory_space<vmem>>) semaphore(%arg13 : memref<!tpu.dma_semaphore, #tpu.memory_space<semaphore_mem>>)
      %dma_wait3A_86 = arith.constant 2 : i32
      %dma_wait3A_87 = arith.constant 0 : i32
      %dma_wait3A_88 = tpu.memref_slice %arg8[%dma_wait3A_86, %dma_wait3A_87] : memref<40x128xi32, #tpu.memory_space<vmem>> -> memref<1x128xi32, #tpu.memory_space<vmem>>
      %dma_wait3A_89 = tpu.memref_squeeze %dma_wait3A_88 : memref<1x128xi32, #tpu.memory_space<vmem>> -> memref<128xi32, #tpu.memory_space<vmem>>
      %dma_wait3A_90 = arith.constant 0 : i32
      %dma_wait3A_91 = arith.constant 0 : i32
      %dma_wait3A_92 = tpu.memref_slice %arg6[%dma_wait3A_90, %dma_wait3A_91] : memref<5120x128xf32, #tpu.memory_space<vmem_shared>> -> memref<5120x128xf32, #tpu.memory_space<vmem_shared>>
      tpu.wait_indirect_dma semaphore(%arg12 : memref<!tpu.dma_semaphore, #tpu.memory_space<semaphore_mem>>) src(%dma_wait3A_92 : memref<5120x128xf32, #tpu.memory_space<vmem_shared>>) dst(%arg10 : memref<128x128xf32, #tpu.memory_space<vmem>>)
      %dma_start3A_93 = arith.constant 4 : i32
      %dma_start3A_94 = arith.constant 0 : i32
      %dma_start3A_95 = tpu.memref_slice %arg8[%dma_start3A_93, %dma_start3A_94] : memref<40x128xi32, #tpu.memory_space<vmem>> -> memref<1x128xi32, #tpu.memory_space<vmem>>
      %dma_start3A_96 = tpu.memref_squeeze %dma_start3A_95 : memref<1x128xi32, #tpu.memory_space<vmem>> -> memref<128xi32, #tpu.memory_space<vmem>>
      %dma_start3A_97 = arith.constant 0 : i32
      %dma_start3A_98 = arith.constant 0 : i32
      %dma_start3A_99 = tpu.memref_slice %arg6[%dma_start3A_97, %dma_start3A_98] : memref<5120x128xf32, #tpu.memory_space<vmem_shared>> -> memref<5120x128xf32, #tpu.memory_space<vmem_shared>>
      tpu.enqueue_indirect_dma source(%dma_start3A_99 : memref<5120x128xf32, #tpu.memory_space<vmem_shared>>) target(%arg10 : memref<128x128xf32, #tpu.memory_space<vmem>>) offsets(%dma_start3A_96 : memref<128xi32, #tpu.memory_space<vmem>>) semaphore(%arg12 : memref<!tpu.dma_semaphore, #tpu.memory_space<semaphore_mem>>)
      %dma_wait3A_100 = arith.constant 3 : i32
      %dma_wait3A_101 = arith.constant 0 : i32
      %dma_wait3A_102 = tpu.memref_slice %arg8[%dma_wait3A_100, %dma_wait3A_101] : memref<40x128xi32, #tpu.memory_space<vmem>> -> memref<1x128xi32, #tpu.memory_space<vmem>>
      %dma_wait3A_103 = tpu.memref_squeeze %dma_wait3A_102 : memref<1x128xi32, #tpu.memory_space<vmem>> -> memref<128xi32, #tpu.memory_space<vmem>>
      %dma_wait3A_104 = arith.constant 0 : i32
      %dma_wait3A_105 = arith.constant 0 : i32
      %dma_wait3A_106 = tpu.memref_slice %arg6[%dma_wait3A_104, %dma_wait3A_105] : memref<5120x128xf32, #tpu.memory_space<vmem_shared>> -> memref<5120x128xf32, #tpu.memory_space<vmem_shared>>
      tpu.wait_indirect_dma semaphore(%arg13 : memref<!tpu.dma_semaphore, #tpu.memory_space<semaphore_mem>>) src(%dma_wait3A_106 : memref<5120x128xf32, #tpu.memory_space<vmem_shared>>) dst(%arg11 : memref<128x128xf32, #tpu.memory_space<vmem>>)
      %dma_start3A_107 = arith.constant 5 : i32
      %dma_start3A_108 = arith.constant 0 : i32
      %dma_start3A_109 = tpu.memref_slice %arg8[%dma_start3A_107, %dma_start3A_108] : memref<40x128xi32, #tpu.memory_space<vmem>> -> memref<1x128xi32, #tpu.memory_space<vmem>>
      %dma_start3A_110 = tpu.memref_squeeze %dma_start3A_109 : memref<1x128xi32, #tpu.memory_space<vmem>> -> memref<128xi32, #tpu.memory_space<vmem>>
      %dma_start3A_111 = arith.constant 0 : i32
      %dma_start3A_112 = arith.constant 0 : i32
      %dma_start3A_113 = tpu.memref_slice %arg6[%dma_start3A_111, %dma_start3A_112] : memref<5120x128xf32, #tpu.memory_space<vmem_shared>> -> memref<5120x128xf32, #tpu.memory_space<vmem_shared>>
      tpu.enqueue_indirect_dma source(%dma_start3A_113 : memref<5120x128xf32, #tpu.memory_space<vmem_shared>>) target(%arg11 : memref<128x128xf32, #tpu.memory_space<vmem>>) offsets(%dma_start3A_110 : memref<128xi32, #tpu.memory_space<vmem>>) semaphore(%arg13 : memref<!tpu.dma_semaphore, #tpu.memory_space<semaphore_mem>>)
      %dma_wait3A_114 = arith.constant 4 : i32
      %dma_wait3A_115 = arith.constant 0 : i32
      %dma_wait3A_116 = tpu.memref_slice %arg8[%dma_wait3A_114, %dma_wait3A_115] : memref<40x128xi32, #tpu.memory_space<vmem>> -> memref<1x128xi32, #tpu.memory_space<vmem>>
      %dma_wait3A_117 = tpu.memref_squeeze %dma_wait3A_116 : memref<1x128xi32, #tpu.memory_space<vmem>> -> memref<128xi32, #tpu.memory_space<vmem>>
      %dma_wait3A_118 = arith.constant 0 : i32
      %dma_wait3A_119 = arith.constant 0 : i32
      %dma_wait3A_120 = tpu.memref_slice %arg6[%dma_wait3A_118, %dma_wait3A_119] : memref<5120x128xf32, #tpu.memory_space<vmem_shared>> -> memref<5120x128xf32, #tpu.memory_space<vmem_shared>>
      tpu.wait_indirect_dma semaphore(%arg12 : memref<!tpu.dma_semaphore, #tpu.memory_space<semaphore_mem>>) src(%dma_wait3A_120 : memref<5120x128xf32, #tpu.memory_space<vmem_shared>>) dst(%arg10 : memref<128x128xf32, #tpu.memory_space<vmem>>)
      %dma_start3A_121 = arith.constant 6 : i32
      %dma_start3A_122 = arith.constant 0 : i32
      %dma_start3A_123 = tpu.memref_slice %arg8[%dma_start3A_121, %dma_start3A_122] : memref<40x128xi32, #tpu.memory_space<vmem>> -> memref<1x128xi32, #tpu.memory_space<vmem>>
      %dma_start3A_124 = tpu.memref_squeeze %dma_start3A_123 : memref<1x128xi32, #tpu.memory_space<vmem>> -> memref<128xi32, #tpu.memory_space<vmem>>
      %dma_start3A_125 = arith.constant 0 : i32
      %dma_start3A_126 = arith.constant 0 : i32
      %dma_start3A_127 = tpu.memref_slice %arg6[%dma_start3A_125, %dma_start3A_126] : memref<5120x128xf32, #tpu.memory_space<vmem_shared>> -> memref<5120x128xf32, #tpu.memory_space<vmem_shared>>
      tpu.enqueue_indirect_dma source(%dma_start3A_127 : memref<5120x128xf32, #tpu.memory_space<vmem_shared>>) target(%arg10 : memref<128x128xf32, #tpu.memory_space<vmem>>) offsets(%dma_start3A_124 : memref<128xi32, #tpu.memory_space<vmem>>) semaphore(%arg12 : memref<!tpu.dma_semaphore, #tpu.memory_space<semaphore_mem>>)
      %dma_wait3A_128 = arith.constant 5 : i32
      %dma_wait3A_129 = arith.constant 0 : i32
      %dma_wait3A_130 = tpu.memref_slice %arg8[%dma_wait3A_128, %dma_wait3A_129] : memref<40x128xi32, #tpu.memory_space<vmem>> -> memref<1x128xi32, #tpu.memory_space<vmem>>
      %dma_wait3A_131 = tpu.memref_squeeze %dma_wait3A_130 : memref<1x128xi32, #tpu.memory_space<vmem>> -> memref<128xi32, #tpu.memory_space<vmem>>
      %dma_wait3A_132 = arith.constant 0 : i32
      %dma_wait3A_133 = arith.constant 0 : i32
      %dma_wait3A_134 = tpu.memref_slice %arg6[%dma_wait3A_132, %dma_wait3A_133] : memref<5120x128xf32, #tpu.memory_space<vmem_shared>> -> memref<5120x128xf32, #tpu.memory_space<vmem_shared>>
      tpu.wait_indirect_dma semaphore(%arg13 : memref<!tpu.dma_semaphore, #tpu.memory_space<semaphore_mem>>) src(%dma_wait3A_134 : memref<5120x128xf32, #tpu.memory_space<vmem_shared>>) dst(%arg11 : memref<128x128xf32, #tpu.memory_space<vmem>>)
      %dma_start3A_135 = arith.constant 7 : i32
      %dma_start3A_136 = arith.constant 0 : i32
      %dma_start3A_137 = tpu.memref_slice %arg8[%dma_start3A_135, %dma_start3A_136] : memref<40x128xi32, #tpu.memory_space<vmem>> -> memref<1x128xi32, #tpu.memory_space<vmem>>
      %dma_start3A_138 = tpu.memref_squeeze %dma_start3A_137 : memref<1x128xi32, #tpu.memory_space<vmem>> -> memref<128xi32, #tpu.memory_space<vmem>>
      %dma_start3A_139 = arith.constant 0 : i32
      %dma_start3A_140 = arith.constant 0 : i32
      %dma_start3A_141 = tpu.memref_slice %arg6[%dma_start3A_139, %dma_start3A_140] : memref<5120x128xf32, #tpu.memory_space<vmem_shared>> -> memref<5120x128xf32, #tpu.memory_space<vmem_shared>>
      tpu.enqueue_indirect_dma source(%dma_start3A_141 : memref<5120x128xf32, #tpu.memory_space<vmem_shared>>) target(%arg11 : memref<128x128xf32, #tpu.memory_space<vmem>>) offsets(%dma_start3A_138 : memref<128xi32, #tpu.memory_space<vmem>>) semaphore(%arg13 : memref<!tpu.dma_semaphore, #tpu.memory_space<semaphore_mem>>)
      %dma_wait3A_142 = arith.constant 6 : i32
      %dma_wait3A_143 = arith.constant 0 : i32
      %dma_wait3A_144 = tpu.memref_slice %arg8[%dma_wait3A_142, %dma_wait3A_143] : memref<40x128xi32, #tpu.memory_space<vmem>> -> memref<1x128xi32, #tpu.memory_space<vmem>>
      %dma_wait3A_145 = tpu.memref_squeeze %dma_wait3A_144 : memref<1x128xi32, #tpu.memory_space<vmem>> -> memref<128xi32, #tpu.memory_space<vmem>>
      %dma_wait3A_146 = arith.constant 0 : i32
      %dma_wait3A_147 = arith.constant 0 : i32
      %dma_wait3A_148 = tpu.memref_slice %arg6[%dma_wait3A_146, %dma_wait3A_147] : memref<5120x128xf32, #tpu.memory_space<vmem_shared>> -> memref<5120x128xf32, #tpu.memory_space<vmem_shared>>
      tpu.wait_indirect_dma semaphore(%arg12 : memref<!tpu.dma_semaphore, #tpu.memory_space<semaphore_mem>>) src(%dma_wait3A_148 : memref<5120x128xf32, #tpu.memory_space<vmem_shared>>) dst(%arg10 : memref<128x128xf32, #tpu.memory_space<vmem>>)
      %dma_start3A_149 = arith.constant 8 : i32
      %dma_start3A_150 = arith.constant 0 : i32
      %dma_start3A_151 = tpu.memref_slice %arg8[%dma_start3A_149, %dma_start3A_150] : memref<40x128xi32, #tpu.memory_space<vmem>> -> memref<1x128xi32, #tpu.memory_space<vmem>>
      %dma_start3A_152 = tpu.memref_squeeze %dma_start3A_151 : memref<1x128xi32, #tpu.memory_space<vmem>> -> memref<128xi32, #tpu.memory_space<vmem>>
      %dma_start3A_153 = arith.constant 0 : i32
      %dma_start3A_154 = arith.constant 0 : i32
      %dma_start3A_155 = tpu.memref_slice %arg6[%dma_start3A_153, %dma_start3A_154] : memref<5120x128xf32, #tpu.memory_space<vmem_shared>> -> memref<5120x128xf32, #tpu.memory_space<vmem_shared>>
      tpu.enqueue_indirect_dma source(%dma_start3A_155 : memref<5120x128xf32, #tpu.memory_space<vmem_shared>>) target(%arg10 : memref<128x128xf32, #tpu.memory_space<vmem>>) offsets(%dma_start3A_152 : memref<128xi32, #tpu.memory_space<vmem>>) semaphore(%arg12 : memref<!tpu.dma_semaphore, #tpu.memory_space<semaphore_mem>>)
      %dma_wait3A_156 = arith.constant 7 : i32
      %dma_wait3A_157 = arith.constant 0 : i32
      %dma_wait3A_158 = tpu.memref_slice %arg8[%dma_wait3A_156, %dma_wait3A_157] : memref<40x128xi32, #tpu.memory_space<vmem>> -> memref<1x128xi32, #tpu.memory_space<vmem>>
      %dma_wait3A_159 = tpu.memref_squeeze %dma_wait3A_158 : memref<1x128xi32, #tpu.memory_space<vmem>> -> memref<128xi32, #tpu.memory_space<vmem>>
      %dma_wait3A_160 = arith.constant 0 : i32
      %dma_wait3A_161 = arith.constant 0 : i32
      %dma_wait3A_162 = tpu.memref_slice %arg6[%dma_wait3A_160, %dma_wait3A_161] : memref<5120x128xf32, #tpu.memory_space<vmem_shared>> -> memref<5120x128xf32, #tpu.memory_space<vmem_shared>>
      tpu.wait_indirect_dma semaphore(%arg13 : memref<!tpu.dma_semaphore, #tpu.memory_space<semaphore_mem>>) src(%dma_wait3A_162 : memref<5120x128xf32, #tpu.memory_space<vmem_shared>>) dst(%arg11 : memref<128x128xf32, #tpu.memory_space<vmem>>)
      %dma_start3A_163 = arith.constant 9 : i32
      %dma_start3A_164 = arith.constant 0 : i32
      %dma_start3A_165 = tpu.memref_slice %arg8[%dma_start3A_163, %dma_start3A_164] : memref<40x128xi32, #tpu.memory_space<vmem>> -> memref<1x128xi32, #tpu.memory_space<vmem>>
      %dma_start3A_166 = tpu.memref_squeeze %dma_start3A_165 : memref<1x128xi32, #tpu.memory_space<vmem>> -> memref<128xi32, #tpu.memory_space<vmem>>
      %dma_start3A_167 = arith.constant 0 : i32
      %dma_start3A_168 = arith.constant 0 : i32
      %dma_start3A_169 = tpu.memref_slice %arg6[%dma_start3A_167, %dma_start3A_168] : memref<5120x128xf32, #tpu.memory_space<vmem_shared>> -> memref<5120x128xf32, #tpu.memory_space<vmem_shared>>
      tpu.enqueue_indirect_dma source(%dma_start3A_169 : memref<5120x128xf32, #tpu.memory_space<vmem_shared>>) target(%arg11 : memref<128x128xf32, #tpu.memory_space<vmem>>) offsets(%dma_start3A_166 : memref<128xi32, #tpu.memory_space<vmem>>) semaphore(%arg13 : memref<!tpu.dma_semaphore, #tpu.memory_space<semaphore_mem>>)
      %dma_wait3A_170 = arith.constant 8 : i32
      %dma_wait3A_171 = arith.constant 0 : i32
      %dma_wait3A_172 = tpu.memref_slice %arg8[%dma_wait3A_170, %dma_wait3A_171] : memref<40x128xi32, #tpu.memory_space<vmem>> -> memref<1x128xi32, #tpu.memory_space<vmem>>
      %dma_wait3A_173 = tpu.memref_squeeze %dma_wait3A_172 : memref<1x128xi32, #tpu.memory_space<vmem>> -> memref<128xi32, #tpu.memory_space<vmem>>
      %dma_wait3A_174 = arith.constant 0 : i32
      %dma_wait3A_175 = arith.constant 0 : i32
      %dma_wait3A_176 = tpu.memref_slice %arg6[%dma_wait3A_174, %dma_wait3A_175] : memref<5120x128xf32, #tpu.memory_space<vmem_shared>> -> memref<5120x128xf32, #tpu.memory_space<vmem_shared>>
      tpu.wait_indirect_dma semaphore(%arg12 : memref<!tpu.dma_semaphore, #tpu.memory_space<semaphore_mem>>) src(%dma_wait3A_176 : memref<5120x128xf32, #tpu.memory_space<vmem_shared>>) dst(%arg10 : memref<128x128xf32, #tpu.memory_space<vmem>>)
      %dma_start3A_177 = arith.constant 10 : i32
      %dma_start3A_178 = arith.constant 0 : i32
      %dma_start3A_179 = tpu.memref_slice %arg8[%dma_start3A_177, %dma_start3A_178] : memref<40x128xi32, #tpu.memory_space<vmem>> -> memref<1x128xi32, #tpu.memory_space<vmem>>
      %dma_start3A_180 = tpu.memref_squeeze %dma_start3A_179 : memref<1x128xi32, #tpu.memory_space<vmem>> -> memref<128xi32, #tpu.memory_space<vmem>>
      %dma_start3A_181 = arith.constant 0 : i32
      %dma_start3A_182 = arith.constant 0 : i32
      %dma_start3A_183 = tpu.memref_slice %arg6[%dma_start3A_181, %dma_start3A_182] : memref<5120x128xf32, #tpu.memory_space<vmem_shared>> -> memref<5120x128xf32, #tpu.memory_space<vmem_shared>>
      tpu.enqueue_indirect_dma source(%dma_start3A_183 : memref<5120x128xf32, #tpu.memory_space<vmem_shared>>) target(%arg10 : memref<128x128xf32, #tpu.memory_space<vmem>>) offsets(%dma_start3A_180 : memref<128xi32, #tpu.memory_space<vmem>>) semaphore(%arg12 : memref<!tpu.dma_semaphore, #tpu.memory_space<semaphore_mem>>)
      %dma_wait3A_184 = arith.constant 9 : i32
      %dma_wait3A_185 = arith.constant 0 : i32
      %dma_wait3A_186 = tpu.memref_slice %arg8[%dma_wait3A_184, %dma_wait3A_185] : memref<40x128xi32, #tpu.memory_space<vmem>> -> memref<1x128xi32, #tpu.memory_space<vmem>>
      %dma_wait3A_187 = tpu.memref_squeeze %dma_wait3A_186 : memref<1x128xi32, #tpu.memory_space<vmem>> -> memref<128xi32, #tpu.memory_space<vmem>>
      %dma_wait3A_188 = arith.constant 0 : i32
      %dma_wait3A_189 = arith.constant 0 : i32
      %dma_wait3A_190 = tpu.memref_slice %arg6[%dma_wait3A_188, %dma_wait3A_189] : memref<5120x128xf32, #tpu.memory_space<vmem_shared>> -> memref<5120x128xf32, #tpu.memory_space<vmem_shared>>
      tpu.wait_indirect_dma semaphore(%arg13 : memref<!tpu.dma_semaphore, #tpu.memory_space<semaphore_mem>>) src(%dma_wait3A_190 : memref<5120x128xf32, #tpu.memory_space<vmem_shared>>) dst(%arg11 : memref<128x128xf32, #tpu.memory_space<vmem>>)
      %dma_start3A_191 = arith.constant 11 : i32
      %dma_start3A_192 = arith.constant 0 : i32
      %dma_start3A_193 = tpu.memref_slice %arg8[%dma_start3A_191, %dma_start3A_192] : memref<40x128xi32, #tpu.memory_space<vmem>> -> memref<1x128xi32, #tpu.memory_space<vmem>>
      %dma_start3A_194 = tpu.memref_squeeze %dma_start3A_193 : memref<1x128xi32, #tpu.memory_space<vmem>> -> memref<128xi32, #tpu.memory_space<vmem>>
      %dma_start3A_195 = arith.constant 0 : i32
      %dma_start3A_196 = arith.constant 0 : i32
      %dma_start3A_197 = tpu.memref_slice %arg6[%dma_start3A_195, %dma_start3A_196] : memref<5120x128xf32, #tpu.memory_space<vmem_shared>> -> memref<5120x128xf32, #tpu.memory_space<vmem_shared>>
      tpu.enqueue_indirect_dma source(%dma_start3A_197 : memref<5120x128xf32, #tpu.memory_space<vmem_shared>>) target(%arg11 : memref<128x128xf32, #tpu.memory_space<vmem>>) offsets(%dma_start3A_194 : memref<128xi32, #tpu.memory_space<vmem>>) semaphore(%arg13 : memref<!tpu.dma_semaphore, #tpu.memory_space<semaphore_mem>>)
      %dma_wait3A_198 = arith.constant 10 : i32
      %dma_wait3A_199 = arith.constant 0 : i32
      %dma_wait3A_200 = tpu.memref_slice %arg8[%dma_wait3A_198, %dma_wait3A_199] : memref<40x128xi32, #tpu.memory_space<vmem>> -> memref<1x128xi32, #tpu.memory_space<vmem>>
      %dma_wait3A_201 = tpu.memref_squeeze %dma_wait3A_200 : memref<1x128xi32, #tpu.memory_space<vmem>> -> memref<128xi32, #tpu.memory_space<vmem>>
      %dma_wait3A_202 = arith.constant 0 : i32
      %dma_wait3A_203 = arith.constant 0 : i32
      %dma_wait3A_204 = tpu.memref_slice %arg6[%dma_wait3A_202, %dma_wait3A_203] : memref<5120x128xf32, #tpu.memory_space<vmem_shared>> -> memref<5120x128xf32, #tpu.memory_space<vmem_shared>>
      tpu.wait_indirect_dma semaphore(%arg12 : memref<!tpu.dma_semaphore, #tpu.memory_space<semaphore_mem>>) src(%dma_wait3A_204 : memref<5120x128xf32, #tpu.memory_space<vmem_shared>>) dst(%arg10 : memref<128x128xf32, #tpu.memory_space<vmem>>)
      %dma_start3A_205 = arith.constant 12 : i32
      %dma_start3A_206 = arith.constant 0 : i32
      %dma_start3A_207 = tpu.memref_slice %arg8[%dma_start3A_205, %dma_start3A_206] : memref<40x128xi32, #tpu.memory_space<vmem>> -> memref<1x128xi32, #tpu.memory_space<vmem>>
      %dma_start3A_208 = tpu.memref_squeeze %dma_start3A_207 : memref<1x128xi32, #tpu.memory_space<vmem>> -> memref<128xi32, #tpu.memory_space<vmem>>
      %dma_start3A_209 = arith.constant 0 : i32
      %dma_start3A_210 = arith.constant 0 : i32
      %dma_start3A_211 = tpu.memref_slice %arg6[%dma_start3A_209, %dma_start3A_210] : memref<5120x128xf32, #tpu.memory_space<vmem_shared>> -> memref<5120x128xf32, #tpu.memory_space<vmem_shared>>
      tpu.enqueue_indirect_dma source(%dma_start3A_211 : memref<5120x128xf32, #tpu.memory_space<vmem_shared>>) target(%arg10 : memref<128x128xf32, #tpu.memory_space<vmem>>) offsets(%dma_start3A_208 : memref<128xi32, #tpu.memory_space<vmem>>) semaphore(%arg12 : memref<!tpu.dma_semaphore, #tpu.memory_space<semaphore_mem>>)
      %dma_wait3A_212 = arith.constant 11 : i32
      %dma_wait3A_213 = arith.constant 0 : i32
      %dma_wait3A_214 = tpu.memref_slice %arg8[%dma_wait3A_212, %dma_wait3A_213] : memref<40x128xi32, #tpu.memory_space<vmem>> -> memref<1x128xi32, #tpu.memory_space<vmem>>
      %dma_wait3A_215 = tpu.memref_squeeze %dma_wait3A_214 : memref<1x128xi32, #tpu.memory_space<vmem>> -> memref<128xi32, #tpu.memory_space<vmem>>
      %dma_wait3A_216 = arith.constant 0 : i32
      %dma_wait3A_217 = arith.constant 0 : i32
      %dma_wait3A_218 = tpu.memref_slice %arg6[%dma_wait3A_216, %dma_wait3A_217] : memref<5120x128xf32, #tpu.memory_space<vmem_shared>> -> memref<5120x128xf32, #tpu.memory_space<vmem_shared>>
      tpu.wait_indirect_dma semaphore(%arg13 : memref<!tpu.dma_semaphore, #tpu.memory_space<semaphore_mem>>) src(%dma_wait3A_218 : memref<5120x128xf32, #tpu.memory_space<vmem_shared>>) dst(%arg11 : memref<128x128xf32, #tpu.memory_space<vmem>>)
      %dma_start3A_219 = arith.constant 13 : i32
      %dma_start3A_220 = arith.constant 0 : i32
      %dma_start3A_221 = tpu.memref_slice %arg8[%dma_start3A_219, %dma_start3A_220] : memref<40x128xi32, #tpu.memory_space<vmem>> -> memref<1x128xi32, #tpu.memory_space<vmem>>
      %dma_start3A_222 = tpu.memref_squeeze %dma_start3A_221 : memref<1x128xi32, #tpu.memory_space<vmem>> -> memref<128xi32, #tpu.memory_space<vmem>>
      %dma_start3A_223 = arith.constant 0 : i32
      %dma_start3A_224 = arith.constant 0 : i32
      %dma_start3A_225 = tpu.memref_slice %arg6[%dma_start3A_223, %dma_start3A_224] : memref<5120x128xf32, #tpu.memory_space<vmem_shared>> -> memref<5120x128xf32, #tpu.memory_space<vmem_shared>>
      tpu.enqueue_indirect_dma source(%dma_start3A_225 : memref<5120x128xf32, #tpu.memory_space<vmem_shared>>) target(%arg11 : memref<128x128xf32, #tpu.memory_space<vmem>>) offsets(%dma_start3A_222 : memref<128xi32, #tpu.memory_space<vmem>>) semaphore(%arg13 : memref<!tpu.dma_semaphore, #tpu.memory_space<semaphore_mem>>)
      %dma_wait3A_226 = arith.constant 12 : i32
      %dma_wait3A_227 = arith.constant 0 : i32
      %dma_wait3A_228 = tpu.memref_slice %arg8[%dma_wait3A_226, %dma_wait3A_227] : memref<40x128xi32, #tpu.memory_space<vmem>> -> memref<1x128xi32, #tpu.memory_space<vmem>>
      %dma_wait3A_229 = tpu.memref_squeeze %dma_wait3A_228 : memref<1x128xi32, #tpu.memory_space<vmem>> -> memref<128xi32, #tpu.memory_space<vmem>>
      %dma_wait3A_230 = arith.constant 0 : i32
      %dma_wait3A_231 = arith.constant 0 : i32
      %dma_wait3A_232 = tpu.memref_slice %arg6[%dma_wait3A_230, %dma_wait3A_231] : memref<5120x128xf32, #tpu.memory_space<vmem_shared>> -> memref<5120x128xf32, #tpu.memory_space<vmem_shared>>
      tpu.wait_indirect_dma semaphore(%arg12 : memref<!tpu.dma_semaphore, #tpu.memory_space<semaphore_mem>>) src(%dma_wait3A_232 : memref<5120x128xf32, #tpu.memory_space<vmem_shared>>) dst(%arg10 : memref<128x128xf32, #tpu.memory_space<vmem>>)
      %dma_start3A_233 = arith.constant 14 : i32
      %dma_start3A_234 = arith.constant 0 : i32
      %dma_start3A_235 = tpu.memref_slice %arg8[%dma_start3A_233, %dma_start3A_234] : memref<40x128xi32, #tpu.memory_space<vmem>> -> memref<1x128xi32, #tpu.memory_space<vmem>>
      %dma_start3A_236 = tpu.memref_squeeze %dma_start3A_235 : memref<1x128xi32, #tpu.memory_space<vmem>> -> memref<128xi32, #tpu.memory_space<vmem>>
      %dma_start3A_237 = arith.constant 0 : i32
      %dma_start3A_238 = arith.constant 0 : i32
      %dma_start3A_239 = tpu.memref_slice %arg6[%dma_start3A_237, %dma_start3A_238] : memref<5120x128xf32, #tpu.memory_space<vmem_shared>> -> memref<5120x128xf32, #tpu.memory_space<vmem_shared>>
      tpu.enqueue_indirect_dma source(%dma_start3A_239 : memref<5120x128xf32, #tpu.memory_space<vmem_shared>>) target(%arg10 : memref<128x128xf32, #tpu.memory_space<vmem>>) offsets(%dma_start3A_236 : memref<128xi32, #tpu.memory_space<vmem>>) semaphore(%arg12 : memref<!tpu.dma_semaphore, #tpu.memory_space<semaphore_mem>>)
      %dma_wait3A_240 = arith.constant 13 : i32
      %dma_wait3A_241 = arith.constant 0 : i32
      %dma_wait3A_242 = tpu.memref_slice %arg8[%dma_wait3A_240, %dma_wait3A_241] : memref<40x128xi32, #tpu.memory_space<vmem>> -> memref<1x128xi32, #tpu.memory_space<vmem>>
      %dma_wait3A_243 = tpu.memref_squeeze %dma_wait3A_242 : memref<1x128xi32, #tpu.memory_space<vmem>> -> memref<128xi32, #tpu.memory_space<vmem>>
      %dma_wait3A_244 = arith.constant 0 : i32
      %dma_wait3A_245 = arith.constant 0 : i32
      %dma_wait3A_246 = tpu.memref_slice %arg6[%dma_wait3A_244, %dma_wait3A_245] : memref<5120x128xf32, #tpu.memory_space<vmem_shared>> -> memref<5120x128xf32, #tpu.memory_space<vmem_shared>>
      tpu.wait_indirect_dma semaphore(%arg13 : memref<!tpu.dma_semaphore, #tpu.memory_space<semaphore_mem>>) src(%dma_wait3A_246 : memref<5120x128xf32, #tpu.memory_space<vmem_shared>>) dst(%arg11 : memref<128x128xf32, #tpu.memory_space<vmem>>)
      %dma_start3A_247 = arith.constant 15 : i32
      %dma_start3A_248 = arith.constant 0 : i32
      %dma_start3A_249 = tpu.memref_slice %arg8[%dma_start3A_247, %dma_start3A_248] : memref<40x128xi32, #tpu.memory_space<vmem>> -> memref<1x128xi32, #tpu.memory_space<vmem>>
      %dma_start3A_250 = tpu.memref_squeeze %dma_start3A_249 : memref<1x128xi32, #tpu.memory_space<vmem>> -> memref<128xi32, #tpu.memory_space<vmem>>
      %dma_start3A_251 = arith.constant 0 : i32
      %dma_start3A_252 = arith.constant 0 : i32
      %dma_start3A_253 = tpu.memref_slice %arg6[%dma_start3A_251, %dma_start3A_252] : memref<5120x128xf32, #tpu.memory_space<vmem_shared>> -> memref<5120x128xf32, #tpu.memory_space<vmem_shared>>
      tpu.enqueue_indirect_dma source(%dma_start3A_253 : memref<5120x128xf32, #tpu.memory_space<vmem_shared>>) target(%arg11 : memref<128x128xf32, #tpu.memory_space<vmem>>) offsets(%dma_start3A_250 : memref<128xi32, #tpu.memory_space<vmem>>) semaphore(%arg13 : memref<!tpu.dma_semaphore, #tpu.memory_space<semaphore_mem>>)
      %dma_wait3A_254 = arith.constant 14 : i32
      %dma_wait3A_255 = arith.constant 0 : i32
      %dma_wait3A_256 = tpu.memref_slice %arg8[%dma_wait3A_254, %dma_wait3A_255] : memref<40x128xi32, #tpu.memory_space<vmem>> -> memref<1x128xi32, #tpu.memory_space<vmem>>
      %dma_wait3A_257 = tpu.memref_squeeze %dma_wait3A_256 : memref<1x128xi32, #tpu.memory_space<vmem>> -> memref<128xi32, #tpu.memory_space<vmem>>
      %dma_wait3A_258 = arith.constant 0 : i32
      %dma_wait3A_259 = arith.constant 0 : i32
      %dma_wait3A_260 = tpu.memref_slice %arg6[%dma_wait3A_258, %dma_wait3A_259] : memref<5120x128xf32, #tpu.memory_space<vmem_shared>> -> memref<5120x128xf32, #tpu.memory_space<vmem_shared>>
      tpu.wait_indirect_dma semaphore(%arg12 : memref<!tpu.dma_semaphore, #tpu.memory_space<semaphore_mem>>) src(%dma_wait3A_260 : memref<5120x128xf32, #tpu.memory_space<vmem_shared>>) dst(%arg10 : memref<128x128xf32, #tpu.memory_space<vmem>>)
      %dma_start3A_261 = arith.constant 16 : i32
      %dma_start3A_262 = arith.constant 0 : i32
      %dma_start3A_263 = tpu.memref_slice %arg8[%dma_start3A_261, %dma_start3A_262] : memref<40x128xi32, #tpu.memory_space<vmem>> -> memref<1x128xi32, #tpu.memory_space<vmem>>
      %dma_start3A_264 = tpu.memref_squeeze %dma_start3A_263 : memref<1x128xi32, #tpu.memory_space<vmem>> -> memref<128xi32, #tpu.memory_space<vmem>>
      %dma_start3A_265 = arith.constant 0 : i32
      %dma_start3A_266 = arith.constant 0 : i32
      %dma_start3A_267 = tpu.memref_slice %arg6[%dma_start3A_265, %dma_start3A_266] : memref<5120x128xf32, #tpu.memory_space<vmem_shared>> -> memref<5120x128xf32, #tpu.memory_space<vmem_shared>>
      tpu.enqueue_indirect_dma source(%dma_start3A_267 : memref<5120x128xf32, #tpu.memory_space<vmem_shared>>) target(%arg10 : memref<128x128xf32, #tpu.memory_space<vmem>>) offsets(%dma_start3A_264 : memref<128xi32, #tpu.memory_space<vmem>>) semaphore(%arg12 : memref<!tpu.dma_semaphore, #tpu.memory_space<semaphore_mem>>)
      %dma_wait3A_268 = arith.constant 15 : i32
      %dma_wait3A_269 = arith.constant 0 : i32
      %dma_wait3A_270 = tpu.memref_slice %arg8[%dma_wait3A_268, %dma_wait3A_269] : memref<40x128xi32, #tpu.memory_space<vmem>> -> memref<1x128xi32, #tpu.memory_space<vmem>>
      %dma_wait3A_271 = tpu.memref_squeeze %dma_wait3A_270 : memref<1x128xi32, #tpu.memory_space<vmem>> -> memref<128xi32, #tpu.memory_space<vmem>>
      %dma_wait3A_272 = arith.constant 0 : i32
      %dma_wait3A_273 = arith.constant 0 : i32
      %dma_wait3A_274 = tpu.memref_slice %arg6[%dma_wait3A_272, %dma_wait3A_273] : memref<5120x128xf32, #tpu.memory_space<vmem_shared>> -> memref<5120x128xf32, #tpu.memory_space<vmem_shared>>
      tpu.wait_indirect_dma semaphore(%arg13 : memref<!tpu.dma_semaphore, #tpu.memory_space<semaphore_mem>>) src(%dma_wait3A_274 : memref<5120x128xf32, #tpu.memory_space<vmem_shared>>) dst(%arg11 : memref<128x128xf32, #tpu.memory_space<vmem>>)
      %dma_start3A_275 = arith.constant 17 : i32
      %dma_start3A_276 = arith.constant 0 : i32
      %dma_start3A_277 = tpu.memref_slice %arg8[%dma_start3A_275, %dma_start3A_276] : memref<40x128xi32, #tpu.memory_space<vmem>> -> memref<1x128xi32, #tpu.memory_space<vmem>>
      %dma_start3A_278 = tpu.memref_squeeze %dma_start3A_277 : memref<1x128xi32, #tpu.memory_space<vmem>> -> memref<128xi32, #tpu.memory_space<vmem>>
      %dma_start3A_279 = arith.constant 0 : i32
      %dma_start3A_280 = arith.constant 0 : i32
      %dma_start3A_281 = tpu.memref_slice %arg6[%dma_start3A_279, %dma_start3A_280] : memref<5120x128xf32, #tpu.memory_space<vmem_shared>> -> memref<5120x128xf32, #tpu.memory_space<vmem_shared>>
      tpu.enqueue_indirect_dma source(%dma_start3A_281 : memref<5120x128xf32, #tpu.memory_space<vmem_shared>>) target(%arg11 : memref<128x128xf32, #tpu.memory_space<vmem>>) offsets(%dma_start3A_278 : memref<128xi32, #tpu.memory_space<vmem>>) semaphore(%arg13 : memref<!tpu.dma_semaphore, #tpu.memory_space<semaphore_mem>>)
      %dma_wait3A_282 = arith.constant 16 : i32
      %dma_wait3A_283 = arith.constant 0 : i32
      %dma_wait3A_284 = tpu.memref_slice %arg8[%dma_wait3A_282, %dma_wait3A_283] : memref<40x128xi32, #tpu.memory_space<vmem>> -> memref<1x128xi32, #tpu.memory_space<vmem>>
      %dma_wait3A_285 = tpu.memref_squeeze %dma_wait3A_284 : memref<1x128xi32, #tpu.memory_space<vmem>> -> memref<128xi32, #tpu.memory_space<vmem>>
      %dma_wait3A_286 = arith.constant 0 : i32
      %dma_wait3A_287 = arith.constant 0 : i32
      %dma_wait3A_288 = tpu.memref_slice %arg6[%dma_wait3A_286, %dma_wait3A_287] : memref<5120x128xf32, #tpu.memory_space<vmem_shared>> -> memref<5120x128xf32, #tpu.memory_space<vmem_shared>>
      tpu.wait_indirect_dma semaphore(%arg12 : memref<!tpu.dma_semaphore, #tpu.memory_space<semaphore_mem>>) src(%dma_wait3A_288 : memref<5120x128xf32, #tpu.memory_space<vmem_shared>>) dst(%arg10 : memref<128x128xf32, #tpu.memory_space<vmem>>)
      %dma_start3A_289 = arith.constant 18 : i32
      %dma_start3A_290 = arith.constant 0 : i32
      %dma_start3A_291 = tpu.memref_slice %arg8[%dma_start3A_289, %dma_start3A_290] : memref<40x128xi32, #tpu.memory_space<vmem>> -> memref<1x128xi32, #tpu.memory_space<vmem>>
      %dma_start3A_292 = tpu.memref_squeeze %dma_start3A_291 : memref<1x128xi32, #tpu.memory_space<vmem>> -> memref<128xi32, #tpu.memory_space<vmem>>
      %dma_start3A_293 = arith.constant 0 : i32
      %dma_start3A_294 = arith.constant 0 : i32
      %dma_start3A_295 = tpu.memref_slice %arg6[%dma_start3A_293, %dma_start3A_294] : memref<5120x128xf32, #tpu.memory_space<vmem_shared>> -> memref<5120x128xf32, #tpu.memory_space<vmem_shared>>
      tpu.enqueue_indirect_dma source(%dma_start3A_295 : memref<5120x128xf32, #tpu.memory_space<vmem_shared>>) target(%arg10 : memref<128x128xf32, #tpu.memory_space<vmem>>) offsets(%dma_start3A_292 : memref<128xi32, #tpu.memory_space<vmem>>) semaphore(%arg12 : memref<!tpu.dma_semaphore, #tpu.memory_space<semaphore_mem>>)
      %dma_wait3A_296 = arith.constant 17 : i32
      %dma_wait3A_297 = arith.constant 0 : i32
      %dma_wait3A_298 = tpu.memref_slice %arg8[%dma_wait3A_296, %dma_wait3A_297] : memref<40x128xi32, #tpu.memory_space<vmem>> -> memref<1x128xi32, #tpu.memory_space<vmem>>
      %dma_wait3A_299 = tpu.memref_squeeze %dma_wait3A_298 : memref<1x128xi32, #tpu.memory_space<vmem>> -> memref<128xi32, #tpu.memory_space<vmem>>
      %dma_wait3A_300 = arith.constant 0 : i32
      %dma_wait3A_301 = arith.constant 0 : i32
      %dma_wait3A_302 = tpu.memref_slice %arg6[%dma_wait3A_300, %dma_wait3A_301] : memref<5120x128xf32, #tpu.memory_space<vmem_shared>> -> memref<5120x128xf32, #tpu.memory_space<vmem_shared>>
      tpu.wait_indirect_dma semaphore(%arg13 : memref<!tpu.dma_semaphore, #tpu.memory_space<semaphore_mem>>) src(%dma_wait3A_302 : memref<5120x128xf32, #tpu.memory_space<vmem_shared>>) dst(%arg11 : memref<128x128xf32, #tpu.memory_space<vmem>>)
      %dma_start3A_303 = arith.constant 19 : i32
      %dma_start3A_304 = arith.constant 0 : i32
      %dma_start3A_305 = tpu.memref_slice %arg8[%dma_start3A_303, %dma_start3A_304] : memref<40x128xi32, #tpu.memory_space<vmem>> -> memref<1x128xi32, #tpu.memory_space<vmem>>
      %dma_start3A_306 = tpu.memref_squeeze %dma_start3A_305 : memref<1x128xi32, #tpu.memory_space<vmem>> -> memref<128xi32, #tpu.memory_space<vmem>>
      %dma_start3A_307 = arith.constant 0 : i32
      %dma_start3A_308 = arith.constant 0 : i32
      %dma_start3A_309 = tpu.memref_slice %arg6[%dma_start3A_307, %dma_start3A_308] : memref<5120x128xf32, #tpu.memory_space<vmem_shared>> -> memref<5120x128xf32, #tpu.memory_space<vmem_shared>>
      tpu.enqueue_indirect_dma source(%dma_start3A_309 : memref<5120x128xf32, #tpu.memory_space<vmem_shared>>) target(%arg11 : memref<128x128xf32, #tpu.memory_space<vmem>>) offsets(%dma_start3A_306 : memref<128xi32, #tpu.memory_space<vmem>>) semaphore(%arg13 : memref<!tpu.dma_semaphore, #tpu.memory_space<semaphore_mem>>)
      %dma_wait3A_310 = arith.constant 18 : i32
      %dma_wait3A_311 = arith.constant 0 : i32
      %dma_wait3A_312 = tpu.memref_slice %arg8[%dma_wait3A_310, %dma_wait3A_311] : memref<40x128xi32, #tpu.memory_space<vmem>> -> memref<1x128xi32, #tpu.memory_space<vmem>>
      %dma_wait3A_313 = tpu.memref_squeeze %dma_wait3A_312 : memref<1x128xi32, #tpu.memory_space<vmem>> -> memref<128xi32, #tpu.memory_space<vmem>>
      %dma_wait3A_314 = arith.constant 0 : i32
      %dma_wait3A_315 = arith.constant 0 : i32
      %dma_wait3A_316 = tpu.memref_slice %arg6[%dma_wait3A_314, %dma_wait3A_315] : memref<5120x128xf32, #tpu.memory_space<vmem_shared>> -> memref<5120x128xf32, #tpu.memory_space<vmem_shared>>
      tpu.wait_indirect_dma semaphore(%arg12 : memref<!tpu.dma_semaphore, #tpu.memory_space<semaphore_mem>>) src(%dma_wait3A_316 : memref<5120x128xf32, #tpu.memory_space<vmem_shared>>) dst(%arg10 : memref<128x128xf32, #tpu.memory_space<vmem>>)
      %dma_start3A_317 = arith.constant 20 : i32
      %dma_start3A_318 = arith.constant 0 : i32
      %dma_start3A_319 = tpu.memref_slice %arg8[%dma_start3A_317, %dma_start3A_318] : memref<40x128xi32, #tpu.memory_space<vmem>> -> memref<1x128xi32, #tpu.memory_space<vmem>>
      %dma_start3A_320 = tpu.memref_squeeze %dma_start3A_319 : memref<1x128xi32, #tpu.memory_space<vmem>> -> memref<128xi32, #tpu.memory_space<vmem>>
      %dma_start3A_321 = arith.constant 0 : i32
      %dma_start3A_322 = arith.constant 0 : i32
      %dma_start3A_323 = tpu.memref_slice %arg6[%dma_start3A_321, %dma_start3A_322] : memref<5120x128xf32, #tpu.memory_space<vmem_shared>> -> memref<5120x128xf32, #tpu.memory_space<vmem_shared>>
      tpu.enqueue_indirect_dma source(%dma_start3A_323 : memref<5120x128xf32, #tpu.memory_space<vmem_shared>>) target(%arg10 : memref<128x128xf32, #tpu.memory_space<vmem>>) offsets(%dma_start3A_320 : memref<128xi32, #tpu.memory_space<vmem>>) semaphore(%arg12 : memref<!tpu.dma_semaphore, #tpu.memory_space<semaphore_mem>>)
      %dma_wait3A_324 = arith.constant 19 : i32
      %dma_wait3A_325 = arith.constant 0 : i32
      %dma_wait3A_326 = tpu.memref_slice %arg8[%dma_wait3A_324, %dma_wait3A_325] : memref<40x128xi32, #tpu.memory_space<vmem>> -> memref<1x128xi32, #tpu.memory_space<vmem>>
      %dma_wait3A_327 = tpu.memref_squeeze %dma_wait3A_326 : memref<1x128xi32, #tpu.memory_space<vmem>> -> memref<128xi32, #tpu.memory_space<vmem>>
      %dma_wait3A_328 = arith.constant 0 : i32
      %dma_wait3A_329 = arith.constant 0 : i32
      %dma_wait3A_330 = tpu.memref_slice %arg6[%dma_wait3A_328, %dma_wait3A_329] : memref<5120x128xf32, #tpu.memory_space<vmem_shared>> -> memref<5120x128xf32, #tpu.memory_space<vmem_shared>>
      tpu.wait_indirect_dma semaphore(%arg13 : memref<!tpu.dma_semaphore, #tpu.memory_space<semaphore_mem>>) src(%dma_wait3A_330 : memref<5120x128xf32, #tpu.memory_space<vmem_shared>>) dst(%arg11 : memref<128x128xf32, #tpu.memory_space<vmem>>)
      %dma_start3A_331 = arith.constant 21 : i32
      %dma_start3A_332 = arith.constant 0 : i32
      %dma_start3A_333 = tpu.memref_slice %arg8[%dma_start3A_331, %dma_start3A_332] : memref<40x128xi32, #tpu.memory_space<vmem>> -> memref<1x128xi32, #tpu.memory_space<vmem>>
      %dma_start3A_334 = tpu.memref_squeeze %dma_start3A_333 : memref<1x128xi32, #tpu.memory_space<vmem>> -> memref<128xi32, #tpu.memory_space<vmem>>
      %dma_start3A_335 = arith.constant 0 : i32
      %dma_start3A_336 = arith.constant 0 : i32
      %dma_start3A_337 = tpu.memref_slice %arg6[%dma_start3A_335, %dma_start3A_336] : memref<5120x128xf32, #tpu.memory_space<vmem_shared>> -> memref<5120x128xf32, #tpu.memory_space<vmem_shared>>
      tpu.enqueue_indirect_dma source(%dma_start3A_337 : memref<5120x128xf32, #tpu.memory_space<vmem_shared>>) target(%arg11 : memref<128x128xf32, #tpu.memory_space<vmem>>) offsets(%dma_start3A_334 : memref<128xi32, #tpu.memory_space<vmem>>) semaphore(%arg13 : memref<!tpu.dma_semaphore, #tpu.memory_space<semaphore_mem>>)
      %dma_wait3A_338 = arith.constant 20 : i32
      %dma_wait3A_339 = arith.constant 0 : i32
      %dma_wait3A_340 = tpu.memref_slice %arg8[%dma_wait3A_338, %dma_wait3A_339] : memref<40x128xi32, #tpu.memory_space<vmem>> -> memref<1x128xi32, #tpu.memory_space<vmem>>
      %dma_wait3A_341 = tpu.memref_squeeze %dma_wait3A_340 : memref<1x128xi32, #tpu.memory_space<vmem>> -> memref<128xi32, #tpu.memory_space<vmem>>
      %dma_wait3A_342 = arith.constant 0 : i32
      %dma_wait3A_343 = arith.constant 0 : i32
      %dma_wait3A_344 = tpu.memref_slice %arg6[%dma_wait3A_342, %dma_wait3A_343] : memref<5120x128xf32, #tpu.memory_space<vmem_shared>> -> memref<5120x128xf32, #tpu.memory_space<vmem_shared>>
      tpu.wait_indirect_dma semaphore(%arg12 : memref<!tpu.dma_semaphore, #tpu.memory_space<semaphore_mem>>) src(%dma_wait3A_344 : memref<5120x128xf32, #tpu.memory_space<vmem_shared>>) dst(%arg10 : memref<128x128xf32, #tpu.memory_space<vmem>>)
      %dma_start3A_345 = arith.constant 22 : i32
      %dma_start3A_346 = arith.constant 0 : i32
      %dma_start3A_347 = tpu.memref_slice %arg8[%dma_start3A_345, %dma_start3A_346] : memref<40x128xi32, #tpu.memory_space<vmem>> -> memref<1x128xi32, #tpu.memory_space<vmem>>
      %dma_start3A_348 = tpu.memref_squeeze %dma_start3A_347 : memref<1x128xi32, #tpu.memory_space<vmem>> -> memref<128xi32, #tpu.memory_space<vmem>>
      %dma_start3A_349 = arith.constant 0 : i32
      %dma_start3A_350 = arith.constant 0 : i32
      %dma_start3A_351 = tpu.memref_slice %arg6[%dma_start3A_349, %dma_start3A_350] : memref<5120x128xf32, #tpu.memory_space<vmem_shared>> -> memref<5120x128xf32, #tpu.memory_space<vmem_shared>>
      tpu.enqueue_indirect_dma source(%dma_start3A_351 : memref<5120x128xf32, #tpu.memory_space<vmem_shared>>) target(%arg10 : memref<128x128xf32, #tpu.memory_space<vmem>>) offsets(%dma_start3A_348 : memref<128xi32, #tpu.memory_space<vmem>>) semaphore(%arg12 : memref<!tpu.dma_semaphore, #tpu.memory_space<semaphore_mem>>)
      %dma_wait3A_352 = arith.constant 21 : i32
      %dma_wait3A_353 = arith.constant 0 : i32
      %dma_wait3A_354 = tpu.memref_slice %arg8[%dma_wait3A_352, %dma_wait3A_353] : memref<40x128xi32, #tpu.memory_space<vmem>> -> memref<1x128xi32, #tpu.memory_space<vmem>>
      %dma_wait3A_355 = tpu.memref_squeeze %dma_wait3A_354 : memref<1x128xi32, #tpu.memory_space<vmem>> -> memref<128xi32, #tpu.memory_space<vmem>>
      %dma_wait3A_356 = arith.constant 0 : i32
      %dma_wait3A_357 = arith.constant 0 : i32
      %dma_wait3A_358 = tpu.memref_slice %arg6[%dma_wait3A_356, %dma_wait3A_357] : memref<5120x128xf32, #tpu.memory_space<vmem_shared>> -> memref<5120x128xf32, #tpu.memory_space<vmem_shared>>
      tpu.wait_indirect_dma semaphore(%arg13 : memref<!tpu.dma_semaphore, #tpu.memory_space<semaphore_mem>>) src(%dma_wait3A_358 : memref<5120x128xf32, #tpu.memory_space<vmem_shared>>) dst(%arg11 : memref<128x128xf32, #tpu.memory_space<vmem>>)
      %dma_start3A_359 = arith.constant 23 : i32
      %dma_start3A_360 = arith.constant 0 : i32
      %dma_start3A_361 = tpu.memref_slice %arg8[%dma_start3A_359, %dma_start3A_360] : memref<40x128xi32, #tpu.memory_space<vmem>> -> memref<1x128xi32, #tpu.memory_space<vmem>>
      %dma_start3A_362 = tpu.memref_squeeze %dma_start3A_361 : memref<1x128xi32, #tpu.memory_space<vmem>> -> memref<128xi32, #tpu.memory_space<vmem>>
      %dma_start3A_363 = arith.constant 0 : i32
      %dma_start3A_364 = arith.constant 0 : i32
      %dma_start3A_365 = tpu.memref_slice %arg6[%dma_start3A_363, %dma_start3A_364] : memref<5120x128xf32, #tpu.memory_space<vmem_shared>> -> memref<5120x128xf32, #tpu.memory_space<vmem_shared>>
      tpu.enqueue_indirect_dma source(%dma_start3A_365 : memref<5120x128xf32, #tpu.memory_space<vmem_shared>>) target(%arg11 : memref<128x128xf32, #tpu.memory_space<vmem>>) offsets(%dma_start3A_362 : memref<128xi32, #tpu.memory_space<vmem>>) semaphore(%arg13 : memref<!tpu.dma_semaphore, #tpu.memory_space<semaphore_mem>>)
      %dma_wait3A_366 = arith.constant 22 : i32
      %dma_wait3A_367 = arith.constant 0 : i32
      %dma_wait3A_368 = tpu.memref_slice %arg8[%dma_wait3A_366, %dma_wait3A_367] : memref<40x128xi32, #tpu.memory_space<vmem>> -> memref<1x128xi32, #tpu.memory_space<vmem>>
      %dma_wait3A_369 = tpu.memref_squeeze %dma_wait3A_368 : memref<1x128xi32, #tpu.memory_space<vmem>> -> memref<128xi32, #tpu.memory_space<vmem>>
      %dma_wait3A_370 = arith.constant 0 : i32
      %dma_wait3A_371 = arith.constant 0 : i32
      %dma_wait3A_372 = tpu.memref_slice %arg6[%dma_wait3A_370, %dma_wait3A_371] : memref<5120x128xf32, #tpu.memory_space<vmem_shared>> -> memref<5120x128xf32, #tpu.memory_space<vmem_shared>>
      tpu.wait_indirect_dma semaphore(%arg12 : memref<!tpu.dma_semaphore, #tpu.memory_space<semaphore_mem>>) src(%dma_wait3A_372 : memref<5120x128xf32, #tpu.memory_space<vmem_shared>>) dst(%arg10 : memref<128x128xf32, #tpu.memory_space<vmem>>)
      %dma_start3A_373 = arith.constant 24 : i32
      %dma_start3A_374 = arith.constant 0 : i32
      %dma_start3A_375 = tpu.memref_slice %arg8[%dma_start3A_373, %dma_start3A_374] : memref<40x128xi32, #tpu.memory_space<vmem>> -> memref<1x128xi32, #tpu.memory_space<vmem>>
      %dma_start3A_376 = tpu.memref_squeeze %dma_start3A_375 : memref<1x128xi32, #tpu.memory_space<vmem>> -> memref<128xi32, #tpu.memory_space<vmem>>
      %dma_start3A_377 = arith.constant 0 : i32
      %dma_start3A_378 = arith.constant 0 : i32
      %dma_start3A_379 = tpu.memref_slice %arg6[%dma_start3A_377, %dma_start3A_378] : memref<5120x128xf32, #tpu.memory_space<vmem_shared>> -> memref<5120x128xf32, #tpu.memory_space<vmem_shared>>
      tpu.enqueue_indirect_dma source(%dma_start3A_379 : memref<5120x128xf32, #tpu.memory_space<vmem_shared>>) target(%arg10 : memref<128x128xf32, #tpu.memory_space<vmem>>) offsets(%dma_start3A_376 : memref<128xi32, #tpu.memory_space<vmem>>) semaphore(%arg12 : memref<!tpu.dma_semaphore, #tpu.memory_space<semaphore_mem>>)
      %dma_wait3A_380 = arith.constant 23 : i32
      %dma_wait3A_381 = arith.constant 0 : i32
      %dma_wait3A_382 = tpu.memref_slice %arg8[%dma_wait3A_380, %dma_wait3A_381] : memref<40x128xi32, #tpu.memory_space<vmem>> -> memref<1x128xi32, #tpu.memory_space<vmem>>
      %dma_wait3A_383 = tpu.memref_squeeze %dma_wait3A_382 : memref<1x128xi32, #tpu.memory_space<vmem>> -> memref<128xi32, #tpu.memory_space<vmem>>
      %dma_wait3A_384 = arith.constant 0 : i32
      %dma_wait3A_385 = arith.constant 0 : i32
      %dma_wait3A_386 = tpu.memref_slice %arg6[%dma_wait3A_384, %dma_wait3A_385] : memref<5120x128xf32, #tpu.memory_space<vmem_shared>> -> memref<5120x128xf32, #tpu.memory_space<vmem_shared>>
      tpu.wait_indirect_dma semaphore(%arg13 : memref<!tpu.dma_semaphore, #tpu.memory_space<semaphore_mem>>) src(%dma_wait3A_386 : memref<5120x128xf32, #tpu.memory_space<vmem_shared>>) dst(%arg11 : memref<128x128xf32, #tpu.memory_space<vmem>>)
      %dma_start3A_387 = arith.constant 25 : i32
      %dma_start3A_388 = arith.constant 0 : i32
      %dma_start3A_389 = tpu.memref_slice %arg8[%dma_start3A_387, %dma_start3A_388] : memref<40x128xi32, #tpu.memory_space<vmem>> -> memref<1x128xi32, #tpu.memory_space<vmem>>
      %dma_start3A_390 = tpu.memref_squeeze %dma_start3A_389 : memref<1x128xi32, #tpu.memory_space<vmem>> -> memref<128xi32, #tpu.memory_space<vmem>>
      %dma_start3A_391 = arith.constant 0 : i32
      %dma_start3A_392 = arith.constant 0 : i32
      %dma_start3A_393 = tpu.memref_slice %arg6[%dma_start3A_391, %dma_start3A_392] : memref<5120x128xf32, #tpu.memory_space<vmem_shared>> -> memref<5120x128xf32, #tpu.memory_space<vmem_shared>>
      tpu.enqueue_indirect_dma source(%dma_start3A_393 : memref<5120x128xf32, #tpu.memory_space<vmem_shared>>) target(%arg11 : memref<128x128xf32, #tpu.memory_space<vmem>>) offsets(%dma_start3A_390 : memref<128xi32, #tpu.memory_space<vmem>>) semaphore(%arg13 : memref<!tpu.dma_semaphore, #tpu.memory_space<semaphore_mem>>)
      %dma_wait3A_394 = arith.constant 24 : i32
      %dma_wait3A_395 = arith.constant 0 : i32
      %dma_wait3A_396 = tpu.memref_slice %arg8[%dma_wait3A_394, %dma_wait3A_395] : memref<40x128xi32, #tpu.memory_space<vmem>> -> memref<1x128xi32, #tpu.memory_space<vmem>>
      %dma_wait3A_397 = tpu.memref_squeeze %dma_wait3A_396 : memref<1x128xi32, #tpu.memory_space<vmem>> -> memref<128xi32, #tpu.memory_space<vmem>>
      %dma_wait3A_398 = arith.constant 0 : i32
      %dma_wait3A_399 = arith.constant 0 : i32
      %dma_wait3A_400 = tpu.memref_slice %arg6[%dma_wait3A_398, %dma_wait3A_399] : memref<5120x128xf32, #tpu.memory_space<vmem_shared>> -> memref<5120x128xf32, #tpu.memory_space<vmem_shared>>
      tpu.wait_indirect_dma semaphore(%arg12 : memref<!tpu.dma_semaphore, #tpu.memory_space<semaphore_mem>>) src(%dma_wait3A_400 : memref<5120x128xf32, #tpu.memory_space<vmem_shared>>) dst(%arg10 : memref<128x128xf32, #tpu.memory_space<vmem>>)
      %dma_start3A_401 = arith.constant 26 : i32
      %dma_start3A_402 = arith.constant 0 : i32
      %dma_start3A_403 = tpu.memref_slice %arg8[%dma_start3A_401, %dma_start3A_402] : memref<40x128xi32, #tpu.memory_space<vmem>> -> memref<1x128xi32, #tpu.memory_space<vmem>>
      %dma_start3A_404 = tpu.memref_squeeze %dma_start3A_403 : memref<1x128xi32, #tpu.memory_space<vmem>> -> memref<128xi32, #tpu.memory_space<vmem>>
      %dma_start3A_405 = arith.constant 0 : i32
      %dma_start3A_406 = arith.constant 0 : i32
      %dma_start3A_407 = tpu.memref_slice %arg6[%dma_start3A_405, %dma_start3A_406] : memref<5120x128xf32, #tpu.memory_space<vmem_shared>> -> memref<5120x128xf32, #tpu.memory_space<vmem_shared>>
      tpu.enqueue_indirect_dma source(%dma_start3A_407 : memref<5120x128xf32, #tpu.memory_space<vmem_shared>>) target(%arg10 : memref<128x128xf32, #tpu.memory_space<vmem>>) offsets(%dma_start3A_404 : memref<128xi32, #tpu.memory_space<vmem>>) semaphore(%arg12 : memref<!tpu.dma_semaphore, #tpu.memory_space<semaphore_mem>>)
      %dma_wait3A_408 = arith.constant 25 : i32
      %dma_wait3A_409 = arith.constant 0 : i32
      %dma_wait3A_410 = tpu.memref_slice %arg8[%dma_wait3A_408, %dma_wait3A_409] : memref<40x128xi32, #tpu.memory_space<vmem>> -> memref<1x128xi32, #tpu.memory_space<vmem>>
      %dma_wait3A_411 = tpu.memref_squeeze %dma_wait3A_410 : memref<1x128xi32, #tpu.memory_space<vmem>> -> memref<128xi32, #tpu.memory_space<vmem>>
      %dma_wait3A_412 = arith.constant 0 : i32
      %dma_wait3A_413 = arith.constant 0 : i32
      %dma_wait3A_414 = tpu.memref_slice %arg6[%dma_wait3A_412, %dma_wait3A_413] : memref<5120x128xf32, #tpu.memory_space<vmem_shared>> -> memref<5120x128xf32, #tpu.memory_space<vmem_shared>>
      tpu.wait_indirect_dma semaphore(%arg13 : memref<!tpu.dma_semaphore, #tpu.memory_space<semaphore_mem>>) src(%dma_wait3A_414 : memref<5120x128xf32, #tpu.memory_space<vmem_shared>>) dst(%arg11 : memref<128x128xf32, #tpu.memory_space<vmem>>)
      %dma_start3A_415 = arith.constant 27 : i32
      %dma_start3A_416 = arith.constant 0 : i32
      %dma_start3A_417 = tpu.memref_slice %arg8[%dma_start3A_415, %dma_start3A_416] : memref<40x128xi32, #tpu.memory_space<vmem>> -> memref<1x128xi32, #tpu.memory_space<vmem>>
      %dma_start3A_418 = tpu.memref_squeeze %dma_start3A_417 : memref<1x128xi32, #tpu.memory_space<vmem>> -> memref<128xi32, #tpu.memory_space<vmem>>
      %dma_start3A_419 = arith.constant 0 : i32
      %dma_start3A_420 = arith.constant 0 : i32
      %dma_start3A_421 = tpu.memref_slice %arg6[%dma_start3A_419, %dma_start3A_420] : memref<5120x128xf32, #tpu.memory_space<vmem_shared>> -> memref<5120x128xf32, #tpu.memory_space<vmem_shared>>
      tpu.enqueue_indirect_dma source(%dma_start3A_421 : memref<5120x128xf32, #tpu.memory_space<vmem_shared>>) target(%arg11 : memref<128x128xf32, #tpu.memory_space<vmem>>) offsets(%dma_start3A_418 : memref<128xi32, #tpu.memory_space<vmem>>) semaphore(%arg13 : memref<!tpu.dma_semaphore, #tpu.memory_space<semaphore_mem>>)
      %dma_wait3A_422 = arith.constant 26 : i32
      %dma_wait3A_423 = arith.constant 0 : i32
      %dma_wait3A_424 = tpu.memref_slice %arg8[%dma_wait3A_422, %dma_wait3A_423] : memref<40x128xi32, #tpu.memory_space<vmem>> -> memref<1x128xi32, #tpu.memory_space<vmem>>
      %dma_wait3A_425 = tpu.memref_squeeze %dma_wait3A_424 : memref<1x128xi32, #tpu.memory_space<vmem>> -> memref<128xi32, #tpu.memory_space<vmem>>
      %dma_wait3A_426 = arith.constant 0 : i32
      %dma_wait3A_427 = arith.constant 0 : i32
      %dma_wait3A_428 = tpu.memref_slice %arg6[%dma_wait3A_426, %dma_wait3A_427] : memref<5120x128xf32, #tpu.memory_space<vmem_shared>> -> memref<5120x128xf32, #tpu.memory_space<vmem_shared>>
      tpu.wait_indirect_dma semaphore(%arg12 : memref<!tpu.dma_semaphore, #tpu.memory_space<semaphore_mem>>) src(%dma_wait3A_428 : memref<5120x128xf32, #tpu.memory_space<vmem_shared>>) dst(%arg10 : memref<128x128xf32, #tpu.memory_space<vmem>>)
      %dma_start3A_429 = arith.constant 28 : i32
      %dma_start3A_430 = arith.constant 0 : i32
      %dma_start3A_431 = tpu.memref_slice %arg8[%dma_start3A_429, %dma_start3A_430] : memref<40x128xi32, #tpu.memory_space<vmem>> -> memref<1x128xi32, #tpu.memory_space<vmem>>
      %dma_start3A_432 = tpu.memref_squeeze %dma_start3A_431 : memref<1x128xi32, #tpu.memory_space<vmem>> -> memref<128xi32, #tpu.memory_space<vmem>>
      %dma_start3A_433 = arith.constant 0 : i32
      %dma_start3A_434 = arith.constant 0 : i32
      %dma_start3A_435 = tpu.memref_slice %arg6[%dma_start3A_433, %dma_start3A_434] : memref<5120x128xf32, #tpu.memory_space<vmem_shared>> -> memref<5120x128xf32, #tpu.memory_space<vmem_shared>>
      tpu.enqueue_indirect_dma source(%dma_start3A_435 : memref<5120x128xf32, #tpu.memory_space<vmem_shared>>) target(%arg10 : memref<128x128xf32, #tpu.memory_space<vmem>>) offsets(%dma_start3A_432 : memref<128xi32, #tpu.memory_space<vmem>>) semaphore(%arg12 : memref<!tpu.dma_semaphore, #tpu.memory_space<semaphore_mem>>)
      %dma_wait3A_436 = arith.constant 27 : i32
      %dma_wait3A_437 = arith.constant 0 : i32
      %dma_wait3A_438 = tpu.memref_slice %arg8[%dma_wait3A_436, %dma_wait3A_437] : memref<40x128xi32, #tpu.memory_space<vmem>> -> memref<1x128xi32, #tpu.memory_space<vmem>>
      %dma_wait3A_439 = tpu.memref_squeeze %dma_wait3A_438 : memref<1x128xi32, #tpu.memory_space<vmem>> -> memref<128xi32, #tpu.memory_space<vmem>>
      %dma_wait3A_440 = arith.constant 0 : i32
      %dma_wait3A_441 = arith.constant 0 : i32
      %dma_wait3A_442 = tpu.memref_slice %arg6[%dma_wait3A_440, %dma_wait3A_441] : memref<5120x128xf32, #tpu.memory_space<vmem_shared>> -> memref<5120x128xf32, #tpu.memory_space<vmem_shared>>
      tpu.wait_indirect_dma semaphore(%arg13 : memref<!tpu.dma_semaphore, #tpu.memory_space<semaphore_mem>>) src(%dma_wait3A_442 : memref<5120x128xf32, #tpu.memory_space<vmem_shared>>) dst(%arg11 : memref<128x128xf32, #tpu.memory_space<vmem>>)
      %dma_start3A_443 = arith.constant 29 : i32
      %dma_start3A_444 = arith.constant 0 : i32
      %dma_start3A_445 = tpu.memref_slice %arg8[%dma_start3A_443, %dma_start3A_444] : memref<40x128xi32, #tpu.memory_space<vmem>> -> memref<1x128xi32, #tpu.memory_space<vmem>>
      %dma_start3A_446 = tpu.memref_squeeze %dma_start3A_445 : memref<1x128xi32, #tpu.memory_space<vmem>> -> memref<128xi32, #tpu.memory_space<vmem>>
      %dma_start3A_447 = arith.constant 0 : i32
      %dma_start3A_448 = arith.constant 0 : i32
      %dma_start3A_449 = tpu.memref_slice %arg6[%dma_start3A_447, %dma_start3A_448] : memref<5120x128xf32, #tpu.memory_space<vmem_shared>> -> memref<5120x128xf32, #tpu.memory_space<vmem_shared>>
      tpu.enqueue_indirect_dma source(%dma_start3A_449 : memref<5120x128xf32, #tpu.memory_space<vmem_shared>>) target(%arg11 : memref<128x128xf32, #tpu.memory_space<vmem>>) offsets(%dma_start3A_446 : memref<128xi32, #tpu.memory_space<vmem>>) semaphore(%arg13 : memref<!tpu.dma_semaphore, #tpu.memory_space<semaphore_mem>>)
      %dma_wait3A_450 = arith.constant 28 : i32
      %dma_wait3A_451 = arith.constant 0 : i32
      %dma_wait3A_452 = tpu.memref_slice %arg8[%dma_wait3A_450, %dma_wait3A_451] : memref<40x128xi32, #tpu.memory_space<vmem>> -> memref<1x128xi32, #tpu.memory_space<vmem>>
      %dma_wait3A_453 = tpu.memref_squeeze %dma_wait3A_452 : memref<1x128xi32, #tpu.memory_space<vmem>> -> memref<128xi32, #tpu.memory_space<vmem>>
      %dma_wait3A_454 = arith.constant 0 : i32
      %dma_wait3A_455 = arith.constant 0 : i32
      %dma_wait3A_456 = tpu.memref_slice %arg6[%dma_wait3A_454, %dma_wait3A_455] : memref<5120x128xf32, #tpu.memory_space<vmem_shared>> -> memref<5120x128xf32, #tpu.memory_space<vmem_shared>>
      tpu.wait_indirect_dma semaphore(%arg12 : memref<!tpu.dma_semaphore, #tpu.memory_space<semaphore_mem>>) src(%dma_wait3A_456 : memref<5120x128xf32, #tpu.memory_space<vmem_shared>>) dst(%arg10 : memref<128x128xf32, #tpu.memory_space<vmem>>)
      %dma_start3A_457 = arith.constant 30 : i32
      %dma_start3A_458 = arith.constant 0 : i32
      %dma_start3A_459 = tpu.memref_slice %arg8[%dma_start3A_457, %dma_start3A_458] : memref<40x128xi32, #tpu.memory_space<vmem>> -> memref<1x128xi32, #tpu.memory_space<vmem>>
      %dma_start3A_460 = tpu.memref_squeeze %dma_start3A_459 : memref<1x128xi32, #tpu.memory_space<vmem>> -> memref<128xi32, #tpu.memory_space<vmem>>
      %dma_start3A_461 = arith.constant 0 : i32
      %dma_start3A_462 = arith.constant 0 : i32
      %dma_start3A_463 = tpu.memref_slice %arg6[%dma_start3A_461, %dma_start3A_462] : memref<5120x128xf32, #tpu.memory_space<vmem_shared>> -> memref<5120x128xf32, #tpu.memory_space<vmem_shared>>
      tpu.enqueue_indirect_dma source(%dma_start3A_463 : memref<5120x128xf32, #tpu.memory_space<vmem_shared>>) target(%arg10 : memref<128x128xf32, #tpu.memory_space<vmem>>) offsets(%dma_start3A_460 : memref<128xi32, #tpu.memory_space<vmem>>) semaphore(%arg12 : memref<!tpu.dma_semaphore, #tpu.memory_space<semaphore_mem>>)
      %dma_wait3A_464 = arith.constant 29 : i32
      %dma_wait3A_465 = arith.constant 0 : i32
      %dma_wait3A_466 = tpu.memref_slice %arg8[%dma_wait3A_464, %dma_wait3A_465] : memref<40x128xi32, #tpu.memory_space<vmem>> -> memref<1x128xi32, #tpu.memory_space<vmem>>
      %dma_wait3A_467 = tpu.memref_squeeze %dma_wait3A_466 : memref<1x128xi32, #tpu.memory_space<vmem>> -> memref<128xi32, #tpu.memory_space<vmem>>
      %dma_wait3A_468 = arith.constant 0 : i32
      %dma_wait3A_469 = arith.constant 0 : i32
      %dma_wait3A_470 = tpu.memref_slice %arg6[%dma_wait3A_468, %dma_wait3A_469] : memref<5120x128xf32, #tpu.memory_space<vmem_shared>> -> memref<5120x128xf32, #tpu.memory_space<vmem_shared>>
      tpu.wait_indirect_dma semaphore(%arg13 : memref<!tpu.dma_semaphore, #tpu.memory_space<semaphore_mem>>) src(%dma_wait3A_470 : memref<5120x128xf32, #tpu.memory_space<vmem_shared>>) dst(%arg11 : memref<128x128xf32, #tpu.memory_space<vmem>>)
      %dma_start3A_471 = arith.constant 31 : i32
      %dma_start3A_472 = arith.constant 0 : i32
      %dma_start3A_473 = tpu.memref_slice %arg8[%dma_start3A_471, %dma_start3A_472] : memref<40x128xi32, #tpu.memory_space<vmem>> -> memref<1x128xi32, #tpu.memory_space<vmem>>
      %dma_start3A_474 = tpu.memref_squeeze %dma_start3A_473 : memref<1x128xi32, #tpu.memory_space<vmem>> -> memref<128xi32, #tpu.memory_space<vmem>>
      %dma_start3A_475 = arith.constant 0 : i32
      %dma_start3A_476 = arith.constant 0 : i32
      %dma_start3A_477 = tpu.memref_slice %arg6[%dma_start3A_475, %dma_start3A_476] : memref<5120x128xf32, #tpu.memory_space<vmem_shared>> -> memref<5120x128xf32, #tpu.memory_space<vmem_shared>>
      tpu.enqueue_indirect_dma source(%dma_start3A_477 : memref<5120x128xf32, #tpu.memory_space<vmem_shared>>) target(%arg11 : memref<128x128xf32, #tpu.memory_space<vmem>>) offsets(%dma_start3A_474 : memref<128xi32, #tpu.memory_space<vmem>>) semaphore(%arg13 : memref<!tpu.dma_semaphore, #tpu.memory_space<semaphore_mem>>)
      %dma_wait3A_478 = arith.constant 30 : i32
      %dma_wait3A_479 = arith.constant 0 : i32
      %dma_wait3A_480 = tpu.memref_slice %arg8[%dma_wait3A_478, %dma_wait3A_479] : memref<40x128xi32, #tpu.memory_space<vmem>> -> memref<1x128xi32, #tpu.memory_space<vmem>>
      %dma_wait3A_481 = tpu.memref_squeeze %dma_wait3A_480 : memref<1x128xi32, #tpu.memory_space<vmem>> -> memref<128xi32, #tpu.memory_space<vmem>>
      %dma_wait3A_482 = arith.constant 0 : i32
      %dma_wait3A_483 = arith.constant 0 : i32
      %dma_wait3A_484 = tpu.memref_slice %arg6[%dma_wait3A_482, %dma_wait3A_483] : memref<5120x128xf32, #tpu.memory_space<vmem_shared>> -> memref<5120x128xf32, #tpu.memory_space<vmem_shared>>
      tpu.wait_indirect_dma semaphore(%arg12 : memref<!tpu.dma_semaphore, #tpu.memory_space<semaphore_mem>>) src(%dma_wait3A_484 : memref<5120x128xf32, #tpu.memory_space<vmem_shared>>) dst(%arg10 : memref<128x128xf32, #tpu.memory_space<vmem>>)
      %dma_start3A_485 = arith.constant 32 : i32
      %dma_start3A_486 = arith.constant 0 : i32
      %dma_start3A_487 = tpu.memref_slice %arg8[%dma_start3A_485, %dma_start3A_486] : memref<40x128xi32, #tpu.memory_space<vmem>> -> memref<1x128xi32, #tpu.memory_space<vmem>>
      %dma_start3A_488 = tpu.memref_squeeze %dma_start3A_487 : memref<1x128xi32, #tpu.memory_space<vmem>> -> memref<128xi32, #tpu.memory_space<vmem>>
      %dma_start3A_489 = arith.constant 0 : i32
      %dma_start3A_490 = arith.constant 0 : i32
      %dma_start3A_491 = tpu.memref_slice %arg6[%dma_start3A_489, %dma_start3A_490] : memref<5120x128xf32, #tpu.memory_space<vmem_shared>> -> memref<5120x128xf32, #tpu.memory_space<vmem_shared>>
      tpu.enqueue_indirect_dma source(%dma_start3A_491 : memref<5120x128xf32, #tpu.memory_space<vmem_shared>>) target(%arg10 : memref<128x128xf32, #tpu.memory_space<vmem>>) offsets(%dma_start3A_488 : memref<128xi32, #tpu.memory_space<vmem>>) semaphore(%arg12 : memref<!tpu.dma_semaphore, #tpu.memory_space<semaphore_mem>>)
      %dma_wait3A_492 = arith.constant 31 : i32
      %dma_wait3A_493 = arith.constant 0 : i32
      %dma_wait3A_494 = tpu.memref_slice %arg8[%dma_wait3A_492, %dma_wait3A_493] : memref<40x128xi32, #tpu.memory_space<vmem>> -> memref<1x128xi32, #tpu.memory_space<vmem>>
      %dma_wait3A_495 = tpu.memref_squeeze %dma_wait3A_494 : memref<1x128xi32, #tpu.memory_space<vmem>> -> memref<128xi32, #tpu.memory_space<vmem>>
      %dma_wait3A_496 = arith.constant 0 : i32
      %dma_wait3A_497 = arith.constant 0 : i32
      %dma_wait3A_498 = tpu.memref_slice %arg6[%dma_wait3A_496, %dma_wait3A_497] : memref<5120x128xf32, #tpu.memory_space<vmem_shared>> -> memref<5120x128xf32, #tpu.memory_space<vmem_shared>>
      tpu.wait_indirect_dma semaphore(%arg13 : memref<!tpu.dma_semaphore, #tpu.memory_space<semaphore_mem>>) src(%dma_wait3A_498 : memref<5120x128xf32, #tpu.memory_space<vmem_shared>>) dst(%arg11 : memref<128x128xf32, #tpu.memory_space<vmem>>)
      %dma_start3A_499 = arith.constant 33 : i32
      %dma_start3A_500 = arith.constant 0 : i32
      %dma_start3A_501 = tpu.memref_slice %arg8[%dma_start3A_499, %dma_start3A_500] : memref<40x128xi32, #tpu.memory_space<vmem>> -> memref<1x128xi32, #tpu.memory_space<vmem>>
      %dma_start3A_502 = tpu.memref_squeeze %dma_start3A_501 : memref<1x128xi32, #tpu.memory_space<vmem>> -> memref<128xi32, #tpu.memory_space<vmem>>
      %dma_start3A_503 = arith.constant 0 : i32
      %dma_start3A_504 = arith.constant 0 : i32
      %dma_start3A_505 = tpu.memref_slice %arg6[%dma_start3A_503, %dma_start3A_504] : memref<5120x128xf32, #tpu.memory_space<vmem_shared>> -> memref<5120x128xf32, #tpu.memory_space<vmem_shared>>
      tpu.enqueue_indirect_dma source(%dma_start3A_505 : memref<5120x128xf32, #tpu.memory_space<vmem_shared>>) target(%arg11 : memref<128x128xf32, #tpu.memory_space<vmem>>) offsets(%dma_start3A_502 : memref<128xi32, #tpu.memory_space<vmem>>) semaphore(%arg13 : memref<!tpu.dma_semaphore, #tpu.memory_space<semaphore_mem>>)
      %dma_wait3A_506 = arith.constant 32 : i32
      %dma_wait3A_507 = arith.constant 0 : i32
      %dma_wait3A_508 = tpu.memref_slice %arg8[%dma_wait3A_506, %dma_wait3A_507] : memref<40x128xi32, #tpu.memory_space<vmem>> -> memref<1x128xi32, #tpu.memory_space<vmem>>
      %dma_wait3A_509 = tpu.memref_squeeze %dma_wait3A_508 : memref<1x128xi32, #tpu.memory_space<vmem>> -> memref<128xi32, #tpu.memory_space<vmem>>
      %dma_wait3A_510 = arith.constant 0 : i32
      %dma_wait3A_511 = arith.constant 0 : i32
      %dma_wait3A_512 = tpu.memref_slice %arg6[%dma_wait3A_510, %dma_wait3A_511] : memref<5120x128xf32, #tpu.memory_space<vmem_shared>> -> memref<5120x128xf32, #tpu.memory_space<vmem_shared>>
      tpu.wait_indirect_dma semaphore(%arg12 : memref<!tpu.dma_semaphore, #tpu.memory_space<semaphore_mem>>) src(%dma_wait3A_512 : memref<5120x128xf32, #tpu.memory_space<vmem_shared>>) dst(%arg10 : memref<128x128xf32, #tpu.memory_space<vmem>>)
      %dma_start3A_513 = arith.constant 34 : i32
      %dma_start3A_514 = arith.constant 0 : i32
      %dma_start3A_515 = tpu.memref_slice %arg8[%dma_start3A_513, %dma_start3A_514] : memref<40x128xi32, #tpu.memory_space<vmem>> -> memref<1x128xi32, #tpu.memory_space<vmem>>
      %dma_start3A_516 = tpu.memref_squeeze %dma_start3A_515 : memref<1x128xi32, #tpu.memory_space<vmem>> -> memref<128xi32, #tpu.memory_space<vmem>>
      %dma_start3A_517 = arith.constant 0 : i32
      %dma_start3A_518 = arith.constant 0 : i32
      %dma_start3A_519 = tpu.memref_slice %arg6[%dma_start3A_517, %dma_start3A_518] : memref<5120x128xf32, #tpu.memory_space<vmem_shared>> -> memref<5120x128xf32, #tpu.memory_space<vmem_shared>>
      tpu.enqueue_indirect_dma source(%dma_start3A_519 : memref<5120x128xf32, #tpu.memory_space<vmem_shared>>) target(%arg10 : memref<128x128xf32, #tpu.memory_space<vmem>>) offsets(%dma_start3A_516 : memref<128xi32, #tpu.memory_space<vmem>>) semaphore(%arg12 : memref<!tpu.dma_semaphore, #tpu.memory_space<semaphore_mem>>)
      %dma_wait3A_520 = arith.constant 33 : i32
      %dma_wait3A_521 = arith.constant 0 : i32
      %dma_wait3A_522 = tpu.memref_slice %arg8[%dma_wait3A_520, %dma_wait3A_521] : memref<40x128xi32, #tpu.memory_space<vmem>> -> memref<1x128xi32, #tpu.memory_space<vmem>>
      %dma_wait3A_523 = tpu.memref_squeeze %dma_wait3A_522 : memref<1x128xi32, #tpu.memory_space<vmem>> -> memref<128xi32, #tpu.memory_space<vmem>>
      %dma_wait3A_524 = arith.constant 0 : i32
      %dma_wait3A_525 = arith.constant 0 : i32
      %dma_wait3A_526 = tpu.memref_slice %arg6[%dma_wait3A_524, %dma_wait3A_525] : memref<5120x128xf32, #tpu.memory_space<vmem_shared>> -> memref<5120x128xf32, #tpu.memory_space<vmem_shared>>
      tpu.wait_indirect_dma semaphore(%arg13 : memref<!tpu.dma_semaphore, #tpu.memory_space<semaphore_mem>>) src(%dma_wait3A_526 : memref<5120x128xf32, #tpu.memory_space<vmem_shared>>) dst(%arg11 : memref<128x128xf32, #tpu.memory_space<vmem>>)
      %dma_start3A_527 = arith.constant 35 : i32
      %dma_start3A_528 = arith.constant 0 : i32
      %dma_start3A_529 = tpu.memref_slice %arg8[%dma_start3A_527, %dma_start3A_528] : memref<40x128xi32, #tpu.memory_space<vmem>> -> memref<1x128xi32, #tpu.memory_space<vmem>>
      %dma_start3A_530 = tpu.memref_squeeze %dma_start3A_529 : memref<1x128xi32, #tpu.memory_space<vmem>> -> memref<128xi32, #tpu.memory_space<vmem>>
      %dma_start3A_531 = arith.constant 0 : i32
      %dma_start3A_532 = arith.constant 0 : i32
      %dma_start3A_533 = tpu.memref_slice %arg6[%dma_start3A_531, %dma_start3A_532] : memref<5120x128xf32, #tpu.memory_space<vmem_shared>> -> memref<5120x128xf32, #tpu.memory_space<vmem_shared>>
      tpu.enqueue_indirect_dma source(%dma_start3A_533 : memref<5120x128xf32, #tpu.memory_space<vmem_shared>>) target(%arg11 : memref<128x128xf32, #tpu.memory_space<vmem>>) offsets(%dma_start3A_530 : memref<128xi32, #tpu.memory_space<vmem>>) semaphore(%arg13 : memref<!tpu.dma_semaphore, #tpu.memory_space<semaphore_mem>>)
      %dma_wait3A_534 = arith.constant 34 : i32
      %dma_wait3A_535 = arith.constant 0 : i32
      %dma_wait3A_536 = tpu.memref_slice %arg8[%dma_wait3A_534, %dma_wait3A_535] : memref<40x128xi32, #tpu.memory_space<vmem>> -> memref<1x128xi32, #tpu.memory_space<vmem>>
      %dma_wait3A_537 = tpu.memref_squeeze %dma_wait3A_536 : memref<1x128xi32, #tpu.memory_space<vmem>> -> memref<128xi32, #tpu.memory_space<vmem>>
      %dma_wait3A_538 = arith.constant 0 : i32
      %dma_wait3A_539 = arith.constant 0 : i32
      %dma_wait3A_540 = tpu.memref_slice %arg6[%dma_wait3A_538, %dma_wait3A_539] : memref<5120x128xf32, #tpu.memory_space<vmem_shared>> -> memref<5120x128xf32, #tpu.memory_space<vmem_shared>>
      tpu.wait_indirect_dma semaphore(%arg12 : memref<!tpu.dma_semaphore, #tpu.memory_space<semaphore_mem>>) src(%dma_wait3A_540 : memref<5120x128xf32, #tpu.memory_space<vmem_shared>>) dst(%arg10 : memref<128x128xf32, #tpu.memory_space<vmem>>)
      %dma_start3A_541 = arith.constant 36 : i32
      %dma_start3A_542 = arith.constant 0 : i32
      %dma_start3A_543 = tpu.memref_slice %arg8[%dma_start3A_541, %dma_start3A_542] : memref<40x128xi32, #tpu.memory_space<vmem>> -> memref<1x128xi32, #tpu.memory_space<vmem>>
      %dma_start3A_544 = tpu.memref_squeeze %dma_start3A_543 : memref<1x128xi32, #tpu.memory_space<vmem>> -> memref<128xi32, #tpu.memory_space<vmem>>
      %dma_start3A_545 = arith.constant 0 : i32
      %dma_start3A_546 = arith.constant 0 : i32
      %dma_start3A_547 = tpu.memref_slice %arg6[%dma_start3A_545, %dma_start3A_546] : memref<5120x128xf32, #tpu.memory_space<vmem_shared>> -> memref<5120x128xf32, #tpu.memory_space<vmem_shared>>
      tpu.enqueue_indirect_dma source(%dma_start3A_547 : memref<5120x128xf32, #tpu.memory_space<vmem_shared>>) target(%arg10 : memref<128x128xf32, #tpu.memory_space<vmem>>) offsets(%dma_start3A_544 : memref<128xi32, #tpu.memory_space<vmem>>) semaphore(%arg12 : memref<!tpu.dma_semaphore, #tpu.memory_space<semaphore_mem>>)
      %dma_wait3A_548 = arith.constant 35 : i32
      %dma_wait3A_549 = arith.constant 0 : i32
      %dma_wait3A_550 = tpu.memref_slice %arg8[%dma_wait3A_548, %dma_wait3A_549] : memref<40x128xi32, #tpu.memory_space<vmem>> -> memref<1x128xi32, #tpu.memory_space<vmem>>
      %dma_wait3A_551 = tpu.memref_squeeze %dma_wait3A_550 : memref<1x128xi32, #tpu.memory_space<vmem>> -> memref<128xi32, #tpu.memory_space<vmem>>
      %dma_wait3A_552 = arith.constant 0 : i32
      %dma_wait3A_553 = arith.constant 0 : i32
      %dma_wait3A_554 = tpu.memref_slice %arg6[%dma_wait3A_552, %dma_wait3A_553] : memref<5120x128xf32, #tpu.memory_space<vmem_shared>> -> memref<5120x128xf32, #tpu.memory_space<vmem_shared>>
      tpu.wait_indirect_dma semaphore(%arg13 : memref<!tpu.dma_semaphore, #tpu.memory_space<semaphore_mem>>) src(%dma_wait3A_554 : memref<5120x128xf32, #tpu.memory_space<vmem_shared>>) dst(%arg11 : memref<128x128xf32, #tpu.memory_space<vmem>>)
      %dma_start3A_555 = arith.constant 37 : i32
      %dma_start3A_556 = arith.constant 0 : i32
      %dma_start3A_557 = tpu.memref_slice %arg8[%dma_start3A_555, %dma_start3A_556] : memref<40x128xi32, #tpu.memory_space<vmem>> -> memref<1x128xi32, #tpu.memory_space<vmem>>
      %dma_start3A_558 = tpu.memref_squeeze %dma_start3A_557 : memref<1x128xi32, #tpu.memory_space<vmem>> -> memref<128xi32, #tpu.memory_space<vmem>>
      %dma_start3A_559 = arith.constant 0 : i32
      %dma_start3A_560 = arith.constant 0 : i32
      %dma_start3A_561 = tpu.memref_slice %arg6[%dma_start3A_559, %dma_start3A_560] : memref<5120x128xf32, #tpu.memory_space<vmem_shared>> -> memref<5120x128xf32, #tpu.memory_space<vmem_shared>>
      tpu.enqueue_indirect_dma source(%dma_start3A_561 : memref<5120x128xf32, #tpu.memory_space<vmem_shared>>) target(%arg11 : memref<128x128xf32, #tpu.memory_space<vmem>>) offsets(%dma_start3A_558 : memref<128xi32, #tpu.memory_space<vmem>>) semaphore(%arg13 : memref<!tpu.dma_semaphore, #tpu.memory_space<semaphore_mem>>)
      %dma_wait3A_562 = arith.constant 36 : i32
      %dma_wait3A_563 = arith.constant 0 : i32
      %dma_wait3A_564 = tpu.memref_slice %arg8[%dma_wait3A_562, %dma_wait3A_563] : memref<40x128xi32, #tpu.memory_space<vmem>> -> memref<1x128xi32, #tpu.memory_space<vmem>>
      %dma_wait3A_565 = tpu.memref_squeeze %dma_wait3A_564 : memref<1x128xi32, #tpu.memory_space<vmem>> -> memref<128xi32, #tpu.memory_space<vmem>>
      %dma_wait3A_566 = arith.constant 0 : i32
      %dma_wait3A_567 = arith.constant 0 : i32
      %dma_wait3A_568 = tpu.memref_slice %arg6[%dma_wait3A_566, %dma_wait3A_567] : memref<5120x128xf32, #tpu.memory_space<vmem_shared>> -> memref<5120x128xf32, #tpu.memory_space<vmem_shared>>
      tpu.wait_indirect_dma semaphore(%arg12 : memref<!tpu.dma_semaphore, #tpu.memory_space<semaphore_mem>>) src(%dma_wait3A_568 : memref<5120x128xf32, #tpu.memory_space<vmem_shared>>) dst(%arg10 : memref<128x128xf32, #tpu.memory_space<vmem>>)
      %dma_start3A_569 = arith.constant 38 : i32
      %dma_start3A_570 = arith.constant 0 : i32
      %dma_start3A_571 = tpu.memref_slice %arg8[%dma_start3A_569, %dma_start3A_570] : memref<40x128xi32, #tpu.memory_space<vmem>> -> memref<1x128xi32, #tpu.memory_space<vmem>>
      %dma_start3A_572 = tpu.memref_squeeze %dma_start3A_571 : memref<1x128xi32, #tpu.memory_space<vmem>> -> memref<128xi32, #tpu.memory_space<vmem>>
      %dma_start3A_573 = arith.constant 0 : i32
      %dma_start3A_574 = arith.constant 0 : i32
      %dma_start3A_575 = tpu.memref_slice %arg6[%dma_start3A_573, %dma_start3A_574] : memref<5120x128xf32, #tpu.memory_space<vmem_shared>> -> memref<5120x128xf32, #tpu.memory_space<vmem_shared>>
      tpu.enqueue_indirect_dma source(%dma_start3A_575 : memref<5120x128xf32, #tpu.memory_space<vmem_shared>>) target(%arg10 : memref<128x128xf32, #tpu.memory_space<vmem>>) offsets(%dma_start3A_572 : memref<128xi32, #tpu.memory_space<vmem>>) semaphore(%arg12 : memref<!tpu.dma_semaphore, #tpu.memory_space<semaphore_mem>>)
      %dma_wait3A_576 = arith.constant 37 : i32
      %dma_wait3A_577 = arith.constant 0 : i32
      %dma_wait3A_578 = tpu.memref_slice %arg8[%dma_wait3A_576, %dma_wait3A_577] : memref<40x128xi32, #tpu.memory_space<vmem>> -> memref<1x128xi32, #tpu.memory_space<vmem>>
      %dma_wait3A_579 = tpu.memref_squeeze %dma_wait3A_578 : memref<1x128xi32, #tpu.memory_space<vmem>> -> memref<128xi32, #tpu.memory_space<vmem>>
      %dma_wait3A_580 = arith.constant 0 : i32
      %dma_wait3A_581 = arith.constant 0 : i32
      %dma_wait3A_582 = tpu.memref_slice %arg6[%dma_wait3A_580, %dma_wait3A_581] : memref<5120x128xf32, #tpu.memory_space<vmem_shared>> -> memref<5120x128xf32, #tpu.memory_space<vmem_shared>>
      tpu.wait_indirect_dma semaphore(%arg13 : memref<!tpu.dma_semaphore, #tpu.memory_space<semaphore_mem>>) src(%dma_wait3A_582 : memref<5120x128xf32, #tpu.memory_space<vmem_shared>>) dst(%arg11 : memref<128x128xf32, #tpu.memory_space<vmem>>)
      %dma_start3A_583 = arith.constant 39 : i32
      %dma_start3A_584 = arith.constant 0 : i32
      %dma_start3A_585 = tpu.memref_slice %arg8[%dma_start3A_583, %dma_start3A_584] : memref<40x128xi32, #tpu.memory_space<vmem>> -> memref<1x128xi32, #tpu.memory_space<vmem>>
      %dma_start3A_586 = tpu.memref_squeeze %dma_start3A_585 : memref<1x128xi32, #tpu.memory_space<vmem>> -> memref<128xi32, #tpu.memory_space<vmem>>
      %dma_start3A_587 = arith.constant 0 : i32
      %dma_start3A_588 = arith.constant 0 : i32
      %dma_start3A_589 = tpu.memref_slice %arg6[%dma_start3A_587, %dma_start3A_588] : memref<5120x128xf32, #tpu.memory_space<vmem_shared>> -> memref<5120x128xf32, #tpu.memory_space<vmem_shared>>
      tpu.enqueue_indirect_dma source(%dma_start3A_589 : memref<5120x128xf32, #tpu.memory_space<vmem_shared>>) target(%arg11 : memref<128x128xf32, #tpu.memory_space<vmem>>) offsets(%dma_start3A_586 : memref<128xi32, #tpu.memory_space<vmem>>) semaphore(%arg13 : memref<!tpu.dma_semaphore, #tpu.memory_space<semaphore_mem>>)
      %dma_wait3A_590 = arith.constant 38 : i32
      %dma_wait3A_591 = arith.constant 0 : i32
      %dma_wait3A_592 = tpu.memref_slice %arg8[%dma_wait3A_590, %dma_wait3A_591] : memref<40x128xi32, #tpu.memory_space<vmem>> -> memref<1x128xi32, #tpu.memory_space<vmem>>
      %dma_wait3A_593 = tpu.memref_squeeze %dma_wait3A_592 : memref<1x128xi32, #tpu.memory_space<vmem>> -> memref<128xi32, #tpu.memory_space<vmem>>
      %dma_wait3A_594 = arith.constant 0 : i32
      %dma_wait3A_595 = arith.constant 0 : i32
      %dma_wait3A_596 = tpu.memref_slice %arg6[%dma_wait3A_594, %dma_wait3A_595] : memref<5120x128xf32, #tpu.memory_space<vmem_shared>> -> memref<5120x128xf32, #tpu.memory_space<vmem_shared>>
      tpu.wait_indirect_dma semaphore(%arg12 : memref<!tpu.dma_semaphore, #tpu.memory_space<semaphore_mem>>) src(%dma_wait3A_596 : memref<5120x128xf32, #tpu.memory_space<vmem_shared>>) dst(%arg10 : memref<128x128xf32, #tpu.memory_space<vmem>>)
      %dma_wait3A_597 = arith.constant 39 : i32
      %dma_wait3A_598 = arith.constant 0 : i32
      %dma_wait3A_599 = tpu.memref_slice %arg8[%dma_wait3A_597, %dma_wait3A_598] : memref<40x128xi32, #tpu.memory_space<vmem>> -> memref<1x128xi32, #tpu.memory_space<vmem>>
      %dma_wait3A_600 = tpu.memref_squeeze %dma_wait3A_599 : memref<1x128xi32, #tpu.memory_space<vmem>> -> memref<128xi32, #tpu.memory_space<vmem>>
      %dma_wait3A_601 = arith.constant 0 : i32
      %dma_wait3A_602 = arith.constant 0 : i32
      %dma_wait3A_603 = tpu.memref_slice %arg6[%dma_wait3A_601, %dma_wait3A_602] : memref<5120x128xf32, #tpu.memory_space<vmem_shared>> -> memref<5120x128xf32, #tpu.memory_space<vmem_shared>>
      tpu.wait_indirect_dma semaphore(%arg13 : memref<!tpu.dma_semaphore, #tpu.memory_space<semaphore_mem>>) src(%dma_wait3A_603 : memref<5120x128xf32, #tpu.memory_space<vmem_shared>>) dst(%arg11 : memref<128x128xf32, #tpu.memory_space<vmem>>)
    }
    %scan3A_35 = arith.constant 2 : i32
    %barrier3A_36 = arith.constant 0 : index
    tpu.barrier barrier_id(%barrier3A_36)
    %mul3A_37 = arith.constant 320 : i32
    %mul3A_38 = arith.muli %arg1, %mul3A_37 : i32
    %mul3A_39 = arith.constant 320 : i32
    %mul3A_40 = arith.muli %arg1, %mul3A_39 : i32
    "tpu.region"() ({
      %run_scoped3A = tpu.sem_alloc : memref<!tpu.dma_semaphore, #tpu.memory_space<semaphore_mem>>
      %dma_start3A_41 = arith.constant 0 : i32
      %dma_start3A_42 = arith.constant 0 : i32
      %dma_start3A_43 = tpu.memref_slice %arg5[%arg0, %dma_start3A_41, %dma_start3A_42] : memref<2x5120x128xf32, #tpu.memory_space<hbm>> -> memref<1x5120x128xf32, #tpu.memory_space<hbm>>
      %dma_start3A_44 = tpu.memref_squeeze %dma_start3A_43 : memref<1x5120x128xf32, #tpu.memory_space<hbm>> -> memref<5120x128xf32, #tpu.memory_space<hbm>>
      %dma_start3A_45 = arith.constant 0 : i32
      %dma_start3A_46 = tpu.memref_slice %dma_start3A_44[%mul3A_40, %dma_start3A_45] : memref<5120x128xf32, #tpu.memory_space<hbm>> -> memref<320x128xf32, #tpu.memory_space<hbm>>
      %dma_start3A_47 = arith.constant 0 : i32
      %dma_start3A_48 = tpu.memref_slice %arg7[%mul3A_38, %dma_start3A_47] : memref<5120x128xf32, #tpu.memory_space<vmem_shared>> -> memref<320x128xf32, #tpu.memory_space<vmem_shared>>
      tpu.enqueue_dma source(%dma_start3A_48 : memref<320x128xf32, #tpu.memory_space<vmem_shared>>) target(%dma_start3A_46 : memref<320x128xf32, #tpu.memory_space<hbm>>) target_semaphore(%run_scoped3A : memref<!tpu.dma_semaphore, #tpu.memory_space<semaphore_mem>>)
      %dma_wait3A_49 = arith.constant 0 : i32
      %dma_wait3A_50 = arith.constant 0 : i32
      %dma_wait3A_51 = tpu.memref_slice %arg5[%arg0, %dma_wait3A_49, %dma_wait3A_50] : memref<2x5120x128xf32, #tpu.memory_space<hbm>> -> memref<1x5120x128xf32, #tpu.memory_space<hbm>>
      %dma_wait3A_52 = tpu.memref_squeeze %dma_wait3A_51 : memref<1x5120x128xf32, #tpu.memory_space<hbm>> -> memref<5120x128xf32, #tpu.memory_space<hbm>>
      %dma_wait3A_53 = arith.constant 0 : i32
      %dma_wait3A_54 = tpu.memref_slice %dma_wait3A_52[%mul3A_40, %dma_wait3A_53] : memref<5120x128xf32, #tpu.memory_space<hbm>> -> memref<320x128xf32, #tpu.memory_space<hbm>>
      %dma_wait3A_55 = arith.constant 0 : i32
      %dma_wait3A_56 = tpu.memref_slice %arg7[%mul3A_38, %dma_wait3A_55] : memref<5120x128xf32, #tpu.memory_space<vmem_shared>> -> memref<320x128xf32, #tpu.memory_space<vmem_shared>>
      tpu.wait_dma2 semaphore(%run_scoped3A : memref<!tpu.dma_semaphore, #tpu.memory_space<semaphore_mem>>) src(%dma_wait3A_56 : memref<320x128xf32, #tpu.memory_space<vmem_shared>>) dst(%dma_wait3A_54 : memref<320x128xf32, #tpu.memory_space<hbm>>)
      tpu.yield
    }) : () -> ()
    return
  }
}

module attributes {stable_mosaic.version = 14 : i64} {
  func.func @_feat_body(%arg0: i32, %arg1: memref<1x2500x128xf32, #tpu.memory_space<vmem>>, %arg2: memref<128x128xf32, #tpu.memory_space<vmem>>, %arg3: memref<1x128xf32, #tpu.memory_space<vmem>>, %arg4: memref<1x2560x128xf32, #tpu.memory_space<vmem>>) attributes {dimension_semantics = [#tpu.dimension_semantics<arbitrary>], iteration_bounds = array<i64: 4>, scalar_prefetch = 0 : i64, scratch_operands = 0 : i64, tpu.core_type = #tpu.core_type<tc>, window_params = [{transform_indices = @transform_0, window_bounds = array<i64: 1, 2500, 128>}, {pipeline_mode = #tpu.pipeline_mode<synchronous>, transform_indices = @transform_1, window_bounds = array<i64: 128, 128>}, {pipeline_mode = #tpu.pipeline_mode<synchronous>, transform_indices = @transform_2, window_bounds = array<i64: 1, 128>}, {transform_indices = @transform_3, window_bounds = array<i64: 1, 2560, 128>}]} {
    %get3A = arith.constant 0 : index
    %get3A_0 = arith.constant 0 : index
    %get3A_1 = arith.constant 0 : index
    %get3A_2 = vector.load %arg1[%get3A, %get3A_0, %get3A_1] : memref<1x2500x128xf32, #tpu.memory_space<vmem>>, vector<1x2500x128xf32>
    %get3A_3 = vector.shape_cast %get3A_2 : vector<1x2500x128xf32> to vector<2500x128xf32>
    %get3A_4 = arith.constant 0 : index
    %get3A_5 = arith.constant 0 : index
    %get3A_6 = vector.load %arg2[%get3A_4, %get3A_5] : memref<128x128xf32, #tpu.memory_space<vmem>>, vector<128x128xf32>
    %dot_general3A = arith.constant dense<0.000000e+00> : vector<2500x128xf32>
    %dot_general3A_7 = tpu.matmul %get3A_3, %get3A_6, %dot_general3A {dimension_numbers = #tpu.dot_dimension_numbers<[1], [0], [0], [1], [0, 0, 1, 1], [], []>, transpose_lhs_hint = false} : vector<2500x128xf32>, vector<128x128xf32>, vector<2500x128xf32> -> vector<2500x128xf32>
    %get3A_8 = arith.constant 0 : index
    %get3A_9 = arith.constant 0 : index
    %get3A_10 = vector.load %arg3[%get3A_8, %get3A_9] : memref<1x128xf32, #tpu.memory_space<vmem>>, vector<1x128xf32>
    %add3A = vector.broadcast %get3A_10 : vector<1x128xf32> to vector<2500x128xf32>
    %add3A_11 = arith.addf %dot_general3A_7, %add3A : vector<2500x128xf32>
    %max3A = arith.constant 0.000000e+00 : f32
    %max3A_12 = vector.broadcast %max3A : f32 to vector<2500x128xf32>
    %max3A_13 = arith.maximumf %add3A_11, %max3A_12 : vector<2500x128xf32>
    %abs3A = math.absf %add3A_11 : vector<2500x128xf32>
    %neg3A = arith.constant 0.000000e+00 : f32
    %neg3A_14 = vector.broadcast %neg3A : f32 to vector<2500x128xf32>
    %neg3A_15 = arith.subf %neg3A_14, %abs3A : vector<2500x128xf32>
    %exp3A = math.exp %neg3A_15 : vector<2500x128xf32>
    %log1p3A = math.log1p %exp3A : vector<2500x128xf32>
    %add3A_16 = arith.addf %max3A_13, %log1p3A : vector<2500x128xf32>
    %tanh3A = math.tanh %add3A_16 : vector<2500x128xf32>
    %mul3A = arith.mulf %add3A_11, %tanh3A : vector<2500x128xf32>
    %broadcast_in_dim3A = arith.constant 0.000000e+00 : f32
    %broadcast_in_dim3A_17 = vector.broadcast %broadcast_in_dim3A : f32 to vector<60x128xf32>
    %concatenate3A = tpu.concatenate %mul3A, %broadcast_in_dim3A_17 in 0 : vector<2500x128xf32>, vector<60x128xf32> -> vector<2560x128xf32>
    %swap3A = arith.constant 0 : index
    %swap3A_18 = arith.constant 0 : index
    %swap3A_19 = arith.constant 0 : index
    %swap3A_20 = vector.load %arg4[%swap3A, %swap3A_18, %swap3A_19] : memref<1x2560x128xf32, #tpu.memory_space<vmem>>, vector<1x2560x128xf32>
    %swap3A_21 = vector.shape_cast %swap3A_20 : vector<1x2560x128xf32> to vector<2560x128xf32>
    %swap3A_22 = vector.shape_cast %concatenate3A : vector<2560x128xf32> to vector<1x2560x128xf32>
    tpu.vector_store %arg4[%swap3A, %swap3A_18, %swap3A_19], %swap3A_22 {strides = array<i32>} : memref<1x2560x128xf32, #tpu.memory_space<vmem>>, vector<1x2560x128xf32>,
    return
  }
  func.func @transform_0(%arg0: i32) -> (i32, i32, i32) {
    %c0_i32 = arith.constant 0 : i32
    %c0_i32_0 = arith.constant 0 : i32
    %c0_i32_1 = arith.constant 0 : i32
    return %arg0, %c0_i32, %c0_i32_0 : i32, i32, i32
  }
  func.func @transform_1(%arg0: i32) -> (i32, i32) {
    %c0_i32 = arith.constant 0 : i32
    %c0_i32_0 = arith.constant 0 : i32
    %c0_i32_1 = arith.constant 0 : i32
    return %c0_i32, %c0_i32_0 : i32, i32
  }
  func.func @transform_2(%arg0: i32) -> (i32, i32) {
    %c0_i32 = arith.constant 0 : i32
    %c0_i32_0 = arith.constant 0 : i32
    %c0_i32_1 = arith.constant 0 : i32
    return %c0_i32, %c0_i32_0 : i32, i32
  }
  func.func @transform_3(%arg0: i32) -> (i32, i32, i32) {
    %c0_i32 = arith.constant 0 : i32
    %c0_i32_0 = arith.constant 0 : i32
    %c0_i32_1 = arith.constant 0 : i32
    return %arg0, %c0_i32, %c0_i32_0 : i32, i32, i32
  }
}

module attributes {stable_mosaic.version = 14 : i64} {
  func.func @_update_body(%arg0: i32, %arg1: memref<2048x128xf32, #tpu.memory_space<vmem>>, %arg2: memref<2048x128xf32, #tpu.memory_space<vmem>>, %arg3: memref<128x128xf32, #tpu.memory_space<vmem>>, %arg4: memref<128x128xf32, #tpu.memory_space<vmem>>, %arg5: memref<1x128xf32, #tpu.memory_space<vmem>>, %arg6: memref<2048x128xf32, #tpu.memory_space<vmem>>) attributes {dimension_semantics = [#tpu.dimension_semantics<arbitrary>], iteration_bounds = array<i64: 5>, scalar_prefetch = 0 : i64, scratch_operands = 0 : i64, tpu.core_type = #tpu.core_type<tc>, window_params = [{transform_indices = @transform_0, window_bounds = array<i64: 2048, 128>}, {transform_indices = @transform_1, window_bounds = array<i64: 2048, 128>}, {pipeline_mode = #tpu.pipeline_mode<synchronous>, transform_indices = @transform_2, window_bounds = array<i64: 128, 128>}, {pipeline_mode = #tpu.pipeline_mode<synchronous>, transform_indices = @transform_3, window_bounds = array<i64: 128, 128>}, {pipeline_mode = #tpu.pipeline_mode<synchronous>, transform_indices = @transform_4, window_bounds = array<i64: 1, 128>}, {transform_indices = @transform_5, window_bounds = array<i64: 2048, 128>}]} {
    %get3A = arith.constant 0 : index
    %get3A_0 = arith.constant 0 : index
    %get3A_1 = vector.load %arg1[%get3A, %get3A_0] : memref<2048x128xf32, #tpu.memory_space<vmem>>, vector<2048x128xf32>
    %get3A_2 = arith.constant 0 : index
    %get3A_3 = arith.constant 0 : index
    %get3A_4 = vector.load %arg3[%get3A_2, %get3A_3] : memref<128x128xf32, #tpu.memory_space<vmem>>, vector<128x128xf32>
    %dot_general3A = arith.constant dense<0.000000e+00> : vector<2048x128xf32>
    %dot_general3A_5 = tpu.matmul %get3A_1, %get3A_4, %dot_general3A {dimension_numbers = #tpu.dot_dimension_numbers<[1], [0], [0], [1], [0, 0, 1, 1], [], []>, transpose_lhs_hint = false} : vector<2048x128xf32>, vector<128x128xf32>, vector<2048x128xf32> -> vector<2048x128xf32>
    %get3A_6 = arith.constant 0 : index
    %get3A_7 = arith.constant 0 : index
    %get3A_8 = vector.load %arg2[%get3A_6, %get3A_7] : memref<2048x128xf32, #tpu.memory_space<vmem>>, vector<2048x128xf32>
    %get3A_9 = arith.constant 0 : index
    %get3A_10 = arith.constant 0 : index
    %get3A_11 = vector.load %arg4[%get3A_9, %get3A_10] : memref<128x128xf32, #tpu.memory_space<vmem>>, vector<128x128xf32>
    %dot_general3A_12 = arith.constant dense<0.000000e+00> : vector<2048x128xf32>
    %dot_general3A_13 = tpu.matmul %get3A_8, %get3A_11, %dot_general3A_12 {dimension_numbers = #tpu.dot_dimension_numbers<[1], [0], [0], [1], [0, 0, 1, 1], [], []>, transpose_lhs_hint = false} : vector<2048x128xf32>, vector<128x128xf32>, vector<2048x128xf32> -> vector<2048x128xf32>
    %add3A = arith.addf %dot_general3A_5, %dot_general3A_13 : vector<2048x128xf32>
    %get3A_14 = arith.constant 0 : index
    %get3A_15 = arith.constant 0 : index
    %get3A_16 = vector.load %arg5[%get3A_14, %get3A_15] : memref<1x128xf32, #tpu.memory_space<vmem>>, vector<1x128xf32>
    %add3A_17 = vector.broadcast %get3A_16 : vector<1x128xf32> to vector<2048x128xf32>
    %add3A_18 = arith.addf %add3A, %add3A_17 : vector<2048x128xf32>
    %max3A = arith.constant 0.000000e+00 : f32
    %max3A_19 = vector.broadcast %max3A : f32 to vector<2048x128xf32>
    %max3A_20 = arith.maximumf %add3A_18, %max3A_19 : vector<2048x128xf32>
    %abs3A = math.absf %add3A_18 : vector<2048x128xf32>
    %neg3A = arith.constant 0.000000e+00 : f32
    %neg3A_21 = vector.broadcast %neg3A : f32 to vector<2048x128xf32>
    %neg3A_22 = arith.subf %neg3A_21, %abs3A : vector<2048x128xf32>
    %exp3A = math.exp %neg3A_22 : vector<2048x128xf32>
    %log1p3A = math.log1p %exp3A : vector<2048x128xf32>
    %add3A_23 = arith.addf %max3A_20, %log1p3A : vector<2048x128xf32>
    %tanh3A = math.tanh %add3A_23 : vector<2048x128xf32>
    %mul3A = arith.mulf %add3A_18, %tanh3A : vector<2048x128xf32>
    %swap3A = arith.constant 0 : index
    %swap3A_24 = arith.constant 0 : index
    %swap3A_25 = vector.load %arg6[%swap3A, %swap3A_24] : memref<2048x128xf32, #tpu.memory_space<vmem>>, vector<2048x128xf32>
    tpu.vector_store %arg6[%swap3A, %swap3A_24], %mul3A {strides = array<i32>} : memref<2048x128xf32, #tpu.memory_space<vmem>>, vector<2048x128xf32>,
    return
  }
  func.func @transform_0(%arg0: i32) -> (i32, i32) {
    %c0_i32 = arith.constant 0 : i32
    %c0_i32_0 = arith.constant 0 : i32
    return %arg0, %c0_i32 : i32, i32
  }
  func.func @transform_1(%arg0: i32) -> (i32, i32) {
    %c0_i32 = arith.constant 0 : i32
    %c0_i32_0 = arith.constant 0 : i32
    return %arg0, %c0_i32 : i32, i32
  }
  func.func @transform_2(%arg0: i32) -> (i32, i32) {
    %c0_i32 = arith.constant 0 : i32
    %c0_i32_0 = arith.constant 0 : i32
    %c0_i32_1 = arith.constant 0 : i32
    return %c0_i32, %c0_i32_0 : i32, i32
  }
  func.func @transform_3(%arg0: i32) -> (i32, i32) {
    %c0_i32 = arith.constant 0 : i32
    %c0_i32_0 = arith.constant 0 : i32
    %c0_i32_1 = arith.constant 0 : i32
    return %c0_i32, %c0_i32_0 : i32, i32
  }
  func.func @transform_4(%arg0: i32) -> (i32, i32) {
    %c0_i32 = arith.constant 0 : i32
    %c0_i32_0 = arith.constant 0 : i32
    %c0_i32_1 = arith.constant 0 : i32
    return %c0_i32, %c0_i32_0 : i32, i32
  }
  func.func @transform_5(%arg0: i32) -> (i32, i32) {
    %c0_i32 = arith.constant 0 : i32
    %c0_i32_0 = arith.constant 0 : i32
    return %arg0, %c0_i32 : i32, i32
  }
}

module attributes {stable_mosaic.version = 14 : i64} {
  func.func @_update_heads_body(%arg0: i32, %arg1: memref<2560x128xf32, #tpu.memory_space<vmem>>, %arg2: memref<2560x128xf32, #tpu.memory_space<vmem>>, %arg3: memref<128x128xf32, #tpu.memory_space<vmem>>, %arg4: memref<128x128xf32, #tpu.memory_space<vmem>>, %arg5: memref<1x128xf32, #tpu.memory_space<vmem>>, %arg6: memref<1x2560x1xf32, #tpu.memory_space<vmem>>, %arg7: memref<1x1x8xf32, #tpu.memory_space<vmem>>, %arg8: memref<128x1xf32, #tpu.memory_space<vmem>>, %arg9: memref<1x1xf32, #tpu.memory_space<vmem>>, %arg10: memref<128x8xf32, #tpu.memory_space<vmem>>, %arg11: memref<1x8xf32, #tpu.memory_space<vmem>>, %arg12: memref<1x1x9xf32, #tpu.memory_space<vmem>>) attributes {dimension_semantics = [#tpu.dimension_semantics<arbitrary>], iteration_bounds = array<i64: 4>, scalar_prefetch = 0 : i64, scratch_operands = 0 : i64, tpu.core_type = #tpu.core_type<tc>, window_params = [{transform_indices = @transform_0, window_bounds = array<i64: 2560, 128>}, {transform_indices = @transform_1, window_bounds = array<i64: 2560, 128>}, {pipeline_mode = #tpu.pipeline_mode<synchronous>, transform_indices = @transform_2, window_bounds = array<i64: 128, 128>}, {pipeline_mode = #tpu.pipeline_mode<synchronous>, transform_indices = @transform_3, window_bounds = array<i64: 128, 128>}, {pipeline_mode = #tpu.pipeline_mode<synchronous>, transform_indices = @transform_4, window_bounds = array<i64: 1, 128>}, {transform_indices = @transform_5, window_bounds = array<i64: 1, 2560, 1>}, {transform_indices = @transform_6, window_bounds = array<i64: 1, 1, 8>}, {pipeline_mode = #tpu.pipeline_mode<synchronous>, transform_indices = @transform_7, window_bounds = array<i64: 128, 1>}, {pipeline_mode = #tpu.pipeline_mode<synchronous>, transform_indices = @transform_8, window_bounds = array<i64: 1, 1>}, {pipeline_mode = #tpu.pipeline_mode<synchronous>, transform_indices = @transform_9, window_bounds = array<i64: 128, 8>}, {pipeline_mode = #tpu.pipeline_mode<synchronous>, transform_indices = @transform_10, window_bounds = array<i64: 1, 8>}, {transform_indices = @transform_11, window_bounds = array<i64: 1, 1, 9>}]} {
    %get3A = arith.constant 0 : index
    %get3A_0 = arith.constant 0 : index
    %get3A_1 = vector.load %arg1[%get3A, %get3A_0] : memref<2560x128xf32, #tpu.memory_space<vmem>>, vector<2560x128xf32>
    %get3A_2 = arith.constant 0 : index
    %get3A_3 = arith.constant 0 : index
    %get3A_4 = vector.load %arg3[%get3A_2, %get3A_3] : memref<128x128xf32, #tpu.memory_space<vmem>>, vector<128x128xf32>
    %dot_general3A = arith.constant dense<0.000000e+00> : vector<2560x128xf32>
    %dot_general3A_5 = tpu.matmul %get3A_1, %get3A_4, %dot_general3A {dimension_numbers = #tpu.dot_dimension_numbers<[1], [0], [0], [1], [0, 0, 1, 1], [], []>, transpose_lhs_hint = false} : vector<2560x128xf32>, vector<128x128xf32>, vector<2560x128xf32> -> vector<2560x128xf32>
    %get3A_6 = arith.constant 0 : index
    %get3A_7 = arith.constant 0 : index
    %get3A_8 = vector.load %arg2[%get3A_6, %get3A_7] : memref<2560x128xf32, #tpu.memory_space<vmem>>, vector<2560x128xf32>
    %get3A_9 = arith.constant 0 : index
    %get3A_10 = arith.constant 0 : index
    %get3A_11 = vector.load %arg4[%get3A_9, %get3A_10] : memref<128x128xf32, #tpu.memory_space<vmem>>, vector<128x128xf32>
    %dot_general3A_12 = arith.constant dense<0.000000e+00> : vector<2560x128xf32>
    %dot_general3A_13 = tpu.matmul %get3A_8, %get3A_11, %dot_general3A_12 {dimension_numbers = #tpu.dot_dimension_numbers<[1], [0], [0], [1], [0, 0, 1, 1], [], []>, transpose_lhs_hint = false} : vector<2560x128xf32>, vector<128x128xf32>, vector<2560x128xf32> -> vector<2560x128xf32>
    %add3A = arith.addf %dot_general3A_5, %dot_general3A_13 : vector<2560x128xf32>
    %get3A_14 = arith.constant 0 : index
    %get3A_15 = arith.constant 0 : index
    %get3A_16 = vector.load %arg5[%get3A_14, %get3A_15] : memref<1x128xf32, #tpu.memory_space<vmem>>, vector<1x128xf32>
    %add3A_17 = vector.broadcast %get3A_16 : vector<1x128xf32> to vector<2560x128xf32>
    %add3A_18 = arith.addf %add3A, %add3A_17 : vector<2560x128xf32>
    %max3A = arith.constant 0.000000e+00 : f32
    %max3A_19 = vector.broadcast %max3A : f32 to vector<2560x128xf32>
    %max3A_20 = arith.maximumf %add3A_18, %max3A_19 : vector<2560x128xf32>
    %abs3A = math.absf %add3A_18 : vector<2560x128xf32>
    %neg3A = arith.constant 0.000000e+00 : f32
    %neg3A_21 = vector.broadcast %neg3A : f32 to vector<2560x128xf32>
    %neg3A_22 = arith.subf %neg3A_21, %abs3A : vector<2560x128xf32>
    %exp3A = math.exp %neg3A_22 : vector<2560x128xf32>
    %log1p3A = math.log1p %exp3A : vector<2560x128xf32>
    %add3A_23 = arith.addf %max3A_20, %log1p3A : vector<2560x128xf32>
    %tanh3A = math.tanh %add3A_23 : vector<2560x128xf32>
    %mul3A = arith.mulf %add3A_18, %tanh3A : vector<2560x128xf32>
    %get3A_24 = arith.constant 0 : index
    %get3A_25 = arith.constant 0 : index
    %get3A_26 = vector.load %arg8[%get3A_24, %get3A_25] : memref<128x1xf32, #tpu.memory_space<vmem>>, vector<128x1xf32>
    %dot_general3A_27 = arith.constant dense<0.000000e+00> : vector<2560x1xf32>
    %dot_general3A_28 = tpu.matmul %mul3A, %get3A_26, %dot_general3A_27 {dimension_numbers = #tpu.dot_dimension_numbers<[1], [0], [0], [1], [0, 0, 1, 1], [], []>, transpose_lhs_hint = false} : vector<2560x128xf32>, vector<128x1xf32>, vector<2560x1xf32> -> vector<2560x1xf32>
    %get3A_29 = arith.constant 0 : index
    %get3A_30 = arith.constant 0 : index
    %get3A_31 = vector.load %arg9[%get3A_29, %get3A_30] : memref<1x1xf32, #tpu.memory_space<vmem>>, vector<1x1xf32>
    %get3A_32 = vector.extract %get3A_31[0, 0] : f32 from vector<1x1xf32>
    %add3A_33 = vector.broadcast %get3A_32 : f32 to vector<2560x1xf32>
    %add3A_34 = arith.addf %dot_general3A_28, %add3A_33 : vector<2560x1xf32>
    %get3A_35 = arith.constant 0 : index
    %get3A_36 = arith.constant 0 : index
    %get3A_37 = arith.constant 0 : index
    %get3A_38 = vector.load %arg6[%get3A_35, %get3A_36, %get3A_37] : memref<1x2560x1xf32, #tpu.memory_space<vmem>>, vector<1x2560x1xf32>
    %get3A_39 = vector.shape_cast %get3A_38 : vector<1x2560x1xf32> to vector<2560x1xf32>
    %gt3A = arith.constant 0.000000e+00 : f32
    %gt3A_40 = vector.broadcast %gt3A : f32 to vector<2560x1xf32>
    %gt3A_41 = arith.cmpf ogt, %get3A_39, %gt3A_40 : vector<2560x1xf32>
    %jit3A = arith.constant -1.000000e+09 : f32
    %broadcast_in_dim3A = vector.broadcast %jit3A : f32 to vector<2560x1xf32>
    %select_n3A = arith.select %gt3A_41, %add3A_34, %broadcast_in_dim3A : vector<2560x1xi1>, vector<2560x1xf32>
    %reduce_max3A = vector.shape_cast %select_n3A : vector<2560x1xf32> to vector<1x2560x1xf32>
    %reduce_max3A_42 = arith.constant dense<0xFF800000> : vector<1xf32>
    %reduce_max3A_43 = vector.multi_reduction <maximumf>, %reduce_max3A, %reduce_max3A_42 [1, 2] : vector<1x2560x1xf32> to vector<1xf32>
    %reduce_max3A_44 = vector.shape_cast %reduce_max3A_43 : vector<1xf32> to vector<1x1x1xf32>
    %reduce_max3A_45 = vector.extract %reduce_max3A_44[0, 0, 0] : f32 from vector<1x1x1xf32>
    %iota3A = tpu.iota {dimensions = array<i32: 0>} : vector<2560x1xi32>
    %eq3A = vector.broadcast %reduce_max3A_45 : f32 to vector<2560x1xf32>
    %eq3A_46 = arith.cmpf oeq, %select_n3A, %eq3A : vector<2560x1xf32>
    %jit3A_47 = arith.constant 1073741824 : i32
    %broadcast_in_dim3A_48 = vector.broadcast %jit3A_47 : i32 to vector<2560x1xi32>
    %select_n3A_49 = arith.select %eq3A_46, %iota3A, %broadcast_in_dim3A_48 : vector<2560x1xi1>, vector<2560x1xi32>
    %reduce_min3A = vector.shape_cast %select_n3A_49 : vector<2560x1xi32> to vector<1x2560x1xi32>
    %reduce_min3A_50 = arith.constant dense<2147483647> : vector<1xi32>
    %reduce_min3A_51 = vector.multi_reduction <minsi>, %reduce_min3A, %reduce_min3A_50 [1, 2] : vector<1x2560x1xi32> to vector<1xi32>
    %reduce_min3A_52 = vector.shape_cast %reduce_min3A_51 : vector<1xi32> to vector<1x1x1xi32>
    %reduce_min3A_53 = vector.extract %reduce_min3A_52[0, 0, 0] : i32 from vector<1x1x1xi32>
    %get3A_54 = arith.constant 0 : index
    %get3A_55 = arith.constant 0 : index
    %get3A_56 = vector.load %arg10[%get3A_54, %get3A_55] : memref<128x8xf32, #tpu.memory_space<vmem>>, vector<128x8xf32>
    %dot_general3A_57 = arith.constant dense<0.000000e+00> : vector<2560x8xf32>
    %dot_general3A_58 = tpu.matmul %mul3A, %get3A_56, %dot_general3A_57 {dimension_numbers = #tpu.dot_dimension_numbers<[1], [0], [0], [1], [0, 0, 1, 1], [], []>, transpose_lhs_hint = false} : vector<2560x128xf32>, vector<128x8xf32>, vector<2560x8xf32> -> vector<2560x8xf32>
    %get3A_59 = arith.constant 0 : index
    %get3A_60 = arith.constant 0 : index
    %get3A_61 = vector.load %arg11[%get3A_59, %get3A_60] : memref<1x8xf32, #tpu.memory_space<vmem>>, vector<1x8xf32>
    %add3A_62 = vector.broadcast %get3A_61 : vector<1x8xf32> to vector<2560x8xf32>
    %add3A_63 = arith.addf %dot_general3A_58, %add3A_62 : vector<2560x8xf32>
    %iota3A_64 = tpu.iota {dimensions = array<i32: 0>} : vector<2560x8xi32>
    %eq3A_65 = vector.broadcast %reduce_min3A_53 : i32 to vector<2560x8xi32>
    %eq3A_66 = arith.cmpi eq, %iota3A_64, %eq3A_65 : vector<2560x8xi32>
    %jit3A_67 = arith.constant 0.000000e+00 : f32
    %broadcast_in_dim3A_68 = vector.broadcast %jit3A_67 : f32 to vector<2560x8xf32>
    %select_n3A_69 = arith.select %eq3A_66, %add3A_63, %broadcast_in_dim3A_68 : vector<2560x8xi1>, vector<2560x8xf32>
    %reduce_sum3A = arith.constant dense<0.000000e+00> : vector<8xf32>
    %reduce_sum3A_70 = vector.multi_reduction <add>, %select_n3A_69, %reduce_sum3A [0] : vector<2560x8xf32> to vector<8xf32>
    %broadcast_in_dim3A_71 = vector.shape_cast %reduce_sum3A_70 : vector<8xf32> to vector<1x8xf32>
    %get3A_72 = arith.constant 0 : index
    %get3A_73 = arith.constant 0 : index
    %get3A_74 = arith.constant 0 : index
    %get3A_75 = vector.load %arg7[%get3A_72, %get3A_73, %get3A_74] : memref<1x1x8xf32, #tpu.memory_space<vmem>>, vector<1x1x8xf32>
    %get3A_76 = vector.shape_cast %get3A_75 : vector<1x1x8xf32> to vector<1x8xf32>
    %gt3A_77 = arith.constant 0.000000e+00 : f32
    %gt3A_78 = vector.broadcast %gt3A_77 : f32 to vector<1x8xf32>
    %gt3A_79 = arith.cmpf ogt, %get3A_76, %gt3A_78 : vector<1x8xf32>
    %jit3A_80 = arith.constant -1.000000e+09 : f32
    %broadcast_in_dim3A_81 = vector.broadcast %jit3A_80 : f32 to vector<1x8xf32>
    %select_n3A_82 = arith.select %gt3A_79, %broadcast_in_dim3A_71, %broadcast_in_dim3A_81 : vector<1x8xi1>, vector<1x8xf32>
    %reshape3A = vector.broadcast %reduce_max3A_45 : f32 to vector<1x1xf32>
    %concatenate3A = tpu.concatenate %reshape3A, %select_n3A_82 in 1 : vector<1x1xf32>, vector<1x8xf32> -> vector<1x9xf32>
    %swap3A = arith.constant 0 : index
    %swap3A_83 = arith.constant 0 : index
    %swap3A_84 = arith.constant 0 : index
    %swap3A_85 = vector.load %arg12[%swap3A, %swap3A_83, %swap3A_84] : memref<1x1x9xf32, #tpu.memory_space<vmem>>, vector<1x1x9xf32>
    %swap3A_86 = vector.shape_cast %swap3A_85 : vector<1x1x9xf32> to vector<1x9xf32>
    %swap3A_87 = vector.shape_cast %concatenate3A : vector<1x9xf32> to vector<1x1x9xf32>
    tpu.vector_store %arg12[%swap3A, %swap3A_83, %swap3A_84], %swap3A_87 {strides = array<i32>} : memref<1x1x9xf32, #tpu.memory_space<vmem>>, vector<1x1x9xf32>,
    return
  }
  func.func @transform_0(%arg0: i32) -> (i32, i32) {
    %c0_i32 = arith.constant 0 : i32
    %c0_i32_0 = arith.constant 0 : i32
    return %arg0, %c0_i32 : i32, i32
  }
  func.func @transform_1(%arg0: i32) -> (i32, i32) {
    %c0_i32 = arith.constant 0 : i32
    %c0_i32_0 = arith.constant 0 : i32
    return %arg0, %c0_i32 : i32, i32
  }
  func.func @transform_2(%arg0: i32) -> (i32, i32) {
    %c0_i32 = arith.constant 0 : i32
    %c0_i32_0 = arith.constant 0 : i32
    %c0_i32_1 = arith.constant 0 : i32
    return %c0_i32, %c0_i32_0 : i32, i32
  }
  func.func @transform_3(%arg0: i32) -> (i32, i32) {
    %c0_i32 = arith.constant 0 : i32
    %c0_i32_0 = arith.constant 0 : i32
    %c0_i32_1 = arith.constant 0 : i32
    return %c0_i32, %c0_i32_0 : i32, i32
  }
  func.func @transform_4(%arg0: i32) -> (i32, i32) {
    %c0_i32 = arith.constant 0 : i32
    %c0_i32_0 = arith.constant 0 : i32
    %c0_i32_1 = arith.constant 0 : i32
    return %c0_i32, %c0_i32_0 : i32, i32
  }
  func.func @transform_5(%arg0: i32) -> (i32, i32, i32) {
    %c0_i32 = arith.constant 0 : i32
    %c0_i32_0 = arith.constant 0 : i32
    %c0_i32_1 = arith.constant 0 : i32
    return %arg0, %c0_i32, %c0_i32_0 : i32, i32, i32
  }
  func.func @transform_6(%arg0: i32) -> (i32, i32, i32) {
    %c0_i32 = arith.constant 0 : i32
    %c0_i32_0 = arith.constant 0 : i32
    %c0_i32_1 = arith.constant 0 : i32
    return %arg0, %c0_i32, %c0_i32_0 : i32, i32, i32
  }
  func.func @transform_7(%arg0: i32) -> (i32, i32) {
    %c0_i32 = arith.constant 0 : i32
    %c0_i32_0 = arith.constant 0 : i32
    %c0_i32_1 = arith.constant 0 : i32
    return %c0_i32, %c0_i32_0 : i32, i32
  }
  func.func @transform_8(%arg0: i32) -> (i32, i32) {
    %c0_i32 = arith.constant 0 : i32
    %c0_i32_0 = arith.constant 0 : i32
    %c0_i32_1 = arith.constant 0 : i32
    return %c0_i32, %c0_i32_0 : i32, i32
  }
  func.func @transform_9(%arg0: i32) -> (i32, i32) {
    %c0_i32 = arith.constant 0 : i32
    %c0_i32_0 = arith.constant 0 : i32
    %c0_i32_1 = arith.constant 0 : i32
    return %c0_i32, %c0_i32_0 : i32, i32
  }
  func.func @transform_10(%arg0: i32) -> (i32, i32) {
    %c0_i32 = arith.constant 0 : i32
    %c0_i32_0 = arith.constant 0 : i32
    %c0_i32_1 = arith.constant 0 : i32
    return %c0_i32, %c0_i32_0 : i32, i32
  }
  func.func @transform_11(%arg0: i32) -> (i32, i32, i32) {
    %c0_i32 = arith.constant 0 : i32
    %c0_i32_0 = arith.constant 0 : i32
    %c0_i32_1 = arith.constant 0 : i32
    return %arg0, %c0_i32, %c0_i32_0 : i32, i32, i32
  }
}

</mosaic_0001>

<sc_bundles>
// kernel: kernel.12.cloned.1.call-start
scs
__scs_entry_jumppad:
0x0: {  	(pc) =	sbr.rel $0x88, $3  }
0x1: {  	(tag) =	ssettag $0x0;
	lr =	simm.s32 $0x1  }
0x2: {  	[smem:$0x3F95] =	sst lr;
	_ =	strace $0xD0000000  }
0x3: {  	_ = 	snop  }
0x4: {  	_ = 	snop  }
0x5: {  	_ = 	snop  }
0x6: {  	_ = 	snop  }
0x7: {  	_ = 	snop  }
__scs_overlays_trampoline_lowered:
0x8: {  	[smem:$0x3FA4] =	sst s0  }
0x9: {  	[smem:$0x3FA5] =	sst s1  }
0xa: {  	[smem:$0x3FA6] =	sst s2  }
0xb: {  	[smem:$0x3FA7] =	sst s3  }
0xc: {  	[smem:$0x3FA8] =	sst s4  }
0xd: {  	[smem:$0x3FA9] =	sst s5  }
0xe: {  	[smem:$0x3FAA] =	sst s6  }
0xf: {  	[smem:$0x3FAB] =	sst s7  }
0x10: {  	[smem:$0x3FAC] =	sst s8  }
0x11: {  	[smem:$0x3FAD] =	sst s9;
	s0 =	simm.s32 @!p0 $0x0  }
0x12: {  	s1 =	sld [smem:$0x3F93];
	s0 =	simm.s32 @p0 $0x1  }
0x13: {  	[smem:$0x3FAE] =	sst s0;
	s0 =	simm.s32 @!p1 $0x0  }
0x14: {  	s2 =	sld [smem:$0x3F92];
	s0 =	simm.s32 @p1 $0x1  }
0x15: {  	[smem:$0x3FAF] =	sst s0;
	s0 =	simm.s32 @!p2 $0x0  }
0x16: {  	s3 =	sld [smem:$0x3FDB];
	s0 =	simm.s32 @p2 $0x1  }
0x17: {  	s4 =	simm.s32 $0x1BF5;
	[smem:$0x3FB1] =	sst s0  }
0x18: {  	s0 =	sld [smem:$0x3F94];
	_ =	swait.ge [sflag:s4], $0x0  }
0x19: {  	s7 =	sld [smem:$0x3F95]  }
0x1a: {  	s8 =	sadd.s32 $0xFFFFE003, lr  }
0x1b: {  	s9 =	sadd.s32 $0xFFFFFEF7, lr;
	s5 =	simm.s32 $0xFFFFFFFF;
	p2 =	slt.u32 s8, $0xFFFFF086  }
0x1c: {  	p1 =	slt.u32 s9, $0xF7A;
	s5 =	simm.s32 @!p2 $0x0  }
0x1d: {  	s5 =	simm.s32 @p1 $0x1;
	p0 =	seq.s32 s7, s2  }
0x1e: {  	s7 =	smul.u32 @!p0 $0xF7A, s2;
	p2 =	seq.s32 @!p0 s5, $0x0  }
0x1f: {  	s9 =	smul.u32 $0xF7A, s1;
	s8 =	simm.s32 @!p0 $0x1BF5;
	p2 =	por !p2, p0  }
0x20: {  	[sflag:s8] =	ssyncset.s32 @!p0 $0xFFFFF086;
	s6 =	sadd.s32 @!p0 s3, s7;
	s7 =	simm.s32 @!p0 $0x108  }
0x21: {  	s3 =	sadd.s32 s3, s9;
	s6 =	sadd.s32 @!p0 $0x88, s6;
	s7 =	simm.s32 @p2 $0x1082  }
0x22: {  	[simem:s7], [sflag:s8] =	dma.local @!p0 [hbm:s6], $0xF7A  }
0x23: {  	s9 =	sor.u32 $0xD0000000, s2;
	s6 =	simm.s32 $0x108;
	_ =	swait.ge @!p0 [sflag:s8], $0x0  }
0x24: {  	s3 =	sadd.s32 $0x88, s3;
	s6 =	simm.s32 @!p1 $0x1082;
	[sflag:s4] =	ssyncset.s32 $0xFFFFF086  }
0x25: {  	[simem:s6], [sflag:s4] =	dma.local [hbm:s3], $0xF7A  }
0x26: {  	[smem:$0x3F95] =	sst s1;
	(tag) =	ssettag s2;
	_ =	strace s9  }
0x27: {  	s1 =	sld [smem:$0x3FA5]  }
0x28: {  	s2 =	sld [smem:$0x3FA6]  }
0x29: {  	s4 =	sld [smem:$0x3FA8]  }
0x2a: {  	p0 =	seq.s32 s5, $0x0;
	s5 =	sld [smem:$0x3FA9]  }
0x2b: {  	s6 =	sld [smem:$0x3FAA]  }
0x2c: {  	s7 =	sld [smem:$0x3FAB]  }
0x2d: {  	s3 =	simm.s32 $0x108;
	s8 =	sld [smem:$0x3FAC]  }
0x2e: {  	s3 =	simm.s32 @!p0 $0x1082;
	s9 =	sld [smem:$0x3FAD]  }
0x2f: {  	lr =	sadd.s32 s0, s3;
	s0 =	sld [smem:$0x3FA4]  }
0x30: {  	s3 =	sld [smem:$0x3FA7]  }
0x31: {  	[smem:$0x3FB0] =	sst s10  }
0x32: {  	s10 =	sld [smem:$0x3FAE];
	_ =	sdelay $0x3  }
0x33: {  	p0 =	seq.s32 s10, $0x1;
	s10 =	sld [smem:$0x3FB0];
	_ =	sdelay $0x3  }
0x34: {  	[smem:$0x3FB0] =	sst s10  }
0x35: {  	s10 =	sld [smem:$0x3FAF];
	_ =	sdelay $0x3  }
0x36: {  	p1 =	seq.s32 s10, $0x1;
	s10 =	sld [smem:$0x3FB0];
	_ =	sdelay $0x3  }
0x37: {  	[smem:$0x3FB0] =	sst s10  }
0x38: {  	s10 =	sld [smem:$0x3FB1]  }
0x39: {  	_ = 	snop;
	(pc) =	sbr.ind lr, $3  }
0x3a: {  	_ = 	snop  }
0x3b: {  	_ = 	snop  }
0x3c: {  	p2 =	seq.s32 s10, $0x1;
	s10 =	sld [smem:$0x3FB0]  }
0x3d: {  	_ =	shalt  }
0x3e: {  	_ =	shalt  }
0x3f: {  	_ =	shalt  }
0x40: {  	_ =	shalt  }
0x41: {  	_ =	shalt  }
0x42: {  	_ =	shalt  }
0x43: {  	_ =	shalt  }
0x44: {  	_ =	shalt  }
0x45: {  	_ =	shalt  }
0x46: {  	_ =	shalt  }
0x47: {  	_ =	shalt  }
0x48: {  	_ =	shalt  }
0x49: {  	_ =	shalt  }
0x4a: {  	_ =	shalt  }
0x4b: {  	_ =	shalt  }
0x4c: {  	_ =	shalt  }
0x4d: {  	_ =	shalt  }
0x4e: {  	_ =	shalt  }
0x4f: {  	_ =	shalt  }
0x50: {  	_ =	shalt  }
0x51: {  	_ =	shalt  }
0x52: {  	_ =	shalt  }
0x53: {  	_ =	shalt  }
0x54: {  	_ =	shalt  }
0x55: {  	_ =	shalt  }
0x56: {  	_ =	shalt  }
0x57: {  	_ =	shalt  }
0x58: {  	_ =	shalt  }
0x59: {  	_ =	shalt  }
0x5a: {  	_ =	shalt  }
0x5b: {  	_ =	shalt  }
0x5c: {  	_ =	shalt  }
0x5d: {  	_ =	shalt  }
0x5e: {  	_ =	shalt  }
0x5f: {  	_ =	shalt  }
0x60: {  	_ =	shalt  }
0x61: {  	_ =	shalt  }
0x62: {  	_ =	shalt  }
0x63: {  	_ =	shalt  }
0x64: {  	_ =	shalt  }
0x65: {  	_ =	shalt  }
0x66: {  	_ =	shalt  }
0x67: {  	_ =	shalt  }
0x68: {  	_ =	shalt  }
0x69: {  	_ =	shalt  }
0x6a: {  	_ =	shalt  }
0x6b: {  	_ =	shalt  }
0x6c: {  	_ =	shalt  }
0x6d: {  	_ =	shalt  }
0x6e: {  	_ =	shalt  }
0x6f: {  	_ =	shalt  }
0x70: {  	_ =	shalt  }
0x71: {  	_ =	shalt  }
0x72: {  	_ =	shalt  }
0x73: {  	_ =	shalt  }
0x74: {  	_ =	shalt  }
0x75: {  	_ =	shalt  }
0x76: {  	_ =	shalt  }
0x77: {  	_ =	shalt  }
0x78: {  	_ =	shalt  }
0x79: {  	_ =	shalt  }
0x7a: {  	_ =	shalt  }
0x7b: {  	_ =	shalt  }
0x7c: {  	_ =	shalt  }
0x7d: {  	_ =	shalt  }
0x7e: {  	_ =	shalt  }
0x7f: {  	_ =	shalt  }
0x80: {  	_ =	shalt  }
0x81: {  	_ =	shalt  }
0x82: {  	_ =	shalt  }
0x83: {  	_ =	shalt  }
0x84: {  	_ =	shalt  }
0x85: {  	_ =	shalt  }
0x86: {  	_ =	shalt  }
0x87: {  	_ =	shalt  }
.Lfunc_end0:
.L_simem_size_0:
called_computation.1_lowered:
.L_overlay_start_0:
0x88: {  	s2 =	sld [smem:$0x3FD9]  }
0x89: {  	s3 =	sld [smem:$0x3FFE];
	_ =	sdelay $0x1  }
0x8a: {  	s1 =	srdreg.scid  }
0x8b: {  	s0 =	sand.u32 $0x1, s1  }
0x8c: {  	s16 =	sshll.u32 s0, $0xA;
	s2 =	sadd.s32 s3, s2  }
0x8d: {  	s2 =	sadd.s32 s2, s16  }
0x8e: {  	[smem:$0x3FBC] =	sst s2  }
0x8f: {  	_ = 	snop  }
0x90: {  	(tm) =	ssettm $0x1  }
0x91: {  	s17 =	sld [smem:$0x3FFB];
	_ =	sdelay $0x3  }
0x92: {  	_ =	strace s17  }
0x93: {  	s2 =	sld [smem:$0x3FFC];
	_ =	sdelay $0x3  }
0x94: {  	_ =	strace s2  }
0x95: {  	s2 =	sld [smem:$0x3FFD];
	_ =	sdelay $0x3  }
0x96: {  	_ =	strace s2  }
0x97: {  	_ =	strace $0x8FFFFFFF  }
0x98: {  	s18 =	sld [smem:$0x3FDB];
	_ =	sdelay $0x1  }
0x99: {  	s19 =	simm.s32 $_scs_section_size  }
0x9a: {  	s4 =	simm.s32 $_size__tile_overlayer_lowered;
	s5 =	simm.s32 $_tile_overlayer_lowered  }
0x9b: {  	s22 =	simm.s32 $0x1BFF;
	s21 =	sshll.u32 s5, $0x1;
	s2 =	sadd.s32 s19, s18  }
0x9c: {  	s6 =	simm.s32 $0x0;
	s20 =	sshll.u32 s4, $0x1;
	s4 =	sadd.s32 s21, s2  }
0x9d: {  	[timem:s6], [sflag:s22] =	dma.local [hbm:s4], s20  }
0x9e: {  	_ =	swait.ge [sflag:s22], s20  }
0x9f: {  	s3 =	ssub.s32 $0x0, s20;
	[sflag:s22] =	ssyncset.done $0x0  }
0xa0: {  	[sflag:s22] =	ssyncadd.s32 s3;
	_ =	sdelay $0x1  }
0xa1: {  	s23 =	simm.s32 $0x1B8B  }
0xa2: {  	_ =	swait.ge [sflag:s23], $0x1  }
0xa3: {  	[sflag:s23] =	ssyncset.done $0x0  }
0xa4: {  	s25 =	simm.s32 $0x1B8E;
	s24 =	sld [smem:$0x3FFE];
	[sflag:s23] =	ssyncadd.s32 $0xFFFFFFFF  }
0xa5: {  	s26 =	simm.s32 $execute0_lowered;
	[smem:$0x3FD2] =	sst s25  }
0xa6: {  	s4 =	sshll.u32 s26, $0x1;
	_ =	strace $0x80000049;
	[dreg:$0x1] =	wrdreg $0xFFFFFFFF  }
0xa7: {  	s28 =	simm.s32 $_size_execute0_lowered;
	s2 =	sadd.s32 s2, s4;
	[dreg:$0x0] =	wrdreg $0x0  }
0xa8: {  	s4 =	sshll.u32 s28, $0x1;
	[dreg:$0x2] =	wrdreg s2  }
0xa9: {  	[dreg:$0x3] =	wrdreg s4  }
0xaa: {  	[dreg:$0x4] =	wrdreg $0xC0  }
0xab: {  	_ =	task [dreg:s6], $0x5FFFF  }
0xac: {  	[dreg:$0x1] =	wrdreg $0xFFFFFFFF  }
0xad: {  	[dreg:$0x0] =	wrdreg $0x60  }
0xae: {  	[dreg:$0x2] =	wrdreg s24  }
0xaf: {  	[dreg:$0x3] =	wrdreg $0x0  }
0xb0: {  	[dreg:$0x4] =	wrdreg $0xA0000  }
0xb1: {  	[dreg:$0x5] =	wrdreg $0x9  }
0xb2: {  	_ =	task.clear_ibuf [dreg:s6], $0x6FFFF;
	_ =	strace $0x90000049  }
0xb3: {  	s29 =	simm.s32 $0x9;
	_ =	strace $0x8000004B  }
0xb4: {  	_ =	swait.ge [sflag:s29], $0x1  }
0xb5: {  	[sflag:s29] =	ssyncadd.s32 $0xFFFFFFFF  }
0xb6: {  	_ =	strace $0x9000004B  }
0xb7: {  	_ =	sfence  }
0xb8: {  	s30 =	sld [smem:$0x0];
	_ =	sdelay $0x2  }
0xb9: {  	s31 =	sshll.u32 s1, $0xD;
	s1 =	sshrl.u32 s1, $0x2  }
0xba: {  	s3 =	sand.u32 $0x4000, s31;
	s1 =	sadd.s32 s1, s30  }
0xbb: {  	s0 =	sor.u32 s3, s0;
	s1 =	sshll.u32 s1, $0x11  }
0xbc: {  	s0 =	sor.u32 s1, s0  }
0xbd: {  	s0 =	sadd.s32 $0x8F2B, s0  }
0xbe: {  	[sflag:s0] =	ssyncadd.remote.s32 $0x1  }
0xbf: {  	_ =	sfence.sel $0xFFFF  }
0xc0: {  	[dreg:$0x0] =	wrdreg $0xFFFFFFFF;
	(pc) =	sbr.abs _section_cstart, $3  }
0xc1: {  	[dreg:$0x1] =	wrdreg $0xFFFFFFFF  }
0xc2: {  	_ =	task.clear_ibuf [dreg:s6], $0x2FFFF;
	_ =	strace $0x9FFFFFFF  }
0xc3: {  	(tm) =	ssettm $0x7FFFFFFF  }
tec
execute0_lowered:
.L_overlay_start_1:
0x0: {  	(tag) =	ssettag $0x1  }
0x1: {  	s0 =	rddreg [dreg:$0x0]  }
0x2: {  	s1 =	srdreg.scid;
	s2 =	rddreg [dreg:$0x1]  }
0x3: {  	s14 =	stileid.u32;
	s7 =	rddreg [dreg:$0x2];
	s3 =	simm.s32 $0x0  }
0x4: {  	s15 =	simm.s32 $0x1;
	s16 =	simm.s32 $0x16800;
	s17 =	simm.s32 $0x3  }
0x5: {  	s29 =	simm.s32 $0x15180;
	s30 =	simm.s32 $0x15200;
	s8 =	smul.u32 $0x1400, s14  }
0x6: {  	s31 =	simm.s32 $0x15280;
	s1 =	sand.u32 $0x1, s1;
	s11 =	smul.u32 $0xA000, s14  }
0x7: {  	[smem:$0x7FF] =	sst s3;
	s5 =	sadd.s32 $0xDC00, s0;
	s13 =	smul.u32 $0x28000, s14  }
0x8: {  	s21 =	sshll.u32 s14, $0x6;
	s6 =	smul.u32 $0x14000, s1;
	_ =	strace $0x8000004A  }
0x9: {  	s10 =	ssub.s32 $0x2, s1;
	s1 =	sshll.u32 s1, $0x4;
	[dreg:$0x5] =	wrdreg s21  }
0xa: {  	s23 =	sor.u32 $0x1C01, s21;
	s21 =	simm.s32 $0x15080;
	s12 =	sshrl.u32 s10, $0x1  }
0xb: {  	s1 =	sor.u32 s14, s1;
	s19 =	sadd.s32 s11, s2;
	s20 =	sshrl.u32 s13, $0x2  }
0xc: {  	[dreg:$0x6] =	wrdreg s23;
	s13 =	simm.s32 $0x14D80;
	s14 =	simm.s32 $0x14E00  }
0xd: {  	s4 =	sadd.s32 s8, s6;
	s18 =	ssub.s32 s10, s12;
	s22 =	sadd.s32 s20, s7  }
0xe: {  	s7 =	sadd.s32 s11, s7;
	s12 =	smul.u32 $0x2800, s1;
	s28 =	sshrl.u32 s19, $0x3  }
0xf: {  	s20 =	simm.s32 $0x80;
	s10 =	simm.s32 $0x14C80;
	s11 =	simm.s32 $0x14D00  }
0x10: {  	s19 =	simm.s32 $0x15000;
	s1 =	simm.s32 $0x15300;
	s9 =	sadd.s32 s4, s0  }
0x11: {  	s4 =	sadd.s32 $0x3C00, s0;
	s0 =	sadd.s32 s6, s0;
	[dreg:$0x7] =	wrdreg s7  }
0x12: {  	s24 =	sadd.s32 $0x4000, s22;
	s25 =	sadd.s32 $0x8000, s22;
	s26 =	smax.u32 s18, $0x1  }
0x13: {  	[dreg:$0xb] =	wrdreg s28;
	s18 =	simm.s32 $0x14000;
	s22 =	simm.s32 $0x1A800  }
0x14: {  	s6 =	simm.s32 $0x14B80;
	s7 =	simm.s32 $0x14E80;
	[dreg:$0x8] =	wrdreg s24  }
0x15: {  	s9 =	sadd.s32 $0x17C00, s9;
	[dreg:$0x9] =	wrdreg s25;
	s0 =	sadd.s32 $0x3FC00, s0  }
0x16: {  	[dreg:$0xa] =	wrdreg s26;
	s25 =	simm.s32 $0x2;
	s24 =	simm.s32 $0x14F00  }
0x17: {  	[dreg:$0x4] =	wrdreg s9;
	s0 =	sadd.s32 s8, s0;
	s8 =	simm.s32 $0x14C00  }
0x18: {  	v0 =	vimm.f32 $0.0e+00;
	s9 =	simm.s32 $0x14F80;
	[dreg:$0xc] =	wrdreg s0;
	s0 =	simm.s32 $0x0  }
.LBB2_1:
0x19: {  	[dreg:$0xd] =	wrdreg s0  }
0x1a: {  	s23 =	rddreg [dreg:$0x4]  }
0x1b: {  	s26 =	rddreg [dreg:$0x6]  }
0x1c: {  	s28 =	rddreg [dreg:$0xb]  }
0x1d: {  	[spmem:s28], [sflag:s26] =	dma.local [hbm:s23], $0x1400  }
0x1e: {  	s23 =	simm.s32 $0x0;
	s26 =	simm.s32 $0x200  }
.LBB2_2:
0x1f: {  	p0 =	sne.s32 s26, $0xFE00;
	[tilespmem:s23+$0x16870] =	vst v0  }
0x20: {  	[tilespmem:s23+$0x16800] =	vst v0  }
0x21: {  	[tilespmem:s23+$0x16810] =	vst v0  }
.Ltmp0:
0x22: {  	[tilespmem:s23+$0x16820] =	vst v0;
	(pc) =	sbr.rel @p0 .LBB2_2-.Ltmp0, $4  }
0x23: {  	[tilespmem:s23+$0x16830] =	vst v0  }
0x24: {  	[tilespmem:s23+$0x16840] =	vst v0  }
0x25: {  	[tilespmem:s23+$0x16850] =	vst v0  }
0x26: {  	[tilespmem:s23+$0x16860] =	vst v0;
	s23 =	sshra.s32 s26, $0x2;
	s26 =	sadd.s32 $0x200, s26  }
0x27: {  	[tilespmem:s23+$0x16870] =	vst v0  }
0x28: {  	[tilespmem:s23+$0x16800] =	vst v0  }
0x29: {  	[tilespmem:s23+$0x16810] =	vst v0  }
0x2a: {  	[tilespmem:s23+$0x16820] =	vst v0  }
0x2b: {  	[tilespmem:s23+$0x16830] =	vst v0  }
0x2c: {  	[tilespmem:s23+$0x16840] =	vst v0  }
0x2d: {  	[tilespmem:s23+$0x16850] =	vst v0  }
0x2e: {  	[tilespmem:s23+$0x16860] =	vst v0  }
0x2f: {  	_ =	swait.ge [sflag:s15], $0x1400  }
0x30: {  	[sflag:s15] =	ssyncset.done $0x0  }
0x31: {  	s26 =	rddreg [dreg:$0x7];
	[sflag:s15] =	ssyncadd.s32 $0xFFFFEC00  }
0x32: {  	[spmem:s26] =	stream.linear.scatter [tilespmem:s16], [sflag:$0x3], $0x4000, $0x38;
	[tilespmem:$0x1E800] =	vst v63  }
0x33: {  	_ =	swait.ge [sflag:s17], $0x4000  }
0x34: {  	[sflag:s17] =	ssyncset.done $0x0  }
0x35: {  	s0 =	rddreg [dreg:$0x8];
	[sflag:s17] =	ssyncadd.s32 $0xFFFFC000  }
0x36: {  	[spmem:s0] =	stream.linear.scatter [tilespmem:s16], [sflag:$0x3], $0x4000, $0x38;
	[tilespmem:$0x1E800] =	vst v63  }
0x37: {  	_ =	swait.ge [sflag:s17], $0x4000  }
0x38: {  	[sflag:s17] =	ssyncset.done $0x0  }
0x39: {  	s26 =	rddreg [dreg:$0x9];
	[sflag:s17] =	ssyncadd.s32 $0xFFFFC000  }
0x3a: {  	[spmem:s26] =	stream.linear.scatter [tilespmem:s16], [sflag:$0x3], $0x2000, $0x38;
	[tilespmem:$0x1E800] =	vst v63  }
0x3b: {  	_ =	swait.ge [sflag:s17], $0x2000  }
0x3c: {  	[sflag:s17] =	ssyncset.done $0x0  }
0x3d: {  	s23 =	simm.s32 $0x0;
	p0 =	por $0x1, $0x1;
	[sflag:s17] =	ssyncadd.s32 $0xFFFFE000  }
0x3e: {  	s28 =	simm.s32 $0x15100;
	s0 =	simm.s32 $0x15380;
	[bflag:$0x0] =	sbarrier.arrive $0xFFFF  }
.LBB2_4:
0x3f: {  	s23 =	sadd.s32 s12, s23  }
0x40: {  	s23 =	sshrl.u32 s23, $0x3  }
0x41: {  	s26 =	sadd.s32 s4, s23  }
0x42: {  	[tilespmem:s18], [sflag:$0x3] =	stream.linear.gather [hbm4b:s26+s3], $0x1400, $0x38;
	[tilespmem:$0x1E800] =	vst v63  }
0x43: {  	_ =	swait.ge [sflag:s17], $0x1400  }
0x44: {  	[sflag:s17] =	ssyncset.done $0x0  }
0x45: {  	s23 =	sadd.s32 s5, s23;
	s26 =	simm.s32 $0x15400;
	[sflag:s17] =	ssyncadd.s32 $0xFFFFEC00  }
0x46: {  	[tilespmem:s26], [sflag:$0x3] =	stream.linear.gather [hbm4b:s23+s3], $0x1400, $0x38;
	[tilespmem:$0x1E800] =	vst v63  }
0x47: {  	_ =	swait.ge [sflag:s17], $0x1400  }
0x48: {  	[sflag:s17] =	ssyncset.done $0x0  }
0x49: {  	[sflag:s17] =	ssyncadd.s32 $0xFFFFEC00  }
0x4a: {  	[tilespmem:s16], [sflag:$0x1] =	stream.indirect.gather [spmem:s2], $0x80, s18, s20, $0xb8;
	[tilespmem:$0x1E800] =	vst v63  }
0x4b: {  	s26 =	simm.s32 $0x14080  }
0x4c: {  	[tilespmem:s22], [sflag:$0x2] =	stream.indirect.gather [spmem:s2], $0x80, s26, s20, $0xb8;
	[tilespmem:$0x1E800] =	vst v63  }
0x4d: {  	_ =	swait.ge [sflag:s15], $0x4000  }
0x4e: {  	[sflag:s15] =	ssyncset.done $0x0  }
0x4f: {  	s26 =	simm.s32 $0x14100;
	[sflag:s15] =	ssyncadd.s32 $0xFFFFC000  }
0x50: {  	[tilespmem:s16], [sflag:$0x1] =	stream.indirect.gather [spmem:s2], $0x80, s26, s20, $0xb8;
	[tilespmem:$0x1E800] =	vst v63  }
0x51: {  	_ =	swait.ge [sflag:s25], $0x4000  }
0x52: {  	[sflag:s25] =	ssyncset.done $0x0  }
0x53: {  	s26 =	simm.s32 $0x14180;
	[sflag:s25] =	ssyncadd.s32 $0xFFFFC000  }
0x54: {  	[tilespmem:s22], [sflag:$0x2] =	stream.indirect.gather [spmem:s2], $0x80, s26, s20, $0xb8;
	[tilespmem:$0x1E800] =	vst v63  }
0x55: {  	_ =	swait.ge [sflag:s15], $0x4000  }
0x56: {  	[sflag:s15] =	ssyncset.done $0x0  }
0x57: {  	s26 =	simm.s32 $0x14200;
	[sflag:s15] =	ssyncadd.s32 $0xFFFFC000  }
0x58: {  	[tilespmem:s16], [sflag:$0x1] =	stream.indirect.gather [spmem:s2], $0x80, s26, s20, $0xb8;
	[tilespmem:$0x1E800] =	vst v63  }
0x59: {  	_ =	swait.ge [sflag:s25], $0x4000  }
0x5a: {  	[sflag:s25] =	ssyncset.done $0x0  }
0x5b: {  	s26 =	simm.s32 $0x14280;
	[sflag:s25] =	ssyncadd.s32 $0xFFFFC000  }
0x5c: {  	[tilespmem:s22], [sflag:$0x2] =	stream.indirect.gather [spmem:s2], $0x80, s26, s20, $0xb8;
	[tilespmem:$0x1E800] =	vst v63  }
0x5d: {  	_ =	swait.ge [sflag:s15], $0x4000  }
0x5e: {  	[sflag:s15] =	ssyncset.done $0x0  }
0x5f: {  	s26 =	simm.s32 $0x14300;
	[sflag:s15] =	ssyncadd.s32 $0xFFFFC000  }
0x60: {  	[tilespmem:s16], [sflag:$0x1] =	stream.indirect.gather [spmem:s2], $0x80, s26, s20, $0xb8;
	[tilespmem:$0x1E800] =	vst v63  }
0x61: {  	_ =	swait.ge [sflag:s25], $0x4000  }
0x62: {  	[sflag:s25] =	ssyncset.done $0x0  }
0x63: {  	s26 =	simm.s32 $0x14380;
	[sflag:s25] =	ssyncadd.s32 $0xFFFFC000  }
0x64: {  	[tilespmem:s22], [sflag:$0x2] =	stream.indirect.gather [spmem:s2], $0x80, s26, s20, $0xb8;
	[tilespmem:$0x1E800] =	vst v63  }
0x65: {  	_ =	swait.ge [sflag:s15], $0x4000  }
0x66: {  	[sflag:s15] =	ssyncset.done $0x0  }
0x67: {  	s26 =	simm.s32 $0x14400;
	[sflag:s15] =	ssyncadd.s32 $0xFFFFC000  }
0x68: {  	[tilespmem:s16], [sflag:$0x1] =	stream.indirect.gather [spmem:s2], $0x80, s26, s20, $0xb8;
	[tilespmem:$0x1E800] =	vst v63  }
0x69: {  	_ =	swait.ge [sflag:s25], $0x4000  }
0x6a: {  	[sflag:s25] =	ssyncset.done $0x0  }
0x6b: {  	s26 =	simm.s32 $0x14480;
	[sflag:s25] =	ssyncadd.s32 $0xFFFFC000  }
0x6c: {  	[tilespmem:s22], [sflag:$0x2] =	stream.indirect.gather [spmem:s2], $0x80, s26, s20, $0xb8;
	[tilespmem:$0x1E800] =	vst v63  }
0x6d: {  	_ =	swait.ge [sflag:s15], $0x4000  }
0x6e: {  	[sflag:s15] =	ssyncset.done $0x0  }
0x6f: {  	s26 =	simm.s32 $0x14500;
	[sflag:s15] =	ssyncadd.s32 $0xFFFFC000  }
0x70: {  	[tilespmem:s16], [sflag:$0x1] =	stream.indirect.gather [spmem:s2], $0x80, s26, s20, $0xb8;
	[tilespmem:$0x1E800] =	vst v63  }
0x71: {  	_ =	swait.ge [sflag:s25], $0x4000  }
0x72: {  	[sflag:s25] =	ssyncset.done $0x0  }
0x73: {  	s26 =	simm.s32 $0x14580;
	[sflag:s25] =	ssyncadd.s32 $0xFFFFC000  }
0x74: {  	[tilespmem:s22], [sflag:$0x2] =	stream.indirect.gather [spmem:s2], $0x80, s26, s20, $0xb8;
	[tilespmem:$0x1E800] =	vst v63  }
0x75: {  	_ =	swait.ge [sflag:s15], $0x4000  }
0x76: {  	[sflag:s15] =	ssyncset.done $0x0  }
0x77: {  	s26 =	simm.s32 $0x14600;
	[sflag:s15] =	ssyncadd.s32 $0xFFFFC000  }
0x78: {  	[tilespmem:s16], [sflag:$0x1] =	stream.indirect.gather [spmem:s2], $0x80, s26, s20, $0xb8;
	[tilespmem:$0x1E800] =	vst v63  }
0x79: {  	_ =	swait.ge [sflag:s25], $0x4000  }
0x7a: {  	[sflag:s25] =	ssyncset.done $0x0  }
0x7b: {  	s26 =	simm.s32 $0x14680;
	[sflag:s25] =	ssyncadd.s32 $0xFFFFC000  }
0x7c: {  	[tilespmem:s22], [sflag:$0x2] =	stream.indirect.gather [spmem:s2], $0x80, s26, s20, $0xb8;
	[tilespmem:$0x1E800] =	vst v63  }
0x7d: {  	_ =	swait.ge [sflag:s15], $0x4000  }
0x7e: {  	[sflag:s15] =	ssyncset.done $0x0  }
0x7f: {  	s26 =	simm.s32 $0x14700;
	[sflag:s15] =	ssyncadd.s32 $0xFFFFC000  }
0x80: {  	[tilespmem:s16], [sflag:$0x1] =	stream.indirect.gather [spmem:s2], $0x80, s26, s20, $0xb8;
	[tilespmem:$0x1E800] =	vst v63  }
0x81: {  	_ =	swait.ge [sflag:s25], $0x4000  }
0x82: {  	[sflag:s25] =	ssyncset.done $0x0  }
0x83: {  	s26 =	simm.s32 $0x14780;
	[sflag:s25] =	ssyncadd.s32 $0xFFFFC000  }
0x84: {  	[tilespmem:s22], [sflag:$0x2] =	stream.indirect.gather [spmem:s2], $0x80, s26, s20, $0xb8;
	[tilespmem:$0x1E800] =	vst v63  }
0x85: {  	_ =	swait.ge [sflag:s15], $0x4000  }
0x86: {  	[sflag:s15] =	ssyncset.done $0x0  }
0x87: {  	s26 =	simm.s32 $0x14800;
	[sflag:s15] =	ssyncadd.s32 $0xFFFFC000  }
0x88: {  	[tilespmem:s16], [sflag:$0x1] =	stream.indirect.gather [spmem:s2], $0x80, s26, s20, $0xb8;
	[tilespmem:$0x1E800] =	vst v63  }
0x89: {  	_ =	swait.ge [sflag:s25], $0x4000  }
0x8a: {  	[sflag:s25] =	ssyncset.done $0x0  }
0x8b: {  	s26 =	simm.s32 $0x14880;
	[sflag:s25] =	ssyncadd.s32 $0xFFFFC000  }
0x8c: {  	[tilespmem:s22], [sflag:$0x2] =	stream.indirect.gather [spmem:s2], $0x80, s26, s20, $0xb8;
	[tilespmem:$0x1E800] =	vst v63  }
0x8d: {  	_ =	swait.ge [sflag:s15], $0x4000  }
0x8e: {  	[sflag:s15] =	ssyncset.done $0x0  }
0x8f: {  	s26 =	simm.s32 $0x14900;
	[sflag:s15] =	ssyncadd.s32 $0xFFFFC000  }
0x90: {  	[tilespmem:s16], [sflag:$0x1] =	stream.indirect.gather [spmem:s2], $0x80, s26, s20, $0xb8;
	[tilespmem:$0x1E800] =	vst v63  }
0x91: {  	_ =	swait.ge [sflag:s25], $0x4000  }
0x92: {  	[sflag:s25] =	ssyncset.done $0x0  }
0x93: {  	s26 =	simm.s32 $0x14980;
	[sflag:s25] =	ssyncadd.s32 $0xFFFFC000  }
0x94: {  	[tilespmem:s22], [sflag:$0x2] =	stream.indirect.gather [spmem:s2], $0x80, s26, s20, $0xb8;
	[tilespmem:$0x1E800] =	vst v63  }
0x95: {  	_ =	swait.ge [sflag:s15], $0x4000  }
0x96: {  	[sflag:s15] =	ssyncset.done $0x0  }
0x97: {  	s26 =	simm.s32 $0x14A00;
	[sflag:s15] =	ssyncadd.s32 $0xFFFFC000  }
0x98: {  	[tilespmem:s16], [sflag:$0x1] =	stream.indirect.gather [spmem:s2], $0x80, s26, s20, $0xb8;
	[tilespmem:$0x1E800] =	vst v63  }
0x99: {  	_ =	swait.ge [sflag:s25], $0x4000  }
0x9a: {  	[sflag:s25] =	ssyncset.done $0x0  }
0x9b: {  	s26 =	simm.s32 $0x14A80;
	[sflag:s25] =	ssyncadd.s32 $0xFFFFC000  }
0x9c: {  	[tilespmem:s22], [sflag:$0x2] =	stream.indirect.gather [spmem:s2], $0x80, s26, s20, $0xb8;
	[tilespmem:$0x1E800] =	vst v63  }
0x9d: {  	_ =	swait.ge [sflag:s15], $0x4000  }
0x9e: {  	[sflag:s15] =	ssyncset.done $0x0  }
0x9f: {  	s26 =	simm.s32 $0x14B00;
	[sflag:s15] =	ssyncadd.s32 $0xFFFFC000  }
0xa0: {  	[tilespmem:s16], [sflag:$0x1] =	stream.indirect.gather [spmem:s2], $0x80, s26, s20, $0xb8;
	[tilespmem:$0x1E800] =	vst v63  }
0xa1: {  	_ =	swait.ge [sflag:s25], $0x4000  }
0xa2: {  	[sflag:s25] =	ssyncset.done $0x0  }
0xa3: {  	[sflag:s25] =	ssyncadd.s32 $0xFFFFC000  }
0xa4: {  	[tilespmem:s22], [sflag:$0x2] =	stream.indirect.gather [spmem:s2], $0x80, s6, s20, $0xb8;
	[tilespmem:$0x1E800] =	vst v63  }
0xa5: {  	_ =	swait.ge [sflag:s15], $0x4000  }
0xa6: {  	[sflag:s15] =	ssyncset.done $0x0  }
0xa7: {  	[sflag:s15] =	ssyncadd.s32 $0xFFFFC000  }
0xa8: {  	[tilespmem:s16], [sflag:$0x1] =	stream.indirect.gather [spmem:s2], $0x80, s8, s20, $0xb8;
	[tilespmem:$0x1E800] =	vst v63  }
0xa9: {  	_ =	swait.ge [sflag:s25], $0x4000  }
0xaa: {  	[sflag:s25] =	ssyncset.done $0x0  }
0xab: {  	[sflag:s25] =	ssyncadd.s32 $0xFFFFC000  }
0xac: {  	[tilespmem:s22], [sflag:$0x2] =	stream.indirect.gather [spmem:s2], $0x80, s10, s20, $0xb8;
	[tilespmem:$0x1E800] =	vst v63  }
0xad: {  	_ =	swait.ge [sflag:s15], $0x4000  }
0xae: {  	[sflag:s15] =	ssyncset.done $0x0  }
0xaf: {  	[sflag:s15] =	ssyncadd.s32 $0xFFFFC000  }
0xb0: {  	[tilespmem:s16], [sflag:$0x1] =	stream.indirect.gather [spmem:s2], $0x80, s11, s20, $0xb8;
	[tilespmem:$0x1E800] =	vst v63  }
0xb1: {  	_ =	swait.ge [sflag:s25], $0x4000  }
0xb2: {  	[sflag:s25] =	ssyncset.done $0x0  }
0xb3: {  	[sflag:s25] =	ssyncadd.s32 $0xFFFFC000  }
0xb4: {  	[tilespmem:s22], [sflag:$0x2] =	stream.indirect.gather [spmem:s2], $0x80, s13, s20, $0xb8;
	[tilespmem:$0x1E800] =	vst v63  }
0xb5: {  	_ =	swait.ge [sflag:s15], $0x4000  }
0xb6: {  	[sflag:s15] =	ssyncset.done $0x0  }
0xb7: {  	[sflag:s15] =	ssyncadd.s32 $0xFFFFC000  }
0xb8: {  	[tilespmem:s16], [sflag:$0x1] =	stream.indirect.gather [spmem:s2], $0x80, s14, s20, $0xb8;
	[tilespmem:$0x1E800] =	vst v63  }
0xb9: {  	_ =	swait.ge [sflag:s25], $0x4000  }
0xba: {  	[sflag:s25] =	ssyncset.done $0x0  }
0xbb: {  	[sflag:s25] =	ssyncadd.s32 $0xFFFFC000  }
0xbc: {  	[tilespmem:s22], [sflag:$0x2] =	stream.indirect.gather [spmem:s2], $0x80, s7, s20, $0xb8;
	[tilespmem:$0x1E800] =	vst v63  }
0xbd: {  	_ =	swait.ge [sflag:s15], $0x4000  }
0xbe: {  	[sflag:s15] =	ssyncset.done $0x0  }
0xbf: {  	[sflag:s15] =	ssyncadd.s32 $0xFFFFC000  }
0xc0: {  	[tilespmem:s16], [sflag:$0x1] =	stream.indirect.gather [spmem:s2], $0x80, s24, s20, $0xb8;
	[tilespmem:$0x1E800] =	vst v63  }
0xc1: {  	_ =	swait.ge [sflag:s25], $0x4000  }
0xc2: {  	[sflag:s25] =	ssyncset.done $0x0  }
0xc3: {  	[sflag:s25] =	ssyncadd.s32 $0xFFFFC000  }
0xc4: {  	[tilespmem:s22], [sflag:$0x2] =	stream.indirect.gather [spmem:s2], $0x80, s9, s20, $0xb8;
	[tilespmem:$0x1E800] =	vst v63  }
0xc5: {  	_ =	swait.ge [sflag:s15], $0x4000  }
0xc6: {  	[sflag:s15] =	ssyncset.done $0x0  }
0xc7: {  	[sflag:s15] =	ssyncadd.s32 $0xFFFFC000  }
0xc8: {  	[tilespmem:s16], [sflag:$0x1] =	stream.indirect.gather [spmem:s2], $0x80, s19, s20, $0xb8;
	[tilespmem:$0x1E800] =	vst v63  }
0xc9: {  	_ =	swait.ge [sflag:s25], $0x4000  }
0xca: {  	[sflag:s25] =	ssyncset.done $0x0  }
0xcb: {  	[sflag:s25] =	ssyncadd.s32 $0xFFFFC000  }
0xcc: {  	[tilespmem:s22], [sflag:$0x2] =	stream.indirect.gather [spmem:s2], $0x80, s21, s20, $0xb8;
	[tilespmem:$0x1E800] =	vst v63  }
0xcd: {  	_ =	swait.ge [sflag:s15], $0x4000  }
0xce: {  	[sflag:s15] =	ssyncset.done $0x0  }
0xcf: {  	[sflag:s15] =	ssyncadd.s32 $0xFFFFC000  }
0xd0: {  	[tilespmem:s16], [sflag:$0x1] =	stream.indirect.gather [spmem:s2], $0x80, s28, s20, $0xb8;
	[tilespmem:$0x1E800] =	vst v63  }
0xd1: {  	_ =	swait.ge [sflag:s25], $0x4000  }
0xd2: {  	[sflag:s25] =	ssyncset.done $0x0  }
0xd3: {  	[sflag:s25] =	ssyncadd.s32 $0xFFFFC000  }
0xd4: {  	[tilespmem:s22], [sflag:$0x2] =	stream.indirect.gather [spmem:s2], $0x80, s29, s20, $0xb8;
	[tilespmem:$0x1E800] =	vst v63  }
0xd5: {  	_ =	swait.ge [sflag:s15], $0x4000  }
0xd6: {  	[sflag:s15] =	ssyncset.done $0x0  }
0xd7: {  	[sflag:s15] =	ssyncadd.s32 $0xFFFFC000  }
0xd8: {  	[tilespmem:s16], [sflag:$0x1] =	stream.indirect.gather [spmem:s2], $0x80, s30, s20, $0xb8;
	[tilespmem:$0x1E800] =	vst v63  }
0xd9: {  	_ =	swait.ge [sflag:s25], $0x4000  }
0xda: {  	[sflag:s25] =	ssyncset.done $0x0  }
0xdb: {  	[sflag:s25] =	ssyncadd.s32 $0xFFFFC000  }
0xdc: {  	[tilespmem:s22], [sflag:$0x2] =	stream.indirect.gather [spmem:s2], $0x80, s31, s20, $0xb8;
	[tilespmem:$0x1E800] =	vst v63  }
0xdd: {  	_ =	swait.ge [sflag:s15], $0x4000  }
0xde: {  	[sflag:s15] =	ssyncset.done $0x0  }
0xdf: {  	[sflag:s15] =	ssyncadd.s32 $0xFFFFC000  }
0xe0: {  	[tilespmem:s16], [sflag:$0x1] =	stream.indirect.gather [spmem:s2], $0x80, s1, s20, $0xb8;
	[tilespmem:$0x1E800] =	vst v63  }
0xe1: {  	_ =	swait.ge [sflag:s25], $0x4000  }
0xe2: {  	[sflag:s25] =	ssyncset.done $0x0  }
0xe3: {  	[sflag:s25] =	ssyncadd.s32 $0xFFFFC000  }
0xe4: {  	[tilespmem:s22], [sflag:$0x2] =	stream.indirect.gather [spmem:s2], $0x80, s0, s20, $0xb8;
	[tilespmem:$0x1E800] =	vst v63  }
0xe5: {  	p1 =	por p0, p0;
	_ =	swait.ge [sflag:s15], $0x4000  }
.Ltmp1:
0xe6: {  	[sflag:s15] =	ssyncset.done $0x0;
	(pc) =	sbr.rel @p1 .LBB2_4-.Ltmp1, $4  }
0xe7: {  	[sflag:s15] =	ssyncadd.s32 $0xFFFFC000  }
0xe8: {  	_ =	swait.ge [sflag:s25], $0x4000  }
0xe9: {  	[sflag:s25] =	ssyncset.done $0x0  }
0xea: {  	p0 =	por $0x0, $0x0;
	s23 =	simm.s32 $0x1400;
	[sflag:s25] =	ssyncadd.s32 $0xFFFFC000  }
0xeb: {  	[bflag:$0x0] =	sbarrier.arrive $0xFFFF  }
0xec: {  	s23 =	rddreg [dreg:$0x5]  }
0xed: {  	s26 =	rddreg [dreg:$0x7]  }
0xee: {  	s28 =	rddreg [dreg:$0xc];
	s23 =	sor.u32 $0x1C03, s23;
	s26 =	sshrl.u32 s26, $0x3  }
0xef: {  	[hbm:s28], [sflag:s23] =	dma.local [spmem:s26], $0x1400  }
0xf0: {  	_ =	swait.ge [sflag:s17], $0x1400  }
0xf1: {  	s0 =	rddreg [dreg:$0xd]  }
0xf2: {  	s28 =	rddreg [dreg:$0xa];
	s0 =	sadd.s32 $0x1, s0  }
0xf3: {  	p0 =	sne.s32 s0, s28  }
.Ltmp2:
0xf4: {  	_ = 	snop;
	(pc) =	sbr.rel @p0 .LBB2_1-.Ltmp2, $3  }
0xf5: {  	_ =	sdelay $0x1  }
0xf6: {  	[sflag:s17] =	ssyncset.done $0x0  }
0xf7: {  	[sflag:s17] =	ssyncadd.s32 $0xFFFFEC00  }
0xf8: {  	_ =	sfence.sel $0x180000  }
0xf9: {  	[bflag:$0x0] =	sbarrier.arrive $0xFFFF  }
0xfa: {  	_ =	strace $0x9000004A  }
0xfb: {  	s0 =	stileid.u32;
	[bflag:$0x2] =	sbarrier.arrive $0xFFFF  }
0xfc: {  	p0 =	sne.s32 s0, $0x0;
	s0 =	rddreg [dreg:$0x3]  }
0xfd: {  	s0 =	sadd.s32 @!p0 $0x100000, s0  }
0xfe: {  	[sflag:s0] =	ssyncadd.tile.s32 @!p0 $0x1;
	_ =	shalt  }
.Lfunc_end2:
_tile_overlayer_lowered:
.L_overlay_start_2:
0xff: {  	(tag) =	ssettag $0x2  }
0x100: {  	s0 =	rddreg [dreg:$0x0];
	s2 =	stileid.u32  }
0x101: {  	s1 =	rddreg [dreg:$0x1];
	p0 =	sne.s32 s2, $0x0  }
0x102: {  	s3 =	rddreg [dreg:$0x2];
	[bflag:$0x3] =	sbarrier.arrive $0xFFFF;
	s2 =	simm.s32 @!p0 $0x1C03  }
0x103: {  	[timem:s3], [sflag:s2] =	dma.local @!p0 [hbm:s0], s1  }
0x104: {  	s0 =	simm.s32 @!p0 $0x3  }
0x105: {  	_ =	swait.ge @!p0 [sflag:s0], s1  }
0x106: {  	s1 =	ssub.s32 @!p0 $0x0, s1;
	[sflag:s0] =	ssyncset.done @!p0 $0x0  }
0x107: {  	[sflag:s0] =	ssyncadd.s32 @!p0 s1  }
0x108: {  	[bflag:$0x3] =	sbarrier.arrive $0xFFFF  }
0x109: {  	_ =	shalt  }

// kernel: kernel.15.cloned.1.call-start
scs
__scs_entry_jumppad:
0x0: {  	(pc) =	sbr.rel $0x88, $3  }
0x1: {  	(tag) =	ssettag $0x0;
	lr =	simm.s32 $0x1  }
0x2: {  	[smem:$0x3F95] =	sst lr;
	_ =	strace $0xD0000000  }
0x3: {  	_ = 	snop  }
0x4: {  	_ = 	snop  }
0x5: {  	_ = 	snop  }
0x6: {  	_ = 	snop  }
0x7: {  	_ = 	snop  }
__scs_overlays_trampoline_lowered:
0x8: {  	[smem:$0x3FA4] =	sst s0  }
0x9: {  	[smem:$0x3FA5] =	sst s1  }
0xa: {  	[smem:$0x3FA6] =	sst s2  }
0xb: {  	[smem:$0x3FA7] =	sst s3  }
0xc: {  	[smem:$0x3FA8] =	sst s4  }
0xd: {  	[smem:$0x3FA9] =	sst s5  }
0xe: {  	[smem:$0x3FAA] =	sst s6  }
0xf: {  	[smem:$0x3FAB] =	sst s7  }
0x10: {  	[smem:$0x3FAC] =	sst s8  }
0x11: {  	[smem:$0x3FAD] =	sst s9;
	s0 =	simm.s32 @!p0 $0x0  }
0x12: {  	s1 =	sld [smem:$0x3F93];
	s0 =	simm.s32 @p0 $0x1  }
0x13: {  	[smem:$0x3FAE] =	sst s0;
	s0 =	simm.s32 @!p1 $0x0  }
0x14: {  	s2 =	sld [smem:$0x3F92];
	s0 =	simm.s32 @p1 $0x1  }
0x15: {  	[smem:$0x3FAF] =	sst s0;
	s0 =	simm.s32 @!p2 $0x0  }
0x16: {  	s3 =	sld [smem:$0x3FDB];
	s0 =	simm.s32 @p2 $0x1  }
0x17: {  	s4 =	simm.s32 $0x1BF5;
	[smem:$0x3FB1] =	sst s0  }
0x18: {  	s0 =	sld [smem:$0x3F94];
	_ =	swait.ge [sflag:s4], $0x0  }
0x19: {  	s7 =	sld [smem:$0x3F95]  }
0x1a: {  	s8 =	sadd.s32 $0xFFFFE003, lr  }
0x1b: {  	s9 =	sadd.s32 $0xFFFFFEF7, lr;
	s5 =	simm.s32 $0xFFFFFFFF;
	p2 =	slt.u32 s8, $0xFFFFF086  }
0x1c: {  	p1 =	slt.u32 s9, $0xF7A;
	s5 =	simm.s32 @!p2 $0x0  }
0x1d: {  	s5 =	simm.s32 @p1 $0x1;
	p0 =	seq.s32 s7, s2  }
0x1e: {  	s7 =	smul.u32 @!p0 $0xF7A, s2;
	p2 =	seq.s32 @!p0 s5, $0x0  }
0x1f: {  	s9 =	smul.u32 $0xF7A, s1;
	s8 =	simm.s32 @!p0 $0x1BF5;
	p2 =	por !p2, p0  }
0x20: {  	[sflag:s8] =	ssyncset.s32 @!p0 $0xFFFFF086;
	s6 =	sadd.s32 @!p0 s3, s7;
	s7 =	simm.s32 @!p0 $0x108  }
0x21: {  	s3 =	sadd.s32 s3, s9;
	s6 =	sadd.s32 @!p0 $0x88, s6;
	s7 =	simm.s32 @p2 $0x1082  }
0x22: {  	[simem:s7], [sflag:s8] =	dma.local @!p0 [hbm:s6], $0xF7A  }
0x23: {  	s9 =	sor.u32 $0xD0000000, s2;
	s6 =	simm.s32 $0x108;
	_ =	swait.ge @!p0 [sflag:s8], $0x0  }
0x24: {  	s3 =	sadd.s32 $0x88, s3;
	s6 =	simm.s32 @!p1 $0x1082;
	[sflag:s4] =	ssyncset.s32 $0xFFFFF086  }
0x25: {  	[simem:s6], [sflag:s4] =	dma.local [hbm:s3], $0xF7A  }
0x26: {  	[smem:$0x3F95] =	sst s1;
	(tag) =	ssettag s2;
	_ =	strace s9  }
0x27: {  	s1 =	sld [smem:$0x3FA5]  }
0x28: {  	s2 =	sld [smem:$0x3FA6]  }
0x29: {  	s4 =	sld [smem:$0x3FA8]  }
0x2a: {  	p0 =	seq.s32 s5, $0x0;
	s5 =	sld [smem:$0x3FA9]  }
0x2b: {  	s6 =	sld [smem:$0x3FAA]  }
0x2c: {  	s7 =	sld [smem:$0x3FAB]  }
0x2d: {  	s3 =	simm.s32 $0x108;
	s8 =	sld [smem:$0x3FAC]  }
0x2e: {  	s3 =	simm.s32 @!p0 $0x1082;
	s9 =	sld [smem:$0x3FAD]  }
0x2f: {  	lr =	sadd.s32 s0, s3;
	s0 =	sld [smem:$0x3FA4]  }
0x30: {  	s3 =	sld [smem:$0x3FA7]  }
0x31: {  	[smem:$0x3FB0] =	sst s10  }
0x32: {  	s10 =	sld [smem:$0x3FAE];
	_ =	sdelay $0x3  }
0x33: {  	p0 =	seq.s32 s10, $0x1;
	s10 =	sld [smem:$0x3FB0];
	_ =	sdelay $0x3  }
0x34: {  	[smem:$0x3FB0] =	sst s10  }
0x35: {  	s10 =	sld [smem:$0x3FAF];
	_ =	sdelay $0x3  }
0x36: {  	p1 =	seq.s32 s10, $0x1;
	s10 =	sld [smem:$0x3FB0];
	_ =	sdelay $0x3  }
0x37: {  	[smem:$0x3FB0] =	sst s10  }
0x38: {  	s10 =	sld [smem:$0x3FB1]  }
0x39: {  	_ = 	snop;
	(pc) =	sbr.ind lr, $3  }
0x3a: {  	_ = 	snop  }
0x3b: {  	_ = 	snop  }
0x3c: {  	p2 =	seq.s32 s10, $0x1;
	s10 =	sld [smem:$0x3FB0]  }
0x3d: {  	_ =	shalt  }
0x3e: {  	_ =	shalt  }
0x3f: {  	_ =	shalt  }
0x40: {  	_ =	shalt  }
0x41: {  	_ =	shalt  }
0x42: {  	_ =	shalt  }
0x43: {  	_ =	shalt  }
0x44: {  	_ =	shalt  }
0x45: {  	_ =	shalt  }
0x46: {  	_ =	shalt  }
0x47: {  	_ =	shalt  }
0x48: {  	_ =	shalt  }
0x49: {  	_ =	shalt  }
0x4a: {  	_ =	shalt  }
0x4b: {  	_ =	shalt  }
0x4c: {  	_ =	shalt  }
0x4d: {  	_ =	shalt  }
0x4e: {  	_ =	shalt  }
0x4f: {  	_ =	shalt  }
0x50: {  	_ =	shalt  }
0x51: {  	_ =	shalt  }
0x52: {  	_ =	shalt  }
0x53: {  	_ =	shalt  }
0x54: {  	_ =	shalt  }
0x55: {  	_ =	shalt  }
0x56: {  	_ =	shalt  }
0x57: {  	_ =	shalt  }
0x58: {  	_ =	shalt  }
0x59: {  	_ =	shalt  }
0x5a: {  	_ =	shalt  }
0x5b: {  	_ =	shalt  }
0x5c: {  	_ =	shalt  }
0x5d: {  	_ =	shalt  }
0x5e: {  	_ =	shalt  }
0x5f: {  	_ =	shalt  }
0x60: {  	_ =	shalt  }
0x61: {  	_ =	shalt  }
0x62: {  	_ =	shalt  }
0x63: {  	_ =	shalt  }
0x64: {  	_ =	shalt  }
0x65: {  	_ =	shalt  }
0x66: {  	_ =	shalt  }
0x67: {  	_ =	shalt  }
0x68: {  	_ =	shalt  }
0x69: {  	_ =	shalt  }
0x6a: {  	_ =	shalt  }
0x6b: {  	_ =	shalt  }
0x6c: {  	_ =	shalt  }
0x6d: {  	_ =	shalt  }
0x6e: {  	_ =	shalt  }
0x6f: {  	_ =	shalt  }
0x70: {  	_ =	shalt  }
0x71: {  	_ =	shalt  }
0x72: {  	_ =	shalt  }
0x73: {  	_ =	shalt  }
0x74: {  	_ =	shalt  }
0x75: {  	_ =	shalt  }
0x76: {  	_ =	shalt  }
0x77: {  	_ =	shalt  }
0x78: {  	_ =	shalt  }
0x79: {  	_ =	shalt  }
0x7a: {  	_ =	shalt  }
0x7b: {  	_ =	shalt  }
0x7c: {  	_ =	shalt  }
0x7d: {  	_ =	shalt  }
0x7e: {  	_ =	shalt  }
0x7f: {  	_ =	shalt  }
0x80: {  	_ =	shalt  }
0x81: {  	_ =	shalt  }
0x82: {  	_ =	shalt  }
0x83: {  	_ =	shalt  }
0x84: {  	_ =	shalt  }
0x85: {  	_ =	shalt  }
0x86: {  	_ =	shalt  }
0x87: {  	_ =	shalt  }
.Lfunc_end0:
.L_simem_size_0:
called_computation.2_lowered:
.L_overlay_start_0:
0x88: {  	s2 =	sld [smem:$0x3FD9]  }
0x89: {  	s3 =	sld [smem:$0x3FFE];
	_ =	sdelay $0x1  }
0x8a: {  	s1 =	srdreg.scid  }
0x8b: {  	s0 =	sand.u32 $0x1, s1  }
0x8c: {  	s16 =	sshll.u32 s0, $0xA;
	s2 =	sadd.s32 s3, s2  }
0x8d: {  	s2 =	sadd.s32 s2, s16  }
0x8e: {  	[smem:$0x3FBC] =	sst s2  }
0x8f: {  	_ = 	snop  }
0x90: {  	(tm) =	ssettm $0x1  }
0x91: {  	s17 =	sld [smem:$0x3FFB];
	_ =	sdelay $0x3  }
0x92: {  	_ =	strace s17  }
0x93: {  	s2 =	sld [smem:$0x3FFC];
	_ =	sdelay $0x3  }
0x94: {  	_ =	strace s2  }
0x95: {  	s2 =	sld [smem:$0x3FFD];
	_ =	sdelay $0x3  }
0x96: {  	_ =	strace s2  }
0x97: {  	_ =	strace $0x8FFFFFFF  }
0x98: {  	s18 =	sld [smem:$0x3FDB];
	_ =	sdelay $0x1  }
0x99: {  	s19 =	simm.s32 $_scs_section_size  }
0x9a: {  	s4 =	simm.s32 $_size__tile_overlayer_lowered;
	s5 =	simm.s32 $_tile_overlayer_lowered  }
0x9b: {  	s22 =	simm.s32 $0x1BFF;
	s21 =	sshll.u32 s5, $0x1;
	s2 =	sadd.s32 s19, s18  }
0x9c: {  	s6 =	simm.s32 $0x0;
	s20 =	sshll.u32 s4, $0x1;
	s4 =	sadd.s32 s21, s2  }
0x9d: {  	[timem:s6], [sflag:s22] =	dma.local [hbm:s4], s20  }
0x9e: {  	_ =	swait.ge [sflag:s22], s20  }
0x9f: {  	s3 =	ssub.s32 $0x0, s20;
	[sflag:s22] =	ssyncset.done $0x0  }
0xa0: {  	[sflag:s22] =	ssyncadd.s32 s3;
	_ =	sdelay $0x1  }
0xa1: {  	s23 =	simm.s32 $0x1B8B  }
0xa2: {  	_ =	swait.ge [sflag:s23], $0x1  }
0xa3: {  	[sflag:s23] =	ssyncset.done $0x0  }
0xa4: {  	s25 =	simm.s32 $0x1B8E;
	s24 =	sld [smem:$0x3FFE];
	[sflag:s23] =	ssyncadd.s32 $0xFFFFFFFF  }
0xa5: {  	s26 =	simm.s32 $execute0_lowered;
	[smem:$0x3FD2] =	sst s25  }
0xa6: {  	s4 =	sshll.u32 s26, $0x1;
	_ =	strace $0x8000004C;
	[dreg:$0x1] =	wrdreg $0xFFFFFFFF  }
0xa7: {  	s28 =	simm.s32 $_size_execute0_lowered;
	s2 =	sadd.s32 s2, s4;
	[dreg:$0x0] =	wrdreg $0x0  }
0xa8: {  	s4 =	sshll.u32 s28, $0x1;
	[dreg:$0x2] =	wrdreg s2  }
0xa9: {  	[dreg:$0x3] =	wrdreg s4  }
0xaa: {  	[dreg:$0x4] =	wrdreg $0xC0  }
0xab: {  	_ =	task [dreg:s6], $0x5FFFF  }
0xac: {  	[dreg:$0x1] =	wrdreg $0xFFFFFFFF  }
0xad: {  	[dreg:$0x0] =	wrdreg $0x60  }
0xae: {  	[dreg:$0x2] =	wrdreg s24  }
0xaf: {  	[dreg:$0x3] =	wrdreg $0x0  }
0xb0: {  	[dreg:$0x4] =	wrdreg $0xA0000  }
0xb1: {  	[dreg:$0x5] =	wrdreg $0x9  }
0xb2: {  	_ =	task.clear_ibuf [dreg:s6], $0x6FFFF;
	_ =	strace $0x9000004C  }
0xb3: {  	s29 =	simm.s32 $0x9;
	_ =	strace $0x8000004E  }
0xb4: {  	_ =	swait.ge [sflag:s29], $0x1  }
0xb5: {  	[sflag:s29] =	ssyncadd.s32 $0xFFFFFFFF  }
0xb6: {  	_ =	strace $0x9000004E  }
0xb7: {  	_ =	sfence  }
0xb8: {  	s30 =	sld [smem:$0x0];
	_ =	sdelay $0x2  }
0xb9: {  	s31 =	sshll.u32 s1, $0xD;
	s1 =	sshrl.u32 s1, $0x2  }
0xba: {  	s3 =	sand.u32 $0x4000, s31;
	s1 =	sadd.s32 s1, s30  }
0xbb: {  	s0 =	sor.u32 s3, s0;
	s1 =	sshll.u32 s1, $0x11  }
0xbc: {  	s0 =	sor.u32 s1, s0  }
0xbd: {  	s0 =	sadd.s32 $0x8F2B, s0  }
0xbe: {  	[sflag:s0] =	ssyncadd.remote.s32 $0x1  }
0xbf: {  	_ =	sfence.sel $0xFFFF  }
0xc0: {  	[dreg:$0x0] =	wrdreg $0xFFFFFFFF;
	(pc) =	sbr.abs _section_cstart, $3  }
0xc1: {  	[dreg:$0x1] =	wrdreg $0xFFFFFFFF  }
0xc2: {  	_ =	task.clear_ibuf [dreg:s6], $0x2FFFF;
	_ =	strace $0x9FFFFFFF  }
0xc3: {  	(tm) =	ssettm $0x7FFFFFFF  }
tec
execute0_lowered:
.L_overlay_start_1:
0x0: {  	(tag) =	ssettag $0x1  }
0x1: {  	s0 =	rddreg [dreg:$0x0]  }
0x2: {  	s1 =	srdreg.scid;
	s2 =	rddreg [dreg:$0x1]  }
0x3: {  	s14 =	stileid.u32;
	s7 =	rddreg [dreg:$0x2];
	s3 =	simm.s32 $0x0  }
0x4: {  	s15 =	simm.s32 $0x1;
	s16 =	simm.s32 $0x16800;
	s17 =	simm.s32 $0x3  }
0x5: {  	s29 =	simm.s32 $0x15180;
	s30 =	simm.s32 $0x15200;
	s8 =	smul.u32 $0x1400, s14  }
0x6: {  	s31 =	simm.s32 $0x15280;
	s1 =	sand.u32 $0x1, s1;
	s11 =	smul.u32 $0xA000, s14  }
0x7: {  	[smem:$0x7FF] =	sst s3;
	s5 =	sadd.s32 $0xDC00, s0;
	s13 =	smul.u32 $0x28000, s14  }
0x8: {  	s21 =	sshll.u32 s14, $0x6;
	s6 =	smul.u32 $0x14000, s1;
	_ =	strace $0x8000004D  }
0x9: {  	s10 =	ssub.s32 $0x2, s1;
	s1 =	sshll.u32 s1, $0x4;
	[dreg:$0x5] =	wrdreg s21  }
0xa: {  	s23 =	sor.u32 $0x1C01, s21;
	s21 =	simm.s32 $0x15080;
	s12 =	sshrl.u32 s10, $0x1  }
0xb: {  	s1 =	sor.u32 s14, s1;
	s19 =	sadd.s32 s11, s2;
	s20 =	sshrl.u32 s13, $0x2  }
0xc: {  	[dreg:$0x6] =	wrdreg s23;
	s13 =	simm.s32 $0x14D80;
	s14 =	simm.s32 $0x14E00  }
0xd: {  	s4 =	sadd.s32 s8, s6;
	s18 =	ssub.s32 s10, s12;
	s22 =	sadd.s32 s20, s7  }
0xe: {  	s7 =	sadd.s32 s11, s7;
	s12 =	smul.u32 $0x2800, s1;
	s28 =	sshrl.u32 s19, $0x3  }
0xf: {  	s20 =	simm.s32 $0x80;
	s10 =	simm.s32 $0x14C80;
	s11 =	simm.s32 $0x14D00  }
0x10: {  	s19 =	simm.s32 $0x15000;
	s1 =	simm.s32 $0x15300;
	s9 =	sadd.s32 s4, s0  }
0x11: {  	s4 =	sadd.s32 $0x3C00, s0;
	s0 =	sadd.s32 s6, s0;
	[dreg:$0x7] =	wrdreg s7  }
0x12: {  	s24 =	sadd.s32 $0x4000, s22;
	s25 =	sadd.s32 $0x8000, s22;
	s26 =	smax.u32 s18, $0x1  }
0x13: {  	[dreg:$0xb] =	wrdreg s28;
	s18 =	simm.s32 $0x14000;
	s22 =	simm.s32 $0x1A800  }
0x14: {  	s6 =	simm.s32 $0x14B80;
	s7 =	simm.s32 $0x14E80;
	[dreg:$0x8] =	wrdreg s24  }
0x15: {  	s9 =	sadd.s32 $0x17C00, s9;
	[dreg:$0x9] =	wrdreg s25;
	s0 =	sadd.s32 $0x3FC00, s0  }
0x16: {  	[dreg:$0xa] =	wrdreg s26;
	s25 =	simm.s32 $0x2;
	s24 =	simm.s32 $0x14F00  }
0x17: {  	[dreg:$0x4] =	wrdreg s9;
	s0 =	sadd.s32 s8, s0;
	s8 =	simm.s32 $0x14C00  }
0x18: {  	v0 =	vimm.f32 $0.0e+00;
	s9 =	simm.s32 $0x14F80;
	[dreg:$0xc] =	wrdreg s0;
	s0 =	simm.s32 $0x0  }
.LBB2_1:
0x19: {  	[dreg:$0xd] =	wrdreg s0  }
0x1a: {  	s23 =	rddreg [dreg:$0x4]  }
0x1b: {  	s26 =	rddreg [dreg:$0x6]  }
0x1c: {  	s28 =	rddreg [dreg:$0xb]  }
0x1d: {  	[spmem:s28], [sflag:s26] =	dma.local [hbm:s23], $0x1400  }
0x1e: {  	s23 =	simm.s32 $0x0;
	s26 =	simm.s32 $0x200  }
.LBB2_2:
0x1f: {  	p0 =	sne.s32 s26, $0xFE00;
	[tilespmem:s23+$0x16870] =	vst v0  }
0x20: {  	[tilespmem:s23+$0x16800] =	vst v0  }
0x21: {  	[tilespmem:s23+$0x16810] =	vst v0  }
.Ltmp0:
0x22: {  	[tilespmem:s23+$0x16820] =	vst v0;
	(pc) =	sbr.rel @p0 .LBB2_2-.Ltmp0, $4  }
0x23: {  	[tilespmem:s23+$0x16830] =	vst v0  }
0x24: {  	[tilespmem:s23+$0x16840] =	vst v0  }
0x25: {  	[tilespmem:s23+$0x16850] =	vst v0  }
0x26: {  	[tilespmem:s23+$0x16860] =	vst v0;
	s23 =	sshra.s32 s26, $0x2;
	s26 =	sadd.s32 $0x200, s26  }
0x27: {  	[tilespmem:s23+$0x16870] =	vst v0  }
0x28: {  	[tilespmem:s23+$0x16800] =	vst v0  }
0x29: {  	[tilespmem:s23+$0x16810] =	vst v0  }
0x2a: {  	[tilespmem:s23+$0x16820] =	vst v0  }
0x2b: {  	[tilespmem:s23+$0x16830] =	vst v0  }
0x2c: {  	[tilespmem:s23+$0x16840] =	vst v0  }
0x2d: {  	[tilespmem:s23+$0x16850] =	vst v0  }
0x2e: {  	[tilespmem:s23+$0x16860] =	vst v0  }
0x2f: {  	_ =	swait.ge [sflag:s15], $0x1400  }
0x30: {  	[sflag:s15] =	ssyncset.done $0x0  }
0x31: {  	s26 =	rddreg [dreg:$0x7];
	[sflag:s15] =	ssyncadd.s32 $0xFFFFEC00  }
0x32: {  	[spmem:s26] =	stream.linear.scatter [tilespmem:s16], [sflag:$0x3], $0x4000, $0x38;
	[tilespmem:$0x1E800] =	vst v63  }
0x33: {  	_ =	swait.ge [sflag:s17], $0x4000  }
0x34: {  	[sflag:s17] =	ssyncset.done $0x0  }
0x35: {  	s0 =	rddreg [dreg:$0x8];
	[sflag:s17] =	ssyncadd.s32 $0xFFFFC000  }
0x36: {  	[spmem:s0] =	stream.linear.scatter [tilespmem:s16], [sflag:$0x3], $0x4000, $0x38;
	[tilespmem:$0x1E800] =	vst v63  }
0x37: {  	_ =	swait.ge [sflag:s17], $0x4000  }
0x38: {  	[sflag:s17] =	ssyncset.done $0x0  }
0x39: {  	s26 =	rddreg [dreg:$0x9];
	[sflag:s17] =	ssyncadd.s32 $0xFFFFC000  }
0x3a: {  	[spmem:s26] =	stream.linear.scatter [tilespmem:s16], [sflag:$0x3], $0x2000, $0x38;
	[tilespmem:$0x1E800] =	vst v63  }
0x3b: {  	_ =	swait.ge [sflag:s17], $0x2000  }
0x3c: {  	[sflag:s17] =	ssyncset.done $0x0  }
0x3d: {  	s23 =	simm.s32 $0x0;
	p0 =	por $0x1, $0x1;
	[sflag:s17] =	ssyncadd.s32 $0xFFFFE000  }
0x3e: {  	s28 =	simm.s32 $0x15100;
	s0 =	simm.s32 $0x15380;
	[bflag:$0x0] =	sbarrier.arrive $0xFFFF  }
.LBB2_4:
0x3f: {  	s23 =	sadd.s32 s12, s23  }
0x40: {  	s23 =	sshrl.u32 s23, $0x3  }
0x41: {  	s26 =	sadd.s32 s4, s23  }
0x42: {  	[tilespmem:s18], [sflag:$0x3] =	stream.linear.gather [hbm4b:s26+s3], $0x1400, $0x38;
	[tilespmem:$0x1E800] =	vst v63  }
0x43: {  	_ =	swait.ge [sflag:s17], $0x1400  }
0x44: {  	[sflag:s17] =	ssyncset.done $0x0  }
0x45: {  	s23 =	sadd.s32 s5, s23;
	s26 =	simm.s32 $0x15400;
	[sflag:s17] =	ssyncadd.s32 $0xFFFFEC00  }
0x46: {  	[tilespmem:s26], [sflag:$0x3] =	stream.linear.gather [hbm4b:s23+s3], $0x1400, $0x38;
	[tilespmem:$0x1E800] =	vst v63  }
0x47: {  	_ =	swait.ge [sflag:s17], $0x1400  }
0x48: {  	[sflag:s17] =	ssyncset.done $0x0  }
0x49: {  	[sflag:s17] =	ssyncadd.s32 $0xFFFFEC00  }
0x4a: {  	[tilespmem:s16], [sflag:$0x1] =	stream.indirect.gather [spmem:s2], $0x80, s18, s20, $0xb8;
	[tilespmem:$0x1E800] =	vst v63  }
0x4b: {  	s26 =	simm.s32 $0x14080  }
0x4c: {  	[tilespmem:s22], [sflag:$0x2] =	stream.indirect.gather [spmem:s2], $0x80, s26, s20, $0xb8;
	[tilespmem:$0x1E800] =	vst v63  }
0x4d: {  	_ =	swait.ge [sflag:s15], $0x4000  }
0x4e: {  	[sflag:s15] =	ssyncset.done $0x0  }
0x4f: {  	s26 =	simm.s32 $0x14100;
	[sflag:s15] =	ssyncadd.s32 $0xFFFFC000  }
0x50: {  	[tilespmem:s16], [sflag:$0x1] =	stream.indirect.gather [spmem:s2], $0x80, s26, s20, $0xb8;
	[tilespmem:$0x1E800] =	vst v63  }
0x51: {  	_ =	swait.ge [sflag:s25], $0x4000  }
0x52: {  	[sflag:s25] =	ssyncset.done $0x0  }
0x53: {  	s26 =	simm.s32 $0x14180;
	[sflag:s25] =	ssyncadd.s32 $0xFFFFC000  }
0x54: {  	[tilespmem:s22], [sflag:$0x2] =	stream.indirect.gather [spmem:s2], $0x80, s26, s20, $0xb8;
	[tilespmem:$0x1E800] =	vst v63  }
0x55: {  	_ =	swait.ge [sflag:s15], $0x4000  }
0x56: {  	[sflag:s15] =	ssyncset.done $0x0  }
0x57: {  	s26 =	simm.s32 $0x14200;
	[sflag:s15] =	ssyncadd.s32 $0xFFFFC000  }
0x58: {  	[tilespmem:s16], [sflag:$0x1] =	stream.indirect.gather [spmem:s2], $0x80, s26, s20, $0xb8;
	[tilespmem:$0x1E800] =	vst v63  }
0x59: {  	_ =	swait.ge [sflag:s25], $0x4000  }
0x5a: {  	[sflag:s25] =	ssyncset.done $0x0  }
0x5b: {  	s26 =	simm.s32 $0x14280;
	[sflag:s25] =	ssyncadd.s32 $0xFFFFC000  }
0x5c: {  	[tilespmem:s22], [sflag:$0x2] =	stream.indirect.gather [spmem:s2], $0x80, s26, s20, $0xb8;
	[tilespmem:$0x1E800] =	vst v63  }
0x5d: {  	_ =	swait.ge [sflag:s15], $0x4000  }
0x5e: {  	[sflag:s15] =	ssyncset.done $0x0  }
0x5f: {  	s26 =	simm.s32 $0x14300;
	[sflag:s15] =	ssyncadd.s32 $0xFFFFC000  }
0x60: {  	[tilespmem:s16], [sflag:$0x1] =	stream.indirect.gather [spmem:s2], $0x80, s26, s20, $0xb8;
	[tilespmem:$0x1E800] =	vst v63  }
0x61: {  	_ =	swait.ge [sflag:s25], $0x4000  }
0x62: {  	[sflag:s25] =	ssyncset.done $0x0  }
0x63: {  	s26 =	simm.s32 $0x14380;
	[sflag:s25] =	ssyncadd.s32 $0xFFFFC000  }
0x64: {  	[tilespmem:s22], [sflag:$0x2] =	stream.indirect.gather [spmem:s2], $0x80, s26, s20, $0xb8;
	[tilespmem:$0x1E800] =	vst v63  }
0x65: {  	_ =	swait.ge [sflag:s15], $0x4000  }
0x66: {  	[sflag:s15] =	ssyncset.done $0x0  }
0x67: {  	s26 =	simm.s32 $0x14400;
	[sflag:s15] =	ssyncadd.s32 $0xFFFFC000  }
0x68: {  	[tilespmem:s16], [sflag:$0x1] =	stream.indirect.gather [spmem:s2], $0x80, s26, s20, $0xb8;
	[tilespmem:$0x1E800] =	vst v63  }
0x69: {  	_ =	swait.ge [sflag:s25], $0x4000  }
0x6a: {  	[sflag:s25] =	ssyncset.done $0x0  }
0x6b: {  	s26 =	simm.s32 $0x14480;
	[sflag:s25] =	ssyncadd.s32 $0xFFFFC000  }
0x6c: {  	[tilespmem:s22], [sflag:$0x2] =	stream.indirect.gather [spmem:s2], $0x80, s26, s20, $0xb8;
	[tilespmem:$0x1E800] =	vst v63  }
0x6d: {  	_ =	swait.ge [sflag:s15], $0x4000  }
0x6e: {  	[sflag:s15] =	ssyncset.done $0x0  }
0x6f: {  	s26 =	simm.s32 $0x14500;
	[sflag:s15] =	ssyncadd.s32 $0xFFFFC000  }
0x70: {  	[tilespmem:s16], [sflag:$0x1] =	stream.indirect.gather [spmem:s2], $0x80, s26, s20, $0xb8;
	[tilespmem:$0x1E800] =	vst v63  }
0x71: {  	_ =	swait.ge [sflag:s25], $0x4000  }
0x72: {  	[sflag:s25] =	ssyncset.done $0x0  }
0x73: {  	s26 =	simm.s32 $0x14580;
	[sflag:s25] =	ssyncadd.s32 $0xFFFFC000  }
0x74: {  	[tilespmem:s22], [sflag:$0x2] =	stream.indirect.gather [spmem:s2], $0x80, s26, s20, $0xb8;
	[tilespmem:$0x1E800] =	vst v63  }
0x75: {  	_ =	swait.ge [sflag:s15], $0x4000  }
0x76: {  	[sflag:s15] =	ssyncset.done $0x0  }
0x77: {  	s26 =	simm.s32 $0x14600;
	[sflag:s15] =	ssyncadd.s32 $0xFFFFC000  }
0x78: {  	[tilespmem:s16], [sflag:$0x1] =	stream.indirect.gather [spmem:s2], $0x80, s26, s20, $0xb8;
	[tilespmem:$0x1E800] =	vst v63  }
0x79: {  	_ =	swait.ge [sflag:s25], $0x4000  }
0x7a: {  	[sflag:s25] =	ssyncset.done $0x0  }
0x7b: {  	s26 =	simm.s32 $0x14680;
	[sflag:s25] =	ssyncadd.s32 $0xFFFFC000  }
0x7c: {  	[tilespmem:s22], [sflag:$0x2] =	stream.indirect.gather [spmem:s2], $0x80, s26, s20, $0xb8;
	[tilespmem:$0x1E800] =	vst v63  }
0x7d: {  	_ =	swait.ge [sflag:s15], $0x4000  }
0x7e: {  	[sflag:s15] =	ssyncset.done $0x0  }
0x7f: {  	s26 =	simm.s32 $0x14700;
	[sflag:s15] =	ssyncadd.s32 $0xFFFFC000  }
0x80: {  	[tilespmem:s16], [sflag:$0x1] =	stream.indirect.gather [spmem:s2], $0x80, s26, s20, $0xb8;
	[tilespmem:$0x1E800] =	vst v63  }
0x81: {  	_ =	swait.ge [sflag:s25], $0x4000  }
0x82: {  	[sflag:s25] =	ssyncset.done $0x0  }
0x83: {  	s26 =	simm.s32 $0x14780;
	[sflag:s25] =	ssyncadd.s32 $0xFFFFC000  }
0x84: {  	[tilespmem:s22], [sflag:$0x2] =	stream.indirect.gather [spmem:s2], $0x80, s26, s20, $0xb8;
	[tilespmem:$0x1E800] =	vst v63  }
0x85: {  	_ =	swait.ge [sflag:s15], $0x4000  }
0x86: {  	[sflag:s15] =	ssyncset.done $0x0  }
0x87: {  	s26 =	simm.s32 $0x14800;
	[sflag:s15] =	ssyncadd.s32 $0xFFFFC000  }
0x88: {  	[tilespmem:s16], [sflag:$0x1] =	stream.indirect.gather [spmem:s2], $0x80, s26, s20, $0xb8;
	[tilespmem:$0x1E800] =	vst v63  }
0x89: {  	_ =	swait.ge [sflag:s25], $0x4000  }
0x8a: {  	[sflag:s25] =	ssyncset.done $0x0  }
0x8b: {  	s26 =	simm.s32 $0x14880;
	[sflag:s25] =	ssyncadd.s32 $0xFFFFC000  }
0x8c: {  	[tilespmem:s22], [sflag:$0x2] =	stream.indirect.gather [spmem:s2], $0x80, s26, s20, $0xb8;
	[tilespmem:$0x1E800] =	vst v63  }
0x8d: {  	_ =	swait.ge [sflag:s15], $0x4000  }
0x8e: {  	[sflag:s15] =	ssyncset.done $0x0  }
0x8f: {  	s26 =	simm.s32 $0x14900;
	[sflag:s15] =	ssyncadd.s32 $0xFFFFC000  }
0x90: {  	[tilespmem:s16], [sflag:$0x1] =	stream.indirect.gather [spmem:s2], $0x80, s26, s20, $0xb8;
	[tilespmem:$0x1E800] =	vst v63  }
0x91: {  	_ =	swait.ge [sflag:s25], $0x4000  }
0x92: {  	[sflag:s25] =	ssyncset.done $0x0  }
0x93: {  	s26 =	simm.s32 $0x14980;
	[sflag:s25] =	ssyncadd.s32 $0xFFFFC000  }
0x94: {  	[tilespmem:s22], [sflag:$0x2] =	stream.indirect.gather [spmem:s2], $0x80, s26, s20, $0xb8;
	[tilespmem:$0x1E800] =	vst v63  }
0x95: {  	_ =	swait.ge [sflag:s15], $0x4000  }
0x96: {  	[sflag:s15] =	ssyncset.done $0x0  }
0x97: {  	s26 =	simm.s32 $0x14A00;
	[sflag:s15] =	ssyncadd.s32 $0xFFFFC000  }
0x98: {  	[tilespmem:s16], [sflag:$0x1] =	stream.indirect.gather [spmem:s2], $0x80, s26, s20, $0xb8;
	[tilespmem:$0x1E800] =	vst v63  }
0x99: {  	_ =	swait.ge [sflag:s25], $0x4000  }
0x9a: {  	[sflag:s25] =	ssyncset.done $0x0  }
0x9b: {  	s26 =	simm.s32 $0x14A80;
	[sflag:s25] =	ssyncadd.s32 $0xFFFFC000  }
0x9c: {  	[tilespmem:s22], [sflag:$0x2] =	stream.indirect.gather [spmem:s2], $0x80, s26, s20, $0xb8;
	[tilespmem:$0x1E800] =	vst v63  }
0x9d: {  	_ =	swait.ge [sflag:s15], $0x4000  }
0x9e: {  	[sflag:s15] =	ssyncset.done $0x0  }
0x9f: {  	s26 =	simm.s32 $0x14B00;
	[sflag:s15] =	ssyncadd.s32 $0xFFFFC000  }
0xa0: {  	[tilespmem:s16], [sflag:$0x1] =	stream.indirect.gather [spmem:s2], $0x80, s26, s20, $0xb8;
	[tilespmem:$0x1E800] =	vst v63  }
0xa1: {  	_ =	swait.ge [sflag:s25], $0x4000  }
0xa2: {  	[sflag:s25] =	ssyncset.done $0x0  }
0xa3: {  	[sflag:s25] =	ssyncadd.s32 $0xFFFFC000  }
0xa4: {  	[tilespmem:s22], [sflag:$0x2] =	stream.indirect.gather [spmem:s2], $0x80, s6, s20, $0xb8;
	[tilespmem:$0x1E800] =	vst v63  }
0xa5: {  	_ =	swait.ge [sflag:s15], $0x4000  }
0xa6: {  	[sflag:s15] =	ssyncset.done $0x0  }
0xa7: {  	[sflag:s15] =	ssyncadd.s32 $0xFFFFC000  }
0xa8: {  	[tilespmem:s16], [sflag:$0x1] =	stream.indirect.gather [spmem:s2], $0x80, s8, s20, $0xb8;
	[tilespmem:$0x1E800] =	vst v63  }
0xa9: {  	_ =	swait.ge [sflag:s25], $0x4000  }
0xaa: {  	[sflag:s25] =	ssyncset.done $0x0  }
0xab: {  	[sflag:s25] =	ssyncadd.s32 $0xFFFFC000  }
0xac: {  	[tilespmem:s22], [sflag:$0x2] =	stream.indirect.gather [spmem:s2], $0x80, s10, s20, $0xb8;
	[tilespmem:$0x1E800] =	vst v63  }
0xad: {  	_ =	swait.ge [sflag:s15], $0x4000  }
0xae: {  	[sflag:s15] =	ssyncset.done $0x0  }
0xaf: {  	[sflag:s15] =	ssyncadd.s32 $0xFFFFC000  }
0xb0: {  	[tilespmem:s16], [sflag:$0x1] =	stream.indirect.gather [spmem:s2], $0x80, s11, s20, $0xb8;
	[tilespmem:$0x1E800] =	vst v63  }
0xb1: {  	_ =	swait.ge [sflag:s25], $0x4000  }
0xb2: {  	[sflag:s25] =	ssyncset.done $0x0  }
0xb3: {  	[sflag:s25] =	ssyncadd.s32 $0xFFFFC000  }
0xb4: {  	[tilespmem:s22], [sflag:$0x2] =	stream.indirect.gather [spmem:s2], $0x80, s13, s20, $0xb8;
	[tilespmem:$0x1E800] =	vst v63  }
0xb5: {  	_ =	swait.ge [sflag:s15], $0x4000  }
0xb6: {  	[sflag:s15] =	ssyncset.done $0x0  }
0xb7: {  	[sflag:s15] =	ssyncadd.s32 $0xFFFFC000  }
0xb8: {  	[tilespmem:s16], [sflag:$0x1] =	stream.indirect.gather [spmem:s2], $0x80, s14, s20, $0xb8;
	[tilespmem:$0x1E800] =	vst v63  }
0xb9: {  	_ =	swait.ge [sflag:s25], $0x4000  }
0xba: {  	[sflag:s25] =	ssyncset.done $0x0  }
0xbb: {  	[sflag:s25] =	ssyncadd.s32 $0xFFFFC000  }
0xbc: {  	[tilespmem:s22], [sflag:$0x2] =	stream.indirect.gather [spmem:s2], $0x80, s7, s20, $0xb8;
	[tilespmem:$0x1E800] =	vst v63  }
0xbd: {  	_ =	swait.ge [sflag:s15], $0x4000  }
0xbe: {  	[sflag:s15] =	ssyncset.done $0x0  }
0xbf: {  	[sflag:s15] =	ssyncadd.s32 $0xFFFFC000  }
0xc0: {  	[tilespmem:s16], [sflag:$0x1] =	stream.indirect.gather [spmem:s2], $0x80, s24, s20, $0xb8;
	[tilespmem:$0x1E800] =	vst v63  }
0xc1: {  	_ =	swait.ge [sflag:s25], $0x4000  }
0xc2: {  	[sflag:s25] =	ssyncset.done $0x0  }
0xc3: {  	[sflag:s25] =	ssyncadd.s32 $0xFFFFC000  }
0xc4: {  	[tilespmem:s22], [sflag:$0x2] =	stream.indirect.gather [spmem:s2], $0x80, s9, s20, $0xb8;
	[tilespmem:$0x1E800] =	vst v63  }
0xc5: {  	_ =	swait.ge [sflag:s15], $0x4000  }
0xc6: {  	[sflag:s15] =	ssyncset.done $0x0  }
0xc7: {  	[sflag:s15] =	ssyncadd.s32 $0xFFFFC000  }
0xc8: {  	[tilespmem:s16], [sflag:$0x1] =	stream.indirect.gather [spmem:s2], $0x80, s19, s20, $0xb8;
	[tilespmem:$0x1E800] =	vst v63  }
0xc9: {  	_ =	swait.ge [sflag:s25], $0x4000  }
0xca: {  	[sflag:s25] =	ssyncset.done $0x0  }
0xcb: {  	[sflag:s25] =	ssyncadd.s32 $0xFFFFC000  }
0xcc: {  	[tilespmem:s22], [sflag:$0x2] =	stream.indirect.gather [spmem:s2], $0x80, s21, s20, $0xb8;
	[tilespmem:$0x1E800] =	vst v63  }
0xcd: {  	_ =	swait.ge [sflag:s15], $0x4000  }
0xce: {  	[sflag:s15] =	ssyncset.done $0x0  }
0xcf: {  	[sflag:s15] =	ssyncadd.s32 $0xFFFFC000  }
0xd0: {  	[tilespmem:s16], [sflag:$0x1] =	stream.indirect.gather [spmem:s2], $0x80, s28, s20, $0xb8;
	[tilespmem:$0x1E800] =	vst v63  }
0xd1: {  	_ =	swait.ge [sflag:s25], $0x4000  }
0xd2: {  	[sflag:s25] =	ssyncset.done $0x0  }
0xd3: {  	[sflag:s25] =	ssyncadd.s32 $0xFFFFC000  }
0xd4: {  	[tilespmem:s22], [sflag:$0x2] =	stream.indirect.gather [spmem:s2], $0x80, s29, s20, $0xb8;
	[tilespmem:$0x1E800] =	vst v63  }
0xd5: {  	_ =	swait.ge [sflag:s15], $0x4000  }
0xd6: {  	[sflag:s15] =	ssyncset.done $0x0  }
0xd7: {  	[sflag:s15] =	ssyncadd.s32 $0xFFFFC000  }
0xd8: {  	[tilespmem:s16], [sflag:$0x1] =	stream.indirect.gather [spmem:s2], $0x80, s30, s20, $0xb8;
	[tilespmem:$0x1E800] =	vst v63  }
0xd9: {  	_ =	swait.ge [sflag:s25], $0x4000  }
0xda: {  	[sflag:s25] =	ssyncset.done $0x0  }
0xdb: {  	[sflag:s25] =	ssyncadd.s32 $0xFFFFC000  }
0xdc: {  	[tilespmem:s22], [sflag:$0x2] =	stream.indirect.gather [spmem:s2], $0x80, s31, s20, $0xb8;
	[tilespmem:$0x1E800] =	vst v63  }
0xdd: {  	_ =	swait.ge [sflag:s15], $0x4000  }
0xde: {  	[sflag:s15] =	ssyncset.done $0x0  }
0xdf: {  	[sflag:s15] =	ssyncadd.s32 $0xFFFFC000  }
0xe0: {  	[tilespmem:s16], [sflag:$0x1] =	stream.indirect.gather [spmem:s2], $0x80, s1, s20, $0xb8;
	[tilespmem:$0x1E800] =	vst v63  }
0xe1: {  	_ =	swait.ge [sflag:s25], $0x4000  }
0xe2: {  	[sflag:s25] =	ssyncset.done $0x0  }
0xe3: {  	[sflag:s25] =	ssyncadd.s32 $0xFFFFC000  }
0xe4: {  	[tilespmem:s22], [sflag:$0x2] =	stream.indirect.gather [spmem:s2], $0x80, s0, s20, $0xb8;
	[tilespmem:$0x1E800] =	vst v63  }
0xe5: {  	p1 =	por p0, p0;
	_ =	swait.ge [sflag:s15], $0x4000  }
.Ltmp1:
0xe6: {  	[sflag:s15] =	ssyncset.done $0x0;
	(pc) =	sbr.rel @p1 .LBB2_4-.Ltmp1, $4  }
0xe7: {  	[sflag:s15] =	ssyncadd.s32 $0xFFFFC000  }
0xe8: {  	_ =	swait.ge [sflag:s25], $0x4000  }
0xe9: {  	[sflag:s25] =	ssyncset.done $0x0  }
0xea: {  	p0 =	por $0x0, $0x0;
	s23 =	simm.s32 $0x1400;
	[sflag:s25] =	ssyncadd.s32 $0xFFFFC000  }
0xeb: {  	[bflag:$0x0] =	sbarrier.arrive $0xFFFF  }
0xec: {  	s23 =	rddreg [dreg:$0x5]  }
0xed: {  	s26 =	rddreg [dreg:$0x7]  }
0xee: {  	s28 =	rddreg [dreg:$0xc];
	s23 =	sor.u32 $0x1C03, s23;
	s26 =	sshrl.u32 s26, $0x3  }
0xef: {  	[hbm:s28], [sflag:s23] =	dma.local [spmem:s26], $0x1400  }
0xf0: {  	_ =	swait.ge [sflag:s17], $0x1400  }
0xf1: {  	s0 =	rddreg [dreg:$0xd]  }
0xf2: {  	s28 =	rddreg [dreg:$0xa];
	s0 =	sadd.s32 $0x1, s0  }
0xf3: {  	p0 =	sne.s32 s0, s28  }
.Ltmp2:
0xf4: {  	_ = 	snop;
	(pc) =	sbr.rel @p0 .LBB2_1-.Ltmp2, $3  }
0xf5: {  	_ =	sdelay $0x1  }
0xf6: {  	[sflag:s17] =	ssyncset.done $0x0  }
0xf7: {  	[sflag:s17] =	ssyncadd.s32 $0xFFFFEC00  }
0xf8: {  	_ =	sfence.sel $0x180000  }
0xf9: {  	[bflag:$0x0] =	sbarrier.arrive $0xFFFF  }
0xfa: {  	_ =	strace $0x9000004D  }
0xfb: {  	s0 =	stileid.u32;
	[bflag:$0x2] =	sbarrier.arrive $0xFFFF  }
0xfc: {  	p0 =	sne.s32 s0, $0x0;
	s0 =	rddreg [dreg:$0x3]  }
0xfd: {  	s0 =	sadd.s32 @!p0 $0x100000, s0  }
0xfe: {  	[sflag:s0] =	ssyncadd.tile.s32 @!p0 $0x1;
	_ =	shalt  }
.Lfunc_end2:
_tile_overlayer_lowered:
.L_overlay_start_2:
0xff: {  	(tag) =	ssettag $0x2  }
0x100: {  	s0 =	rddreg [dreg:$0x0];
	s2 =	stileid.u32  }
0x101: {  	s1 =	rddreg [dreg:$0x1];
	p0 =	sne.s32 s2, $0x0  }
0x102: {  	s3 =	rddreg [dreg:$0x2];
	[bflag:$0x3] =	sbarrier.arrive $0xFFFF;
	s2 =	simm.s32 @!p0 $0x1C03  }
0x103: {  	[timem:s3], [sflag:s2] =	dma.local @!p0 [hbm:s0], s1  }
0x104: {  	s0 =	simm.s32 @!p0 $0x3  }
0x105: {  	_ =	swait.ge @!p0 [sflag:s0], s1  }
0x106: {  	s1 =	ssub.s32 @!p0 $0x0, s1;
	[sflag:s0] =	ssyncset.done @!p0 $0x0  }
0x107: {  	[sflag:s0] =	ssyncadd.s32 @!p0 s1  }
0x108: {  	[bflag:$0x3] =	sbarrier.arrive $0xFFFF  }
0x109: {  	_ =	shalt  }

// kernel: kernel.9.cloned.1.call-start
scs
__scs_entry_jumppad:
0x0: {  	(pc) =	sbr.rel $0x88, $3  }
0x1: {  	(tag) =	ssettag $0x0;
	lr =	simm.s32 $0x1  }
0x2: {  	[smem:$0x3F95] =	sst lr;
	_ =	strace $0xD0000000  }
0x3: {  	_ = 	snop  }
0x4: {  	_ = 	snop  }
0x5: {  	_ = 	snop  }
0x6: {  	_ = 	snop  }
0x7: {  	_ = 	snop  }
__scs_overlays_trampoline_lowered:
0x8: {  	[smem:$0x3FA4] =	sst s0  }
0x9: {  	[smem:$0x3FA5] =	sst s1  }
0xa: {  	[smem:$0x3FA6] =	sst s2  }
0xb: {  	[smem:$0x3FA7] =	sst s3  }
0xc: {  	[smem:$0x3FA8] =	sst s4  }
0xd: {  	[smem:$0x3FA9] =	sst s5  }
0xe: {  	[smem:$0x3FAA] =	sst s6  }
0xf: {  	[smem:$0x3FAB] =	sst s7  }
0x10: {  	[smem:$0x3FAC] =	sst s8  }
0x11: {  	[smem:$0x3FAD] =	sst s9;
	s0 =	simm.s32 @!p0 $0x0  }
0x12: {  	s1 =	sld [smem:$0x3F93];
	s0 =	simm.s32 @p0 $0x1  }
0x13: {  	[smem:$0x3FAE] =	sst s0;
	s0 =	simm.s32 @!p1 $0x0  }
0x14: {  	s2 =	sld [smem:$0x3F92];
	s0 =	simm.s32 @p1 $0x1  }
0x15: {  	[smem:$0x3FAF] =	sst s0;
	s0 =	simm.s32 @!p2 $0x0  }
0x16: {  	s3 =	sld [smem:$0x3FDB];
	s0 =	simm.s32 @p2 $0x1  }
0x17: {  	s4 =	simm.s32 $0x1BF5;
	[smem:$0x3FB1] =	sst s0  }
0x18: {  	s0 =	sld [smem:$0x3F94];
	_ =	swait.ge [sflag:s4], $0x0  }
0x19: {  	s7 =	sld [smem:$0x3F95]  }
0x1a: {  	s8 =	sadd.s32 $0xFFFFE003, lr  }
0x1b: {  	s9 =	sadd.s32 $0xFFFFFEF7, lr;
	s5 =	simm.s32 $0xFFFFFFFF;
	p2 =	slt.u32 s8, $0xFFFFF086  }
0x1c: {  	p1 =	slt.u32 s9, $0xF7A;
	s5 =	simm.s32 @!p2 $0x0  }
0x1d: {  	s5 =	simm.s32 @p1 $0x1;
	p0 =	seq.s32 s7, s2  }
0x1e: {  	s7 =	smul.u32 @!p0 $0xF7A, s2;
	p2 =	seq.s32 @!p0 s5, $0x0  }
0x1f: {  	s9 =	smul.u32 $0xF7A, s1;
	s8 =	simm.s32 @!p0 $0x1BF5;
	p2 =	por !p2, p0  }
0x20: {  	[sflag:s8] =	ssyncset.s32 @!p0 $0xFFFFF086;
	s6 =	sadd.s32 @!p0 s3, s7;
	s7 =	simm.s32 @!p0 $0x108  }
0x21: {  	s3 =	sadd.s32 s3, s9;
	s6 =	sadd.s32 @!p0 $0x88, s6;
	s7 =	simm.s32 @p2 $0x1082  }
0x22: {  	[simem:s7], [sflag:s8] =	dma.local @!p0 [hbm:s6], $0xF7A  }
0x23: {  	s9 =	sor.u32 $0xD0000000, s2;
	s6 =	simm.s32 $0x108;
	_ =	swait.ge @!p0 [sflag:s8], $0x0  }
0x24: {  	s3 =	sadd.s32 $0x88, s3;
	s6 =	simm.s32 @!p1 $0x1082;
	[sflag:s4] =	ssyncset.s32 $0xFFFFF086  }
0x25: {  	[simem:s6], [sflag:s4] =	dma.local [hbm:s3], $0xF7A  }
0x26: {  	[smem:$0x3F95] =	sst s1;
	(tag) =	ssettag s2;
	_ =	strace s9  }
0x27: {  	s1 =	sld [smem:$0x3FA5]  }
0x28: {  	s2 =	sld [smem:$0x3FA6]  }
0x29: {  	s4 =	sld [smem:$0x3FA8]  }
0x2a: {  	p0 =	seq.s32 s5, $0x0;
	s5 =	sld [smem:$0x3FA9]  }
0x2b: {  	s6 =	sld [smem:$0x3FAA]  }
0x2c: {  	s7 =	sld [smem:$0x3FAB]  }
0x2d: {  	s3 =	simm.s32 $0x108;
	s8 =	sld [smem:$0x3FAC]  }
0x2e: {  	s3 =	simm.s32 @!p0 $0x1082;
	s9 =	sld [smem:$0x3FAD]  }
0x2f: {  	lr =	sadd.s32 s0, s3;
	s0 =	sld [smem:$0x3FA4]  }
0x30: {  	s3 =	sld [smem:$0x3FA7]  }
0x31: {  	[smem:$0x3FB0] =	sst s10  }
0x32: {  	s10 =	sld [smem:$0x3FAE];
	_ =	sdelay $0x3  }
0x33: {  	p0 =	seq.s32 s10, $0x1;
	s10 =	sld [smem:$0x3FB0];
	_ =	sdelay $0x3  }
0x34: {  	[smem:$0x3FB0] =	sst s10  }
0x35: {  	s10 =	sld [smem:$0x3FAF];
	_ =	sdelay $0x3  }
0x36: {  	p1 =	seq.s32 s10, $0x1;
	s10 =	sld [smem:$0x3FB0];
	_ =	sdelay $0x3  }
0x37: {  	[smem:$0x3FB0] =	sst s10  }
0x38: {  	s10 =	sld [smem:$0x3FB1]  }
0x39: {  	_ = 	snop;
	(pc) =	sbr.ind lr, $3  }
0x3a: {  	_ = 	snop  }
0x3b: {  	_ = 	snop  }
0x3c: {  	p2 =	seq.s32 s10, $0x1;
	s10 =	sld [smem:$0x3FB0]  }
0x3d: {  	_ =	shalt  }
0x3e: {  	_ =	shalt  }
0x3f: {  	_ =	shalt  }
0x40: {  	_ =	shalt  }
0x41: {  	_ =	shalt  }
0x42: {  	_ =	shalt  }
0x43: {  	_ =	shalt  }
0x44: {  	_ =	shalt  }
0x45: {  	_ =	shalt  }
0x46: {  	_ =	shalt  }
0x47: {  	_ =	shalt  }
0x48: {  	_ =	shalt  }
0x49: {  	_ =	shalt  }
0x4a: {  	_ =	shalt  }
0x4b: {  	_ =	shalt  }
0x4c: {  	_ =	shalt  }
0x4d: {  	_ =	shalt  }
0x4e: {  	_ =	shalt  }
0x4f: {  	_ =	shalt  }
0x50: {  	_ =	shalt  }
0x51: {  	_ =	shalt  }
0x52: {  	_ =	shalt  }
0x53: {  	_ =	shalt  }
0x54: {  	_ =	shalt  }
0x55: {  	_ =	shalt  }
0x56: {  	_ =	shalt  }
0x57: {  	_ =	shalt  }
0x58: {  	_ =	shalt  }
0x59: {  	_ =	shalt  }
0x5a: {  	_ =	shalt  }
0x5b: {  	_ =	shalt  }
0x5c: {  	_ =	shalt  }
0x5d: {  	_ =	shalt  }
0x5e: {  	_ =	shalt  }
0x5f: {  	_ =	shalt  }
0x60: {  	_ =	shalt  }
0x61: {  	_ =	shalt  }
0x62: {  	_ =	shalt  }
0x63: {  	_ =	shalt  }
0x64: {  	_ =	shalt  }
0x65: {  	_ =	shalt  }
0x66: {  	_ =	shalt  }
0x67: {  	_ =	shalt  }
0x68: {  	_ =	shalt  }
0x69: {  	_ =	shalt  }
0x6a: {  	_ =	shalt  }
0x6b: {  	_ =	shalt  }
0x6c: {  	_ =	shalt  }
0x6d: {  	_ =	shalt  }
0x6e: {  	_ =	shalt  }
0x6f: {  	_ =	shalt  }
0x70: {  	_ =	shalt  }
0x71: {  	_ =	shalt  }
0x72: {  	_ =	shalt  }
0x73: {  	_ =	shalt  }
0x74: {  	_ =	shalt  }
0x75: {  	_ =	shalt  }
0x76: {  	_ =	shalt  }
0x77: {  	_ =	shalt  }
0x78: {  	_ =	shalt  }
0x79: {  	_ =	shalt  }
0x7a: {  	_ =	shalt  }
0x7b: {  	_ =	shalt  }
0x7c: {  	_ =	shalt  }
0x7d: {  	_ =	shalt  }
0x7e: {  	_ =	shalt  }
0x7f: {  	_ =	shalt  }
0x80: {  	_ =	shalt  }
0x81: {  	_ =	shalt  }
0x82: {  	_ =	shalt  }
0x83: {  	_ =	shalt  }
0x84: {  	_ =	shalt  }
0x85: {  	_ =	shalt  }
0x86: {  	_ =	shalt  }
0x87: {  	_ =	shalt  }
.Lfunc_end0:
.L_simem_size_0:
called_computation_lowered:
.L_overlay_start_0:
0x88: {  	s2 =	sld [smem:$0x3FD9]  }
0x89: {  	s3 =	sld [smem:$0x3FFE];
	_ =	sdelay $0x1  }
0x8a: {  	s1 =	srdreg.scid  }
0x8b: {  	s0 =	sand.u32 $0x1, s1  }
0x8c: {  	s16 =	sshll.u32 s0, $0xA;
	s2 =	sadd.s32 s3, s2  }
0x8d: {  	s2 =	sadd.s32 s2, s16  }
0x8e: {  	[smem:$0x3FBC] =	sst s2  }
0x8f: {  	_ = 	snop  }
0x90: {  	(tm) =	ssettm $0x1  }
0x91: {  	s17 =	sld [smem:$0x3FFB];
	_ =	sdelay $0x3  }
0x92: {  	_ =	strace s17  }
0x93: {  	s2 =	sld [smem:$0x3FFC];
	_ =	sdelay $0x3  }
0x94: {  	_ =	strace s2  }
0x95: {  	s2 =	sld [smem:$0x3FFD];
	_ =	sdelay $0x3  }
0x96: {  	_ =	strace s2  }
0x97: {  	_ =	strace $0x8FFFFFFF  }
0x98: {  	s18 =	sld [smem:$0x3FDB];
	_ =	sdelay $0x1  }
0x99: {  	s19 =	simm.s32 $_scs_section_size  }
0x9a: {  	s4 =	simm.s32 $_size__tile_overlayer_lowered;
	s5 =	simm.s32 $_tile_overlayer_lowered  }
0x9b: {  	s22 =	simm.s32 $0x1BFF;
	s21 =	sshll.u32 s5, $0x1;
	s2 =	sadd.s32 s19, s18  }
0x9c: {  	s6 =	simm.s32 $0x0;
	s20 =	sshll.u32 s4, $0x1;
	s4 =	sadd.s32 s21, s2  }
0x9d: {  	[timem:s6], [sflag:s22] =	dma.local [hbm:s4], s20  }
0x9e: {  	_ =	swait.ge [sflag:s22], s20  }
0x9f: {  	s3 =	ssub.s32 $0x0, s20;
	[sflag:s22] =	ssyncset.done $0x0  }
0xa0: {  	[sflag:s22] =	ssyncadd.s32 s3;
	_ =	sdelay $0x1  }
0xa1: {  	s23 =	simm.s32 $0x1B8B  }
0xa2: {  	_ =	swait.ge [sflag:s23], $0x1  }
0xa3: {  	[sflag:s23] =	ssyncset.done $0x0  }
0xa4: {  	s25 =	simm.s32 $0x1B8E;
	s24 =	sld [smem:$0x3FFE];
	[sflag:s23] =	ssyncadd.s32 $0xFFFFFFFF  }
0xa5: {  	s26 =	simm.s32 $execute0_lowered;
	[smem:$0x3FD2] =	sst s25  }
0xa6: {  	s4 =	sshll.u32 s26, $0x1;
	_ =	strace $0x80000046;
	[dreg:$0x1] =	wrdreg $0xFFFFFFFF  }
0xa7: {  	s28 =	simm.s32 $_size_execute0_lowered;
	s2 =	sadd.s32 s2, s4;
	[dreg:$0x0] =	wrdreg $0x0  }
0xa8: {  	s4 =	sshll.u32 s28, $0x1;
	[dreg:$0x2] =	wrdreg s2  }
0xa9: {  	[dreg:$0x3] =	wrdreg s4  }
0xaa: {  	[dreg:$0x4] =	wrdreg $0xC0  }
0xab: {  	_ =	task [dreg:s6], $0x5FFFF  }
0xac: {  	[dreg:$0x1] =	wrdreg $0xFFFFFFFF  }
0xad: {  	[dreg:$0x0] =	wrdreg $0x60  }
0xae: {  	[dreg:$0x2] =	wrdreg s24  }
0xaf: {  	[dreg:$0x3] =	wrdreg $0x0  }
0xb0: {  	[dreg:$0x4] =	wrdreg $0xA0000  }
0xb1: {  	[dreg:$0x5] =	wrdreg $0x9  }
0xb2: {  	_ =	task.clear_ibuf [dreg:s6], $0x6FFFF;
	_ =	strace $0x90000046  }
0xb3: {  	s29 =	simm.s32 $0x9;
	_ =	strace $0x80000048  }
0xb4: {  	_ =	swait.ge [sflag:s29], $0x1  }
0xb5: {  	[sflag:s29] =	ssyncadd.s32 $0xFFFFFFFF  }
0xb6: {  	_ =	strace $0x90000048  }
0xb7: {  	_ =	sfence  }
0xb8: {  	s30 =	sld [smem:$0x0];
	_ =	sdelay $0x2  }
0xb9: {  	s31 =	sshll.u32 s1, $0xD;
	s1 =	sshrl.u32 s1, $0x2  }
0xba: {  	s3 =	sand.u32 $0x4000, s31;
	s1 =	sadd.s32 s1, s30  }
0xbb: {  	s0 =	sor.u32 s3, s0;
	s1 =	sshll.u32 s1, $0x11  }
0xbc: {  	s0 =	sor.u32 s1, s0  }
0xbd: {  	s0 =	sadd.s32 $0x8F2B, s0  }
0xbe: {  	[sflag:s0] =	ssyncadd.remote.s32 $0x1  }
0xbf: {  	_ =	sfence.sel $0xFFFF  }
0xc0: {  	[dreg:$0x0] =	wrdreg $0xFFFFFFFF;
	(pc) =	sbr.abs _section_cstart, $3  }
0xc1: {  	[dreg:$0x1] =	wrdreg $0xFFFFFFFF  }
0xc2: {  	_ =	task.clear_ibuf [dreg:s6], $0x2FFFF;
	_ =	strace $0x9FFFFFFF  }
0xc3: {  	(tm) =	ssettm $0x7FFFFFFF  }
tec
execute0_lowered:
.L_overlay_start_1:
0x0: {  	(tag) =	ssettag $0x1  }
0x1: {  	s0 =	rddreg [dreg:$0x0]  }
0x2: {  	s1 =	srdreg.scid;
	s2 =	rddreg [dreg:$0x1]  }
0x3: {  	s14 =	stileid.u32;
	s7 =	rddreg [dreg:$0x2];
	s3 =	simm.s32 $0x0  }
0x4: {  	s15 =	simm.s32 $0x1;
	s16 =	simm.s32 $0x16800;
	s17 =	simm.s32 $0x3  }
0x5: {  	s29 =	simm.s32 $0x15180;
	s30 =	simm.s32 $0x15200;
	s8 =	smul.u32 $0x1400, s14  }
0x6: {  	s31 =	simm.s32 $0x15280;
	s1 =	sand.u32 $0x1, s1;
	s11 =	smul.u32 $0xA000, s14  }
0x7: {  	[smem:$0x7FF] =	sst s3;
	s5 =	sadd.s32 $0xDC00, s0;
	s13 =	smul.u32 $0x28000, s14  }
0x8: {  	s21 =	sshll.u32 s14, $0x6;
	s6 =	smul.u32 $0x14000, s1;
	_ =	strace $0x80000047  }
0x9: {  	s10 =	ssub.s32 $0x2, s1;
	s1 =	sshll.u32 s1, $0x4;
	[dreg:$0x5] =	wrdreg s21  }
0xa: {  	s23 =	sor.u32 $0x1C01, s21;
	s21 =	simm.s32 $0x15080;
	s12 =	sshrl.u32 s10, $0x1  }
0xb: {  	s1 =	sor.u32 s14, s1;
	s19 =	sadd.s32 s11, s2;
	s20 =	sshrl.u32 s13, $0x2  }
0xc: {  	[dreg:$0x6] =	wrdreg s23;
	s13 =	simm.s32 $0x14D80;
	s14 =	simm.s32 $0x14E00  }
0xd: {  	s4 =	sadd.s32 s8, s6;
	s18 =	ssub.s32 s10, s12;
	s22 =	sadd.s32 s20, s7  }
0xe: {  	s7 =	sadd.s32 s11, s7;
	s12 =	smul.u32 $0x2800, s1;
	s28 =	sshrl.u32 s19, $0x3  }
0xf: {  	s20 =	simm.s32 $0x80;
	s10 =	simm.s32 $0x14C80;
	s11 =	simm.s32 $0x14D00  }
0x10: {  	s19 =	simm.s32 $0x15000;
	s1 =	simm.s32 $0x15300;
	s9 =	sadd.s32 s4, s0  }
0x11: {  	s4 =	sadd.s32 $0x3C00, s0;
	s0 =	sadd.s32 s6, s0;
	[dreg:$0x7] =	wrdreg s7  }
0x12: {  	s24 =	sadd.s32 $0x4000, s22;
	s25 =	sadd.s32 $0x8000, s22;
	s26 =	smax.u32 s18, $0x1  }
0x13: {  	[dreg:$0xb] =	wrdreg s28;
	s18 =	simm.s32 $0x14000;
	s22 =	simm.s32 $0x1A800  }
0x14: {  	s6 =	simm.s32 $0x14B80;
	s7 =	simm.s32 $0x14E80;
	[dreg:$0x8] =	wrdreg s24  }
0x15: {  	s9 =	sadd.s32 $0x17C00, s9;
	[dreg:$0x9] =	wrdreg s25;
	s0 =	sadd.s32 $0x3FC00, s0  }
0x16: {  	[dreg:$0xa] =	wrdreg s26;
	s25 =	simm.s32 $0x2;
	s24 =	simm.s32 $0x14F00  }
0x17: {  	[dreg:$0x4] =	wrdreg s9;
	s0 =	sadd.s32 s8, s0;
	s8 =	simm.s32 $0x14C00  }
0x18: {  	v0 =	vimm.f32 $0.0e+00;
	s9 =	simm.s32 $0x14F80;
	[dreg:$0xc] =	wrdreg s0;
	s0 =	simm.s32 $0x0  }
.LBB2_1:
0x19: {  	[dreg:$0xd] =	wrdreg s0  }
0x1a: {  	s23 =	rddreg [dreg:$0x4]  }
0x1b: {  	s26 =	rddreg [dreg:$0x6]  }
0x1c: {  	s28 =	rddreg [dreg:$0xb]  }
0x1d: {  	[spmem:s28], [sflag:s26] =	dma.local [hbm:s23], $0x1400  }
0x1e: {  	s23 =	simm.s32 $0x0;
	s26 =	simm.s32 $0x200  }
.LBB2_2:
0x1f: {  	p0 =	sne.s32 s26, $0xFE00;
	[tilespmem:s23+$0x16870] =	vst v0  }
0x20: {  	[tilespmem:s23+$0x16800] =	vst v0  }
0x21: {  	[tilespmem:s23+$0x16810] =	vst v0  }
.Ltmp0:
0x22: {  	[tilespmem:s23+$0x16820] =	vst v0;
	(pc) =	sbr.rel @p0 .LBB2_2-.Ltmp0, $4  }
0x23: {  	[tilespmem:s23+$0x16830] =	vst v0  }
0x24: {  	[tilespmem:s23+$0x16840] =	vst v0  }
0x25: {  	[tilespmem:s23+$0x16850] =	vst v0  }
0x26: {  	[tilespmem:s23+$0x16860] =	vst v0;
	s23 =	sshra.s32 s26, $0x2;
	s26 =	sadd.s32 $0x200, s26  }
0x27: {  	[tilespmem:s23+$0x16870] =	vst v0  }
0x28: {  	[tilespmem:s23+$0x16800] =	vst v0  }
0x29: {  	[tilespmem:s23+$0x16810] =	vst v0  }
0x2a: {  	[tilespmem:s23+$0x16820] =	vst v0  }
0x2b: {  	[tilespmem:s23+$0x16830] =	vst v0  }
0x2c: {  	[tilespmem:s23+$0x16840] =	vst v0  }
0x2d: {  	[tilespmem:s23+$0x16850] =	vst v0  }
0x2e: {  	[tilespmem:s23+$0x16860] =	vst v0  }
0x2f: {  	_ =	swait.ge [sflag:s15], $0x1400  }
0x30: {  	[sflag:s15] =	ssyncset.done $0x0  }
0x31: {  	s26 =	rddreg [dreg:$0x7];
	[sflag:s15] =	ssyncadd.s32 $0xFFFFEC00  }
0x32: {  	[spmem:s26] =	stream.linear.scatter [tilespmem:s16], [sflag:$0x3], $0x4000, $0x38;
	[tilespmem:$0x1E800] =	vst v63  }
0x33: {  	_ =	swait.ge [sflag:s17], $0x4000  }
0x34: {  	[sflag:s17] =	ssyncset.done $0x0  }
0x35: {  	s0 =	rddreg [dreg:$0x8];
	[sflag:s17] =	ssyncadd.s32 $0xFFFFC000  }
0x36: {  	[spmem:s0] =	stream.linear.scatter [tilespmem:s16], [sflag:$0x3], $0x4000, $0x38;
	[tilespmem:$0x1E800] =	vst v63  }
0x37: {  	_ =	swait.ge [sflag:s17], $0x4000  }
0x38: {  	[sflag:s17] =	ssyncset.done $0x0  }
0x39: {  	s26 =	rddreg [dreg:$0x9];
	[sflag:s17] =	ssyncadd.s32 $0xFFFFC000  }
0x3a: {  	[spmem:s26] =	stream.linear.scatter [tilespmem:s16], [sflag:$0x3], $0x2000, $0x38;
	[tilespmem:$0x1E800] =	vst v63  }
0x3b: {  	_ =	swait.ge [sflag:s17], $0x2000  }
0x3c: {  	[sflag:s17] =	ssyncset.done $0x0  }
0x3d: {  	s23 =	simm.s32 $0x0;
	p0 =	por $0x1, $0x1;
	[sflag:s17] =	ssyncadd.s32 $0xFFFFE000  }
0x3e: {  	s28 =	simm.s32 $0x15100;
	s0 =	simm.s32 $0x15380;
	[bflag:$0x0] =	sbarrier.arrive $0xFFFF  }
.LBB2_4:
0x3f: {  	s23 =	sadd.s32 s12, s23  }
0x40: {  	s23 =	sshrl.u32 s23, $0x3  }
0x41: {  	s26 =	sadd.s32 s4, s23  }
0x42: {  	[tilespmem:s18], [sflag:$0x3] =	stream.linear.gather [hbm4b:s26+s3], $0x1400, $0x38;
	[tilespmem:$0x1E800] =	vst v63  }
0x43: {  	_ =	swait.ge [sflag:s17], $0x1400  }
0x44: {  	[sflag:s17] =	ssyncset.done $0x0  }
0x45: {  	s23 =	sadd.s32 s5, s23;
	s26 =	simm.s32 $0x15400;
	[sflag:s17] =	ssyncadd.s32 $0xFFFFEC00  }
0x46: {  	[tilespmem:s26], [sflag:$0x3] =	stream.linear.gather [hbm4b:s23+s3], $0x1400, $0x38;
	[tilespmem:$0x1E800] =	vst v63  }
0x47: {  	_ =	swait.ge [sflag:s17], $0x1400  }
0x48: {  	[sflag:s17] =	ssyncset.done $0x0  }
0x49: {  	[sflag:s17] =	ssyncadd.s32 $0xFFFFEC00  }
0x4a: {  	[tilespmem:s16], [sflag:$0x1] =	stream.indirect.gather [spmem:s2], $0x80, s18, s20, $0xb8;
	[tilespmem:$0x1E800] =	vst v63  }
0x4b: {  	s26 =	simm.s32 $0x14080  }
0x4c: {  	[tilespmem:s22], [sflag:$0x2] =	stream.indirect.gather [spmem:s2], $0x80, s26, s20, $0xb8;
	[tilespmem:$0x1E800] =	vst v63  }
0x4d: {  	_ =	swait.ge [sflag:s15], $0x4000  }
0x4e: {  	[sflag:s15] =	ssyncset.done $0x0  }
0x4f: {  	s26 =	simm.s32 $0x14100;
	[sflag:s15] =	ssyncadd.s32 $0xFFFFC000  }
0x50: {  	[tilespmem:s16], [sflag:$0x1] =	stream.indirect.gather [spmem:s2], $0x80, s26, s20, $0xb8;
	[tilespmem:$0x1E800] =	vst v63  }
0x51: {  	_ =	swait.ge [sflag:s25], $0x4000  }
0x52: {  	[sflag:s25] =	ssyncset.done $0x0  }
0x53: {  	s26 =	simm.s32 $0x14180;
	[sflag:s25] =	ssyncadd.s32 $0xFFFFC000  }
0x54: {  	[tilespmem:s22], [sflag:$0x2] =	stream.indirect.gather [spmem:s2], $0x80, s26, s20, $0xb8;
	[tilespmem:$0x1E800] =	vst v63  }
0x55: {  	_ =	swait.ge [sflag:s15], $0x4000  }
0x56: {  	[sflag:s15] =	ssyncset.done $0x0  }
0x57: {  	s26 =	simm.s32 $0x14200;
	[sflag:s15] =	ssyncadd.s32 $0xFFFFC000  }
0x58: {  	[tilespmem:s16], [sflag:$0x1] =	stream.indirect.gather [spmem:s2], $0x80, s26, s20, $0xb8;
	[tilespmem:$0x1E800] =	vst v63  }
0x59: {  	_ =	swait.ge [sflag:s25], $0x4000  }
0x5a: {  	[sflag:s25] =	ssyncset.done $0x0  }
0x5b: {  	s26 =	simm.s32 $0x14280;
	[sflag:s25] =	ssyncadd.s32 $0xFFFFC000  }
0x5c: {  	[tilespmem:s22], [sflag:$0x2] =	stream.indirect.gather [spmem:s2], $0x80, s26, s20, $0xb8;
	[tilespmem:$0x1E800] =	vst v63  }
0x5d: {  	_ =	swait.ge [sflag:s15], $0x4000  }
0x5e: {  	[sflag:s15] =	ssyncset.done $0x0  }
0x5f: {  	s26 =	simm.s32 $0x14300;
	[sflag:s15] =	ssyncadd.s32 $0xFFFFC000  }
0x60: {  	[tilespmem:s16], [sflag:$0x1] =	stream.indirect.gather [spmem:s2], $0x80, s26, s20, $0xb8;
	[tilespmem:$0x1E800] =	vst v63  }
0x61: {  	_ =	swait.ge [sflag:s25], $0x4000  }
0x62: {  	[sflag:s25] =	ssyncset.done $0x0  }
0x63: {  	s26 =	simm.s32 $0x14380;
	[sflag:s25] =	ssyncadd.s32 $0xFFFFC000  }
0x64: {  	[tilespmem:s22], [sflag:$0x2] =	stream.indirect.gather [spmem:s2], $0x80, s26, s20, $0xb8;
	[tilespmem:$0x1E800] =	vst v63  }
0x65: {  	_ =	swait.ge [sflag:s15], $0x4000  }
0x66: {  	[sflag:s15] =	ssyncset.done $0x0  }
0x67: {  	s26 =	simm.s32 $0x14400;
	[sflag:s15] =	ssyncadd.s32 $0xFFFFC000  }
0x68: {  	[tilespmem:s16], [sflag:$0x1] =	stream.indirect.gather [spmem:s2], $0x80, s26, s20, $0xb8;
	[tilespmem:$0x1E800] =	vst v63  }
0x69: {  	_ =	swait.ge [sflag:s25], $0x4000  }
0x6a: {  	[sflag:s25] =	ssyncset.done $0x0  }
0x6b: {  	s26 =	simm.s32 $0x14480;
	[sflag:s25] =	ssyncadd.s32 $0xFFFFC000  }
0x6c: {  	[tilespmem:s22], [sflag:$0x2] =	stream.indirect.gather [spmem:s2], $0x80, s26, s20, $0xb8;
	[tilespmem:$0x1E800] =	vst v63  }
0x6d: {  	_ =	swait.ge [sflag:s15], $0x4000  }
0x6e: {  	[sflag:s15] =	ssyncset.done $0x0  }
0x6f: {  	s26 =	simm.s32 $0x14500;
	[sflag:s15] =	ssyncadd.s32 $0xFFFFC000  }
0x70: {  	[tilespmem:s16], [sflag:$0x1] =	stream.indirect.gather [spmem:s2], $0x80, s26, s20, $0xb8;
	[tilespmem:$0x1E800] =	vst v63  }
0x71: {  	_ =	swait.ge [sflag:s25], $0x4000  }
0x72: {  	[sflag:s25] =	ssyncset.done $0x0  }
0x73: {  	s26 =	simm.s32 $0x14580;
	[sflag:s25] =	ssyncadd.s32 $0xFFFFC000  }
0x74: {  	[tilespmem:s22], [sflag:$0x2] =	stream.indirect.gather [spmem:s2], $0x80, s26, s20, $0xb8;
	[tilespmem:$0x1E800] =	vst v63  }
0x75: {  	_ =	swait.ge [sflag:s15], $0x4000  }
0x76: {  	[sflag:s15] =	ssyncset.done $0x0  }
0x77: {  	s26 =	simm.s32 $0x14600;
	[sflag:s15] =	ssyncadd.s32 $0xFFFFC000  }
0x78: {  	[tilespmem:s16], [sflag:$0x1] =	stream.indirect.gather [spmem:s2], $0x80, s26, s20, $0xb8;
	[tilespmem:$0x1E800] =	vst v63  }
0x79: {  	_ =	swait.ge [sflag:s25], $0x4000  }
0x7a: {  	[sflag:s25] =	ssyncset.done $0x0  }
0x7b: {  	s26 =	simm.s32 $0x14680;
	[sflag:s25] =	ssyncadd.s32 $0xFFFFC000  }
0x7c: {  	[tilespmem:s22], [sflag:$0x2] =	stream.indirect.gather [spmem:s2], $0x80, s26, s20, $0xb8;
	[tilespmem:$0x1E800] =	vst v63  }
0x7d: {  	_ =	swait.ge [sflag:s15], $0x4000  }
0x7e: {  	[sflag:s15] =	ssyncset.done $0x0  }
0x7f: {  	s26 =	simm.s32 $0x14700;
	[sflag:s15] =	ssyncadd.s32 $0xFFFFC000  }
0x80: {  	[tilespmem:s16], [sflag:$0x1] =	stream.indirect.gather [spmem:s2], $0x80, s26, s20, $0xb8;
	[tilespmem:$0x1E800] =	vst v63  }
0x81: {  	_ =	swait.ge [sflag:s25], $0x4000  }
0x82: {  	[sflag:s25] =	ssyncset.done $0x0  }
0x83: {  	s26 =	simm.s32 $0x14780;
	[sflag:s25] =	ssyncadd.s32 $0xFFFFC000  }
0x84: {  	[tilespmem:s22], [sflag:$0x2] =	stream.indirect.gather [spmem:s2], $0x80, s26, s20, $0xb8;
	[tilespmem:$0x1E800] =	vst v63  }
0x85: {  	_ =	swait.ge [sflag:s15], $0x4000  }
0x86: {  	[sflag:s15] =	ssyncset.done $0x0  }
0x87: {  	s26 =	simm.s32 $0x14800;
	[sflag:s15] =	ssyncadd.s32 $0xFFFFC000  }
0x88: {  	[tilespmem:s16], [sflag:$0x1] =	stream.indirect.gather [spmem:s2], $0x80, s26, s20, $0xb8;
	[tilespmem:$0x1E800] =	vst v63  }
0x89: {  	_ =	swait.ge [sflag:s25], $0x4000  }
0x8a: {  	[sflag:s25] =	ssyncset.done $0x0  }
0x8b: {  	s26 =	simm.s32 $0x14880;
	[sflag:s25] =	ssyncadd.s32 $0xFFFFC000  }
0x8c: {  	[tilespmem:s22], [sflag:$0x2] =	stream.indirect.gather [spmem:s2], $0x80, s26, s20, $0xb8;
	[tilespmem:$0x1E800] =	vst v63  }
0x8d: {  	_ =	swait.ge [sflag:s15], $0x4000  }
0x8e: {  	[sflag:s15] =	ssyncset.done $0x0  }
0x8f: {  	s26 =	simm.s32 $0x14900;
	[sflag:s15] =	ssyncadd.s32 $0xFFFFC000  }
0x90: {  	[tilespmem:s16], [sflag:$0x1] =	stream.indirect.gather [spmem:s2], $0x80, s26, s20, $0xb8;
	[tilespmem:$0x1E800] =	vst v63  }
0x91: {  	_ =	swait.ge [sflag:s25], $0x4000  }
0x92: {  	[sflag:s25] =	ssyncset.done $0x0  }
0x93: {  	s26 =	simm.s32 $0x14980;
	[sflag:s25] =	ssyncadd.s32 $0xFFFFC000  }
0x94: {  	[tilespmem:s22], [sflag:$0x2] =	stream.indirect.gather [spmem:s2], $0x80, s26, s20, $0xb8;
	[tilespmem:$0x1E800] =	vst v63  }
0x95: {  	_ =	swait.ge [sflag:s15], $0x4000  }
0x96: {  	[sflag:s15] =	ssyncset.done $0x0  }
0x97: {  	s26 =	simm.s32 $0x14A00;
	[sflag:s15] =	ssyncadd.s32 $0xFFFFC000  }
0x98: {  	[tilespmem:s16], [sflag:$0x1] =	stream.indirect.gather [spmem:s2], $0x80, s26, s20, $0xb8;
	[tilespmem:$0x1E800] =	vst v63  }
0x99: {  	_ =	swait.ge [sflag:s25], $0x4000  }
0x9a: {  	[sflag:s25] =	ssyncset.done $0x0  }
0x9b: {  	s26 =	simm.s32 $0x14A80;
	[sflag:s25] =	ssyncadd.s32 $0xFFFFC000  }
0x9c: {  	[tilespmem:s22], [sflag:$0x2] =	stream.indirect.gather [spmem:s2], $0x80, s26, s20, $0xb8;
	[tilespmem:$0x1E800] =	vst v63  }
0x9d: {  	_ =	swait.ge [sflag:s15], $0x4000  }
0x9e: {  	[sflag:s15] =	ssyncset.done $0x0  }
0x9f: {  	s26 =	simm.s32 $0x14B00;
	[sflag:s15] =	ssyncadd.s32 $0xFFFFC000  }
0xa0: {  	[tilespmem:s16], [sflag:$0x1] =	stream.indirect.gather [spmem:s2], $0x80, s26, s20, $0xb8;
	[tilespmem:$0x1E800] =	vst v63  }
0xa1: {  	_ =	swait.ge [sflag:s25], $0x4000  }
0xa2: {  	[sflag:s25] =	ssyncset.done $0x0  }
0xa3: {  	[sflag:s25] =	ssyncadd.s32 $0xFFFFC000  }
0xa4: {  	[tilespmem:s22], [sflag:$0x2] =	stream.indirect.gather [spmem:s2], $0x80, s6, s20, $0xb8;
	[tilespmem:$0x1E800] =	vst v63  }
0xa5: {  	_ =	swait.ge [sflag:s15], $0x4000  }
0xa6: {  	[sflag:s15] =	ssyncset.done $0x0  }
0xa7: {  	[sflag:s15] =	ssyncadd.s32 $0xFFFFC000  }
0xa8: {  	[tilespmem:s16], [sflag:$0x1] =	stream.indirect.gather [spmem:s2], $0x80, s8, s20, $0xb8;
	[tilespmem:$0x1E800] =	vst v63  }
0xa9: {  	_ =	swait.ge [sflag:s25], $0x4000  }
0xaa: {  	[sflag:s25] =	ssyncset.done $0x0  }
0xab: {  	[sflag:s25] =	ssyncadd.s32 $0xFFFFC000  }
0xac: {  	[tilespmem:s22], [sflag:$0x2] =	stream.indirect.gather [spmem:s2], $0x80, s10, s20, $0xb8;
	[tilespmem:$0x1E800] =	vst v63  }
0xad: {  	_ =	swait.ge [sflag:s15], $0x4000  }
0xae: {  	[sflag:s15] =	ssyncset.done $0x0  }
0xaf: {  	[sflag:s15] =	ssyncadd.s32 $0xFFFFC000  }
0xb0: {  	[tilespmem:s16], [sflag:$0x1] =	stream.indirect.gather [spmem:s2], $0x80, s11, s20, $0xb8;
	[tilespmem:$0x1E800] =	vst v63  }
0xb1: {  	_ =	swait.ge [sflag:s25], $0x4000  }
0xb2: {  	[sflag:s25] =	ssyncset.done $0x0  }
0xb3: {  	[sflag:s25] =	ssyncadd.s32 $0xFFFFC000  }
0xb4: {  	[tilespmem:s22], [sflag:$0x2] =	stream.indirect.gather [spmem:s2], $0x80, s13, s20, $0xb8;
	[tilespmem:$0x1E800] =	vst v63  }
0xb5: {  	_ =	swait.ge [sflag:s15], $0x4000  }
0xb6: {  	[sflag:s15] =	ssyncset.done $0x0  }
0xb7: {  	[sflag:s15] =	ssyncadd.s32 $0xFFFFC000  }
0xb8: {  	[tilespmem:s16], [sflag:$0x1] =	stream.indirect.gather [spmem:s2], $0x80, s14, s20, $0xb8;
	[tilespmem:$0x1E800] =	vst v63  }
0xb9: {  	_ =	swait.ge [sflag:s25], $0x4000  }
0xba: {  	[sflag:s25] =	ssyncset.done $0x0  }
0xbb: {  	[sflag:s25] =	ssyncadd.s32 $0xFFFFC000  }
0xbc: {  	[tilespmem:s22], [sflag:$0x2] =	stream.indirect.gather [spmem:s2], $0x80, s7, s20, $0xb8;
	[tilespmem:$0x1E800] =	vst v63  }
0xbd: {  	_ =	swait.ge [sflag:s15], $0x4000  }
0xbe: {  	[sflag:s15] =	ssyncset.done $0x0  }
0xbf: {  	[sflag:s15] =	ssyncadd.s32 $0xFFFFC000  }
0xc0: {  	[tilespmem:s16], [sflag:$0x1] =	stream.indirect.gather [spmem:s2], $0x80, s24, s20, $0xb8;
	[tilespmem:$0x1E800] =	vst v63  }
0xc1: {  	_ =	swait.ge [sflag:s25], $0x4000  }
0xc2: {  	[sflag:s25] =	ssyncset.done $0x0  }
0xc3: {  	[sflag:s25] =	ssyncadd.s32 $0xFFFFC000  }
0xc4: {  	[tilespmem:s22], [sflag:$0x2] =	stream.indirect.gather [spmem:s2], $0x80, s9, s20, $0xb8;
	[tilespmem:$0x1E800] =	vst v63  }
0xc5: {  	_ =	swait.ge [sflag:s15], $0x4000  }
0xc6: {  	[sflag:s15] =	ssyncset.done $0x0  }
0xc7: {  	[sflag:s15] =	ssyncadd.s32 $0xFFFFC000  }
0xc8: {  	[tilespmem:s16], [sflag:$0x1] =	stream.indirect.gather [spmem:s2], $0x80, s19, s20, $0xb8;
	[tilespmem:$0x1E800] =	vst v63  }
0xc9: {  	_ =	swait.ge [sflag:s25], $0x4000  }
0xca: {  	[sflag:s25] =	ssyncset.done $0x0  }
0xcb: {  	[sflag:s25] =	ssyncadd.s32 $0xFFFFC000  }
0xcc: {  	[tilespmem:s22], [sflag:$0x2] =	stream.indirect.gather [spmem:s2], $0x80, s21, s20, $0xb8;
	[tilespmem:$0x1E800] =	vst v63  }
0xcd: {  	_ =	swait.ge [sflag:s15], $0x4000  }
0xce: {  	[sflag:s15] =	ssyncset.done $0x0  }
0xcf: {  	[sflag:s15] =	ssyncadd.s32 $0xFFFFC000  }
0xd0: {  	[tilespmem:s16], [sflag:$0x1] =	stream.indirect.gather [spmem:s2], $0x80, s28, s20, $0xb8;
	[tilespmem:$0x1E800] =	vst v63  }
0xd1: {  	_ =	swait.ge [sflag:s25], $0x4000  }
0xd2: {  	[sflag:s25] =	ssyncset.done $0x0  }
0xd3: {  	[sflag:s25] =	ssyncadd.s32 $0xFFFFC000  }
0xd4: {  	[tilespmem:s22], [sflag:$0x2] =	stream.indirect.gather [spmem:s2], $0x80, s29, s20, $0xb8;
	[tilespmem:$0x1E800] =	vst v63  }
0xd5: {  	_ =	swait.ge [sflag:s15], $0x4000  }
0xd6: {  	[sflag:s15] =	ssyncset.done $0x0  }
0xd7: {  	[sflag:s15] =	ssyncadd.s32 $0xFFFFC000  }
0xd8: {  	[tilespmem:s16], [sflag:$0x1] =	stream.indirect.gather [spmem:s2], $0x80, s30, s20, $0xb8;
	[tilespmem:$0x1E800] =	vst v63  }
0xd9: {  	_ =	swait.ge [sflag:s25], $0x4000  }
0xda: {  	[sflag:s25] =	ssyncset.done $0x0  }
0xdb: {  	[sflag:s25] =	ssyncadd.s32 $0xFFFFC000  }
0xdc: {  	[tilespmem:s22], [sflag:$0x2] =	stream.indirect.gather [spmem:s2], $0x80, s31, s20, $0xb8;
	[tilespmem:$0x1E800] =	vst v63  }
0xdd: {  	_ =	swait.ge [sflag:s15], $0x4000  }
0xde: {  	[sflag:s15] =	ssyncset.done $0x0  }
0xdf: {  	[sflag:s15] =	ssyncadd.s32 $0xFFFFC000  }
0xe0: {  	[tilespmem:s16], [sflag:$0x1] =	stream.indirect.gather [spmem:s2], $0x80, s1, s20, $0xb8;
	[tilespmem:$0x1E800] =	vst v63  }
0xe1: {  	_ =	swait.ge [sflag:s25], $0x4000  }
0xe2: {  	[sflag:s25] =	ssyncset.done $0x0  }
0xe3: {  	[sflag:s25] =	ssyncadd.s32 $0xFFFFC000  }
0xe4: {  	[tilespmem:s22], [sflag:$0x2] =	stream.indirect.gather [spmem:s2], $0x80, s0, s20, $0xb8;
	[tilespmem:$0x1E800] =	vst v63  }
0xe5: {  	p1 =	por p0, p0;
	_ =	swait.ge [sflag:s15], $0x4000  }
.Ltmp1:
0xe6: {  	[sflag:s15] =	ssyncset.done $0x0;
	(pc) =	sbr.rel @p1 .LBB2_4-.Ltmp1, $4  }
0xe7: {  	[sflag:s15] =	ssyncadd.s32 $0xFFFFC000  }
0xe8: {  	_ =	swait.ge [sflag:s25], $0x4000  }
0xe9: {  	[sflag:s25] =	ssyncset.done $0x0  }
0xea: {  	p0 =	por $0x0, $0x0;
	s23 =	simm.s32 $0x1400;
	[sflag:s25] =	ssyncadd.s32 $0xFFFFC000  }
0xeb: {  	[bflag:$0x0] =	sbarrier.arrive $0xFFFF  }
0xec: {  	s23 =	rddreg [dreg:$0x5]  }
0xed: {  	s26 =	rddreg [dreg:$0x7]  }
0xee: {  	s28 =	rddreg [dreg:$0xc];
	s23 =	sor.u32 $0x1C03, s23;
	s26 =	sshrl.u32 s26, $0x3  }
0xef: {  	[hbm:s28], [sflag:s23] =	dma.local [spmem:s26], $0x1400  }
0xf0: {  	_ =	swait.ge [sflag:s17], $0x1400  }
0xf1: {  	s0 =	rddreg [dreg:$0xd]  }
0xf2: {  	s28 =	rddreg [dreg:$0xa];
	s0 =	sadd.s32 $0x1, s0  }
0xf3: {  	p0 =	sne.s32 s0, s28  }
.Ltmp2:
0xf4: {  	_ = 	snop;
	(pc) =	sbr.rel @p0 .LBB2_1-.Ltmp2, $3  }
0xf5: {  	_ =	sdelay $0x1  }
0xf6: {  	[sflag:s17] =	ssyncset.done $0x0  }
0xf7: {  	[sflag:s17] =	ssyncadd.s32 $0xFFFFEC00  }
0xf8: {  	_ =	sfence.sel $0x180000  }
0xf9: {  	[bflag:$0x0] =	sbarrier.arrive $0xFFFF  }
0xfa: {  	_ =	strace $0x90000047  }
0xfb: {  	s0 =	stileid.u32;
	[bflag:$0x2] =	sbarrier.arrive $0xFFFF  }
0xfc: {  	p0 =	sne.s32 s0, $0x0;
	s0 =	rddreg [dreg:$0x3]  }
0xfd: {  	s0 =	sadd.s32 @!p0 $0x100000, s0  }
0xfe: {  	[sflag:s0] =	ssyncadd.tile.s32 @!p0 $0x1;
	_ =	shalt  }
.Lfunc_end2:
_tile_overlayer_lowered:
.L_overlay_start_2:
0xff: {  	(tag) =	ssettag $0x2  }
0x100: {  	s0 =	rddreg [dreg:$0x0];
	s2 =	stileid.u32  }
0x101: {  	s1 =	rddreg [dreg:$0x1];
	p0 =	sne.s32 s2, $0x0  }
0x102: {  	s3 =	rddreg [dreg:$0x2];
	[bflag:$0x3] =	sbarrier.arrive $0xFFFF;
	s2 =	simm.s32 @!p0 $0x1C03  }
0x103: {  	[timem:s3], [sflag:s2] =	dma.local @!p0 [hbm:s0], s1  }
0x104: {  	s0 =	simm.s32 @!p0 $0x3  }
0x105: {  	_ =	swait.ge @!p0 [sflag:s0], s1  }
0x106: {  	s1 =	ssub.s32 @!p0 $0x0, s1;
	[sflag:s0] =	ssyncset.done @!p0 $0x0  }
0x107: {  	[sflag:s0] =	ssyncadd.s32 @!p0 s1  }
0x108: {  	[bflag:$0x3] =	sbarrier.arrive $0xFFFF  }
0x109: {  	_ =	shalt  }

</sc_bundles>
